<compile_context>
chip_gen: v7x
topology: tpu7x:2x2x1
jax: 0.10.2.dev20260603
libtpu: 0.0.44.dev20260713+nightly
codegen_flags: <defaults>
</compile_context>

<pallas_src>
import functools

import jax
import jax.numpy as jnp
from jax import lax
from jax.experimental import pallas as pl
from jax.experimental.pallas import tpu as pltpu
from jax.experimental.pallas import tpu_sc as plsc

VOCAB_DIM = 768
B_TOK = 1024
L_TOK = 50
N_ROWS = B_TOK * L_TOK

_info = plsc.get_sparse_core_info()
NC = _info.num_cores
NS = _info.num_subcores
NW = NC * NS
B_PER_W = N_ROWS // NW

CHUNK = 32
N_CHUNKS = B_PER_W // CHUNK
NBUF = 5


def _sc_gather(toks_grouped, table):
    mesh = plsc.VectorSubcoreMesh(core_axis_name="c", subcore_axis_name="s")

    @functools.partial(
        pl.kernel,
        mesh=mesh,
        out_type=jax.ShapeDtypeStruct((N_ROWS, VOCAB_DIM), jnp.float32),
        scratch_types=[
            pltpu.VMEM((N_CHUNKS, CHUNK), jnp.int32),
        ]
        + [pltpu.VMEM((CHUNK, VOCAB_DIM), jnp.float32) for _ in range(NBUF)]
        + [pltpu.SemaphoreType.DMA for _ in range(2 * NBUF)],
    )
    def k(toks_hbm, table_hbm, out_hbm, idx_v, *scratch):
        bufs = scratch[:NBUF]
        gsem = scratch[NBUF : 2 * NBUF]
        wsem = scratch[2 * NBUF :]
        wid = lax.axis_index("s") * NC + lax.axis_index("c")
        base = wid * B_PER_W
        pltpu.sync_copy(toks_hbm.at[wid], idx_v)

        def gather(j):
            q = j % NBUF
            return pltpu.async_copy(table_hbm.at[idx_v.at[j]], bufs[q], gsem[q])

        def writeback(c):
            p = c % NBUF
            return pltpu.async_copy(
                bufs[p], out_hbm.at[pl.ds(base + c * CHUNK, CHUNK)], wsem[p]
            )

        gh = {}
        wh = {}
        gh[0] = gather(0)
        gh[1] = gather(1)
        for c in range(N_CHUNKS):
            j = c + 2
            if j < N_CHUNKS:
                if j >= NBUF:
                    wh[j - NBUF].wait()
                gh[j] = gather(j)
            gh[c].wait()
            wh[c] = writeback(c)
        for c in range(N_CHUNKS - NBUF, N_CHUNKS):
            wh[c].wait()

    return k(toks_grouped, table)


@jax.jit
def kernel(toks, table):
    toks_grouped = toks.T.reshape(NW, N_CHUNKS, CHUNK)
    flat = _sc_gather(toks_grouped, table)
    return flat.reshape(L_TOK, B_TOK, VOCAB_DIM).transpose(1, 0, 2)

# --- scband reference (transcript-rebuilt; emitter-appended) ---
"""Pipeline reference for scband-encoder-lang-89446988907107 (READ-ONLY COPY).

The authoritative reference and input builder live on the scoring server;
editing this copy changes nothing except your own understanding.
"""

import jax, jax.numpy as jnp
import numpy as np

VOCAB = 32128  # t5-base vocab size
DIM = 768      # t5-base d_model
B = 1024
L = 50


def setup_inputs(seed: int = 0) -> dict:
    key = jax.random.key(seed)
    k1, k2 = jax.random.split(key)
    toks = jax.random.randint(k1, (B, L), 0, VOCAB, dtype=jnp.int32)
    # embed_tokens weight of the frozen T5 encoder, materialized as a learned param
    table = jax.random.normal(k2, (VOCAB, DIM), dtype=jnp.float32) * 0.02
    return {"toks": toks, "table": table}


def reference(toks, table):
    # EncoderLang.forward: tokenize (indices given directly here) then
    # embed via the encoder's embedding table lookup.
    return jnp.take(table, toks, axis=0)

if __name__ == "__main__":
    import jax
    _d = setup_inputs()
    print(jax.jit(kernel)(*tuple(_d.values())))

</pallas_src>

<mosaic_0001>
#map = affine_map<(d0, d1) -> (0, 0, 0)>
#map1 = affine_map<(d0, d1) -> (0, 0)>
module attributes {stable_mosaic.version = 14 : i64} {
  func.func @k(%arg0: i32, %arg1: i32, %arg2: memref<32x50x32xi32, #tpu.memory_space<hbm>>, %arg3: memref<32128x768xf32, #tpu.memory_space<hbm>>, %arg4: memref<51200x768xf32, #tpu.memory_space<hbm>>, %arg5: memref<50x32xi32, #tpu.memory_space<vmem>>, %arg6: memref<32x768xf32, #tpu.memory_space<vmem>>, %arg7: memref<32x768xf32, #tpu.memory_space<vmem>>, %arg8: memref<32x768xf32, #tpu.memory_space<vmem>>, %arg9: memref<32x768xf32, #tpu.memory_space<vmem>>, %arg10: memref<32x768xf32, #tpu.memory_space<vmem>>, %arg11: memref<!tpu.dma_semaphore, #tpu.memory_space<semaphore_mem>>, %arg12: memref<!tpu.dma_semaphore, #tpu.memory_space<semaphore_mem>>, %arg13: memref<!tpu.dma_semaphore, #tpu.memory_space<semaphore_mem>>, %arg14: memref<!tpu.dma_semaphore, #tpu.memory_space<semaphore_mem>>, %arg15: memref<!tpu.dma_semaphore, #tpu.memory_space<semaphore_mem>>, %arg16: memref<!tpu.dma_semaphore, #tpu.memory_space<semaphore_mem>>, %arg17: memref<!tpu.dma_semaphore, #tpu.memory_space<semaphore_mem>>, %arg18: memref<!tpu.dma_semaphore, #tpu.memory_space<semaphore_mem>>, %arg19: memref<!tpu.dma_semaphore, #tpu.memory_space<semaphore_mem>>, %arg20: memref<!tpu.dma_semaphore, #tpu.memory_space<semaphore_mem>>) attributes {dimension_semantics = [#tpu.dimension_semantics<core_parallel>, #tpu.dimension_semantics<subcore_parallel>], iteration_bounds = array<i64: 2, 16>, scalar_prefetch = 0 : i64, scratch_operands = 16 : i64, tpu.core_type = #tpu.core_type<sc_vector_subcore>, window_params = [{transform_indices = #map}, {transform_indices = #map1}, {transform_indices = #map1}]} {
    %mul3A = arith.constant 2 : i32
    %mul3A_0 = arith.muli %arg1, %mul3A : i32
    %add3A = arith.addi %mul3A_0, %arg0 : i32
    %mul3A_1 = arith.constant 1600 : i32
    %mul3A_2 = arith.muli %add3A, %mul3A_1 : i32
    "tpu.region"() ({
      %run_scoped3A = tpu.sem_alloc : memref<!tpu.dma_semaphore, #tpu.memory_space<semaphore_mem>>
      %dma_start3A_1201 = arith.constant 0 : i32
      %dma_start3A_1202 = arith.constant 0 : i32
      %dma_start3A_1203 = tpu.memref_slice %arg2[%add3A, %dma_start3A_1201, %dma_start3A_1202] : memref<32x50x32xi32, #tpu.memory_space<hbm>> -> memref<1x50x32xi32, #tpu.memory_space<hbm>>
      %dma_start3A_1204 = tpu.memref_squeeze %dma_start3A_1203 : memref<1x50x32xi32, #tpu.memory_space<hbm>> -> memref<50x32xi32, #tpu.memory_space<hbm>>
      %dma_start3A_1205 = arith.constant 0 : i32
      %dma_start3A_1206 = arith.constant 0 : i32
      %dma_start3A_1207 = tpu.memref_slice %arg2[%add3A, %dma_start3A_1205, %dma_start3A_1206] : memref<32x50x32xi32, #tpu.memory_space<hbm>> -> memref<1x50x32xi32, #tpu.memory_space<hbm>>
      %dma_start3A_1208 = tpu.memref_squeeze %dma_start3A_1207 : memref<1x50x32xi32, #tpu.memory_space<hbm>> -> memref<50x32xi32, #tpu.memory_space<hbm>>
      tpu.enqueue_dma source(%dma_start3A_1208 : memref<50x32xi32, #tpu.memory_space<hbm>>) target(%arg5 : memref<50x32xi32, #tpu.memory_space<vmem>>) target_semaphore(%run_scoped3A : memref<!tpu.dma_semaphore, #tpu.memory_space<semaphore_mem>>)
      %dma_wait3A_1209 = arith.constant 0 : i32
      %dma_wait3A_1210 = arith.constant 0 : i32
      %dma_wait3A_1211 = tpu.memref_slice %arg2[%add3A, %dma_wait3A_1209, %dma_wait3A_1210] : memref<32x50x32xi32, #tpu.memory_space<hbm>> -> memref<1x50x32xi32, #tpu.memory_space<hbm>>
      %dma_wait3A_1212 = tpu.memref_squeeze %dma_wait3A_1211 : memref<1x50x32xi32, #tpu.memory_space<hbm>> -> memref<50x32xi32, #tpu.memory_space<hbm>>
      %dma_wait3A_1213 = arith.constant 0 : i32
      %dma_wait3A_1214 = arith.constant 0 : i32
      %dma_wait3A_1215 = tpu.memref_slice %arg2[%add3A, %dma_wait3A_1213, %dma_wait3A_1214] : memref<32x50x32xi32, #tpu.memory_space<hbm>> -> memref<1x50x32xi32, #tpu.memory_space<hbm>>
      %dma_wait3A_1216 = tpu.memref_squeeze %dma_wait3A_1215 : memref<1x50x32xi32, #tpu.memory_space<hbm>> -> memref<50x32xi32, #tpu.memory_space<hbm>>
      tpu.wait_dma2 semaphore(%run_scoped3A : memref<!tpu.dma_semaphore, #tpu.memory_space<semaphore_mem>>) src(%dma_wait3A_1216 : memref<50x32xi32, #tpu.memory_space<hbm>>) dst(%arg5 : memref<50x32xi32, #tpu.memory_space<vmem>>)
      tpu.yield
    }) : () -> ()
    %dma_start3A = arith.constant 0 : i32
    %dma_start3A_3 = arith.constant 0 : i32
    %dma_start3A_4 = tpu.memref_slice %arg5[%dma_start3A, %dma_start3A_3] : memref<50x32xi32, #tpu.memory_space<vmem>> -> memref<1x32xi32, #tpu.memory_space<vmem>>
    %dma_start3A_5 = tpu.memref_squeeze %dma_start3A_4 : memref<1x32xi32, #tpu.memory_space<vmem>> -> memref<32xi32, #tpu.memory_space<vmem>>
    %dma_start3A_6 = arith.constant 0 : i32
    %dma_start3A_7 = arith.constant 0 : i32
    %dma_start3A_8 = tpu.memref_slice %arg3[%dma_start3A_6, %dma_start3A_7] : memref<32128x768xf32, #tpu.memory_space<hbm>> -> memref<32128x768xf32, #tpu.memory_space<hbm>>
    tpu.enqueue_indirect_dma source(%dma_start3A_8 : memref<32128x768xf32, #tpu.memory_space<hbm>>) target(%arg6 : memref<32x768xf32, #tpu.memory_space<vmem>>) offsets(%dma_start3A_5 : memref<32xi32, #tpu.memory_space<vmem>>) semaphore(%arg11 : memref<!tpu.dma_semaphore, #tpu.memory_space<semaphore_mem>>)
    %dma_start3A_9 = arith.constant 1 : i32
    %dma_start3A_10 = arith.constant 0 : i32
    %dma_start3A_11 = tpu.memref_slice %arg5[%dma_start3A_9, %dma_start3A_10] : memref<50x32xi32, #tpu.memory_space<vmem>> -> memref<1x32xi32, #tpu.memory_space<vmem>>
    %dma_start3A_12 = tpu.memref_squeeze %dma_start3A_11 : memref<1x32xi32, #tpu.memory_space<vmem>> -> memref<32xi32, #tpu.memory_space<vmem>>
    %dma_start3A_13 = arith.constant 0 : i32
    %dma_start3A_14 = arith.constant 0 : i32
    %dma_start3A_15 = tpu.memref_slice %arg3[%dma_start3A_13, %dma_start3A_14] : memref<32128x768xf32, #tpu.memory_space<hbm>> -> memref<32128x768xf32, #tpu.memory_space<hbm>>
    tpu.enqueue_indirect_dma source(%dma_start3A_15 : memref<32128x768xf32, #tpu.memory_space<hbm>>) target(%arg7 : memref<32x768xf32, #tpu.memory_space<vmem>>) offsets(%dma_start3A_12 : memref<32xi32, #tpu.memory_space<vmem>>) semaphore(%arg12 : memref<!tpu.dma_semaphore, #tpu.memory_space<semaphore_mem>>)
    %dma_start3A_16 = arith.constant 2 : i32
    %dma_start3A_17 = arith.constant 0 : i32
    %dma_start3A_18 = tpu.memref_slice %arg5[%dma_start3A_16, %dma_start3A_17] : memref<50x32xi32, #tpu.memory_space<vmem>> -> memref<1x32xi32, #tpu.memory_space<vmem>>
    %dma_start3A_19 = tpu.memref_squeeze %dma_start3A_18 : memref<1x32xi32, #tpu.memory_space<vmem>> -> memref<32xi32, #tpu.memory_space<vmem>>
    %dma_start3A_20 = arith.constant 0 : i32
    %dma_start3A_21 = arith.constant 0 : i32
    %dma_start3A_22 = tpu.memref_slice %arg3[%dma_start3A_20, %dma_start3A_21] : memref<32128x768xf32, #tpu.memory_space<hbm>> -> memref<32128x768xf32, #tpu.memory_space<hbm>>
    tpu.enqueue_indirect_dma source(%dma_start3A_22 : memref<32128x768xf32, #tpu.memory_space<hbm>>) target(%arg8 : memref<32x768xf32, #tpu.memory_space<vmem>>) offsets(%dma_start3A_19 : memref<32xi32, #tpu.memory_space<vmem>>) semaphore(%arg13 : memref<!tpu.dma_semaphore, #tpu.memory_space<semaphore_mem>>)
    %dma_wait3A = arith.constant 0 : i32
    %dma_wait3A_23 = arith.constant 0 : i32
    %dma_wait3A_24 = tpu.memref_slice %arg5[%dma_wait3A, %dma_wait3A_23] : memref<50x32xi32, #tpu.memory_space<vmem>> -> memref<1x32xi32, #tpu.memory_space<vmem>>
    %dma_wait3A_25 = tpu.memref_squeeze %dma_wait3A_24 : memref<1x32xi32, #tpu.memory_space<vmem>> -> memref<32xi32, #tpu.memory_space<vmem>>
    %dma_wait3A_26 = arith.constant 0 : i32
    %dma_wait3A_27 = arith.constant 0 : i32
    %dma_wait3A_28 = tpu.memref_slice %arg3[%dma_wait3A_26, %dma_wait3A_27] : memref<32128x768xf32, #tpu.memory_space<hbm>> -> memref<32128x768xf32, #tpu.memory_space<hbm>>
    tpu.wait_indirect_dma semaphore(%arg11 : memref<!tpu.dma_semaphore, #tpu.memory_space<semaphore_mem>>) src(%dma_wait3A_28 : memref<32128x768xf32, #tpu.memory_space<hbm>>) dst(%arg6 : memref<32x768xf32, #tpu.memory_space<vmem>>)
    %add3A_29 = arith.constant 0 : i32
    %add3A_30 = arith.addi %mul3A_2, %add3A_29 : i32
    %dma_start3A_31 = arith.constant 0 : i32
    %dma_start3A_32 = tpu.memref_slice %arg4[%add3A_30, %dma_start3A_31] : memref<51200x768xf32, #tpu.memory_space<hbm>> -> memref<32x768xf32, #tpu.memory_space<hbm>>
    %dma_start3A_33 = arith.constant 0 : i32
    %dma_start3A_34 = tpu.memref_slice %arg4[%add3A_30, %dma_start3A_33] : memref<51200x768xf32, #tpu.memory_space<hbm>> -> memref<32x768xf32, #tpu.memory_space<hbm>>
    tpu.enqueue_dma source(%arg6 : memref<32x768xf32, #tpu.memory_space<vmem>>) target(%dma_start3A_34 : memref<32x768xf32, #tpu.memory_space<hbm>>) target_semaphore(%arg16 : memref<!tpu.dma_semaphore, #tpu.memory_space<semaphore_mem>>)
    %dma_start3A_35 = arith.constant 3 : i32
    %dma_start3A_36 = arith.constant 0 : i32
    %dma_start3A_37 = tpu.memref_slice %arg5[%dma_start3A_35, %dma_start3A_36] : memref<50x32xi32, #tpu.memory_space<vmem>> -> memref<1x32xi32, #tpu.memory_space<vmem>>
    %dma_start3A_38 = tpu.memref_squeeze %dma_start3A_37 : memref<1x32xi32, #tpu.memory_space<vmem>> -> memref<32xi32, #tpu.memory_space<vmem>>
    %dma_start3A_39 = arith.constant 0 : i32
    %dma_start3A_40 = arith.constant 0 : i32
    %dma_start3A_41 = tpu.memref_slice %arg3[%dma_start3A_39, %dma_start3A_40] : memref<32128x768xf32, #tpu.memory_space<hbm>> -> memref<32128x768xf32, #tpu.memory_space<hbm>>
    tpu.enqueue_indirect_dma source(%dma_start3A_41 : memref<32128x768xf32, #tpu.memory_space<hbm>>) target(%arg9 : memref<32x768xf32, #tpu.memory_space<vmem>>) offsets(%dma_start3A_38 : memref<32xi32, #tpu.memory_space<vmem>>) semaphore(%arg14 : memref<!tpu.dma_semaphore, #tpu.memory_space<semaphore_mem>>)
    %dma_wait3A_42 = arith.constant 1 : i32
    %dma_wait3A_43 = arith.constant 0 : i32
    %dma_wait3A_44 = tpu.memref_slice %arg5[%dma_wait3A_42, %dma_wait3A_43] : memref<50x32xi32, #tpu.memory_space<vmem>> -> memref<1x32xi32, #tpu.memory_space<vmem>>
    %dma_wait3A_45 = tpu.memref_squeeze %dma_wait3A_44 : memref<1x32xi32, #tpu.memory_space<vmem>> -> memref<32xi32, #tpu.memory_space<vmem>>
    %dma_wait3A_46 = arith.constant 0 : i32
    %dma_wait3A_47 = arith.constant 0 : i32
    %dma_wait3A_48 = tpu.memref_slice %arg3[%dma_wait3A_46, %dma_wait3A_47] : memref<32128x768xf32, #tpu.memory_space<hbm>> -> memref<32128x768xf32, #tpu.memory_space<hbm>>
    tpu.wait_indirect_dma semaphore(%arg12 : memref<!tpu.dma_semaphore, #tpu.memory_space<semaphore_mem>>) src(%dma_wait3A_48 : memref<32128x768xf32, #tpu.memory_space<hbm>>) dst(%arg7 : memref<32x768xf32, #tpu.memory_space<vmem>>)
    %add3A_49 = arith.constant 32 : i32
    %add3A_50 = arith.addi %mul3A_2, %add3A_49 : i32
    %dma_start3A_51 = arith.constant 0 : i32
    %dma_start3A_52 = tpu.memref_slice %arg4[%add3A_50, %dma_start3A_51] : memref<51200x768xf32, #tpu.memory_space<hbm>> -> memref<32x768xf32, #tpu.memory_space<hbm>>
    %dma_start3A_53 = arith.constant 0 : i32
    %dma_start3A_54 = tpu.memref_slice %arg4[%add3A_50, %dma_start3A_53] : memref<51200x768xf32, #tpu.memory_space<hbm>> -> memref<32x768xf32, #tpu.memory_space<hbm>>
    tpu.enqueue_dma source(%arg7 : memref<32x768xf32, #tpu.memory_space<vmem>>) target(%dma_start3A_54 : memref<32x768xf32, #tpu.memory_space<hbm>>) target_semaphore(%arg17 : memref<!tpu.dma_semaphore, #tpu.memory_space<semaphore_mem>>)
    %dma_start3A_55 = arith.constant 4 : i32
    %dma_start3A_56 = arith.constant 0 : i32
    %dma_start3A_57 = tpu.memref_slice %arg5[%dma_start3A_55, %dma_start3A_56] : memref<50x32xi32, #tpu.memory_space<vmem>> -> memref<1x32xi32, #tpu.memory_space<vmem>>
    %dma_start3A_58 = tpu.memref_squeeze %dma_start3A_57 : memref<1x32xi32, #tpu.memory_space<vmem>> -> memref<32xi32, #tpu.memory_space<vmem>>
    %dma_start3A_59 = arith.constant 0 : i32
    %dma_start3A_60 = arith.constant 0 : i32
    %dma_start3A_61 = tpu.memref_slice %arg3[%dma_start3A_59, %dma_start3A_60] : memref<32128x768xf32, #tpu.memory_space<hbm>> -> memref<32128x768xf32, #tpu.memory_space<hbm>>
    tpu.enqueue_indirect_dma source(%dma_start3A_61 : memref<32128x768xf32, #tpu.memory_space<hbm>>) target(%arg10 : memref<32x768xf32, #tpu.memory_space<vmem>>) offsets(%dma_start3A_58 : memref<32xi32, #tpu.memory_space<vmem>>) semaphore(%arg15 : memref<!tpu.dma_semaphore, #tpu.memory_space<semaphore_mem>>)
    %dma_wait3A_62 = arith.constant 2 : i32
    %dma_wait3A_63 = arith.constant 0 : i32
    %dma_wait3A_64 = tpu.memref_slice %arg5[%dma_wait3A_62, %dma_wait3A_63] : memref<50x32xi32, #tpu.memory_space<vmem>> -> memref<1x32xi32, #tpu.memory_space<vmem>>
    %dma_wait3A_65 = tpu.memref_squeeze %dma_wait3A_64 : memref<1x32xi32, #tpu.memory_space<vmem>> -> memref<32xi32, #tpu.memory_space<vmem>>
    %dma_wait3A_66 = arith.constant 0 : i32
    %dma_wait3A_67 = arith.constant 0 : i32
    %dma_wait3A_68 = tpu.memref_slice %arg3[%dma_wait3A_66, %dma_wait3A_67] : memref<32128x768xf32, #tpu.memory_space<hbm>> -> memref<32128x768xf32, #tpu.memory_space<hbm>>
    tpu.wait_indirect_dma semaphore(%arg13 : memref<!tpu.dma_semaphore, #tpu.memory_space<semaphore_mem>>) src(%dma_wait3A_68 : memref<32128x768xf32, #tpu.memory_space<hbm>>) dst(%arg8 : memref<32x768xf32, #tpu.memory_space<vmem>>)
    %add3A_69 = arith.constant 64 : i32
    %add3A_70 = arith.addi %mul3A_2, %add3A_69 : i32
    %dma_start3A_71 = arith.constant 0 : i32
    %dma_start3A_72 = tpu.memref_slice %arg4[%add3A_70, %dma_start3A_71] : memref<51200x768xf32, #tpu.memory_space<hbm>> -> memref<32x768xf32, #tpu.memory_space<hbm>>
    %dma_start3A_73 = arith.constant 0 : i32
    %dma_start3A_74 = tpu.memref_slice %arg4[%add3A_70, %dma_start3A_73] : memref<51200x768xf32, #tpu.memory_space<hbm>> -> memref<32x768xf32, #tpu.memory_space<hbm>>
    tpu.enqueue_dma source(%arg8 : memref<32x768xf32, #tpu.memory_space<vmem>>) target(%dma_start3A_74 : memref<32x768xf32, #tpu.memory_space<hbm>>) target_semaphore(%arg18 : memref<!tpu.dma_semaphore, #tpu.memory_space<semaphore_mem>>)
    %dma_wait3A_75 = arith.constant 0 : i32
    %dma_wait3A_76 = tpu.memref_slice %arg4[%add3A_30, %dma_wait3A_75] : memref<51200x768xf32, #tpu.memory_space<hbm>> -> memref<32x768xf32, #tpu.memory_space<hbm>>
    %dma_wait3A_77 = arith.constant 0 : i32
    %dma_wait3A_78 = tpu.memref_slice %arg4[%add3A_30, %dma_wait3A_77] : memref<51200x768xf32, #tpu.memory_space<hbm>> -> memref<32x768xf32, #tpu.memory_space<hbm>>
    tpu.wait_dma2 semaphore(%arg16 : memref<!tpu.dma_semaphore, #tpu.memory_space<semaphore_mem>>) src(%arg6 : memref<32x768xf32, #tpu.memory_space<vmem>>) dst(%dma_wait3A_78 : memref<32x768xf32, #tpu.memory_space<hbm>>)
    %dma_start3A_79 = arith.constant 5 : i32
    %dma_start3A_80 = arith.constant 0 : i32
    %dma_start3A_81 = tpu.memref_slice %arg5[%dma_start3A_79, %dma_start3A_80] : memref<50x32xi32, #tpu.memory_space<vmem>> -> memref<1x32xi32, #tpu.memory_space<vmem>>
    %dma_start3A_82 = tpu.memref_squeeze %dma_start3A_81 : memref<1x32xi32, #tpu.memory_space<vmem>> -> memref<32xi32, #tpu.memory_space<vmem>>
    %dma_start3A_83 = arith.constant 0 : i32
    %dma_start3A_84 = arith.constant 0 : i32
    %dma_start3A_85 = tpu.memref_slice %arg3[%dma_start3A_83, %dma_start3A_84] : memref<32128x768xf32, #tpu.memory_space<hbm>> -> memref<32128x768xf32, #tpu.memory_space<hbm>>
    tpu.enqueue_indirect_dma source(%dma_start3A_85 : memref<32128x768xf32, #tpu.memory_space<hbm>>) target(%arg6 : memref<32x768xf32, #tpu.memory_space<vmem>>) offsets(%dma_start3A_82 : memref<32xi32, #tpu.memory_space<vmem>>) semaphore(%arg11 : memref<!tpu.dma_semaphore, #tpu.memory_space<semaphore_mem>>)
    %dma_wait3A_86 = arith.constant 3 : i32
    %dma_wait3A_87 = arith.constant 0 : i32
    %dma_wait3A_88 = tpu.memref_slice %arg5[%dma_wait3A_86, %dma_wait3A_87] : memref<50x32xi32, #tpu.memory_space<vmem>> -> memref<1x32xi32, #tpu.memory_space<vmem>>
    %dma_wait3A_89 = tpu.memref_squeeze %dma_wait3A_88 : memref<1x32xi32, #tpu.memory_space<vmem>> -> memref<32xi32, #tpu.memory_space<vmem>>
    %dma_wait3A_90 = arith.constant 0 : i32
    %dma_wait3A_91 = arith.constant 0 : i32
    %dma_wait3A_92 = tpu.memref_slice %arg3[%dma_wait3A_90, %dma_wait3A_91] : memref<32128x768xf32, #tpu.memory_space<hbm>> -> memref<32128x768xf32, #tpu.memory_space<hbm>>
    tpu.wait_indirect_dma semaphore(%arg14 : memref<!tpu.dma_semaphore, #tpu.memory_space<semaphore_mem>>) src(%dma_wait3A_92 : memref<32128x768xf32, #tpu.memory_space<hbm>>) dst(%arg9 : memref<32x768xf32, #tpu.memory_space<vmem>>)
    %add3A_93 = arith.constant 96 : i32
    %add3A_94 = arith.addi %mul3A_2, %add3A_93 : i32
    %dma_start3A_95 = arith.constant 0 : i32
    %dma_start3A_96 = tpu.memref_slice %arg4[%add3A_94, %dma_start3A_95] : memref<51200x768xf32, #tpu.memory_space<hbm>> -> memref<32x768xf32, #tpu.memory_space<hbm>>
    %dma_start3A_97 = arith.constant 0 : i32
    %dma_start3A_98 = tpu.memref_slice %arg4[%add3A_94, %dma_start3A_97] : memref<51200x768xf32, #tpu.memory_space<hbm>> -> memref<32x768xf32, #tpu.memory_space<hbm>>
    tpu.enqueue_dma source(%arg9 : memref<32x768xf32, #tpu.memory_space<vmem>>) target(%dma_start3A_98 : memref<32x768xf32, #tpu.memory_space<hbm>>) target_semaphore(%arg19 : memref<!tpu.dma_semaphore, #tpu.memory_space<semaphore_mem>>)
    %dma_wait3A_99 = arith.constant 0 : i32
    %dma_wait3A_100 = tpu.memref_slice %arg4[%add3A_50, %dma_wait3A_99] : memref<51200x768xf32, #tpu.memory_space<hbm>> -> memref<32x768xf32, #tpu.memory_space<hbm>>
    %dma_wait3A_101 = arith.constant 0 : i32
    %dma_wait3A_102 = tpu.memref_slice %arg4[%add3A_50, %dma_wait3A_101] : memref<51200x768xf32, #tpu.memory_space<hbm>> -> memref<32x768xf32, #tpu.memory_space<hbm>>
    tpu.wait_dma2 semaphore(%arg17 : memref<!tpu.dma_semaphore, #tpu.memory_space<semaphore_mem>>) src(%arg7 : memref<32x768xf32, #tpu.memory_space<vmem>>) dst(%dma_wait3A_102 : memref<32x768xf32, #tpu.memory_space<hbm>>)
    %dma_start3A_103 = arith.constant 6 : i32
    %dma_start3A_104 = arith.constant 0 : i32
    %dma_start3A_105 = tpu.memref_slice %arg5[%dma_start3A_103, %dma_start3A_104] : memref<50x32xi32, #tpu.memory_space<vmem>> -> memref<1x32xi32, #tpu.memory_space<vmem>>
    %dma_start3A_106 = tpu.memref_squeeze %dma_start3A_105 : memref<1x32xi32, #tpu.memory_space<vmem>> -> memref<32xi32, #tpu.memory_space<vmem>>
    %dma_start3A_107 = arith.constant 0 : i32
    %dma_start3A_108 = arith.constant 0 : i32
    %dma_start3A_109 = tpu.memref_slice %arg3[%dma_start3A_107, %dma_start3A_108] : memref<32128x768xf32, #tpu.memory_space<hbm>> -> memref<32128x768xf32, #tpu.memory_space<hbm>>
    tpu.enqueue_indirect_dma source(%dma_start3A_109 : memref<32128x768xf32, #tpu.memory_space<hbm>>) target(%arg7 : memref<32x768xf32, #tpu.memory_space<vmem>>) offsets(%dma_start3A_106 : memref<32xi32, #tpu.memory_space<vmem>>) semaphore(%arg12 : memref<!tpu.dma_semaphore, #tpu.memory_space<semaphore_mem>>)
    %dma_wait3A_110 = arith.constant 4 : i32
    %dma_wait3A_111 = arith.constant 0 : i32
    %dma_wait3A_112 = tpu.memref_slice %arg5[%dma_wait3A_110, %dma_wait3A_111] : memref<50x32xi32, #tpu.memory_space<vmem>> -> memref<1x32xi32, #tpu.memory_space<vmem>>
    %dma_wait3A_113 = tpu.memref_squeeze %dma_wait3A_112 : memref<1x32xi32, #tpu.memory_space<vmem>> -> memref<32xi32, #tpu.memory_space<vmem>>
    %dma_wait3A_114 = arith.constant 0 : i32
    %dma_wait3A_115 = arith.constant 0 : i32
    %dma_wait3A_116 = tpu.memref_slice %arg3[%dma_wait3A_114, %dma_wait3A_115] : memref<32128x768xf32, #tpu.memory_space<hbm>> -> memref<32128x768xf32, #tpu.memory_space<hbm>>
    tpu.wait_indirect_dma semaphore(%arg15 : memref<!tpu.dma_semaphore, #tpu.memory_space<semaphore_mem>>) src(%dma_wait3A_116 : memref<32128x768xf32, #tpu.memory_space<hbm>>) dst(%arg10 : memref<32x768xf32, #tpu.memory_space<vmem>>)
    %add3A_117 = arith.constant 128 : i32
    %add3A_118 = arith.addi %mul3A_2, %add3A_117 : i32
    %dma_start3A_119 = arith.constant 0 : i32
    %dma_start3A_120 = tpu.memref_slice %arg4[%add3A_118, %dma_start3A_119] : memref<51200x768xf32, #tpu.memory_space<hbm>> -> memref<32x768xf32, #tpu.memory_space<hbm>>
    %dma_start3A_121 = arith.constant 0 : i32
    %dma_start3A_122 = tpu.memref_slice %arg4[%add3A_118, %dma_start3A_121] : memref<51200x768xf32, #tpu.memory_space<hbm>> -> memref<32x768xf32, #tpu.memory_space<hbm>>
    tpu.enqueue_dma source(%arg10 : memref<32x768xf32, #tpu.memory_space<vmem>>) target(%dma_start3A_122 : memref<32x768xf32, #tpu.memory_space<hbm>>) target_semaphore(%arg20 : memref<!tpu.dma_semaphore, #tpu.memory_space<semaphore_mem>>)
    %dma_wait3A_123 = arith.constant 0 : i32
    %dma_wait3A_124 = tpu.memref_slice %arg4[%add3A_70, %dma_wait3A_123] : memref<51200x768xf32, #tpu.memory_space<hbm>> -> memref<32x768xf32, #tpu.memory_space<hbm>>
    %dma_wait3A_125 = arith.constant 0 : i32
    %dma_wait3A_126 = tpu.memref_slice %arg4[%add3A_70, %dma_wait3A_125] : memref<51200x768xf32, #tpu.memory_space<hbm>> -> memref<32x768xf32, #tpu.memory_space<hbm>>
    tpu.wait_dma2 semaphore(%arg18 : memref<!tpu.dma_semaphore, #tpu.memory_space<semaphore_mem>>) src(%arg8 : memref<32x768xf32, #tpu.memory_space<vmem>>) dst(%dma_wait3A_126 : memref<32x768xf32, #tpu.memory_space<hbm>>)
    %dma_start3A_127 = arith.constant 7 : i32
    %dma_start3A_128 = arith.constant 0 : i32
    %dma_start3A_129 = tpu.memref_slice %arg5[%dma_start3A_127, %dma_start3A_128] : memref<50x32xi32, #tpu.memory_space<vmem>> -> memref<1x32xi32, #tpu.memory_space<vmem>>
    %dma_start3A_130 = tpu.memref_squeeze %dma_start3A_129 : memref<1x32xi32, #tpu.memory_space<vmem>> -> memref<32xi32, #tpu.memory_space<vmem>>
    %dma_start3A_131 = arith.constant 0 : i32
    %dma_start3A_132 = arith.constant 0 : i32
    %dma_start3A_133 = tpu.memref_slice %arg3[%dma_start3A_131, %dma_start3A_132] : memref<32128x768xf32, #tpu.memory_space<hbm>> -> memref<32128x768xf32, #tpu.memory_space<hbm>>
    tpu.enqueue_indirect_dma source(%dma_start3A_133 : memref<32128x768xf32, #tpu.memory_space<hbm>>) target(%arg8 : memref<32x768xf32, #tpu.memory_space<vmem>>) offsets(%dma_start3A_130 : memref<32xi32, #tpu.memory_space<vmem>>) semaphore(%arg13 : memref<!tpu.dma_semaphore, #tpu.memory_space<semaphore_mem>>)
    %dma_wait3A_134 = arith.constant 5 : i32
    %dma_wait3A_135 = arith.constant 0 : i32
    %dma_wait3A_136 = tpu.memref_slice %arg5[%dma_wait3A_134, %dma_wait3A_135] : memref<50x32xi32, #tpu.memory_space<vmem>> -> memref<1x32xi32, #tpu.memory_space<vmem>>
    %dma_wait3A_137 = tpu.memref_squeeze %dma_wait3A_136 : memref<1x32xi32, #tpu.memory_space<vmem>> -> memref<32xi32, #tpu.memory_space<vmem>>
    %dma_wait3A_138 = arith.constant 0 : i32
    %dma_wait3A_139 = arith.constant 0 : i32
    %dma_wait3A_140 = tpu.memref_slice %arg3[%dma_wait3A_138, %dma_wait3A_139] : memref<32128x768xf32, #tpu.memory_space<hbm>> -> memref<32128x768xf32, #tpu.memory_space<hbm>>
    tpu.wait_indirect_dma semaphore(%arg11 : memref<!tpu.dma_semaphore, #tpu.memory_space<semaphore_mem>>) src(%dma_wait3A_140 : memref<32128x768xf32, #tpu.memory_space<hbm>>) dst(%arg6 : memref<32x768xf32, #tpu.memory_space<vmem>>)
    %add3A_141 = arith.constant 160 : i32
    %add3A_142 = arith.addi %mul3A_2, %add3A_141 : i32
    %dma_start3A_143 = arith.constant 0 : i32
    %dma_start3A_144 = tpu.memref_slice %arg4[%add3A_142, %dma_start3A_143] : memref<51200x768xf32, #tpu.memory_space<hbm>> -> memref<32x768xf32, #tpu.memory_space<hbm>>
    %dma_start3A_145 = arith.constant 0 : i32
    %dma_start3A_146 = tpu.memref_slice %arg4[%add3A_142, %dma_start3A_145] : memref<51200x768xf32, #tpu.memory_space<hbm>> -> memref<32x768xf32, #tpu.memory_space<hbm>>
    tpu.enqueue_dma source(%arg6 : memref<32x768xf32, #tpu.memory_space<vmem>>) target(%dma_start3A_146 : memref<32x768xf32, #tpu.memory_space<hbm>>) target_semaphore(%arg16 : memref<!tpu.dma_semaphore, #tpu.memory_space<semaphore_mem>>)
    %dma_wait3A_147 = arith.constant 0 : i32
    %dma_wait3A_148 = tpu.memref_slice %arg4[%add3A_94, %dma_wait3A_147] : memref<51200x768xf32, #tpu.memory_space<hbm>> -> memref<32x768xf32, #tpu.memory_space<hbm>>
    %dma_wait3A_149 = arith.constant 0 : i32
    %dma_wait3A_150 = tpu.memref_slice %arg4[%add3A_94, %dma_wait3A_149] : memref<51200x768xf32, #tpu.memory_space<hbm>> -> memref<32x768xf32, #tpu.memory_space<hbm>>
    tpu.wait_dma2 semaphore(%arg19 : memref<!tpu.dma_semaphore, #tpu.memory_space<semaphore_mem>>) src(%arg9 : memref<32x768xf32, #tpu.memory_space<vmem>>) dst(%dma_wait3A_150 : memref<32x768xf32, #tpu.memory_space<hbm>>)
    %dma_start3A_151 = arith.constant 8 : i32
    %dma_start3A_152 = arith.constant 0 : i32
    %dma_start3A_153 = tpu.memref_slice %arg5[%dma_start3A_151, %dma_start3A_152] : memref<50x32xi32, #tpu.memory_space<vmem>> -> memref<1x32xi32, #tpu.memory_space<vmem>>
    %dma_start3A_154 = tpu.memref_squeeze %dma_start3A_153 : memref<1x32xi32, #tpu.memory_space<vmem>> -> memref<32xi32, #tpu.memory_space<vmem>>
    %dma_start3A_155 = arith.constant 0 : i32
    %dma_start3A_156 = arith.constant 0 : i32
    %dma_start3A_157 = tpu.memref_slice %arg3[%dma_start3A_155, %dma_start3A_156] : memref<32128x768xf32, #tpu.memory_space<hbm>> -> memref<32128x768xf32, #tpu.memory_space<hbm>>
    tpu.enqueue_indirect_dma source(%dma_start3A_157 : memref<32128x768xf32, #tpu.memory_space<hbm>>) target(%arg9 : memref<32x768xf32, #tpu.memory_space<vmem>>) offsets(%dma_start3A_154 : memref<32xi32, #tpu.memory_space<vmem>>) semaphore(%arg14 : memref<!tpu.dma_semaphore, #tpu.memory_space<semaphore_mem>>)
    %dma_wait3A_158 = arith.constant 6 : i32
    %dma_wait3A_159 = arith.constant 0 : i32
    %dma_wait3A_160 = tpu.memref_slice %arg5[%dma_wait3A_158, %dma_wait3A_159] : memref<50x32xi32, #tpu.memory_space<vmem>> -> memref<1x32xi32, #tpu.memory_space<vmem>>
    %dma_wait3A_161 = tpu.memref_squeeze %dma_wait3A_160 : memref<1x32xi32, #tpu.memory_space<vmem>> -> memref<32xi32, #tpu.memory_space<vmem>>
    %dma_wait3A_162 = arith.constant 0 : i32
    %dma_wait3A_163 = arith.constant 0 : i32
    %dma_wait3A_164 = tpu.memref_slice %arg3[%dma_wait3A_162, %dma_wait3A_163] : memref<32128x768xf32, #tpu.memory_space<hbm>> -> memref<32128x768xf32, #tpu.memory_space<hbm>>
    tpu.wait_indirect_dma semaphore(%arg12 : memref<!tpu.dma_semaphore, #tpu.memory_space<semaphore_mem>>) src(%dma_wait3A_164 : memref<32128x768xf32, #tpu.memory_space<hbm>>) dst(%arg7 : memref<32x768xf32, #tpu.memory_space<vmem>>)
    %add3A_165 = arith.constant 192 : i32
    %add3A_166 = arith.addi %mul3A_2, %add3A_165 : i32
    %dma_start3A_167 = arith.constant 0 : i32
    %dma_start3A_168 = tpu.memref_slice %arg4[%add3A_166, %dma_start3A_167] : memref<51200x768xf32, #tpu.memory_space<hbm>> -> memref<32x768xf32, #tpu.memory_space<hbm>>
    %dma_start3A_169 = arith.constant 0 : i32
    %dma_start3A_170 = tpu.memref_slice %arg4[%add3A_166, %dma_start3A_169] : memref<51200x768xf32, #tpu.memory_space<hbm>> -> memref<32x768xf32, #tpu.memory_space<hbm>>
    tpu.enqueue_dma source(%arg7 : memref<32x768xf32, #tpu.memory_space<vmem>>) target(%dma_start3A_170 : memref<32x768xf32, #tpu.memory_space<hbm>>) target_semaphore(%arg17 : memref<!tpu.dma_semaphore, #tpu.memory_space<semaphore_mem>>)
    %dma_wait3A_171 = arith.constant 0 : i32
    %dma_wait3A_172 = tpu.memref_slice %arg4[%add3A_118, %dma_wait3A_171] : memref<51200x768xf32, #tpu.memory_space<hbm>> -> memref<32x768xf32, #tpu.memory_space<hbm>>
    %dma_wait3A_173 = arith.constant 0 : i32
    %dma_wait3A_174 = tpu.memref_slice %arg4[%add3A_118, %dma_wait3A_173] : memref<51200x768xf32, #tpu.memory_space<hbm>> -> memref<32x768xf32, #tpu.memory_space<hbm>>
    tpu.wait_dma2 semaphore(%arg20 : memref<!tpu.dma_semaphore, #tpu.memory_space<semaphore_mem>>) src(%arg10 : memref<32x768xf32, #tpu.memory_space<vmem>>) dst(%dma_wait3A_174 : memref<32x768xf32, #tpu.memory_space<hbm>>)
    %dma_start3A_175 = arith.constant 9 : i32
    %dma_start3A_176 = arith.constant 0 : i32
    %dma_start3A_177 = tpu.memref_slice %arg5[%dma_start3A_175, %dma_start3A_176] : memref<50x32xi32, #tpu.memory_space<vmem>> -> memref<1x32xi32, #tpu.memory_space<vmem>>
    %dma_start3A_178 = tpu.memref_squeeze %dma_start3A_177 : memref<1x32xi32, #tpu.memory_space<vmem>> -> memref<32xi32, #tpu.memory_space<vmem>>
    %dma_start3A_179 = arith.constant 0 : i32
    %dma_start3A_180 = arith.constant 0 : i32
    %dma_start3A_181 = tpu.memref_slice %arg3[%dma_start3A_179, %dma_start3A_180] : memref<32128x768xf32, #tpu.memory_space<hbm>> -> memref<32128x768xf32, #tpu.memory_space<hbm>>
    tpu.enqueue_indirect_dma source(%dma_start3A_181 : memref<32128x768xf32, #tpu.memory_space<hbm>>) target(%arg10 : memref<32x768xf32, #tpu.memory_space<vmem>>) offsets(%dma_start3A_178 : memref<32xi32, #tpu.memory_space<vmem>>) semaphore(%arg15 : memref<!tpu.dma_semaphore, #tpu.memory_space<semaphore_mem>>)
    %dma_wait3A_182 = arith.constant 7 : i32
    %dma_wait3A_183 = arith.constant 0 : i32
    %dma_wait3A_184 = tpu.memref_slice %arg5[%dma_wait3A_182, %dma_wait3A_183] : memref<50x32xi32, #tpu.memory_space<vmem>> -> memref<1x32xi32, #tpu.memory_space<vmem>>
    %dma_wait3A_185 = tpu.memref_squeeze %dma_wait3A_184 : memref<1x32xi32, #tpu.memory_space<vmem>> -> memref<32xi32, #tpu.memory_space<vmem>>
    %dma_wait3A_186 = arith.constant 0 : i32
    %dma_wait3A_187 = arith.constant 0 : i32
    %dma_wait3A_188 = tpu.memref_slice %arg3[%dma_wait3A_186, %dma_wait3A_187] : memref<32128x768xf32, #tpu.memory_space<hbm>> -> memref<32128x768xf32, #tpu.memory_space<hbm>>
    tpu.wait_indirect_dma semaphore(%arg13 : memref<!tpu.dma_semaphore, #tpu.memory_space<semaphore_mem>>) src(%dma_wait3A_188 : memref<32128x768xf32, #tpu.memory_space<hbm>>) dst(%arg8 : memref<32x768xf32, #tpu.memory_space<vmem>>)
    %add3A_189 = arith.constant 224 : i32
    %add3A_190 = arith.addi %mul3A_2, %add3A_189 : i32
    %dma_start3A_191 = arith.constant 0 : i32
    %dma_start3A_192 = tpu.memref_slice %arg4[%add3A_190, %dma_start3A_191] : memref<51200x768xf32, #tpu.memory_space<hbm>> -> memref<32x768xf32, #tpu.memory_space<hbm>>
    %dma_start3A_193 = arith.constant 0 : i32
    %dma_start3A_194 = tpu.memref_slice %arg4[%add3A_190, %dma_start3A_193] : memref<51200x768xf32, #tpu.memory_space<hbm>> -> memref<32x768xf32, #tpu.memory_space<hbm>>
    tpu.enqueue_dma source(%arg8 : memref<32x768xf32, #tpu.memory_space<vmem>>) target(%dma_start3A_194 : memref<32x768xf32, #tpu.memory_space<hbm>>) target_semaphore(%arg18 : memref<!tpu.dma_semaphore, #tpu.memory_space<semaphore_mem>>)
    %dma_wait3A_195 = arith.constant 0 : i32
    %dma_wait3A_196 = tpu.memref_slice %arg4[%add3A_142, %dma_wait3A_195] : memref<51200x768xf32, #tpu.memory_space<hbm>> -> memref<32x768xf32, #tpu.memory_space<hbm>>
    %dma_wait3A_197 = arith.constant 0 : i32
    %dma_wait3A_198 = tpu.memref_slice %arg4[%add3A_142, %dma_wait3A_197] : memref<51200x768xf32, #tpu.memory_space<hbm>> -> memref<32x768xf32, #tpu.memory_space<hbm>>
    tpu.wait_dma2 semaphore(%arg16 : memref<!tpu.dma_semaphore, #tpu.memory_space<semaphore_mem>>) src(%arg6 : memref<32x768xf32, #tpu.memory_space<vmem>>) dst(%dma_wait3A_198 : memref<32x768xf32, #tpu.memory_space<hbm>>)
    %dma_start3A_199 = arith.constant 10 : i32
    %dma_start3A_200 = arith.constant 0 : i32
    %dma_start3A_201 = tpu.memref_slice %arg5[%dma_start3A_199, %dma_start3A_200] : memref<50x32xi32, #tpu.memory_space<vmem>> -> memref<1x32xi32, #tpu.memory_space<vmem>>
    %dma_start3A_202 = tpu.memref_squeeze %dma_start3A_201 : memref<1x32xi32, #tpu.memory_space<vmem>> -> memref<32xi32, #tpu.memory_space<vmem>>
    %dma_start3A_203 = arith.constant 0 : i32
    %dma_start3A_204 = arith.constant 0 : i32
    %dma_start3A_205 = tpu.memref_slice %arg3[%dma_start3A_203, %dma_start3A_204] : memref<32128x768xf32, #tpu.memory_space<hbm>> -> memref<32128x768xf32, #tpu.memory_space<hbm>>
    tpu.enqueue_indirect_dma source(%dma_start3A_205 : memref<32128x768xf32, #tpu.memory_space<hbm>>) target(%arg6 : memref<32x768xf32, #tpu.memory_space<vmem>>) offsets(%dma_start3A_202 : memref<32xi32, #tpu.memory_space<vmem>>) semaphore(%arg11 : memref<!tpu.dma_semaphore, #tpu.memory_space<semaphore_mem>>)
    %dma_wait3A_206 = arith.constant 8 : i32
    %dma_wait3A_207 = arith.constant 0 : i32
    %dma_wait3A_208 = tpu.memref_slice %arg5[%dma_wait3A_206, %dma_wait3A_207] : memref<50x32xi32, #tpu.memory_space<vmem>> -> memref<1x32xi32, #tpu.memory_space<vmem>>
    %dma_wait3A_209 = tpu.memref_squeeze %dma_wait3A_208 : memref<1x32xi32, #tpu.memory_space<vmem>> -> memref<32xi32, #tpu.memory_space<vmem>>
    %dma_wait3A_210 = arith.constant 0 : i32
    %dma_wait3A_211 = arith.constant 0 : i32
    %dma_wait3A_212 = tpu.memref_slice %arg3[%dma_wait3A_210, %dma_wait3A_211] : memref<32128x768xf32, #tpu.memory_space<hbm>> -> memref<32128x768xf32, #tpu.memory_space<hbm>>
    tpu.wait_indirect_dma semaphore(%arg14 : memref<!tpu.dma_semaphore, #tpu.memory_space<semaphore_mem>>) src(%dma_wait3A_212 : memref<32128x768xf32, #tpu.memory_space<hbm>>) dst(%arg9 : memref<32x768xf32, #tpu.memory_space<vmem>>)
    %add3A_213 = arith.constant 256 : i32
    %add3A_214 = arith.addi %mul3A_2, %add3A_213 : i32
    %dma_start3A_215 = arith.constant 0 : i32
    %dma_start3A_216 = tpu.memref_slice %arg4[%add3A_214, %dma_start3A_215] : memref<51200x768xf32, #tpu.memory_space<hbm>> -> memref<32x768xf32, #tpu.memory_space<hbm>>
    %dma_start3A_217 = arith.constant 0 : i32
    %dma_start3A_218 = tpu.memref_slice %arg4[%add3A_214, %dma_start3A_217] : memref<51200x768xf32, #tpu.memory_space<hbm>> -> memref<32x768xf32, #tpu.memory_space<hbm>>
    tpu.enqueue_dma source(%arg9 : memref<32x768xf32, #tpu.memory_space<vmem>>) target(%dma_start3A_218 : memref<32x768xf32, #tpu.memory_space<hbm>>) target_semaphore(%arg19 : memref<!tpu.dma_semaphore, #tpu.memory_space<semaphore_mem>>)
    %dma_wait3A_219 = arith.constant 0 : i32
    %dma_wait3A_220 = tpu.memref_slice %arg4[%add3A_166, %dma_wait3A_219] : memref<51200x768xf32, #tpu.memory_space<hbm>> -> memref<32x768xf32, #tpu.memory_space<hbm>>
    %dma_wait3A_221 = arith.constant 0 : i32
    %dma_wait3A_222 = tpu.memref_slice %arg4[%add3A_166, %dma_wait3A_221] : memref<51200x768xf32, #tpu.memory_space<hbm>> -> memref<32x768xf32, #tpu.memory_space<hbm>>
    tpu.wait_dma2 semaphore(%arg17 : memref<!tpu.dma_semaphore, #tpu.memory_space<semaphore_mem>>) src(%arg7 : memref<32x768xf32, #tpu.memory_space<vmem>>) dst(%dma_wait3A_222 : memref<32x768xf32, #tpu.memory_space<hbm>>)
    %dma_start3A_223 = arith.constant 11 : i32
    %dma_start3A_224 = arith.constant 0 : i32
    %dma_start3A_225 = tpu.memref_slice %arg5[%dma_start3A_223, %dma_start3A_224] : memref<50x32xi32, #tpu.memory_space<vmem>> -> memref<1x32xi32, #tpu.memory_space<vmem>>
    %dma_start3A_226 = tpu.memref_squeeze %dma_start3A_225 : memref<1x32xi32, #tpu.memory_space<vmem>> -> memref<32xi32, #tpu.memory_space<vmem>>
    %dma_start3A_227 = arith.constant 0 : i32
    %dma_start3A_228 = arith.constant 0 : i32
    %dma_start3A_229 = tpu.memref_slice %arg3[%dma_start3A_227, %dma_start3A_228] : memref<32128x768xf32, #tpu.memory_space<hbm>> -> memref<32128x768xf32, #tpu.memory_space<hbm>>
    tpu.enqueue_indirect_dma source(%dma_start3A_229 : memref<32128x768xf32, #tpu.memory_space<hbm>>) target(%arg7 : memref<32x768xf32, #tpu.memory_space<vmem>>) offsets(%dma_start3A_226 : memref<32xi32, #tpu.memory_space<vmem>>) semaphore(%arg12 : memref<!tpu.dma_semaphore, #tpu.memory_space<semaphore_mem>>)
    %dma_wait3A_230 = arith.constant 9 : i32
    %dma_wait3A_231 = arith.constant 0 : i32
    %dma_wait3A_232 = tpu.memref_slice %arg5[%dma_wait3A_230, %dma_wait3A_231] : memref<50x32xi32, #tpu.memory_space<vmem>> -> memref<1x32xi32, #tpu.memory_space<vmem>>
    %dma_wait3A_233 = tpu.memref_squeeze %dma_wait3A_232 : memref<1x32xi32, #tpu.memory_space<vmem>> -> memref<32xi32, #tpu.memory_space<vmem>>
    %dma_wait3A_234 = arith.constant 0 : i32
    %dma_wait3A_235 = arith.constant 0 : i32
    %dma_wait3A_236 = tpu.memref_slice %arg3[%dma_wait3A_234, %dma_wait3A_235] : memref<32128x768xf32, #tpu.memory_space<hbm>> -> memref<32128x768xf32, #tpu.memory_space<hbm>>
    tpu.wait_indirect_dma semaphore(%arg15 : memref<!tpu.dma_semaphore, #tpu.memory_space<semaphore_mem>>) src(%dma_wait3A_236 : memref<32128x768xf32, #tpu.memory_space<hbm>>) dst(%arg10 : memref<32x768xf32, #tpu.memory_space<vmem>>)
    %add3A_237 = arith.constant 288 : i32
    %add3A_238 = arith.addi %mul3A_2, %add3A_237 : i32
    %dma_start3A_239 = arith.constant 0 : i32
    %dma_start3A_240 = tpu.memref_slice %arg4[%add3A_238, %dma_start3A_239] : memref<51200x768xf32, #tpu.memory_space<hbm>> -> memref<32x768xf32, #tpu.memory_space<hbm>>
    %dma_start3A_241 = arith.constant 0 : i32
    %dma_start3A_242 = tpu.memref_slice %arg4[%add3A_238, %dma_start3A_241] : memref<51200x768xf32, #tpu.memory_space<hbm>> -> memref<32x768xf32, #tpu.memory_space<hbm>>
    tpu.enqueue_dma source(%arg10 : memref<32x768xf32, #tpu.memory_space<vmem>>) target(%dma_start3A_242 : memref<32x768xf32, #tpu.memory_space<hbm>>) target_semaphore(%arg20 : memref<!tpu.dma_semaphore, #tpu.memory_space<semaphore_mem>>)
    %dma_wait3A_243 = arith.constant 0 : i32
    %dma_wait3A_244 = tpu.memref_slice %arg4[%add3A_190, %dma_wait3A_243] : memref<51200x768xf32, #tpu.memory_space<hbm>> -> memref<32x768xf32, #tpu.memory_space<hbm>>
    %dma_wait3A_245 = arith.constant 0 : i32
    %dma_wait3A_246 = tpu.memref_slice %arg4[%add3A_190, %dma_wait3A_245] : memref<51200x768xf32, #tpu.memory_space<hbm>> -> memref<32x768xf32, #tpu.memory_space<hbm>>
    tpu.wait_dma2 semaphore(%arg18 : memref<!tpu.dma_semaphore, #tpu.memory_space<semaphore_mem>>) src(%arg8 : memref<32x768xf32, #tpu.memory_space<vmem>>) dst(%dma_wait3A_246 : memref<32x768xf32, #tpu.memory_space<hbm>>)
    %dma_start3A_247 = arith.constant 12 : i32
    %dma_start3A_248 = arith.constant 0 : i32
    %dma_start3A_249 = tpu.memref_slice %arg5[%dma_start3A_247, %dma_start3A_248] : memref<50x32xi32, #tpu.memory_space<vmem>> -> memref<1x32xi32, #tpu.memory_space<vmem>>
    %dma_start3A_250 = tpu.memref_squeeze %dma_start3A_249 : memref<1x32xi32, #tpu.memory_space<vmem>> -> memref<32xi32, #tpu.memory_space<vmem>>
    %dma_start3A_251 = arith.constant 0 : i32
    %dma_start3A_252 = arith.constant 0 : i32
    %dma_start3A_253 = tpu.memref_slice %arg3[%dma_start3A_251, %dma_start3A_252] : memref<32128x768xf32, #tpu.memory_space<hbm>> -> memref<32128x768xf32, #tpu.memory_space<hbm>>
    tpu.enqueue_indirect_dma source(%dma_start3A_253 : memref<32128x768xf32, #tpu.memory_space<hbm>>) target(%arg8 : memref<32x768xf32, #tpu.memory_space<vmem>>) offsets(%dma_start3A_250 : memref<32xi32, #tpu.memory_space<vmem>>) semaphore(%arg13 : memref<!tpu.dma_semaphore, #tpu.memory_space<semaphore_mem>>)
    %dma_wait3A_254 = arith.constant 10 : i32
    %dma_wait3A_255 = arith.constant 0 : i32
    %dma_wait3A_256 = tpu.memref_slice %arg5[%dma_wait3A_254, %dma_wait3A_255] : memref<50x32xi32, #tpu.memory_space<vmem>> -> memref<1x32xi32, #tpu.memory_space<vmem>>
    %dma_wait3A_257 = tpu.memref_squeeze %dma_wait3A_256 : memref<1x32xi32, #tpu.memory_space<vmem>> -> memref<32xi32, #tpu.memory_space<vmem>>
    %dma_wait3A_258 = arith.constant 0 : i32
    %dma_wait3A_259 = arith.constant 0 : i32
    %dma_wait3A_260 = tpu.memref_slice %arg3[%dma_wait3A_258, %dma_wait3A_259] : memref<32128x768xf32, #tpu.memory_space<hbm>> -> memref<32128x768xf32, #tpu.memory_space<hbm>>
    tpu.wait_indirect_dma semaphore(%arg11 : memref<!tpu.dma_semaphore, #tpu.memory_space<semaphore_mem>>) src(%dma_wait3A_260 : memref<32128x768xf32, #tpu.memory_space<hbm>>) dst(%arg6 : memref<32x768xf32, #tpu.memory_space<vmem>>)
    %add3A_261 = arith.constant 320 : i32
    %add3A_262 = arith.addi %mul3A_2, %add3A_261 : i32
    %dma_start3A_263 = arith.constant 0 : i32
    %dma_start3A_264 = tpu.memref_slice %arg4[%add3A_262, %dma_start3A_263] : memref<51200x768xf32, #tpu.memory_space<hbm>> -> memref<32x768xf32, #tpu.memory_space<hbm>>
    %dma_start3A_265 = arith.constant 0 : i32
    %dma_start3A_266 = tpu.memref_slice %arg4[%add3A_262, %dma_start3A_265] : memref<51200x768xf32, #tpu.memory_space<hbm>> -> memref<32x768xf32, #tpu.memory_space<hbm>>
    tpu.enqueue_dma source(%arg6 : memref<32x768xf32, #tpu.memory_space<vmem>>) target(%dma_start3A_266 : memref<32x768xf32, #tpu.memory_space<hbm>>) target_semaphore(%arg16 : memref<!tpu.dma_semaphore, #tpu.memory_space<semaphore_mem>>)
    %dma_wait3A_267 = arith.constant 0 : i32
    %dma_wait3A_268 = tpu.memref_slice %arg4[%add3A_214, %dma_wait3A_267] : memref<51200x768xf32, #tpu.memory_space<hbm>> -> memref<32x768xf32, #tpu.memory_space<hbm>>
    %dma_wait3A_269 = arith.constant 0 : i32
    %dma_wait3A_270 = tpu.memref_slice %arg4[%add3A_214, %dma_wait3A_269] : memref<51200x768xf32, #tpu.memory_space<hbm>> -> memref<32x768xf32, #tpu.memory_space<hbm>>
    tpu.wait_dma2 semaphore(%arg19 : memref<!tpu.dma_semaphore, #tpu.memory_space<semaphore_mem>>) src(%arg9 : memref<32x768xf32, #tpu.memory_space<vmem>>) dst(%dma_wait3A_270 : memref<32x768xf32, #tpu.memory_space<hbm>>)
    %dma_start3A_271 = arith.constant 13 : i32
    %dma_start3A_272 = arith.constant 0 : i32
    %dma_start3A_273 = tpu.memref_slice %arg5[%dma_start3A_271, %dma_start3A_272] : memref<50x32xi32, #tpu.memory_space<vmem>> -> memref<1x32xi32, #tpu.memory_space<vmem>>
    %dma_start3A_274 = tpu.memref_squeeze %dma_start3A_273 : memref<1x32xi32, #tpu.memory_space<vmem>> -> memref<32xi32, #tpu.memory_space<vmem>>
    %dma_start3A_275 = arith.constant 0 : i32
    %dma_start3A_276 = arith.constant 0 : i32
    %dma_start3A_277 = tpu.memref_slice %arg3[%dma_start3A_275, %dma_start3A_276] : memref<32128x768xf32, #tpu.memory_space<hbm>> -> memref<32128x768xf32, #tpu.memory_space<hbm>>
    tpu.enqueue_indirect_dma source(%dma_start3A_277 : memref<32128x768xf32, #tpu.memory_space<hbm>>) target(%arg9 : memref<32x768xf32, #tpu.memory_space<vmem>>) offsets(%dma_start3A_274 : memref<32xi32, #tpu.memory_space<vmem>>) semaphore(%arg14 : memref<!tpu.dma_semaphore, #tpu.memory_space<semaphore_mem>>)
    %dma_wait3A_278 = arith.constant 11 : i32
    %dma_wait3A_279 = arith.constant 0 : i32
    %dma_wait3A_280 = tpu.memref_slice %arg5[%dma_wait3A_278, %dma_wait3A_279] : memref<50x32xi32, #tpu.memory_space<vmem>> -> memref<1x32xi32, #tpu.memory_space<vmem>>
    %dma_wait3A_281 = tpu.memref_squeeze %dma_wait3A_280 : memref<1x32xi32, #tpu.memory_space<vmem>> -> memref<32xi32, #tpu.memory_space<vmem>>
    %dma_wait3A_282 = arith.constant 0 : i32
    %dma_wait3A_283 = arith.constant 0 : i32
    %dma_wait3A_284 = tpu.memref_slice %arg3[%dma_wait3A_282, %dma_wait3A_283] : memref<32128x768xf32, #tpu.memory_space<hbm>> -> memref<32128x768xf32, #tpu.memory_space<hbm>>
    tpu.wait_indirect_dma semaphore(%arg12 : memref<!tpu.dma_semaphore, #tpu.memory_space<semaphore_mem>>) src(%dma_wait3A_284 : memref<32128x768xf32, #tpu.memory_space<hbm>>) dst(%arg7 : memref<32x768xf32, #tpu.memory_space<vmem>>)
    %add3A_285 = arith.constant 352 : i32
    %add3A_286 = arith.addi %mul3A_2, %add3A_285 : i32
    %dma_start3A_287 = arith.constant 0 : i32
    %dma_start3A_288 = tpu.memref_slice %arg4[%add3A_286, %dma_start3A_287] : memref<51200x768xf32, #tpu.memory_space<hbm>> -> memref<32x768xf32, #tpu.memory_space<hbm>>
    %dma_start3A_289 = arith.constant 0 : i32
    %dma_start3A_290 = tpu.memref_slice %arg4[%add3A_286, %dma_start3A_289] : memref<51200x768xf32, #tpu.memory_space<hbm>> -> memref<32x768xf32, #tpu.memory_space<hbm>>
    tpu.enqueue_dma source(%arg7 : memref<32x768xf32, #tpu.memory_space<vmem>>) target(%dma_start3A_290 : memref<32x768xf32, #tpu.memory_space<hbm>>) target_semaphore(%arg17 : memref<!tpu.dma_semaphore, #tpu.memory_space<semaphore_mem>>)
    %dma_wait3A_291 = arith.constant 0 : i32
    %dma_wait3A_292 = tpu.memref_slice %arg4[%add3A_238, %dma_wait3A_291] : memref<51200x768xf32, #tpu.memory_space<hbm>> -> memref<32x768xf32, #tpu.memory_space<hbm>>
    %dma_wait3A_293 = arith.constant 0 : i32
    %dma_wait3A_294 = tpu.memref_slice %arg4[%add3A_238, %dma_wait3A_293] : memref<51200x768xf32, #tpu.memory_space<hbm>> -> memref<32x768xf32, #tpu.memory_space<hbm>>
    tpu.wait_dma2 semaphore(%arg20 : memref<!tpu.dma_semaphore, #tpu.memory_space<semaphore_mem>>) src(%arg10 : memref<32x768xf32, #tpu.memory_space<vmem>>) dst(%dma_wait3A_294 : memref<32x768xf32, #tpu.memory_space<hbm>>)
    %dma_start3A_295 = arith.constant 14 : i32
    %dma_start3A_296 = arith.constant 0 : i32
    %dma_start3A_297 = tpu.memref_slice %arg5[%dma_start3A_295, %dma_start3A_296] : memref<50x32xi32, #tpu.memory_space<vmem>> -> memref<1x32xi32, #tpu.memory_space<vmem>>
    %dma_start3A_298 = tpu.memref_squeeze %dma_start3A_297 : memref<1x32xi32, #tpu.memory_space<vmem>> -> memref<32xi32, #tpu.memory_space<vmem>>
    %dma_start3A_299 = arith.constant 0 : i32
    %dma_start3A_300 = arith.constant 0 : i32
    %dma_start3A_301 = tpu.memref_slice %arg3[%dma_start3A_299, %dma_start3A_300] : memref<32128x768xf32, #tpu.memory_space<hbm>> -> memref<32128x768xf32, #tpu.memory_space<hbm>>
    tpu.enqueue_indirect_dma source(%dma_start3A_301 : memref<32128x768xf32, #tpu.memory_space<hbm>>) target(%arg10 : memref<32x768xf32, #tpu.memory_space<vmem>>) offsets(%dma_start3A_298 : memref<32xi32, #tpu.memory_space<vmem>>) semaphore(%arg15 : memref<!tpu.dma_semaphore, #tpu.memory_space<semaphore_mem>>)
    %dma_wait3A_302 = arith.constant 12 : i32
    %dma_wait3A_303 = arith.constant 0 : i32
    %dma_wait3A_304 = tpu.memref_slice %arg5[%dma_wait3A_302, %dma_wait3A_303] : memref<50x32xi32, #tpu.memory_space<vmem>> -> memref<1x32xi32, #tpu.memory_space<vmem>>
    %dma_wait3A_305 = tpu.memref_squeeze %dma_wait3A_304 : memref<1x32xi32, #tpu.memory_space<vmem>> -> memref<32xi32, #tpu.memory_space<vmem>>
    %dma_wait3A_306 = arith.constant 0 : i32
    %dma_wait3A_307 = arith.constant 0 : i32
    %dma_wait3A_308 = tpu.memref_slice %arg3[%dma_wait3A_306, %dma_wait3A_307] : memref<32128x768xf32, #tpu.memory_space<hbm>> -> memref<32128x768xf32, #tpu.memory_space<hbm>>
    tpu.wait_indirect_dma semaphore(%arg13 : memref<!tpu.dma_semaphore, #tpu.memory_space<semaphore_mem>>) src(%dma_wait3A_308 : memref<32128x768xf32, #tpu.memory_space<hbm>>) dst(%arg8 : memref<32x768xf32, #tpu.memory_space<vmem>>)
    %add3A_309 = arith.constant 384 : i32
    %add3A_310 = arith.addi %mul3A_2, %add3A_309 : i32
    %dma_start3A_311 = arith.constant 0 : i32
    %dma_start3A_312 = tpu.memref_slice %arg4[%add3A_310, %dma_start3A_311] : memref<51200x768xf32, #tpu.memory_space<hbm>> -> memref<32x768xf32, #tpu.memory_space<hbm>>
    %dma_start3A_313 = arith.constant 0 : i32
    %dma_start3A_314 = tpu.memref_slice %arg4[%add3A_310, %dma_start3A_313] : memref<51200x768xf32, #tpu.memory_space<hbm>> -> memref<32x768xf32, #tpu.memory_space<hbm>>
    tpu.enqueue_dma source(%arg8 : memref<32x768xf32, #tpu.memory_space<vmem>>) target(%dma_start3A_314 : memref<32x768xf32, #tpu.memory_space<hbm>>) target_semaphore(%arg18 : memref<!tpu.dma_semaphore, #tpu.memory_space<semaphore_mem>>)
    %dma_wait3A_315 = arith.constant 0 : i32
    %dma_wait3A_316 = tpu.memref_slice %arg4[%add3A_262, %dma_wait3A_315] : memref<51200x768xf32, #tpu.memory_space<hbm>> -> memref<32x768xf32, #tpu.memory_space<hbm>>
    %dma_wait3A_317 = arith.constant 0 : i32
    %dma_wait3A_318 = tpu.memref_slice %arg4[%add3A_262, %dma_wait3A_317] : memref<51200x768xf32, #tpu.memory_space<hbm>> -> memref<32x768xf32, #tpu.memory_space<hbm>>
    tpu.wait_dma2 semaphore(%arg16 : memref<!tpu.dma_semaphore, #tpu.memory_space<semaphore_mem>>) src(%arg6 : memref<32x768xf32, #tpu.memory_space<vmem>>) dst(%dma_wait3A_318 : memref<32x768xf32, #tpu.memory_space<hbm>>)
    %dma_start3A_319 = arith.constant 15 : i32
    %dma_start3A_320 = arith.constant 0 : i32
    %dma_start3A_321 = tpu.memref_slice %arg5[%dma_start3A_319, %dma_start3A_320] : memref<50x32xi32, #tpu.memory_space<vmem>> -> memref<1x32xi32, #tpu.memory_space<vmem>>
    %dma_start3A_322 = tpu.memref_squeeze %dma_start3A_321 : memref<1x32xi32, #tpu.memory_space<vmem>> -> memref<32xi32, #tpu.memory_space<vmem>>
    %dma_start3A_323 = arith.constant 0 : i32
    %dma_start3A_324 = arith.constant 0 : i32
    %dma_start3A_325 = tpu.memref_slice %arg3[%dma_start3A_323, %dma_start3A_324] : memref<32128x768xf32, #tpu.memory_space<hbm>> -> memref<32128x768xf32, #tpu.memory_space<hbm>>
    tpu.enqueue_indirect_dma source(%dma_start3A_325 : memref<32128x768xf32, #tpu.memory_space<hbm>>) target(%arg6 : memref<32x768xf32, #tpu.memory_space<vmem>>) offsets(%dma_start3A_322 : memref<32xi32, #tpu.memory_space<vmem>>) semaphore(%arg11 : memref<!tpu.dma_semaphore, #tpu.memory_space<semaphore_mem>>)
    %dma_wait3A_326 = arith.constant 13 : i32
    %dma_wait3A_327 = arith.constant 0 : i32
    %dma_wait3A_328 = tpu.memref_slice %arg5[%dma_wait3A_326, %dma_wait3A_327] : memref<50x32xi32, #tpu.memory_space<vmem>> -> memref<1x32xi32, #tpu.memory_space<vmem>>
    %dma_wait3A_329 = tpu.memref_squeeze %dma_wait3A_328 : memref<1x32xi32, #tpu.memory_space<vmem>> -> memref<32xi32, #tpu.memory_space<vmem>>
    %dma_wait3A_330 = arith.constant 0 : i32
    %dma_wait3A_331 = arith.constant 0 : i32
    %dma_wait3A_332 = tpu.memref_slice %arg3[%dma_wait3A_330, %dma_wait3A_331] : memref<32128x768xf32, #tpu.memory_space<hbm>> -> memref<32128x768xf32, #tpu.memory_space<hbm>>
    tpu.wait_indirect_dma semaphore(%arg14 : memref<!tpu.dma_semaphore, #tpu.memory_space<semaphore_mem>>) src(%dma_wait3A_332 : memref<32128x768xf32, #tpu.memory_space<hbm>>) dst(%arg9 : memref<32x768xf32, #tpu.memory_space<vmem>>)
    %add3A_333 = arith.constant 416 : i32
    %add3A_334 = arith.addi %mul3A_2, %add3A_333 : i32
    %dma_start3A_335 = arith.constant 0 : i32
    %dma_start3A_336 = tpu.memref_slice %arg4[%add3A_334, %dma_start3A_335] : memref<51200x768xf32, #tpu.memory_space<hbm>> -> memref<32x768xf32, #tpu.memory_space<hbm>>
    %dma_start3A_337 = arith.constant 0 : i32
    %dma_start3A_338 = tpu.memref_slice %arg4[%add3A_334, %dma_start3A_337] : memref<51200x768xf32, #tpu.memory_space<hbm>> -> memref<32x768xf32, #tpu.memory_space<hbm>>
    tpu.enqueue_dma source(%arg9 : memref<32x768xf32, #tpu.memory_space<vmem>>) target(%dma_start3A_338 : memref<32x768xf32, #tpu.memory_space<hbm>>) target_semaphore(%arg19 : memref<!tpu.dma_semaphore, #tpu.memory_space<semaphore_mem>>)
    %dma_wait3A_339 = arith.constant 0 : i32
    %dma_wait3A_340 = tpu.memref_slice %arg4[%add3A_286, %dma_wait3A_339] : memref<51200x768xf32, #tpu.memory_space<hbm>> -> memref<32x768xf32, #tpu.memory_space<hbm>>
    %dma_wait3A_341 = arith.constant 0 : i32
    %dma_wait3A_342 = tpu.memref_slice %arg4[%add3A_286, %dma_wait3A_341] : memref<51200x768xf32, #tpu.memory_space<hbm>> -> memref<32x768xf32, #tpu.memory_space<hbm>>
    tpu.wait_dma2 semaphore(%arg17 : memref<!tpu.dma_semaphore, #tpu.memory_space<semaphore_mem>>) src(%arg7 : memref<32x768xf32, #tpu.memory_space<vmem>>) dst(%dma_wait3A_342 : memref<32x768xf32, #tpu.memory_space<hbm>>)
    %dma_start3A_343 = arith.constant 16 : i32
    %dma_start3A_344 = arith.constant 0 : i32
    %dma_start3A_345 = tpu.memref_slice %arg5[%dma_start3A_343, %dma_start3A_344] : memref<50x32xi32, #tpu.memory_space<vmem>> -> memref<1x32xi32, #tpu.memory_space<vmem>>
    %dma_start3A_346 = tpu.memref_squeeze %dma_start3A_345 : memref<1x32xi32, #tpu.memory_space<vmem>> -> memref<32xi32, #tpu.memory_space<vmem>>
    %dma_start3A_347 = arith.constant 0 : i32
    %dma_start3A_348 = arith.constant 0 : i32
    %dma_start3A_349 = tpu.memref_slice %arg3[%dma_start3A_347, %dma_start3A_348] : memref<32128x768xf32, #tpu.memory_space<hbm>> -> memref<32128x768xf32, #tpu.memory_space<hbm>>
    tpu.enqueue_indirect_dma source(%dma_start3A_349 : memref<32128x768xf32, #tpu.memory_space<hbm>>) target(%arg7 : memref<32x768xf32, #tpu.memory_space<vmem>>) offsets(%dma_start3A_346 : memref<32xi32, #tpu.memory_space<vmem>>) semaphore(%arg12 : memref<!tpu.dma_semaphore, #tpu.memory_space<semaphore_mem>>)
    %dma_wait3A_350 = arith.constant 14 : i32
    %dma_wait3A_351 = arith.constant 0 : i32
    %dma_wait3A_352 = tpu.memref_slice %arg5[%dma_wait3A_350, %dma_wait3A_351] : memref<50x32xi32, #tpu.memory_space<vmem>> -> memref<1x32xi32, #tpu.memory_space<vmem>>
    %dma_wait3A_353 = tpu.memref_squeeze %dma_wait3A_352 : memref<1x32xi32, #tpu.memory_space<vmem>> -> memref<32xi32, #tpu.memory_space<vmem>>
    %dma_wait3A_354 = arith.constant 0 : i32
    %dma_wait3A_355 = arith.constant 0 : i32
    %dma_wait3A_356 = tpu.memref_slice %arg3[%dma_wait3A_354, %dma_wait3A_355] : memref<32128x768xf32, #tpu.memory_space<hbm>> -> memref<32128x768xf32, #tpu.memory_space<hbm>>
    tpu.wait_indirect_dma semaphore(%arg15 : memref<!tpu.dma_semaphore, #tpu.memory_space<semaphore_mem>>) src(%dma_wait3A_356 : memref<32128x768xf32, #tpu.memory_space<hbm>>) dst(%arg10 : memref<32x768xf32, #tpu.memory_space<vmem>>)
    %add3A_357 = arith.constant 448 : i32
    %add3A_358 = arith.addi %mul3A_2, %add3A_357 : i32
    %dma_start3A_359 = arith.constant 0 : i32
    %dma_start3A_360 = tpu.memref_slice %arg4[%add3A_358, %dma_start3A_359] : memref<51200x768xf32, #tpu.memory_space<hbm>> -> memref<32x768xf32, #tpu.memory_space<hbm>>
    %dma_start3A_361 = arith.constant 0 : i32
    %dma_start3A_362 = tpu.memref_slice %arg4[%add3A_358, %dma_start3A_361] : memref<51200x768xf32, #tpu.memory_space<hbm>> -> memref<32x768xf32, #tpu.memory_space<hbm>>
    tpu.enqueue_dma source(%arg10 : memref<32x768xf32, #tpu.memory_space<vmem>>) target(%dma_start3A_362 : memref<32x768xf32, #tpu.memory_space<hbm>>) target_semaphore(%arg20 : memref<!tpu.dma_semaphore, #tpu.memory_space<semaphore_mem>>)
    %dma_wait3A_363 = arith.constant 0 : i32
    %dma_wait3A_364 = tpu.memref_slice %arg4[%add3A_310, %dma_wait3A_363] : memref<51200x768xf32, #tpu.memory_space<hbm>> -> memref<32x768xf32, #tpu.memory_space<hbm>>
    %dma_wait3A_365 = arith.constant 0 : i32
    %dma_wait3A_366 = tpu.memref_slice %arg4[%add3A_310, %dma_wait3A_365] : memref<51200x768xf32, #tpu.memory_space<hbm>> -> memref<32x768xf32, #tpu.memory_space<hbm>>
    tpu.wait_dma2 semaphore(%arg18 : memref<!tpu.dma_semaphore, #tpu.memory_space<semaphore_mem>>) src(%arg8 : memref<32x768xf32, #tpu.memory_space<vmem>>) dst(%dma_wait3A_366 : memref<32x768xf32, #tpu.memory_space<hbm>>)
    %dma_start3A_367 = arith.constant 17 : i32
    %dma_start3A_368 = arith.constant 0 : i32
    %dma_start3A_369 = tpu.memref_slice %arg5[%dma_start3A_367, %dma_start3A_368] : memref<50x32xi32, #tpu.memory_space<vmem>> -> memref<1x32xi32, #tpu.memory_space<vmem>>
    %dma_start3A_370 = tpu.memref_squeeze %dma_start3A_369 : memref<1x32xi32, #tpu.memory_space<vmem>> -> memref<32xi32, #tpu.memory_space<vmem>>
    %dma_start3A_371 = arith.constant 0 : i32
    %dma_start3A_372 = arith.constant 0 : i32
    %dma_start3A_373 = tpu.memref_slice %arg3[%dma_start3A_371, %dma_start3A_372] : memref<32128x768xf32, #tpu.memory_space<hbm>> -> memref<32128x768xf32, #tpu.memory_space<hbm>>
    tpu.enqueue_indirect_dma source(%dma_start3A_373 : memref<32128x768xf32, #tpu.memory_space<hbm>>) target(%arg8 : memref<32x768xf32, #tpu.memory_space<vmem>>) offsets(%dma_start3A_370 : memref<32xi32, #tpu.memory_space<vmem>>) semaphore(%arg13 : memref<!tpu.dma_semaphore, #tpu.memory_space<semaphore_mem>>)
    %dma_wait3A_374 = arith.constant 15 : i32
    %dma_wait3A_375 = arith.constant 0 : i32
    %dma_wait3A_376 = tpu.memref_slice %arg5[%dma_wait3A_374, %dma_wait3A_375] : memref<50x32xi32, #tpu.memory_space<vmem>> -> memref<1x32xi32, #tpu.memory_space<vmem>>
    %dma_wait3A_377 = tpu.memref_squeeze %dma_wait3A_376 : memref<1x32xi32, #tpu.memory_space<vmem>> -> memref<32xi32, #tpu.memory_space<vmem>>
    %dma_wait3A_378 = arith.constant 0 : i32
    %dma_wait3A_379 = arith.constant 0 : i32
    %dma_wait3A_380 = tpu.memref_slice %arg3[%dma_wait3A_378, %dma_wait3A_379] : memref<32128x768xf32, #tpu.memory_space<hbm>> -> memref<32128x768xf32, #tpu.memory_space<hbm>>
    tpu.wait_indirect_dma semaphore(%arg11 : memref<!tpu.dma_semaphore, #tpu.memory_space<semaphore_mem>>) src(%dma_wait3A_380 : memref<32128x768xf32, #tpu.memory_space<hbm>>) dst(%arg6 : memref<32x768xf32, #tpu.memory_space<vmem>>)
    %add3A_381 = arith.constant 480 : i32
    %add3A_382 = arith.addi %mul3A_2, %add3A_381 : i32
    %dma_start3A_383 = arith.constant 0 : i32
    %dma_start3A_384 = tpu.memref_slice %arg4[%add3A_382, %dma_start3A_383] : memref<51200x768xf32, #tpu.memory_space<hbm>> -> memref<32x768xf32, #tpu.memory_space<hbm>>
    %dma_start3A_385 = arith.constant 0 : i32
    %dma_start3A_386 = tpu.memref_slice %arg4[%add3A_382, %dma_start3A_385] : memref<51200x768xf32, #tpu.memory_space<hbm>> -> memref<32x768xf32, #tpu.memory_space<hbm>>
    tpu.enqueue_dma source(%arg6 : memref<32x768xf32, #tpu.memory_space<vmem>>) target(%dma_start3A_386 : memref<32x768xf32, #tpu.memory_space<hbm>>) target_semaphore(%arg16 : memref<!tpu.dma_semaphore, #tpu.memory_space<semaphore_mem>>)
    %dma_wait3A_387 = arith.constant 0 : i32
    %dma_wait3A_388 = tpu.memref_slice %arg4[%add3A_334, %dma_wait3A_387] : memref<51200x768xf32, #tpu.memory_space<hbm>> -> memref<32x768xf32, #tpu.memory_space<hbm>>
    %dma_wait3A_389 = arith.constant 0 : i32
    %dma_wait3A_390 = tpu.memref_slice %arg4[%add3A_334, %dma_wait3A_389] : memref<51200x768xf32, #tpu.memory_space<hbm>> -> memref<32x768xf32, #tpu.memory_space<hbm>>
    tpu.wait_dma2 semaphore(%arg19 : memref<!tpu.dma_semaphore, #tpu.memory_space<semaphore_mem>>) src(%arg9 : memref<32x768xf32, #tpu.memory_space<vmem>>) dst(%dma_wait3A_390 : memref<32x768xf32, #tpu.memory_space<hbm>>)
    %dma_start3A_391 = arith.constant 18 : i32
    %dma_start3A_392 = arith.constant 0 : i32
    %dma_start3A_393 = tpu.memref_slice %arg5[%dma_start3A_391, %dma_start3A_392] : memref<50x32xi32, #tpu.memory_space<vmem>> -> memref<1x32xi32, #tpu.memory_space<vmem>>
    %dma_start3A_394 = tpu.memref_squeeze %dma_start3A_393 : memref<1x32xi32, #tpu.memory_space<vmem>> -> memref<32xi32, #tpu.memory_space<vmem>>
    %dma_start3A_395 = arith.constant 0 : i32
    %dma_start3A_396 = arith.constant 0 : i32
    %dma_start3A_397 = tpu.memref_slice %arg3[%dma_start3A_395, %dma_start3A_396] : memref<32128x768xf32, #tpu.memory_space<hbm>> -> memref<32128x768xf32, #tpu.memory_space<hbm>>
    tpu.enqueue_indirect_dma source(%dma_start3A_397 : memref<32128x768xf32, #tpu.memory_space<hbm>>) target(%arg9 : memref<32x768xf32, #tpu.memory_space<vmem>>) offsets(%dma_start3A_394 : memref<32xi32, #tpu.memory_space<vmem>>) semaphore(%arg14 : memref<!tpu.dma_semaphore, #tpu.memory_space<semaphore_mem>>)
    %dma_wait3A_398 = arith.constant 16 : i32
    %dma_wait3A_399 = arith.constant 0 : i32
    %dma_wait3A_400 = tpu.memref_slice %arg5[%dma_wait3A_398, %dma_wait3A_399] : memref<50x32xi32, #tpu.memory_space<vmem>> -> memref<1x32xi32, #tpu.memory_space<vmem>>
    %dma_wait3A_401 = tpu.memref_squeeze %dma_wait3A_400 : memref<1x32xi32, #tpu.memory_space<vmem>> -> memref<32xi32, #tpu.memory_space<vmem>>
    %dma_wait3A_402 = arith.constant 0 : i32
    %dma_wait3A_403 = arith.constant 0 : i32
    %dma_wait3A_404 = tpu.memref_slice %arg3[%dma_wait3A_402, %dma_wait3A_403] : memref<32128x768xf32, #tpu.memory_space<hbm>> -> memref<32128x768xf32, #tpu.memory_space<hbm>>
    tpu.wait_indirect_dma semaphore(%arg12 : memref<!tpu.dma_semaphore, #tpu.memory_space<semaphore_mem>>) src(%dma_wait3A_404 : memref<32128x768xf32, #tpu.memory_space<hbm>>) dst(%arg7 : memref<32x768xf32, #tpu.memory_space<vmem>>)
    %add3A_405 = arith.constant 512 : i32
    %add3A_406 = arith.addi %mul3A_2, %add3A_405 : i32
    %dma_start3A_407 = arith.constant 0 : i32
    %dma_start3A_408 = tpu.memref_slice %arg4[%add3A_406, %dma_start3A_407] : memref<51200x768xf32, #tpu.memory_space<hbm>> -> memref<32x768xf32, #tpu.memory_space<hbm>>
    %dma_start3A_409 = arith.constant 0 : i32
    %dma_start3A_410 = tpu.memref_slice %arg4[%add3A_406, %dma_start3A_409] : memref<51200x768xf32, #tpu.memory_space<hbm>> -> memref<32x768xf32, #tpu.memory_space<hbm>>
    tpu.enqueue_dma source(%arg7 : memref<32x768xf32, #tpu.memory_space<vmem>>) target(%dma_start3A_410 : memref<32x768xf32, #tpu.memory_space<hbm>>) target_semaphore(%arg17 : memref<!tpu.dma_semaphore, #tpu.memory_space<semaphore_mem>>)
    %dma_wait3A_411 = arith.constant 0 : i32
    %dma_wait3A_412 = tpu.memref_slice %arg4[%add3A_358, %dma_wait3A_411] : memref<51200x768xf32, #tpu.memory_space<hbm>> -> memref<32x768xf32, #tpu.memory_space<hbm>>
    %dma_wait3A_413 = arith.constant 0 : i32
    %dma_wait3A_414 = tpu.memref_slice %arg4[%add3A_358, %dma_wait3A_413] : memref<51200x768xf32, #tpu.memory_space<hbm>> -> memref<32x768xf32, #tpu.memory_space<hbm>>
    tpu.wait_dma2 semaphore(%arg20 : memref<!tpu.dma_semaphore, #tpu.memory_space<semaphore_mem>>) src(%arg10 : memref<32x768xf32, #tpu.memory_space<vmem>>) dst(%dma_wait3A_414 : memref<32x768xf32, #tpu.memory_space<hbm>>)
    %dma_start3A_415 = arith.constant 19 : i32
    %dma_start3A_416 = arith.constant 0 : i32
    %dma_start3A_417 = tpu.memref_slice %arg5[%dma_start3A_415, %dma_start3A_416] : memref<50x32xi32, #tpu.memory_space<vmem>> -> memref<1x32xi32, #tpu.memory_space<vmem>>
    %dma_start3A_418 = tpu.memref_squeeze %dma_start3A_417 : memref<1x32xi32, #tpu.memory_space<vmem>> -> memref<32xi32, #tpu.memory_space<vmem>>
    %dma_start3A_419 = arith.constant 0 : i32
    %dma_start3A_420 = arith.constant 0 : i32
    %dma_start3A_421 = tpu.memref_slice %arg3[%dma_start3A_419, %dma_start3A_420] : memref<32128x768xf32, #tpu.memory_space<hbm>> -> memref<32128x768xf32, #tpu.memory_space<hbm>>
    tpu.enqueue_indirect_dma source(%dma_start3A_421 : memref<32128x768xf32, #tpu.memory_space<hbm>>) target(%arg10 : memref<32x768xf32, #tpu.memory_space<vmem>>) offsets(%dma_start3A_418 : memref<32xi32, #tpu.memory_space<vmem>>) semaphore(%arg15 : memref<!tpu.dma_semaphore, #tpu.memory_space<semaphore_mem>>)
    %dma_wait3A_422 = arith.constant 17 : i32
    %dma_wait3A_423 = arith.constant 0 : i32
    %dma_wait3A_424 = tpu.memref_slice %arg5[%dma_wait3A_422, %dma_wait3A_423] : memref<50x32xi32, #tpu.memory_space<vmem>> -> memref<1x32xi32, #tpu.memory_space<vmem>>
    %dma_wait3A_425 = tpu.memref_squeeze %dma_wait3A_424 : memref<1x32xi32, #tpu.memory_space<vmem>> -> memref<32xi32, #tpu.memory_space<vmem>>
    %dma_wait3A_426 = arith.constant 0 : i32
    %dma_wait3A_427 = arith.constant 0 : i32
    %dma_wait3A_428 = tpu.memref_slice %arg3[%dma_wait3A_426, %dma_wait3A_427] : memref<32128x768xf32, #tpu.memory_space<hbm>> -> memref<32128x768xf32, #tpu.memory_space<hbm>>
    tpu.wait_indirect_dma semaphore(%arg13 : memref<!tpu.dma_semaphore, #tpu.memory_space<semaphore_mem>>) src(%dma_wait3A_428 : memref<32128x768xf32, #tpu.memory_space<hbm>>) dst(%arg8 : memref<32x768xf32, #tpu.memory_space<vmem>>)
    %add3A_429 = arith.constant 544 : i32
    %add3A_430 = arith.addi %mul3A_2, %add3A_429 : i32
    %dma_start3A_431 = arith.constant 0 : i32
    %dma_start3A_432 = tpu.memref_slice %arg4[%add3A_430, %dma_start3A_431] : memref<51200x768xf32, #tpu.memory_space<hbm>> -> memref<32x768xf32, #tpu.memory_space<hbm>>
    %dma_start3A_433 = arith.constant 0 : i32
    %dma_start3A_434 = tpu.memref_slice %arg4[%add3A_430, %dma_start3A_433] : memref<51200x768xf32, #tpu.memory_space<hbm>> -> memref<32x768xf32, #tpu.memory_space<hbm>>
    tpu.enqueue_dma source(%arg8 : memref<32x768xf32, #tpu.memory_space<vmem>>) target(%dma_start3A_434 : memref<32x768xf32, #tpu.memory_space<hbm>>) target_semaphore(%arg18 : memref<!tpu.dma_semaphore, #tpu.memory_space<semaphore_mem>>)
    %dma_wait3A_435 = arith.constant 0 : i32
    %dma_wait3A_436 = tpu.memref_slice %arg4[%add3A_382, %dma_wait3A_435] : memref<51200x768xf32, #tpu.memory_space<hbm>> -> memref<32x768xf32, #tpu.memory_space<hbm>>
    %dma_wait3A_437 = arith.constant 0 : i32
    %dma_wait3A_438 = tpu.memref_slice %arg4[%add3A_382, %dma_wait3A_437] : memref<51200x768xf32, #tpu.memory_space<hbm>> -> memref<32x768xf32, #tpu.memory_space<hbm>>
    tpu.wait_dma2 semaphore(%arg16 : memref<!tpu.dma_semaphore, #tpu.memory_space<semaphore_mem>>) src(%arg6 : memref<32x768xf32, #tpu.memory_space<vmem>>) dst(%dma_wait3A_438 : memref<32x768xf32, #tpu.memory_space<hbm>>)
    %dma_start3A_439 = arith.constant 20 : i32
    %dma_start3A_440 = arith.constant 0 : i32
    %dma_start3A_441 = tpu.memref_slice %arg5[%dma_start3A_439, %dma_start3A_440] : memref<50x32xi32, #tpu.memory_space<vmem>> -> memref<1x32xi32, #tpu.memory_space<vmem>>
    %dma_start3A_442 = tpu.memref_squeeze %dma_start3A_441 : memref<1x32xi32, #tpu.memory_space<vmem>> -> memref<32xi32, #tpu.memory_space<vmem>>
    %dma_start3A_443 = arith.constant 0 : i32
    %dma_start3A_444 = arith.constant 0 : i32
    %dma_start3A_445 = tpu.memref_slice %arg3[%dma_start3A_443, %dma_start3A_444] : memref<32128x768xf32, #tpu.memory_space<hbm>> -> memref<32128x768xf32, #tpu.memory_space<hbm>>
    tpu.enqueue_indirect_dma source(%dma_start3A_445 : memref<32128x768xf32, #tpu.memory_space<hbm>>) target(%arg6 : memref<32x768xf32, #tpu.memory_space<vmem>>) offsets(%dma_start3A_442 : memref<32xi32, #tpu.memory_space<vmem>>) semaphore(%arg11 : memref<!tpu.dma_semaphore, #tpu.memory_space<semaphore_mem>>)
    %dma_wait3A_446 = arith.constant 18 : i32
    %dma_wait3A_447 = arith.constant 0 : i32
    %dma_wait3A_448 = tpu.memref_slice %arg5[%dma_wait3A_446, %dma_wait3A_447] : memref<50x32xi32, #tpu.memory_space<vmem>> -> memref<1x32xi32, #tpu.memory_space<vmem>>
    %dma_wait3A_449 = tpu.memref_squeeze %dma_wait3A_448 : memref<1x32xi32, #tpu.memory_space<vmem>> -> memref<32xi32, #tpu.memory_space<vmem>>
    %dma_wait3A_450 = arith.constant 0 : i32
    %dma_wait3A_451 = arith.constant 0 : i32
    %dma_wait3A_452 = tpu.memref_slice %arg3[%dma_wait3A_450, %dma_wait3A_451] : memref<32128x768xf32, #tpu.memory_space<hbm>> -> memref<32128x768xf32, #tpu.memory_space<hbm>>
    tpu.wait_indirect_dma semaphore(%arg14 : memref<!tpu.dma_semaphore, #tpu.memory_space<semaphore_mem>>) src(%dma_wait3A_452 : memref<32128x768xf32, #tpu.memory_space<hbm>>) dst(%arg9 : memref<32x768xf32, #tpu.memory_space<vmem>>)
    %add3A_453 = arith.constant 576 : i32
    %add3A_454 = arith.addi %mul3A_2, %add3A_453 : i32
    %dma_start3A_455 = arith.constant 0 : i32
    %dma_start3A_456 = tpu.memref_slice %arg4[%add3A_454, %dma_start3A_455] : memref<51200x768xf32, #tpu.memory_space<hbm>> -> memref<32x768xf32, #tpu.memory_space<hbm>>
    %dma_start3A_457 = arith.constant 0 : i32
    %dma_start3A_458 = tpu.memref_slice %arg4[%add3A_454, %dma_start3A_457] : memref<51200x768xf32, #tpu.memory_space<hbm>> -> memref<32x768xf32, #tpu.memory_space<hbm>>
    tpu.enqueue_dma source(%arg9 : memref<32x768xf32, #tpu.memory_space<vmem>>) target(%dma_start3A_458 : memref<32x768xf32, #tpu.memory_space<hbm>>) target_semaphore(%arg19 : memref<!tpu.dma_semaphore, #tpu.memory_space<semaphore_mem>>)
    %dma_wait3A_459 = arith.constant 0 : i32
    %dma_wait3A_460 = tpu.memref_slice %arg4[%add3A_406, %dma_wait3A_459] : memref<51200x768xf32, #tpu.memory_space<hbm>> -> memref<32x768xf32, #tpu.memory_space<hbm>>
    %dma_wait3A_461 = arith.constant 0 : i32
    %dma_wait3A_462 = tpu.memref_slice %arg4[%add3A_406, %dma_wait3A_461] : memref<51200x768xf32, #tpu.memory_space<hbm>> -> memref<32x768xf32, #tpu.memory_space<hbm>>
    tpu.wait_dma2 semaphore(%arg17 : memref<!tpu.dma_semaphore, #tpu.memory_space<semaphore_mem>>) src(%arg7 : memref<32x768xf32, #tpu.memory_space<vmem>>) dst(%dma_wait3A_462 : memref<32x768xf32, #tpu.memory_space<hbm>>)
    %dma_start3A_463 = arith.constant 21 : i32
    %dma_start3A_464 = arith.constant 0 : i32
    %dma_start3A_465 = tpu.memref_slice %arg5[%dma_start3A_463, %dma_start3A_464] : memref<50x32xi32, #tpu.memory_space<vmem>> -> memref<1x32xi32, #tpu.memory_space<vmem>>
    %dma_start3A_466 = tpu.memref_squeeze %dma_start3A_465 : memref<1x32xi32, #tpu.memory_space<vmem>> -> memref<32xi32, #tpu.memory_space<vmem>>
    %dma_start3A_467 = arith.constant 0 : i32
    %dma_start3A_468 = arith.constant 0 : i32
    %dma_start3A_469 = tpu.memref_slice %arg3[%dma_start3A_467, %dma_start3A_468] : memref<32128x768xf32, #tpu.memory_space<hbm>> -> memref<32128x768xf32, #tpu.memory_space<hbm>>
    tpu.enqueue_indirect_dma source(%dma_start3A_469 : memref<32128x768xf32, #tpu.memory_space<hbm>>) target(%arg7 : memref<32x768xf32, #tpu.memory_space<vmem>>) offsets(%dma_start3A_466 : memref<32xi32, #tpu.memory_space<vmem>>) semaphore(%arg12 : memref<!tpu.dma_semaphore, #tpu.memory_space<semaphore_mem>>)
    %dma_wait3A_470 = arith.constant 19 : i32
    %dma_wait3A_471 = arith.constant 0 : i32
    %dma_wait3A_472 = tpu.memref_slice %arg5[%dma_wait3A_470, %dma_wait3A_471] : memref<50x32xi32, #tpu.memory_space<vmem>> -> memref<1x32xi32, #tpu.memory_space<vmem>>
    %dma_wait3A_473 = tpu.memref_squeeze %dma_wait3A_472 : memref<1x32xi32, #tpu.memory_space<vmem>> -> memref<32xi32, #tpu.memory_space<vmem>>
    %dma_wait3A_474 = arith.constant 0 : i32
    %dma_wait3A_475 = arith.constant 0 : i32
    %dma_wait3A_476 = tpu.memref_slice %arg3[%dma_wait3A_474, %dma_wait3A_475] : memref<32128x768xf32, #tpu.memory_space<hbm>> -> memref<32128x768xf32, #tpu.memory_space<hbm>>
    tpu.wait_indirect_dma semaphore(%arg15 : memref<!tpu.dma_semaphore, #tpu.memory_space<semaphore_mem>>) src(%dma_wait3A_476 : memref<32128x768xf32, #tpu.memory_space<hbm>>) dst(%arg10 : memref<32x768xf32, #tpu.memory_space<vmem>>)
    %add3A_477 = arith.constant 608 : i32
    %add3A_478 = arith.addi %mul3A_2, %add3A_477 : i32
    %dma_start3A_479 = arith.constant 0 : i32
    %dma_start3A_480 = tpu.memref_slice %arg4[%add3A_478, %dma_start3A_479] : memref<51200x768xf32, #tpu.memory_space<hbm>> -> memref<32x768xf32, #tpu.memory_space<hbm>>
    %dma_start3A_481 = arith.constant 0 : i32
    %dma_start3A_482 = tpu.memref_slice %arg4[%add3A_478, %dma_start3A_481] : memref<51200x768xf32, #tpu.memory_space<hbm>> -> memref<32x768xf32, #tpu.memory_space<hbm>>
    tpu.enqueue_dma source(%arg10 : memref<32x768xf32, #tpu.memory_space<vmem>>) target(%dma_start3A_482 : memref<32x768xf32, #tpu.memory_space<hbm>>) target_semaphore(%arg20 : memref<!tpu.dma_semaphore, #tpu.memory_space<semaphore_mem>>)
    %dma_wait3A_483 = arith.constant 0 : i32
    %dma_wait3A_484 = tpu.memref_slice %arg4[%add3A_430, %dma_wait3A_483] : memref<51200x768xf32, #tpu.memory_space<hbm>> -> memref<32x768xf32, #tpu.memory_space<hbm>>
    %dma_wait3A_485 = arith.constant 0 : i32
    %dma_wait3A_486 = tpu.memref_slice %arg4[%add3A_430, %dma_wait3A_485] : memref<51200x768xf32, #tpu.memory_space<hbm>> -> memref<32x768xf32, #tpu.memory_space<hbm>>
    tpu.wait_dma2 semaphore(%arg18 : memref<!tpu.dma_semaphore, #tpu.memory_space<semaphore_mem>>) src(%arg8 : memref<32x768xf32, #tpu.memory_space<vmem>>) dst(%dma_wait3A_486 : memref<32x768xf32, #tpu.memory_space<hbm>>)
    %dma_start3A_487 = arith.constant 22 : i32
    %dma_start3A_488 = arith.constant 0 : i32
    %dma_start3A_489 = tpu.memref_slice %arg5[%dma_start3A_487, %dma_start3A_488] : memref<50x32xi32, #tpu.memory_space<vmem>> -> memref<1x32xi32, #tpu.memory_space<vmem>>
    %dma_start3A_490 = tpu.memref_squeeze %dma_start3A_489 : memref<1x32xi32, #tpu.memory_space<vmem>> -> memref<32xi32, #tpu.memory_space<vmem>>
    %dma_start3A_491 = arith.constant 0 : i32
    %dma_start3A_492 = arith.constant 0 : i32
    %dma_start3A_493 = tpu.memref_slice %arg3[%dma_start3A_491, %dma_start3A_492] : memref<32128x768xf32, #tpu.memory_space<hbm>> -> memref<32128x768xf32, #tpu.memory_space<hbm>>
    tpu.enqueue_indirect_dma source(%dma_start3A_493 : memref<32128x768xf32, #tpu.memory_space<hbm>>) target(%arg8 : memref<32x768xf32, #tpu.memory_space<vmem>>) offsets(%dma_start3A_490 : memref<32xi32, #tpu.memory_space<vmem>>) semaphore(%arg13 : memref<!tpu.dma_semaphore, #tpu.memory_space<semaphore_mem>>)
    %dma_wait3A_494 = arith.constant 20 : i32
    %dma_wait3A_495 = arith.constant 0 : i32
    %dma_wait3A_496 = tpu.memref_slice %arg5[%dma_wait3A_494, %dma_wait3A_495] : memref<50x32xi32, #tpu.memory_space<vmem>> -> memref<1x32xi32, #tpu.memory_space<vmem>>
    %dma_wait3A_497 = tpu.memref_squeeze %dma_wait3A_496 : memref<1x32xi32, #tpu.memory_space<vmem>> -> memref<32xi32, #tpu.memory_space<vmem>>
    %dma_wait3A_498 = arith.constant 0 : i32
    %dma_wait3A_499 = arith.constant 0 : i32
    %dma_wait3A_500 = tpu.memref_slice %arg3[%dma_wait3A_498, %dma_wait3A_499] : memref<32128x768xf32, #tpu.memory_space<hbm>> -> memref<32128x768xf32, #tpu.memory_space<hbm>>
    tpu.wait_indirect_dma semaphore(%arg11 : memref<!tpu.dma_semaphore, #tpu.memory_space<semaphore_mem>>) src(%dma_wait3A_500 : memref<32128x768xf32, #tpu.memory_space<hbm>>) dst(%arg6 : memref<32x768xf32, #tpu.memory_space<vmem>>)
    %add3A_501 = arith.constant 640 : i32
    %add3A_502 = arith.addi %mul3A_2, %add3A_501 : i32
    %dma_start3A_503 = arith.constant 0 : i32
    %dma_start3A_504 = tpu.memref_slice %arg4[%add3A_502, %dma_start3A_503] : memref<51200x768xf32, #tpu.memory_space<hbm>> -> memref<32x768xf32, #tpu.memory_space<hbm>>
    %dma_start3A_505 = arith.constant 0 : i32
    %dma_start3A_506 = tpu.memref_slice %arg4[%add3A_502, %dma_start3A_505] : memref<51200x768xf32, #tpu.memory_space<hbm>> -> memref<32x768xf32, #tpu.memory_space<hbm>>
    tpu.enqueue_dma source(%arg6 : memref<32x768xf32, #tpu.memory_space<vmem>>) target(%dma_start3A_506 : memref<32x768xf32, #tpu.memory_space<hbm>>) target_semaphore(%arg16 : memref<!tpu.dma_semaphore, #tpu.memory_space<semaphore_mem>>)
    %dma_wait3A_507 = arith.constant 0 : i32
    %dma_wait3A_508 = tpu.memref_slice %arg4[%add3A_454, %dma_wait3A_507] : memref<51200x768xf32, #tpu.memory_space<hbm>> -> memref<32x768xf32, #tpu.memory_space<hbm>>
    %dma_wait3A_509 = arith.constant 0 : i32
    %dma_wait3A_510 = tpu.memref_slice %arg4[%add3A_454, %dma_wait3A_509] : memref<51200x768xf32, #tpu.memory_space<hbm>> -> memref<32x768xf32, #tpu.memory_space<hbm>>
    tpu.wait_dma2 semaphore(%arg19 : memref<!tpu.dma_semaphore, #tpu.memory_space<semaphore_mem>>) src(%arg9 : memref<32x768xf32, #tpu.memory_space<vmem>>) dst(%dma_wait3A_510 : memref<32x768xf32, #tpu.memory_space<hbm>>)
    %dma_start3A_511 = arith.constant 23 : i32
    %dma_start3A_512 = arith.constant 0 : i32
    %dma_start3A_513 = tpu.memref_slice %arg5[%dma_start3A_511, %dma_start3A_512] : memref<50x32xi32, #tpu.memory_space<vmem>> -> memref<1x32xi32, #tpu.memory_space<vmem>>
    %dma_start3A_514 = tpu.memref_squeeze %dma_start3A_513 : memref<1x32xi32, #tpu.memory_space<vmem>> -> memref<32xi32, #tpu.memory_space<vmem>>
    %dma_start3A_515 = arith.constant 0 : i32
    %dma_start3A_516 = arith.constant 0 : i32
    %dma_start3A_517 = tpu.memref_slice %arg3[%dma_start3A_515, %dma_start3A_516] : memref<32128x768xf32, #tpu.memory_space<hbm>> -> memref<32128x768xf32, #tpu.memory_space<hbm>>
    tpu.enqueue_indirect_dma source(%dma_start3A_517 : memref<32128x768xf32, #tpu.memory_space<hbm>>) target(%arg9 : memref<32x768xf32, #tpu.memory_space<vmem>>) offsets(%dma_start3A_514 : memref<32xi32, #tpu.memory_space<vmem>>) semaphore(%arg14 : memref<!tpu.dma_semaphore, #tpu.memory_space<semaphore_mem>>)
    %dma_wait3A_518 = arith.constant 21 : i32
    %dma_wait3A_519 = arith.constant 0 : i32
    %dma_wait3A_520 = tpu.memref_slice %arg5[%dma_wait3A_518, %dma_wait3A_519] : memref<50x32xi32, #tpu.memory_space<vmem>> -> memref<1x32xi32, #tpu.memory_space<vmem>>
    %dma_wait3A_521 = tpu.memref_squeeze %dma_wait3A_520 : memref<1x32xi32, #tpu.memory_space<vmem>> -> memref<32xi32, #tpu.memory_space<vmem>>
    %dma_wait3A_522 = arith.constant 0 : i32
    %dma_wait3A_523 = arith.constant 0 : i32
    %dma_wait3A_524 = tpu.memref_slice %arg3[%dma_wait3A_522, %dma_wait3A_523] : memref<32128x768xf32, #tpu.memory_space<hbm>> -> memref<32128x768xf32, #tpu.memory_space<hbm>>
    tpu.wait_indirect_dma semaphore(%arg12 : memref<!tpu.dma_semaphore, #tpu.memory_space<semaphore_mem>>) src(%dma_wait3A_524 : memref<32128x768xf32, #tpu.memory_space<hbm>>) dst(%arg7 : memref<32x768xf32, #tpu.memory_space<vmem>>)
    %add3A_525 = arith.constant 672 : i32
    %add3A_526 = arith.addi %mul3A_2, %add3A_525 : i32
    %dma_start3A_527 = arith.constant 0 : i32
    %dma_start3A_528 = tpu.memref_slice %arg4[%add3A_526, %dma_start3A_527] : memref<51200x768xf32, #tpu.memory_space<hbm>> -> memref<32x768xf32, #tpu.memory_space<hbm>>
    %dma_start3A_529 = arith.constant 0 : i32
    %dma_start3A_530 = tpu.memref_slice %arg4[%add3A_526, %dma_start3A_529] : memref<51200x768xf32, #tpu.memory_space<hbm>> -> memref<32x768xf32, #tpu.memory_space<hbm>>
    tpu.enqueue_dma source(%arg7 : memref<32x768xf32, #tpu.memory_space<vmem>>) target(%dma_start3A_530 : memref<32x768xf32, #tpu.memory_space<hbm>>) target_semaphore(%arg17 : memref<!tpu.dma_semaphore, #tpu.memory_space<semaphore_mem>>)
    %dma_wait3A_531 = arith.constant 0 : i32
    %dma_wait3A_532 = tpu.memref_slice %arg4[%add3A_478, %dma_wait3A_531] : memref<51200x768xf32, #tpu.memory_space<hbm>> -> memref<32x768xf32, #tpu.memory_space<hbm>>
    %dma_wait3A_533 = arith.constant 0 : i32
    %dma_wait3A_534 = tpu.memref_slice %arg4[%add3A_478, %dma_wait3A_533] : memref<51200x768xf32, #tpu.memory_space<hbm>> -> memref<32x768xf32, #tpu.memory_space<hbm>>
    tpu.wait_dma2 semaphore(%arg20 : memref<!tpu.dma_semaphore, #tpu.memory_space<semaphore_mem>>) src(%arg10 : memref<32x768xf32, #tpu.memory_space<vmem>>) dst(%dma_wait3A_534 : memref<32x768xf32, #tpu.memory_space<hbm>>)
    %dma_start3A_535 = arith.constant 24 : i32
    %dma_start3A_536 = arith.constant 0 : i32
    %dma_start3A_537 = tpu.memref_slice %arg5[%dma_start3A_535, %dma_start3A_536] : memref<50x32xi32, #tpu.memory_space<vmem>> -> memref<1x32xi32, #tpu.memory_space<vmem>>
    %dma_start3A_538 = tpu.memref_squeeze %dma_start3A_537 : memref<1x32xi32, #tpu.memory_space<vmem>> -> memref<32xi32, #tpu.memory_space<vmem>>
    %dma_start3A_539 = arith.constant 0 : i32
    %dma_start3A_540 = arith.constant 0 : i32
    %dma_start3A_541 = tpu.memref_slice %arg3[%dma_start3A_539, %dma_start3A_540] : memref<32128x768xf32, #tpu.memory_space<hbm>> -> memref<32128x768xf32, #tpu.memory_space<hbm>>
    tpu.enqueue_indirect_dma source(%dma_start3A_541 : memref<32128x768xf32, #tpu.memory_space<hbm>>) target(%arg10 : memref<32x768xf32, #tpu.memory_space<vmem>>) offsets(%dma_start3A_538 : memref<32xi32, #tpu.memory_space<vmem>>) semaphore(%arg15 : memref<!tpu.dma_semaphore, #tpu.memory_space<semaphore_mem>>)
    %dma_wait3A_542 = arith.constant 22 : i32
    %dma_wait3A_543 = arith.constant 0 : i32
    %dma_wait3A_544 = tpu.memref_slice %arg5[%dma_wait3A_542, %dma_wait3A_543] : memref<50x32xi32, #tpu.memory_space<vmem>> -> memref<1x32xi32, #tpu.memory_space<vmem>>
    %dma_wait3A_545 = tpu.memref_squeeze %dma_wait3A_544 : memref<1x32xi32, #tpu.memory_space<vmem>> -> memref<32xi32, #tpu.memory_space<vmem>>
    %dma_wait3A_546 = arith.constant 0 : i32
    %dma_wait3A_547 = arith.constant 0 : i32
    %dma_wait3A_548 = tpu.memref_slice %arg3[%dma_wait3A_546, %dma_wait3A_547] : memref<32128x768xf32, #tpu.memory_space<hbm>> -> memref<32128x768xf32, #tpu.memory_space<hbm>>
    tpu.wait_indirect_dma semaphore(%arg13 : memref<!tpu.dma_semaphore, #tpu.memory_space<semaphore_mem>>) src(%dma_wait3A_548 : memref<32128x768xf32, #tpu.memory_space<hbm>>) dst(%arg8 : memref<32x768xf32, #tpu.memory_space<vmem>>)
    %add3A_549 = arith.constant 704 : i32
    %add3A_550 = arith.addi %mul3A_2, %add3A_549 : i32
    %dma_start3A_551 = arith.constant 0 : i32
    %dma_start3A_552 = tpu.memref_slice %arg4[%add3A_550, %dma_start3A_551] : memref<51200x768xf32, #tpu.memory_space<hbm>> -> memref<32x768xf32, #tpu.memory_space<hbm>>
    %dma_start3A_553 = arith.constant 0 : i32
    %dma_start3A_554 = tpu.memref_slice %arg4[%add3A_550, %dma_start3A_553] : memref<51200x768xf32, #tpu.memory_space<hbm>> -> memref<32x768xf32, #tpu.memory_space<hbm>>
    tpu.enqueue_dma source(%arg8 : memref<32x768xf32, #tpu.memory_space<vmem>>) target(%dma_start3A_554 : memref<32x768xf32, #tpu.memory_space<hbm>>) target_semaphore(%arg18 : memref<!tpu.dma_semaphore, #tpu.memory_space<semaphore_mem>>)
    %dma_wait3A_555 = arith.constant 0 : i32
    %dma_wait3A_556 = tpu.memref_slice %arg4[%add3A_502, %dma_wait3A_555] : memref<51200x768xf32, #tpu.memory_space<hbm>> -> memref<32x768xf32, #tpu.memory_space<hbm>>
    %dma_wait3A_557 = arith.constant 0 : i32
    %dma_wait3A_558 = tpu.memref_slice %arg4[%add3A_502, %dma_wait3A_557] : memref<51200x768xf32, #tpu.memory_space<hbm>> -> memref<32x768xf32, #tpu.memory_space<hbm>>
    tpu.wait_dma2 semaphore(%arg16 : memref<!tpu.dma_semaphore, #tpu.memory_space<semaphore_mem>>) src(%arg6 : memref<32x768xf32, #tpu.memory_space<vmem>>) dst(%dma_wait3A_558 : memref<32x768xf32, #tpu.memory_space<hbm>>)
    %dma_start3A_559 = arith.constant 25 : i32
    %dma_start3A_560 = arith.constant 0 : i32
    %dma_start3A_561 = tpu.memref_slice %arg5[%dma_start3A_559, %dma_start3A_560] : memref<50x32xi32, #tpu.memory_space<vmem>> -> memref<1x32xi32, #tpu.memory_space<vmem>>
    %dma_start3A_562 = tpu.memref_squeeze %dma_start3A_561 : memref<1x32xi32, #tpu.memory_space<vmem>> -> memref<32xi32, #tpu.memory_space<vmem>>
    %dma_start3A_563 = arith.constant 0 : i32
    %dma_start3A_564 = arith.constant 0 : i32
    %dma_start3A_565 = tpu.memref_slice %arg3[%dma_start3A_563, %dma_start3A_564] : memref<32128x768xf32, #tpu.memory_space<hbm>> -> memref<32128x768xf32, #tpu.memory_space<hbm>>
    tpu.enqueue_indirect_dma source(%dma_start3A_565 : memref<32128x768xf32, #tpu.memory_space<hbm>>) target(%arg6 : memref<32x768xf32, #tpu.memory_space<vmem>>) offsets(%dma_start3A_562 : memref<32xi32, #tpu.memory_space<vmem>>) semaphore(%arg11 : memref<!tpu.dma_semaphore, #tpu.memory_space<semaphore_mem>>)
    %dma_wait3A_566 = arith.constant 23 : i32
    %dma_wait3A_567 = arith.constant 0 : i32
    %dma_wait3A_568 = tpu.memref_slice %arg5[%dma_wait3A_566, %dma_wait3A_567] : memref<50x32xi32, #tpu.memory_space<vmem>> -> memref<1x32xi32, #tpu.memory_space<vmem>>
    %dma_wait3A_569 = tpu.memref_squeeze %dma_wait3A_568 : memref<1x32xi32, #tpu.memory_space<vmem>> -> memref<32xi32, #tpu.memory_space<vmem>>
    %dma_wait3A_570 = arith.constant 0 : i32
    %dma_wait3A_571 = arith.constant 0 : i32
    %dma_wait3A_572 = tpu.memref_slice %arg3[%dma_wait3A_570, %dma_wait3A_571] : memref<32128x768xf32, #tpu.memory_space<hbm>> -> memref<32128x768xf32, #tpu.memory_space<hbm>>
    tpu.wait_indirect_dma semaphore(%arg14 : memref<!tpu.dma_semaphore, #tpu.memory_space<semaphore_mem>>) src(%dma_wait3A_572 : memref<32128x768xf32, #tpu.memory_space<hbm>>) dst(%arg9 : memref<32x768xf32, #tpu.memory_space<vmem>>)
    %add3A_573 = arith.constant 736 : i32
    %add3A_574 = arith.addi %mul3A_2, %add3A_573 : i32
    %dma_start3A_575 = arith.constant 0 : i32
    %dma_start3A_576 = tpu.memref_slice %arg4[%add3A_574, %dma_start3A_575] : memref<51200x768xf32, #tpu.memory_space<hbm>> -> memref<32x768xf32, #tpu.memory_space<hbm>>
    %dma_start3A_577 = arith.constant 0 : i32
    %dma_start3A_578 = tpu.memref_slice %arg4[%add3A_574, %dma_start3A_577] : memref<51200x768xf32, #tpu.memory_space<hbm>> -> memref<32x768xf32, #tpu.memory_space<hbm>>
    tpu.enqueue_dma source(%arg9 : memref<32x768xf32, #tpu.memory_space<vmem>>) target(%dma_start3A_578 : memref<32x768xf32, #tpu.memory_space<hbm>>) target_semaphore(%arg19 : memref<!tpu.dma_semaphore, #tpu.memory_space<semaphore_mem>>)
    %dma_wait3A_579 = arith.constant 0 : i32
    %dma_wait3A_580 = tpu.memref_slice %arg4[%add3A_526, %dma_wait3A_579] : memref<51200x768xf32, #tpu.memory_space<hbm>> -> memref<32x768xf32, #tpu.memory_space<hbm>>
    %dma_wait3A_581 = arith.constant 0 : i32
    %dma_wait3A_582 = tpu.memref_slice %arg4[%add3A_526, %dma_wait3A_581] : memref<51200x768xf32, #tpu.memory_space<hbm>> -> memref<32x768xf32, #tpu.memory_space<hbm>>
    tpu.wait_dma2 semaphore(%arg17 : memref<!tpu.dma_semaphore, #tpu.memory_space<semaphore_mem>>) src(%arg7 : memref<32x768xf32, #tpu.memory_space<vmem>>) dst(%dma_wait3A_582 : memref<32x768xf32, #tpu.memory_space<hbm>>)
    %dma_start3A_583 = arith.constant 26 : i32
    %dma_start3A_584 = arith.constant 0 : i32
    %dma_start3A_585 = tpu.memref_slice %arg5[%dma_start3A_583, %dma_start3A_584] : memref<50x32xi32, #tpu.memory_space<vmem>> -> memref<1x32xi32, #tpu.memory_space<vmem>>
    %dma_start3A_586 = tpu.memref_squeeze %dma_start3A_585 : memref<1x32xi32, #tpu.memory_space<vmem>> -> memref<32xi32, #tpu.memory_space<vmem>>
    %dma_start3A_587 = arith.constant 0 : i32
    %dma_start3A_588 = arith.constant 0 : i32
    %dma_start3A_589 = tpu.memref_slice %arg3[%dma_start3A_587, %dma_start3A_588] : memref<32128x768xf32, #tpu.memory_space<hbm>> -> memref<32128x768xf32, #tpu.memory_space<hbm>>
    tpu.enqueue_indirect_dma source(%dma_start3A_589 : memref<32128x768xf32, #tpu.memory_space<hbm>>) target(%arg7 : memref<32x768xf32, #tpu.memory_space<vmem>>) offsets(%dma_start3A_586 : memref<32xi32, #tpu.memory_space<vmem>>) semaphore(%arg12 : memref<!tpu.dma_semaphore, #tpu.memory_space<semaphore_mem>>)
    %dma_wait3A_590 = arith.constant 24 : i32
    %dma_wait3A_591 = arith.constant 0 : i32
    %dma_wait3A_592 = tpu.memref_slice %arg5[%dma_wait3A_590, %dma_wait3A_591] : memref<50x32xi32, #tpu.memory_space<vmem>> -> memref<1x32xi32, #tpu.memory_space<vmem>>
    %dma_wait3A_593 = tpu.memref_squeeze %dma_wait3A_592 : memref<1x32xi32, #tpu.memory_space<vmem>> -> memref<32xi32, #tpu.memory_space<vmem>>
    %dma_wait3A_594 = arith.constant 0 : i32
    %dma_wait3A_595 = arith.constant 0 : i32
    %dma_wait3A_596 = tpu.memref_slice %arg3[%dma_wait3A_594, %dma_wait3A_595] : memref<32128x768xf32, #tpu.memory_space<hbm>> -> memref<32128x768xf32, #tpu.memory_space<hbm>>
    tpu.wait_indirect_dma semaphore(%arg15 : memref<!tpu.dma_semaphore, #tpu.memory_space<semaphore_mem>>) src(%dma_wait3A_596 : memref<32128x768xf32, #tpu.memory_space<hbm>>) dst(%arg10 : memref<32x768xf32, #tpu.memory_space<vmem>>)
    %add3A_597 = arith.constant 768 : i32
    %add3A_598 = arith.addi %mul3A_2, %add3A_597 : i32
    %dma_start3A_599 = arith.constant 0 : i32
    %dma_start3A_600 = tpu.memref_slice %arg4[%add3A_598, %dma_start3A_599] : memref<51200x768xf32, #tpu.memory_space<hbm>> -> memref<32x768xf32, #tpu.memory_space<hbm>>
    %dma_start3A_601 = arith.constant 0 : i32
    %dma_start3A_602 = tpu.memref_slice %arg4[%add3A_598, %dma_start3A_601] : memref<51200x768xf32, #tpu.memory_space<hbm>> -> memref<32x768xf32, #tpu.memory_space<hbm>>
    tpu.enqueue_dma source(%arg10 : memref<32x768xf32, #tpu.memory_space<vmem>>) target(%dma_start3A_602 : memref<32x768xf32, #tpu.memory_space<hbm>>) target_semaphore(%arg20 : memref<!tpu.dma_semaphore, #tpu.memory_space<semaphore_mem>>)
    %dma_wait3A_603 = arith.constant 0 : i32
    %dma_wait3A_604 = tpu.memref_slice %arg4[%add3A_550, %dma_wait3A_603] : memref<51200x768xf32, #tpu.memory_space<hbm>> -> memref<32x768xf32, #tpu.memory_space<hbm>>
    %dma_wait3A_605 = arith.constant 0 : i32
    %dma_wait3A_606 = tpu.memref_slice %arg4[%add3A_550, %dma_wait3A_605] : memref<51200x768xf32, #tpu.memory_space<hbm>> -> memref<32x768xf32, #tpu.memory_space<hbm>>
    tpu.wait_dma2 semaphore(%arg18 : memref<!tpu.dma_semaphore, #tpu.memory_space<semaphore_mem>>) src(%arg8 : memref<32x768xf32, #tpu.memory_space<vmem>>) dst(%dma_wait3A_606 : memref<32x768xf32, #tpu.memory_space<hbm>>)
    %dma_start3A_607 = arith.constant 27 : i32
    %dma_start3A_608 = arith.constant 0 : i32
    %dma_start3A_609 = tpu.memref_slice %arg5[%dma_start3A_607, %dma_start3A_608] : memref<50x32xi32, #tpu.memory_space<vmem>> -> memref<1x32xi32, #tpu.memory_space<vmem>>
    %dma_start3A_610 = tpu.memref_squeeze %dma_start3A_609 : memref<1x32xi32, #tpu.memory_space<vmem>> -> memref<32xi32, #tpu.memory_space<vmem>>
    %dma_start3A_611 = arith.constant 0 : i32
    %dma_start3A_612 = arith.constant 0 : i32
    %dma_start3A_613 = tpu.memref_slice %arg3[%dma_start3A_611, %dma_start3A_612] : memref<32128x768xf32, #tpu.memory_space<hbm>> -> memref<32128x768xf32, #tpu.memory_space<hbm>>
    tpu.enqueue_indirect_dma source(%dma_start3A_613 : memref<32128x768xf32, #tpu.memory_space<hbm>>) target(%arg8 : memref<32x768xf32, #tpu.memory_space<vmem>>) offsets(%dma_start3A_610 : memref<32xi32, #tpu.memory_space<vmem>>) semaphore(%arg13 : memref<!tpu.dma_semaphore, #tpu.memory_space<semaphore_mem>>)
    %dma_wait3A_614 = arith.constant 25 : i32
    %dma_wait3A_615 = arith.constant 0 : i32
    %dma_wait3A_616 = tpu.memref_slice %arg5[%dma_wait3A_614, %dma_wait3A_615] : memref<50x32xi32, #tpu.memory_space<vmem>> -> memref<1x32xi32, #tpu.memory_space<vmem>>
    %dma_wait3A_617 = tpu.memref_squeeze %dma_wait3A_616 : memref<1x32xi32, #tpu.memory_space<vmem>> -> memref<32xi32, #tpu.memory_space<vmem>>
    %dma_wait3A_618 = arith.constant 0 : i32
    %dma_wait3A_619 = arith.constant 0 : i32
    %dma_wait3A_620 = tpu.memref_slice %arg3[%dma_wait3A_618, %dma_wait3A_619] : memref<32128x768xf32, #tpu.memory_space<hbm>> -> memref<32128x768xf32, #tpu.memory_space<hbm>>
    tpu.wait_indirect_dma semaphore(%arg11 : memref<!tpu.dma_semaphore, #tpu.memory_space<semaphore_mem>>) src(%dma_wait3A_620 : memref<32128x768xf32, #tpu.memory_space<hbm>>) dst(%arg6 : memref<32x768xf32, #tpu.memory_space<vmem>>)
    %add3A_621 = arith.constant 800 : i32
    %add3A_622 = arith.addi %mul3A_2, %add3A_621 : i32
    %dma_start3A_623 = arith.constant 0 : i32
    %dma_start3A_624 = tpu.memref_slice %arg4[%add3A_622, %dma_start3A_623] : memref<51200x768xf32, #tpu.memory_space<hbm>> -> memref<32x768xf32, #tpu.memory_space<hbm>>
    %dma_start3A_625 = arith.constant 0 : i32
    %dma_start3A_626 = tpu.memref_slice %arg4[%add3A_622, %dma_start3A_625] : memref<51200x768xf32, #tpu.memory_space<hbm>> -> memref<32x768xf32, #tpu.memory_space<hbm>>
    tpu.enqueue_dma source(%arg6 : memref<32x768xf32, #tpu.memory_space<vmem>>) target(%dma_start3A_626 : memref<32x768xf32, #tpu.memory_space<hbm>>) target_semaphore(%arg16 : memref<!tpu.dma_semaphore, #tpu.memory_space<semaphore_mem>>)
    %dma_wait3A_627 = arith.constant 0 : i32
    %dma_wait3A_628 = tpu.memref_slice %arg4[%add3A_574, %dma_wait3A_627] : memref<51200x768xf32, #tpu.memory_space<hbm>> -> memref<32x768xf32, #tpu.memory_space<hbm>>
    %dma_wait3A_629 = arith.constant 0 : i32
    %dma_wait3A_630 = tpu.memref_slice %arg4[%add3A_574, %dma_wait3A_629] : memref<51200x768xf32, #tpu.memory_space<hbm>> -> memref<32x768xf32, #tpu.memory_space<hbm>>
    tpu.wait_dma2 semaphore(%arg19 : memref<!tpu.dma_semaphore, #tpu.memory_space<semaphore_mem>>) src(%arg9 : memref<32x768xf32, #tpu.memory_space<vmem>>) dst(%dma_wait3A_630 : memref<32x768xf32, #tpu.memory_space<hbm>>)
    %dma_start3A_631 = arith.constant 28 : i32
    %dma_start3A_632 = arith.constant 0 : i32
    %dma_start3A_633 = tpu.memref_slice %arg5[%dma_start3A_631, %dma_start3A_632] : memref<50x32xi32, #tpu.memory_space<vmem>> -> memref<1x32xi32, #tpu.memory_space<vmem>>
    %dma_start3A_634 = tpu.memref_squeeze %dma_start3A_633 : memref<1x32xi32, #tpu.memory_space<vmem>> -> memref<32xi32, #tpu.memory_space<vmem>>
    %dma_start3A_635 = arith.constant 0 : i32
    %dma_start3A_636 = arith.constant 0 : i32
    %dma_start3A_637 = tpu.memref_slice %arg3[%dma_start3A_635, %dma_start3A_636] : memref<32128x768xf32, #tpu.memory_space<hbm>> -> memref<32128x768xf32, #tpu.memory_space<hbm>>
    tpu.enqueue_indirect_dma source(%dma_start3A_637 : memref<32128x768xf32, #tpu.memory_space<hbm>>) target(%arg9 : memref<32x768xf32, #tpu.memory_space<vmem>>) offsets(%dma_start3A_634 : memref<32xi32, #tpu.memory_space<vmem>>) semaphore(%arg14 : memref<!tpu.dma_semaphore, #tpu.memory_space<semaphore_mem>>)
    %dma_wait3A_638 = arith.constant 26 : i32
    %dma_wait3A_639 = arith.constant 0 : i32
    %dma_wait3A_640 = tpu.memref_slice %arg5[%dma_wait3A_638, %dma_wait3A_639] : memref<50x32xi32, #tpu.memory_space<vmem>> -> memref<1x32xi32, #tpu.memory_space<vmem>>
    %dma_wait3A_641 = tpu.memref_squeeze %dma_wait3A_640 : memref<1x32xi32, #tpu.memory_space<vmem>> -> memref<32xi32, #tpu.memory_space<vmem>>
    %dma_wait3A_642 = arith.constant 0 : i32
    %dma_wait3A_643 = arith.constant 0 : i32
    %dma_wait3A_644 = tpu.memref_slice %arg3[%dma_wait3A_642, %dma_wait3A_643] : memref<32128x768xf32, #tpu.memory_space<hbm>> -> memref<32128x768xf32, #tpu.memory_space<hbm>>
    tpu.wait_indirect_dma semaphore(%arg12 : memref<!tpu.dma_semaphore, #tpu.memory_space<semaphore_mem>>) src(%dma_wait3A_644 : memref<32128x768xf32, #tpu.memory_space<hbm>>) dst(%arg7 : memref<32x768xf32, #tpu.memory_space<vmem>>)
    %add3A_645 = arith.constant 832 : i32
    %add3A_646 = arith.addi %mul3A_2, %add3A_645 : i32
    %dma_start3A_647 = arith.constant 0 : i32
    %dma_start3A_648 = tpu.memref_slice %arg4[%add3A_646, %dma_start3A_647] : memref<51200x768xf32, #tpu.memory_space<hbm>> -> memref<32x768xf32, #tpu.memory_space<hbm>>
    %dma_start3A_649 = arith.constant 0 : i32
    %dma_start3A_650 = tpu.memref_slice %arg4[%add3A_646, %dma_start3A_649] : memref<51200x768xf32, #tpu.memory_space<hbm>> -> memref<32x768xf32, #tpu.memory_space<hbm>>
    tpu.enqueue_dma source(%arg7 : memref<32x768xf32, #tpu.memory_space<vmem>>) target(%dma_start3A_650 : memref<32x768xf32, #tpu.memory_space<hbm>>) target_semaphore(%arg17 : memref<!tpu.dma_semaphore, #tpu.memory_space<semaphore_mem>>)
    %dma_wait3A_651 = arith.constant 0 : i32
    %dma_wait3A_652 = tpu.memref_slice %arg4[%add3A_598, %dma_wait3A_651] : memref<51200x768xf32, #tpu.memory_space<hbm>> -> memref<32x768xf32, #tpu.memory_space<hbm>>
    %dma_wait3A_653 = arith.constant 0 : i32
    %dma_wait3A_654 = tpu.memref_slice %arg4[%add3A_598, %dma_wait3A_653] : memref<51200x768xf32, #tpu.memory_space<hbm>> -> memref<32x768xf32, #tpu.memory_space<hbm>>
    tpu.wait_dma2 semaphore(%arg20 : memref<!tpu.dma_semaphore, #tpu.memory_space<semaphore_mem>>) src(%arg10 : memref<32x768xf32, #tpu.memory_space<vmem>>) dst(%dma_wait3A_654 : memref<32x768xf32, #tpu.memory_space<hbm>>)
    %dma_start3A_655 = arith.constant 29 : i32
    %dma_start3A_656 = arith.constant 0 : i32
    %dma_start3A_657 = tpu.memref_slice %arg5[%dma_start3A_655, %dma_start3A_656] : memref<50x32xi32, #tpu.memory_space<vmem>> -> memref<1x32xi32, #tpu.memory_space<vmem>>
    %dma_start3A_658 = tpu.memref_squeeze %dma_start3A_657 : memref<1x32xi32, #tpu.memory_space<vmem>> -> memref<32xi32, #tpu.memory_space<vmem>>
    %dma_start3A_659 = arith.constant 0 : i32
    %dma_start3A_660 = arith.constant 0 : i32
    %dma_start3A_661 = tpu.memref_slice %arg3[%dma_start3A_659, %dma_start3A_660] : memref<32128x768xf32, #tpu.memory_space<hbm>> -> memref<32128x768xf32, #tpu.memory_space<hbm>>
    tpu.enqueue_indirect_dma source(%dma_start3A_661 : memref<32128x768xf32, #tpu.memory_space<hbm>>) target(%arg10 : memref<32x768xf32, #tpu.memory_space<vmem>>) offsets(%dma_start3A_658 : memref<32xi32, #tpu.memory_space<vmem>>) semaphore(%arg15 : memref<!tpu.dma_semaphore, #tpu.memory_space<semaphore_mem>>)
    %dma_wait3A_662 = arith.constant 27 : i32
    %dma_wait3A_663 = arith.constant 0 : i32
    %dma_wait3A_664 = tpu.memref_slice %arg5[%dma_wait3A_662, %dma_wait3A_663] : memref<50x32xi32, #tpu.memory_space<vmem>> -> memref<1x32xi32, #tpu.memory_space<vmem>>
    %dma_wait3A_665 = tpu.memref_squeeze %dma_wait3A_664 : memref<1x32xi32, #tpu.memory_space<vmem>> -> memref<32xi32, #tpu.memory_space<vmem>>
    %dma_wait3A_666 = arith.constant 0 : i32
    %dma_wait3A_667 = arith.constant 0 : i32
    %dma_wait3A_668 = tpu.memref_slice %arg3[%dma_wait3A_666, %dma_wait3A_667] : memref<32128x768xf32, #tpu.memory_space<hbm>> -> memref<32128x768xf32, #tpu.memory_space<hbm>>
    tpu.wait_indirect_dma semaphore(%arg13 : memref<!tpu.dma_semaphore, #tpu.memory_space<semaphore_mem>>) src(%dma_wait3A_668 : memref<32128x768xf32, #tpu.memory_space<hbm>>) dst(%arg8 : memref<32x768xf32, #tpu.memory_space<vmem>>)
    %add3A_669 = arith.constant 864 : i32
    %add3A_670 = arith.addi %mul3A_2, %add3A_669 : i32
    %dma_start3A_671 = arith.constant 0 : i32
    %dma_start3A_672 = tpu.memref_slice %arg4[%add3A_670, %dma_start3A_671] : memref<51200x768xf32, #tpu.memory_space<hbm>> -> memref<32x768xf32, #tpu.memory_space<hbm>>
    %dma_start3A_673 = arith.constant 0 : i32
    %dma_start3A_674 = tpu.memref_slice %arg4[%add3A_670, %dma_start3A_673] : memref<51200x768xf32, #tpu.memory_space<hbm>> -> memref<32x768xf32, #tpu.memory_space<hbm>>
    tpu.enqueue_dma source(%arg8 : memref<32x768xf32, #tpu.memory_space<vmem>>) target(%dma_start3A_674 : memref<32x768xf32, #tpu.memory_space<hbm>>) target_semaphore(%arg18 : memref<!tpu.dma_semaphore, #tpu.memory_space<semaphore_mem>>)
    %dma_wait3A_675 = arith.constant 0 : i32
    %dma_wait3A_676 = tpu.memref_slice %arg4[%add3A_622, %dma_wait3A_675] : memref<51200x768xf32, #tpu.memory_space<hbm>> -> memref<32x768xf32, #tpu.memory_space<hbm>>
    %dma_wait3A_677 = arith.constant 0 : i32
    %dma_wait3A_678 = tpu.memref_slice %arg4[%add3A_622, %dma_wait3A_677] : memref<51200x768xf32, #tpu.memory_space<hbm>> -> memref<32x768xf32, #tpu.memory_space<hbm>>
    tpu.wait_dma2 semaphore(%arg16 : memref<!tpu.dma_semaphore, #tpu.memory_space<semaphore_mem>>) src(%arg6 : memref<32x768xf32, #tpu.memory_space<vmem>>) dst(%dma_wait3A_678 : memref<32x768xf32, #tpu.memory_space<hbm>>)
    %dma_start3A_679 = arith.constant 30 : i32
    %dma_start3A_680 = arith.constant 0 : i32
    %dma_start3A_681 = tpu.memref_slice %arg5[%dma_start3A_679, %dma_start3A_680] : memref<50x32xi32, #tpu.memory_space<vmem>> -> memref<1x32xi32, #tpu.memory_space<vmem>>
    %dma_start3A_682 = tpu.memref_squeeze %dma_start3A_681 : memref<1x32xi32, #tpu.memory_space<vmem>> -> memref<32xi32, #tpu.memory_space<vmem>>
    %dma_start3A_683 = arith.constant 0 : i32
    %dma_start3A_684 = arith.constant 0 : i32
    %dma_start3A_685 = tpu.memref_slice %arg3[%dma_start3A_683, %dma_start3A_684] : memref<32128x768xf32, #tpu.memory_space<hbm>> -> memref<32128x768xf32, #tpu.memory_space<hbm>>
    tpu.enqueue_indirect_dma source(%dma_start3A_685 : memref<32128x768xf32, #tpu.memory_space<hbm>>) target(%arg6 : memref<32x768xf32, #tpu.memory_space<vmem>>) offsets(%dma_start3A_682 : memref<32xi32, #tpu.memory_space<vmem>>) semaphore(%arg11 : memref<!tpu.dma_semaphore, #tpu.memory_space<semaphore_mem>>)
    %dma_wait3A_686 = arith.constant 28 : i32
    %dma_wait3A_687 = arith.constant 0 : i32
    %dma_wait3A_688 = tpu.memref_slice %arg5[%dma_wait3A_686, %dma_wait3A_687] : memref<50x32xi32, #tpu.memory_space<vmem>> -> memref<1x32xi32, #tpu.memory_space<vmem>>
    %dma_wait3A_689 = tpu.memref_squeeze %dma_wait3A_688 : memref<1x32xi32, #tpu.memory_space<vmem>> -> memref<32xi32, #tpu.memory_space<vmem>>
    %dma_wait3A_690 = arith.constant 0 : i32
    %dma_wait3A_691 = arith.constant 0 : i32
    %dma_wait3A_692 = tpu.memref_slice %arg3[%dma_wait3A_690, %dma_wait3A_691] : memref<32128x768xf32, #tpu.memory_space<hbm>> -> memref<32128x768xf32, #tpu.memory_space<hbm>>
    tpu.wait_indirect_dma semaphore(%arg14 : memref<!tpu.dma_semaphore, #tpu.memory_space<semaphore_mem>>) src(%dma_wait3A_692 : memref<32128x768xf32, #tpu.memory_space<hbm>>) dst(%arg9 : memref<32x768xf32, #tpu.memory_space<vmem>>)
    %add3A_693 = arith.constant 896 : i32
    %add3A_694 = arith.addi %mul3A_2, %add3A_693 : i32
    %dma_start3A_695 = arith.constant 0 : i32
    %dma_start3A_696 = tpu.memref_slice %arg4[%add3A_694, %dma_start3A_695] : memref<51200x768xf32, #tpu.memory_space<hbm>> -> memref<32x768xf32, #tpu.memory_space<hbm>>
    %dma_start3A_697 = arith.constant 0 : i32
    %dma_start3A_698 = tpu.memref_slice %arg4[%add3A_694, %dma_start3A_697] : memref<51200x768xf32, #tpu.memory_space<hbm>> -> memref<32x768xf32, #tpu.memory_space<hbm>>
    tpu.enqueue_dma source(%arg9 : memref<32x768xf32, #tpu.memory_space<vmem>>) target(%dma_start3A_698 : memref<32x768xf32, #tpu.memory_space<hbm>>) target_semaphore(%arg19 : memref<!tpu.dma_semaphore, #tpu.memory_space<semaphore_mem>>)
    %dma_wait3A_699 = arith.constant 0 : i32
    %dma_wait3A_700 = tpu.memref_slice %arg4[%add3A_646, %dma_wait3A_699] : memref<51200x768xf32, #tpu.memory_space<hbm>> -> memref<32x768xf32, #tpu.memory_space<hbm>>
    %dma_wait3A_701 = arith.constant 0 : i32
    %dma_wait3A_702 = tpu.memref_slice %arg4[%add3A_646, %dma_wait3A_701] : memref<51200x768xf32, #tpu.memory_space<hbm>> -> memref<32x768xf32, #tpu.memory_space<hbm>>
    tpu.wait_dma2 semaphore(%arg17 : memref<!tpu.dma_semaphore, #tpu.memory_space<semaphore_mem>>) src(%arg7 : memref<32x768xf32, #tpu.memory_space<vmem>>) dst(%dma_wait3A_702 : memref<32x768xf32, #tpu.memory_space<hbm>>)
    %dma_start3A_703 = arith.constant 31 : i32
    %dma_start3A_704 = arith.constant 0 : i32
    %dma_start3A_705 = tpu.memref_slice %arg5[%dma_start3A_703, %dma_start3A_704] : memref<50x32xi32, #tpu.memory_space<vmem>> -> memref<1x32xi32, #tpu.memory_space<vmem>>
    %dma_start3A_706 = tpu.memref_squeeze %dma_start3A_705 : memref<1x32xi32, #tpu.memory_space<vmem>> -> memref<32xi32, #tpu.memory_space<vmem>>
    %dma_start3A_707 = arith.constant 0 : i32
    %dma_start3A_708 = arith.constant 0 : i32
    %dma_start3A_709 = tpu.memref_slice %arg3[%dma_start3A_707, %dma_start3A_708] : memref<32128x768xf32, #tpu.memory_space<hbm>> -> memref<32128x768xf32, #tpu.memory_space<hbm>>
    tpu.enqueue_indirect_dma source(%dma_start3A_709 : memref<32128x768xf32, #tpu.memory_space<hbm>>) target(%arg7 : memref<32x768xf32, #tpu.memory_space<vmem>>) offsets(%dma_start3A_706 : memref<32xi32, #tpu.memory_space<vmem>>) semaphore(%arg12 : memref<!tpu.dma_semaphore, #tpu.memory_space<semaphore_mem>>)
    %dma_wait3A_710 = arith.constant 29 : i32
    %dma_wait3A_711 = arith.constant 0 : i32
    %dma_wait3A_712 = tpu.memref_slice %arg5[%dma_wait3A_710, %dma_wait3A_711] : memref<50x32xi32, #tpu.memory_space<vmem>> -> memref<1x32xi32, #tpu.memory_space<vmem>>
    %dma_wait3A_713 = tpu.memref_squeeze %dma_wait3A_712 : memref<1x32xi32, #tpu.memory_space<vmem>> -> memref<32xi32, #tpu.memory_space<vmem>>
    %dma_wait3A_714 = arith.constant 0 : i32
    %dma_wait3A_715 = arith.constant 0 : i32
    %dma_wait3A_716 = tpu.memref_slice %arg3[%dma_wait3A_714, %dma_wait3A_715] : memref<32128x768xf32, #tpu.memory_space<hbm>> -> memref<32128x768xf32, #tpu.memory_space<hbm>>
    tpu.wait_indirect_dma semaphore(%arg15 : memref<!tpu.dma_semaphore, #tpu.memory_space<semaphore_mem>>) src(%dma_wait3A_716 : memref<32128x768xf32, #tpu.memory_space<hbm>>) dst(%arg10 : memref<32x768xf32, #tpu.memory_space<vmem>>)
    %add3A_717 = arith.constant 928 : i32
    %add3A_718 = arith.addi %mul3A_2, %add3A_717 : i32
    %dma_start3A_719 = arith.constant 0 : i32
    %dma_start3A_720 = tpu.memref_slice %arg4[%add3A_718, %dma_start3A_719] : memref<51200x768xf32, #tpu.memory_space<hbm>> -> memref<32x768xf32, #tpu.memory_space<hbm>>
    %dma_start3A_721 = arith.constant 0 : i32
    %dma_start3A_722 = tpu.memref_slice %arg4[%add3A_718, %dma_start3A_721] : memref<51200x768xf32, #tpu.memory_space<hbm>> -> memref<32x768xf32, #tpu.memory_space<hbm>>
    tpu.enqueue_dma source(%arg10 : memref<32x768xf32, #tpu.memory_space<vmem>>) target(%dma_start3A_722 : memref<32x768xf32, #tpu.memory_space<hbm>>) target_semaphore(%arg20 : memref<!tpu.dma_semaphore, #tpu.memory_space<semaphore_mem>>)
    %dma_wait3A_723 = arith.constant 0 : i32
    %dma_wait3A_724 = tpu.memref_slice %arg4[%add3A_670, %dma_wait3A_723] : memref<51200x768xf32, #tpu.memory_space<hbm>> -> memref<32x768xf32, #tpu.memory_space<hbm>>
    %dma_wait3A_725 = arith.constant 0 : i32
    %dma_wait3A_726 = tpu.memref_slice %arg4[%add3A_670, %dma_wait3A_725] : memref<51200x768xf32, #tpu.memory_space<hbm>> -> memref<32x768xf32, #tpu.memory_space<hbm>>
    tpu.wait_dma2 semaphore(%arg18 : memref<!tpu.dma_semaphore, #tpu.memory_space<semaphore_mem>>) src(%arg8 : memref<32x768xf32, #tpu.memory_space<vmem>>) dst(%dma_wait3A_726 : memref<32x768xf32, #tpu.memory_space<hbm>>)
    %dma_start3A_727 = arith.constant 32 : i32
    %dma_start3A_728 = arith.constant 0 : i32
    %dma_start3A_729 = tpu.memref_slice %arg5[%dma_start3A_727, %dma_start3A_728] : memref<50x32xi32, #tpu.memory_space<vmem>> -> memref<1x32xi32, #tpu.memory_space<vmem>>
    %dma_start3A_730 = tpu.memref_squeeze %dma_start3A_729 : memref<1x32xi32, #tpu.memory_space<vmem>> -> memref<32xi32, #tpu.memory_space<vmem>>
    %dma_start3A_731 = arith.constant 0 : i32
    %dma_start3A_732 = arith.constant 0 : i32
    %dma_start3A_733 = tpu.memref_slice %arg3[%dma_start3A_731, %dma_start3A_732] : memref<32128x768xf32, #tpu.memory_space<hbm>> -> memref<32128x768xf32, #tpu.memory_space<hbm>>
    tpu.enqueue_indirect_dma source(%dma_start3A_733 : memref<32128x768xf32, #tpu.memory_space<hbm>>) target(%arg8 : memref<32x768xf32, #tpu.memory_space<vmem>>) offsets(%dma_start3A_730 : memref<32xi32, #tpu.memory_space<vmem>>) semaphore(%arg13 : memref<!tpu.dma_semaphore, #tpu.memory_space<semaphore_mem>>)
    %dma_wait3A_734 = arith.constant 30 : i32
    %dma_wait3A_735 = arith.constant 0 : i32
    %dma_wait3A_736 = tpu.memref_slice %arg5[%dma_wait3A_734, %dma_wait3A_735] : memref<50x32xi32, #tpu.memory_space<vmem>> -> memref<1x32xi32, #tpu.memory_space<vmem>>
    %dma_wait3A_737 = tpu.memref_squeeze %dma_wait3A_736 : memref<1x32xi32, #tpu.memory_space<vmem>> -> memref<32xi32, #tpu.memory_space<vmem>>
    %dma_wait3A_738 = arith.constant 0 : i32
    %dma_wait3A_739 = arith.constant 0 : i32
    %dma_wait3A_740 = tpu.memref_slice %arg3[%dma_wait3A_738, %dma_wait3A_739] : memref<32128x768xf32, #tpu.memory_space<hbm>> -> memref<32128x768xf32, #tpu.memory_space<hbm>>
    tpu.wait_indirect_dma semaphore(%arg11 : memref<!tpu.dma_semaphore, #tpu.memory_space<semaphore_mem>>) src(%dma_wait3A_740 : memref<32128x768xf32, #tpu.memory_space<hbm>>) dst(%arg6 : memref<32x768xf32, #tpu.memory_space<vmem>>)
    %add3A_741 = arith.constant 960 : i32
    %add3A_742 = arith.addi %mul3A_2, %add3A_741 : i32
    %dma_start3A_743 = arith.constant 0 : i32
    %dma_start3A_744 = tpu.memref_slice %arg4[%add3A_742, %dma_start3A_743] : memref<51200x768xf32, #tpu.memory_space<hbm>> -> memref<32x768xf32, #tpu.memory_space<hbm>>
    %dma_start3A_745 = arith.constant 0 : i32
    %dma_start3A_746 = tpu.memref_slice %arg4[%add3A_742, %dma_start3A_745] : memref<51200x768xf32, #tpu.memory_space<hbm>> -> memref<32x768xf32, #tpu.memory_space<hbm>>
    tpu.enqueue_dma source(%arg6 : memref<32x768xf32, #tpu.memory_space<vmem>>) target(%dma_start3A_746 : memref<32x768xf32, #tpu.memory_space<hbm>>) target_semaphore(%arg16 : memref<!tpu.dma_semaphore, #tpu.memory_space<semaphore_mem>>)
    %dma_wait3A_747 = arith.constant 0 : i32
    %dma_wait3A_748 = tpu.memref_slice %arg4[%add3A_694, %dma_wait3A_747] : memref<51200x768xf32, #tpu.memory_space<hbm>> -> memref<32x768xf32, #tpu.memory_space<hbm>>
    %dma_wait3A_749 = arith.constant 0 : i32
    %dma_wait3A_750 = tpu.memref_slice %arg4[%add3A_694, %dma_wait3A_749] : memref<51200x768xf32, #tpu.memory_space<hbm>> -> memref<32x768xf32, #tpu.memory_space<hbm>>
    tpu.wait_dma2 semaphore(%arg19 : memref<!tpu.dma_semaphore, #tpu.memory_space<semaphore_mem>>) src(%arg9 : memref<32x768xf32, #tpu.memory_space<vmem>>) dst(%dma_wait3A_750 : memref<32x768xf32, #tpu.memory_space<hbm>>)
    %dma_start3A_751 = arith.constant 33 : i32
    %dma_start3A_752 = arith.constant 0 : i32
    %dma_start3A_753 = tpu.memref_slice %arg5[%dma_start3A_751, %dma_start3A_752] : memref<50x32xi32, #tpu.memory_space<vmem>> -> memref<1x32xi32, #tpu.memory_space<vmem>>
    %dma_start3A_754 = tpu.memref_squeeze %dma_start3A_753 : memref<1x32xi32, #tpu.memory_space<vmem>> -> memref<32xi32, #tpu.memory_space<vmem>>
    %dma_start3A_755 = arith.constant 0 : i32
    %dma_start3A_756 = arith.constant 0 : i32
    %dma_start3A_757 = tpu.memref_slice %arg3[%dma_start3A_755, %dma_start3A_756] : memref<32128x768xf32, #tpu.memory_space<hbm>> -> memref<32128x768xf32, #tpu.memory_space<hbm>>
    tpu.enqueue_indirect_dma source(%dma_start3A_757 : memref<32128x768xf32, #tpu.memory_space<hbm>>) target(%arg9 : memref<32x768xf32, #tpu.memory_space<vmem>>) offsets(%dma_start3A_754 : memref<32xi32, #tpu.memory_space<vmem>>) semaphore(%arg14 : memref<!tpu.dma_semaphore, #tpu.memory_space<semaphore_mem>>)
    %dma_wait3A_758 = arith.constant 31 : i32
    %dma_wait3A_759 = arith.constant 0 : i32
    %dma_wait3A_760 = tpu.memref_slice %arg5[%dma_wait3A_758, %dma_wait3A_759] : memref<50x32xi32, #tpu.memory_space<vmem>> -> memref<1x32xi32, #tpu.memory_space<vmem>>
    %dma_wait3A_761 = tpu.memref_squeeze %dma_wait3A_760 : memref<1x32xi32, #tpu.memory_space<vmem>> -> memref<32xi32, #tpu.memory_space<vmem>>
    %dma_wait3A_762 = arith.constant 0 : i32
    %dma_wait3A_763 = arith.constant 0 : i32
    %dma_wait3A_764 = tpu.memref_slice %arg3[%dma_wait3A_762, %dma_wait3A_763] : memref<32128x768xf32, #tpu.memory_space<hbm>> -> memref<32128x768xf32, #tpu.memory_space<hbm>>
    tpu.wait_indirect_dma semaphore(%arg12 : memref<!tpu.dma_semaphore, #tpu.memory_space<semaphore_mem>>) src(%dma_wait3A_764 : memref<32128x768xf32, #tpu.memory_space<hbm>>) dst(%arg7 : memref<32x768xf32, #tpu.memory_space<vmem>>)
    %add3A_765 = arith.constant 992 : i32
    %add3A_766 = arith.addi %mul3A_2, %add3A_765 : i32
    %dma_start3A_767 = arith.constant 0 : i32
    %dma_start3A_768 = tpu.memref_slice %arg4[%add3A_766, %dma_start3A_767] : memref<51200x768xf32, #tpu.memory_space<hbm>> -> memref<32x768xf32, #tpu.memory_space<hbm>>
    %dma_start3A_769 = arith.constant 0 : i32
    %dma_start3A_770 = tpu.memref_slice %arg4[%add3A_766, %dma_start3A_769] : memref<51200x768xf32, #tpu.memory_space<hbm>> -> memref<32x768xf32, #tpu.memory_space<hbm>>
    tpu.enqueue_dma source(%arg7 : memref<32x768xf32, #tpu.memory_space<vmem>>) target(%dma_start3A_770 : memref<32x768xf32, #tpu.memory_space<hbm>>) target_semaphore(%arg17 : memref<!tpu.dma_semaphore, #tpu.memory_space<semaphore_mem>>)
    %dma_wait3A_771 = arith.constant 0 : i32
    %dma_wait3A_772 = tpu.memref_slice %arg4[%add3A_718, %dma_wait3A_771] : memref<51200x768xf32, #tpu.memory_space<hbm>> -> memref<32x768xf32, #tpu.memory_space<hbm>>
    %dma_wait3A_773 = arith.constant 0 : i32
    %dma_wait3A_774 = tpu.memref_slice %arg4[%add3A_718, %dma_wait3A_773] : memref<51200x768xf32, #tpu.memory_space<hbm>> -> memref<32x768xf32, #tpu.memory_space<hbm>>
    tpu.wait_dma2 semaphore(%arg20 : memref<!tpu.dma_semaphore, #tpu.memory_space<semaphore_mem>>) src(%arg10 : memref<32x768xf32, #tpu.memory_space<vmem>>) dst(%dma_wait3A_774 : memref<32x768xf32, #tpu.memory_space<hbm>>)
    %dma_start3A_775 = arith.constant 34 : i32
    %dma_start3A_776 = arith.constant 0 : i32
    %dma_start3A_777 = tpu.memref_slice %arg5[%dma_start3A_775, %dma_start3A_776] : memref<50x32xi32, #tpu.memory_space<vmem>> -> memref<1x32xi32, #tpu.memory_space<vmem>>
    %dma_start3A_778 = tpu.memref_squeeze %dma_start3A_777 : memref<1x32xi32, #tpu.memory_space<vmem>> -> memref<32xi32, #tpu.memory_space<vmem>>
    %dma_start3A_779 = arith.constant 0 : i32
    %dma_start3A_780 = arith.constant 0 : i32
    %dma_start3A_781 = tpu.memref_slice %arg3[%dma_start3A_779, %dma_start3A_780] : memref<32128x768xf32, #tpu.memory_space<hbm>> -> memref<32128x768xf32, #tpu.memory_space<hbm>>
    tpu.enqueue_indirect_dma source(%dma_start3A_781 : memref<32128x768xf32, #tpu.memory_space<hbm>>) target(%arg10 : memref<32x768xf32, #tpu.memory_space<vmem>>) offsets(%dma_start3A_778 : memref<32xi32, #tpu.memory_space<vmem>>) semaphore(%arg15 : memref<!tpu.dma_semaphore, #tpu.memory_space<semaphore_mem>>)
    %dma_wait3A_782 = arith.constant 32 : i32
    %dma_wait3A_783 = arith.constant 0 : i32
    %dma_wait3A_784 = tpu.memref_slice %arg5[%dma_wait3A_782, %dma_wait3A_783] : memref<50x32xi32, #tpu.memory_space<vmem>> -> memref<1x32xi32, #tpu.memory_space<vmem>>
    %dma_wait3A_785 = tpu.memref_squeeze %dma_wait3A_784 : memref<1x32xi32, #tpu.memory_space<vmem>> -> memref<32xi32, #tpu.memory_space<vmem>>
    %dma_wait3A_786 = arith.constant 0 : i32
    %dma_wait3A_787 = arith.constant 0 : i32
    %dma_wait3A_788 = tpu.memref_slice %arg3[%dma_wait3A_786, %dma_wait3A_787] : memref<32128x768xf32, #tpu.memory_space<hbm>> -> memref<32128x768xf32, #tpu.memory_space<hbm>>
    tpu.wait_indirect_dma semaphore(%arg13 : memref<!tpu.dma_semaphore, #tpu.memory_space<semaphore_mem>>) src(%dma_wait3A_788 : memref<32128x768xf32, #tpu.memory_space<hbm>>) dst(%arg8 : memref<32x768xf32, #tpu.memory_space<vmem>>)
    %add3A_789 = arith.constant 1024 : i32
    %add3A_790 = arith.addi %mul3A_2, %add3A_789 : i32
    %dma_start3A_791 = arith.constant 0 : i32
    %dma_start3A_792 = tpu.memref_slice %arg4[%add3A_790, %dma_start3A_791] : memref<51200x768xf32, #tpu.memory_space<hbm>> -> memref<32x768xf32, #tpu.memory_space<hbm>>
    %dma_start3A_793 = arith.constant 0 : i32
    %dma_start3A_794 = tpu.memref_slice %arg4[%add3A_790, %dma_start3A_793] : memref<51200x768xf32, #tpu.memory_space<hbm>> -> memref<32x768xf32, #tpu.memory_space<hbm>>
    tpu.enqueue_dma source(%arg8 : memref<32x768xf32, #tpu.memory_space<vmem>>) target(%dma_start3A_794 : memref<32x768xf32, #tpu.memory_space<hbm>>) target_semaphore(%arg18 : memref<!tpu.dma_semaphore, #tpu.memory_space<semaphore_mem>>)
    %dma_wait3A_795 = arith.constant 0 : i32
    %dma_wait3A_796 = tpu.memref_slice %arg4[%add3A_742, %dma_wait3A_795] : memref<51200x768xf32, #tpu.memory_space<hbm>> -> memref<32x768xf32, #tpu.memory_space<hbm>>
    %dma_wait3A_797 = arith.constant 0 : i32
    %dma_wait3A_798 = tpu.memref_slice %arg4[%add3A_742, %dma_wait3A_797] : memref<51200x768xf32, #tpu.memory_space<hbm>> -> memref<32x768xf32, #tpu.memory_space<hbm>>
    tpu.wait_dma2 semaphore(%arg16 : memref<!tpu.dma_semaphore, #tpu.memory_space<semaphore_mem>>) src(%arg6 : memref<32x768xf32, #tpu.memory_space<vmem>>) dst(%dma_wait3A_798 : memref<32x768xf32, #tpu.memory_space<hbm>>)
    %dma_start3A_799 = arith.constant 35 : i32
    %dma_start3A_800 = arith.constant 0 : i32
    %dma_start3A_801 = tpu.memref_slice %arg5[%dma_start3A_799, %dma_start3A_800] : memref<50x32xi32, #tpu.memory_space<vmem>> -> memref<1x32xi32, #tpu.memory_space<vmem>>
    %dma_start3A_802 = tpu.memref_squeeze %dma_start3A_801 : memref<1x32xi32, #tpu.memory_space<vmem>> -> memref<32xi32, #tpu.memory_space<vmem>>
    %dma_start3A_803 = arith.constant 0 : i32
    %dma_start3A_804 = arith.constant 0 : i32
    %dma_start3A_805 = tpu.memref_slice %arg3[%dma_start3A_803, %dma_start3A_804] : memref<32128x768xf32, #tpu.memory_space<hbm>> -> memref<32128x768xf32, #tpu.memory_space<hbm>>
    tpu.enqueue_indirect_dma source(%dma_start3A_805 : memref<32128x768xf32, #tpu.memory_space<hbm>>) target(%arg6 : memref<32x768xf32, #tpu.memory_space<vmem>>) offsets(%dma_start3A_802 : memref<32xi32, #tpu.memory_space<vmem>>) semaphore(%arg11 : memref<!tpu.dma_semaphore, #tpu.memory_space<semaphore_mem>>)
    %dma_wait3A_806 = arith.constant 33 : i32
    %dma_wait3A_807 = arith.constant 0 : i32
    %dma_wait3A_808 = tpu.memref_slice %arg5[%dma_wait3A_806, %dma_wait3A_807] : memref<50x32xi32, #tpu.memory_space<vmem>> -> memref<1x32xi32, #tpu.memory_space<vmem>>
    %dma_wait3A_809 = tpu.memref_squeeze %dma_wait3A_808 : memref<1x32xi32, #tpu.memory_space<vmem>> -> memref<32xi32, #tpu.memory_space<vmem>>
    %dma_wait3A_810 = arith.constant 0 : i32
    %dma_wait3A_811 = arith.constant 0 : i32
    %dma_wait3A_812 = tpu.memref_slice %arg3[%dma_wait3A_810, %dma_wait3A_811] : memref<32128x768xf32, #tpu.memory_space<hbm>> -> memref<32128x768xf32, #tpu.memory_space<hbm>>
    tpu.wait_indirect_dma semaphore(%arg14 : memref<!tpu.dma_semaphore, #tpu.memory_space<semaphore_mem>>) src(%dma_wait3A_812 : memref<32128x768xf32, #tpu.memory_space<hbm>>) dst(%arg9 : memref<32x768xf32, #tpu.memory_space<vmem>>)
    %add3A_813 = arith.constant 1056 : i32
    %add3A_814 = arith.addi %mul3A_2, %add3A_813 : i32
    %dma_start3A_815 = arith.constant 0 : i32
    %dma_start3A_816 = tpu.memref_slice %arg4[%add3A_814, %dma_start3A_815] : memref<51200x768xf32, #tpu.memory_space<hbm>> -> memref<32x768xf32, #tpu.memory_space<hbm>>
    %dma_start3A_817 = arith.constant 0 : i32
    %dma_start3A_818 = tpu.memref_slice %arg4[%add3A_814, %dma_start3A_817] : memref<51200x768xf32, #tpu.memory_space<hbm>> -> memref<32x768xf32, #tpu.memory_space<hbm>>
    tpu.enqueue_dma source(%arg9 : memref<32x768xf32, #tpu.memory_space<vmem>>) target(%dma_start3A_818 : memref<32x768xf32, #tpu.memory_space<hbm>>) target_semaphore(%arg19 : memref<!tpu.dma_semaphore, #tpu.memory_space<semaphore_mem>>)
    %dma_wait3A_819 = arith.constant 0 : i32
    %dma_wait3A_820 = tpu.memref_slice %arg4[%add3A_766, %dma_wait3A_819] : memref<51200x768xf32, #tpu.memory_space<hbm>> -> memref<32x768xf32, #tpu.memory_space<hbm>>
    %dma_wait3A_821 = arith.constant 0 : i32
    %dma_wait3A_822 = tpu.memref_slice %arg4[%add3A_766, %dma_wait3A_821] : memref<51200x768xf32, #tpu.memory_space<hbm>> -> memref<32x768xf32, #tpu.memory_space<hbm>>
    tpu.wait_dma2 semaphore(%arg17 : memref<!tpu.dma_semaphore, #tpu.memory_space<semaphore_mem>>) src(%arg7 : memref<32x768xf32, #tpu.memory_space<vmem>>) dst(%dma_wait3A_822 : memref<32x768xf32, #tpu.memory_space<hbm>>)
    %dma_start3A_823 = arith.constant 36 : i32
    %dma_start3A_824 = arith.constant 0 : i32
    %dma_start3A_825 = tpu.memref_slice %arg5[%dma_start3A_823, %dma_start3A_824] : memref<50x32xi32, #tpu.memory_space<vmem>> -> memref<1x32xi32, #tpu.memory_space<vmem>>
    %dma_start3A_826 = tpu.memref_squeeze %dma_start3A_825 : memref<1x32xi32, #tpu.memory_space<vmem>> -> memref<32xi32, #tpu.memory_space<vmem>>
    %dma_start3A_827 = arith.constant 0 : i32
    %dma_start3A_828 = arith.constant 0 : i32
    %dma_start3A_829 = tpu.memref_slice %arg3[%dma_start3A_827, %dma_start3A_828] : memref<32128x768xf32, #tpu.memory_space<hbm>> -> memref<32128x768xf32, #tpu.memory_space<hbm>>
    tpu.enqueue_indirect_dma source(%dma_start3A_829 : memref<32128x768xf32, #tpu.memory_space<hbm>>) target(%arg7 : memref<32x768xf32, #tpu.memory_space<vmem>>) offsets(%dma_start3A_826 : memref<32xi32, #tpu.memory_space<vmem>>) semaphore(%arg12 : memref<!tpu.dma_semaphore, #tpu.memory_space<semaphore_mem>>)
    %dma_wait3A_830 = arith.constant 34 : i32
    %dma_wait3A_831 = arith.constant 0 : i32
    %dma_wait3A_832 = tpu.memref_slice %arg5[%dma_wait3A_830, %dma_wait3A_831] : memref<50x32xi32, #tpu.memory_space<vmem>> -> memref<1x32xi32, #tpu.memory_space<vmem>>
    %dma_wait3A_833 = tpu.memref_squeeze %dma_wait3A_832 : memref<1x32xi32, #tpu.memory_space<vmem>> -> memref<32xi32, #tpu.memory_space<vmem>>
    %dma_wait3A_834 = arith.constant 0 : i32
    %dma_wait3A_835 = arith.constant 0 : i32
    %dma_wait3A_836 = tpu.memref_slice %arg3[%dma_wait3A_834, %dma_wait3A_835] : memref<32128x768xf32, #tpu.memory_space<hbm>> -> memref<32128x768xf32, #tpu.memory_space<hbm>>
    tpu.wait_indirect_dma semaphore(%arg15 : memref<!tpu.dma_semaphore, #tpu.memory_space<semaphore_mem>>) src(%dma_wait3A_836 : memref<32128x768xf32, #tpu.memory_space<hbm>>) dst(%arg10 : memref<32x768xf32, #tpu.memory_space<vmem>>)
    %add3A_837 = arith.constant 1088 : i32
    %add3A_838 = arith.addi %mul3A_2, %add3A_837 : i32
    %dma_start3A_839 = arith.constant 0 : i32
    %dma_start3A_840 = tpu.memref_slice %arg4[%add3A_838, %dma_start3A_839] : memref<51200x768xf32, #tpu.memory_space<hbm>> -> memref<32x768xf32, #tpu.memory_space<hbm>>
    %dma_start3A_841 = arith.constant 0 : i32
    %dma_start3A_842 = tpu.memref_slice %arg4[%add3A_838, %dma_start3A_841] : memref<51200x768xf32, #tpu.memory_space<hbm>> -> memref<32x768xf32, #tpu.memory_space<hbm>>
    tpu.enqueue_dma source(%arg10 : memref<32x768xf32, #tpu.memory_space<vmem>>) target(%dma_start3A_842 : memref<32x768xf32, #tpu.memory_space<hbm>>) target_semaphore(%arg20 : memref<!tpu.dma_semaphore, #tpu.memory_space<semaphore_mem>>)
    %dma_wait3A_843 = arith.constant 0 : i32
    %dma_wait3A_844 = tpu.memref_slice %arg4[%add3A_790, %dma_wait3A_843] : memref<51200x768xf32, #tpu.memory_space<hbm>> -> memref<32x768xf32, #tpu.memory_space<hbm>>
    %dma_wait3A_845 = arith.constant 0 : i32
    %dma_wait3A_846 = tpu.memref_slice %arg4[%add3A_790, %dma_wait3A_845] : memref<51200x768xf32, #tpu.memory_space<hbm>> -> memref<32x768xf32, #tpu.memory_space<hbm>>
    tpu.wait_dma2 semaphore(%arg18 : memref<!tpu.dma_semaphore, #tpu.memory_space<semaphore_mem>>) src(%arg8 : memref<32x768xf32, #tpu.memory_space<vmem>>) dst(%dma_wait3A_846 : memref<32x768xf32, #tpu.memory_space<hbm>>)
    %dma_start3A_847 = arith.constant 37 : i32
    %dma_start3A_848 = arith.constant 0 : i32
    %dma_start3A_849 = tpu.memref_slice %arg5[%dma_start3A_847, %dma_start3A_848] : memref<50x32xi32, #tpu.memory_space<vmem>> -> memref<1x32xi32, #tpu.memory_space<vmem>>
    %dma_start3A_850 = tpu.memref_squeeze %dma_start3A_849 : memref<1x32xi32, #tpu.memory_space<vmem>> -> memref<32xi32, #tpu.memory_space<vmem>>
    %dma_start3A_851 = arith.constant 0 : i32
    %dma_start3A_852 = arith.constant 0 : i32
    %dma_start3A_853 = tpu.memref_slice %arg3[%dma_start3A_851, %dma_start3A_852] : memref<32128x768xf32, #tpu.memory_space<hbm>> -> memref<32128x768xf32, #tpu.memory_space<hbm>>
    tpu.enqueue_indirect_dma source(%dma_start3A_853 : memref<32128x768xf32, #tpu.memory_space<hbm>>) target(%arg8 : memref<32x768xf32, #tpu.memory_space<vmem>>) offsets(%dma_start3A_850 : memref<32xi32, #tpu.memory_space<vmem>>) semaphore(%arg13 : memref<!tpu.dma_semaphore, #tpu.memory_space<semaphore_mem>>)
    %dma_wait3A_854 = arith.constant 35 : i32
    %dma_wait3A_855 = arith.constant 0 : i32
    %dma_wait3A_856 = tpu.memref_slice %arg5[%dma_wait3A_854, %dma_wait3A_855] : memref<50x32xi32, #tpu.memory_space<vmem>> -> memref<1x32xi32, #tpu.memory_space<vmem>>
    %dma_wait3A_857 = tpu.memref_squeeze %dma_wait3A_856 : memref<1x32xi32, #tpu.memory_space<vmem>> -> memref<32xi32, #tpu.memory_space<vmem>>
    %dma_wait3A_858 = arith.constant 0 : i32
    %dma_wait3A_859 = arith.constant 0 : i32
    %dma_wait3A_860 = tpu.memref_slice %arg3[%dma_wait3A_858, %dma_wait3A_859] : memref<32128x768xf32, #tpu.memory_space<hbm>> -> memref<32128x768xf32, #tpu.memory_space<hbm>>
    tpu.wait_indirect_dma semaphore(%arg11 : memref<!tpu.dma_semaphore, #tpu.memory_space<semaphore_mem>>) src(%dma_wait3A_860 : memref<32128x768xf32, #tpu.memory_space<hbm>>) dst(%arg6 : memref<32x768xf32, #tpu.memory_space<vmem>>)
    %add3A_861 = arith.constant 1120 : i32
    %add3A_862 = arith.addi %mul3A_2, %add3A_861 : i32
    %dma_start3A_863 = arith.constant 0 : i32
    %dma_start3A_864 = tpu.memref_slice %arg4[%add3A_862, %dma_start3A_863] : memref<51200x768xf32, #tpu.memory_space<hbm>> -> memref<32x768xf32, #tpu.memory_space<hbm>>
    %dma_start3A_865 = arith.constant 0 : i32
    %dma_start3A_866 = tpu.memref_slice %arg4[%add3A_862, %dma_start3A_865] : memref<51200x768xf32, #tpu.memory_space<hbm>> -> memref<32x768xf32, #tpu.memory_space<hbm>>
    tpu.enqueue_dma source(%arg6 : memref<32x768xf32, #tpu.memory_space<vmem>>) target(%dma_start3A_866 : memref<32x768xf32, #tpu.memory_space<hbm>>) target_semaphore(%arg16 : memref<!tpu.dma_semaphore, #tpu.memory_space<semaphore_mem>>)
    %dma_wait3A_867 = arith.constant 0 : i32
    %dma_wait3A_868 = tpu.memref_slice %arg4[%add3A_814, %dma_wait3A_867] : memref<51200x768xf32, #tpu.memory_space<hbm>> -> memref<32x768xf32, #tpu.memory_space<hbm>>
    %dma_wait3A_869 = arith.constant 0 : i32
    %dma_wait3A_870 = tpu.memref_slice %arg4[%add3A_814, %dma_wait3A_869] : memref<51200x768xf32, #tpu.memory_space<hbm>> -> memref<32x768xf32, #tpu.memory_space<hbm>>
    tpu.wait_dma2 semaphore(%arg19 : memref<!tpu.dma_semaphore, #tpu.memory_space<semaphore_mem>>) src(%arg9 : memref<32x768xf32, #tpu.memory_space<vmem>>) dst(%dma_wait3A_870 : memref<32x768xf32, #tpu.memory_space<hbm>>)
    %dma_start3A_871 = arith.constant 38 : i32
    %dma_start3A_872 = arith.constant 0 : i32
    %dma_start3A_873 = tpu.memref_slice %arg5[%dma_start3A_871, %dma_start3A_872] : memref<50x32xi32, #tpu.memory_space<vmem>> -> memref<1x32xi32, #tpu.memory_space<vmem>>
    %dma_start3A_874 = tpu.memref_squeeze %dma_start3A_873 : memref<1x32xi32, #tpu.memory_space<vmem>> -> memref<32xi32, #tpu.memory_space<vmem>>
    %dma_start3A_875 = arith.constant 0 : i32
    %dma_start3A_876 = arith.constant 0 : i32
    %dma_start3A_877 = tpu.memref_slice %arg3[%dma_start3A_875, %dma_start3A_876] : memref<32128x768xf32, #tpu.memory_space<hbm>> -> memref<32128x768xf32, #tpu.memory_space<hbm>>
    tpu.enqueue_indirect_dma source(%dma_start3A_877 : memref<32128x768xf32, #tpu.memory_space<hbm>>) target(%arg9 : memref<32x768xf32, #tpu.memory_space<vmem>>) offsets(%dma_start3A_874 : memref<32xi32, #tpu.memory_space<vmem>>) semaphore(%arg14 : memref<!tpu.dma_semaphore, #tpu.memory_space<semaphore_mem>>)
    %dma_wait3A_878 = arith.constant 36 : i32
    %dma_wait3A_879 = arith.constant 0 : i32
    %dma_wait3A_880 = tpu.memref_slice %arg5[%dma_wait3A_878, %dma_wait3A_879] : memref<50x32xi32, #tpu.memory_space<vmem>> -> memref<1x32xi32, #tpu.memory_space<vmem>>
    %dma_wait3A_881 = tpu.memref_squeeze %dma_wait3A_880 : memref<1x32xi32, #tpu.memory_space<vmem>> -> memref<32xi32, #tpu.memory_space<vmem>>
    %dma_wait3A_882 = arith.constant 0 : i32
    %dma_wait3A_883 = arith.constant 0 : i32
    %dma_wait3A_884 = tpu.memref_slice %arg3[%dma_wait3A_882, %dma_wait3A_883] : memref<32128x768xf32, #tpu.memory_space<hbm>> -> memref<32128x768xf32, #tpu.memory_space<hbm>>
    tpu.wait_indirect_dma semaphore(%arg12 : memref<!tpu.dma_semaphore, #tpu.memory_space<semaphore_mem>>) src(%dma_wait3A_884 : memref<32128x768xf32, #tpu.memory_space<hbm>>) dst(%arg7 : memref<32x768xf32, #tpu.memory_space<vmem>>)
    %add3A_885 = arith.constant 1152 : i32
    %add3A_886 = arith.addi %mul3A_2, %add3A_885 : i32
    %dma_start3A_887 = arith.constant 0 : i32
    %dma_start3A_888 = tpu.memref_slice %arg4[%add3A_886, %dma_start3A_887] : memref<51200x768xf32, #tpu.memory_space<hbm>> -> memref<32x768xf32, #tpu.memory_space<hbm>>
    %dma_start3A_889 = arith.constant 0 : i32
    %dma_start3A_890 = tpu.memref_slice %arg4[%add3A_886, %dma_start3A_889] : memref<51200x768xf32, #tpu.memory_space<hbm>> -> memref<32x768xf32, #tpu.memory_space<hbm>>
    tpu.enqueue_dma source(%arg7 : memref<32x768xf32, #tpu.memory_space<vmem>>) target(%dma_start3A_890 : memref<32x768xf32, #tpu.memory_space<hbm>>) target_semaphore(%arg17 : memref<!tpu.dma_semaphore, #tpu.memory_space<semaphore_mem>>)
    %dma_wait3A_891 = arith.constant 0 : i32
    %dma_wait3A_892 = tpu.memref_slice %arg4[%add3A_838, %dma_wait3A_891] : memref<51200x768xf32, #tpu.memory_space<hbm>> -> memref<32x768xf32, #tpu.memory_space<hbm>>
    %dma_wait3A_893 = arith.constant 0 : i32
    %dma_wait3A_894 = tpu.memref_slice %arg4[%add3A_838, %dma_wait3A_893] : memref<51200x768xf32, #tpu.memory_space<hbm>> -> memref<32x768xf32, #tpu.memory_space<hbm>>
    tpu.wait_dma2 semaphore(%arg20 : memref<!tpu.dma_semaphore, #tpu.memory_space<semaphore_mem>>) src(%arg10 : memref<32x768xf32, #tpu.memory_space<vmem>>) dst(%dma_wait3A_894 : memref<32x768xf32, #tpu.memory_space<hbm>>)
    %dma_start3A_895 = arith.constant 39 : i32
    %dma_start3A_896 = arith.constant 0 : i32
    %dma_start3A_897 = tpu.memref_slice %arg5[%dma_start3A_895, %dma_start3A_896] : memref<50x32xi32, #tpu.memory_space<vmem>> -> memref<1x32xi32, #tpu.memory_space<vmem>>
    %dma_start3A_898 = tpu.memref_squeeze %dma_start3A_897 : memref<1x32xi32, #tpu.memory_space<vmem>> -> memref<32xi32, #tpu.memory_space<vmem>>
    %dma_start3A_899 = arith.constant 0 : i32
    %dma_start3A_900 = arith.constant 0 : i32
    %dma_start3A_901 = tpu.memref_slice %arg3[%dma_start3A_899, %dma_start3A_900] : memref<32128x768xf32, #tpu.memory_space<hbm>> -> memref<32128x768xf32, #tpu.memory_space<hbm>>
    tpu.enqueue_indirect_dma source(%dma_start3A_901 : memref<32128x768xf32, #tpu.memory_space<hbm>>) target(%arg10 : memref<32x768xf32, #tpu.memory_space<vmem>>) offsets(%dma_start3A_898 : memref<32xi32, #tpu.memory_space<vmem>>) semaphore(%arg15 : memref<!tpu.dma_semaphore, #tpu.memory_space<semaphore_mem>>)
    %dma_wait3A_902 = arith.constant 37 : i32
    %dma_wait3A_903 = arith.constant 0 : i32
    %dma_wait3A_904 = tpu.memref_slice %arg5[%dma_wait3A_902, %dma_wait3A_903] : memref<50x32xi32, #tpu.memory_space<vmem>> -> memref<1x32xi32, #tpu.memory_space<vmem>>
    %dma_wait3A_905 = tpu.memref_squeeze %dma_wait3A_904 : memref<1x32xi32, #tpu.memory_space<vmem>> -> memref<32xi32, #tpu.memory_space<vmem>>
    %dma_wait3A_906 = arith.constant 0 : i32
    %dma_wait3A_907 = arith.constant 0 : i32
    %dma_wait3A_908 = tpu.memref_slice %arg3[%dma_wait3A_906, %dma_wait3A_907] : memref<32128x768xf32, #tpu.memory_space<hbm>> -> memref<32128x768xf32, #tpu.memory_space<hbm>>
    tpu.wait_indirect_dma semaphore(%arg13 : memref<!tpu.dma_semaphore, #tpu.memory_space<semaphore_mem>>) src(%dma_wait3A_908 : memref<32128x768xf32, #tpu.memory_space<hbm>>) dst(%arg8 : memref<32x768xf32, #tpu.memory_space<vmem>>)
    %add3A_909 = arith.constant 1184 : i32
    %add3A_910 = arith.addi %mul3A_2, %add3A_909 : i32
    %dma_start3A_911 = arith.constant 0 : i32
    %dma_start3A_912 = tpu.memref_slice %arg4[%add3A_910, %dma_start3A_911] : memref<51200x768xf32, #tpu.memory_space<hbm>> -> memref<32x768xf32, #tpu.memory_space<hbm>>
    %dma_start3A_913 = arith.constant 0 : i32
    %dma_start3A_914 = tpu.memref_slice %arg4[%add3A_910, %dma_start3A_913] : memref<51200x768xf32, #tpu.memory_space<hbm>> -> memref<32x768xf32, #tpu.memory_space<hbm>>
    tpu.enqueue_dma source(%arg8 : memref<32x768xf32, #tpu.memory_space<vmem>>) target(%dma_start3A_914 : memref<32x768xf32, #tpu.memory_space<hbm>>) target_semaphore(%arg18 : memref<!tpu.dma_semaphore, #tpu.memory_space<semaphore_mem>>)
    %dma_wait3A_915 = arith.constant 0 : i32
    %dma_wait3A_916 = tpu.memref_slice %arg4[%add3A_862, %dma_wait3A_915] : memref<51200x768xf32, #tpu.memory_space<hbm>> -> memref<32x768xf32, #tpu.memory_space<hbm>>
    %dma_wait3A_917 = arith.constant 0 : i32
    %dma_wait3A_918 = tpu.memref_slice %arg4[%add3A_862, %dma_wait3A_917] : memref<51200x768xf32, #tpu.memory_space<hbm>> -> memref<32x768xf32, #tpu.memory_space<hbm>>
    tpu.wait_dma2 semaphore(%arg16 : memref<!tpu.dma_semaphore, #tpu.memory_space<semaphore_mem>>) src(%arg6 : memref<32x768xf32, #tpu.memory_space<vmem>>) dst(%dma_wait3A_918 : memref<32x768xf32, #tpu.memory_space<hbm>>)
    %dma_start3A_919 = arith.constant 40 : i32
    %dma_start3A_920 = arith.constant 0 : i32
    %dma_start3A_921 = tpu.memref_slice %arg5[%dma_start3A_919, %dma_start3A_920] : memref<50x32xi32, #tpu.memory_space<vmem>> -> memref<1x32xi32, #tpu.memory_space<vmem>>
    %dma_start3A_922 = tpu.memref_squeeze %dma_start3A_921 : memref<1x32xi32, #tpu.memory_space<vmem>> -> memref<32xi32, #tpu.memory_space<vmem>>
    %dma_start3A_923 = arith.constant 0 : i32
    %dma_start3A_924 = arith.constant 0 : i32
    %dma_start3A_925 = tpu.memref_slice %arg3[%dma_start3A_923, %dma_start3A_924] : memref<32128x768xf32, #tpu.memory_space<hbm>> -> memref<32128x768xf32, #tpu.memory_space<hbm>>
    tpu.enqueue_indirect_dma source(%dma_start3A_925 : memref<32128x768xf32, #tpu.memory_space<hbm>>) target(%arg6 : memref<32x768xf32, #tpu.memory_space<vmem>>) offsets(%dma_start3A_922 : memref<32xi32, #tpu.memory_space<vmem>>) semaphore(%arg11 : memref<!tpu.dma_semaphore, #tpu.memory_space<semaphore_mem>>)
    %dma_wait3A_926 = arith.constant 38 : i32
    %dma_wait3A_927 = arith.constant 0 : i32
    %dma_wait3A_928 = tpu.memref_slice %arg5[%dma_wait3A_926, %dma_wait3A_927] : memref<50x32xi32, #tpu.memory_space<vmem>> -> memref<1x32xi32, #tpu.memory_space<vmem>>
    %dma_wait3A_929 = tpu.memref_squeeze %dma_wait3A_928 : memref<1x32xi32, #tpu.memory_space<vmem>> -> memref<32xi32, #tpu.memory_space<vmem>>
    %dma_wait3A_930 = arith.constant 0 : i32
    %dma_wait3A_931 = arith.constant 0 : i32
    %dma_wait3A_932 = tpu.memref_slice %arg3[%dma_wait3A_930, %dma_wait3A_931] : memref<32128x768xf32, #tpu.memory_space<hbm>> -> memref<32128x768xf32, #tpu.memory_space<hbm>>
    tpu.wait_indirect_dma semaphore(%arg14 : memref<!tpu.dma_semaphore, #tpu.memory_space<semaphore_mem>>) src(%dma_wait3A_932 : memref<32128x768xf32, #tpu.memory_space<hbm>>) dst(%arg9 : memref<32x768xf32, #tpu.memory_space<vmem>>)
    %add3A_933 = arith.constant 1216 : i32
    %add3A_934 = arith.addi %mul3A_2, %add3A_933 : i32
    %dma_start3A_935 = arith.constant 0 : i32
    %dma_start3A_936 = tpu.memref_slice %arg4[%add3A_934, %dma_start3A_935] : memref<51200x768xf32, #tpu.memory_space<hbm>> -> memref<32x768xf32, #tpu.memory_space<hbm>>
    %dma_start3A_937 = arith.constant 0 : i32
    %dma_start3A_938 = tpu.memref_slice %arg4[%add3A_934, %dma_start3A_937] : memref<51200x768xf32, #tpu.memory_space<hbm>> -> memref<32x768xf32, #tpu.memory_space<hbm>>
    tpu.enqueue_dma source(%arg9 : memref<32x768xf32, #tpu.memory_space<vmem>>) target(%dma_start3A_938 : memref<32x768xf32, #tpu.memory_space<hbm>>) target_semaphore(%arg19 : memref<!tpu.dma_semaphore, #tpu.memory_space<semaphore_mem>>)
    %dma_wait3A_939 = arith.constant 0 : i32
    %dma_wait3A_940 = tpu.memref_slice %arg4[%add3A_886, %dma_wait3A_939] : memref<51200x768xf32, #tpu.memory_space<hbm>> -> memref<32x768xf32, #tpu.memory_space<hbm>>
    %dma_wait3A_941 = arith.constant 0 : i32
    %dma_wait3A_942 = tpu.memref_slice %arg4[%add3A_886, %dma_wait3A_941] : memref<51200x768xf32, #tpu.memory_space<hbm>> -> memref<32x768xf32, #tpu.memory_space<hbm>>
    tpu.wait_dma2 semaphore(%arg17 : memref<!tpu.dma_semaphore, #tpu.memory_space<semaphore_mem>>) src(%arg7 : memref<32x768xf32, #tpu.memory_space<vmem>>) dst(%dma_wait3A_942 : memref<32x768xf32, #tpu.memory_space<hbm>>)
    %dma_start3A_943 = arith.constant 41 : i32
    %dma_start3A_944 = arith.constant 0 : i32
    %dma_start3A_945 = tpu.memref_slice %arg5[%dma_start3A_943, %dma_start3A_944] : memref<50x32xi32, #tpu.memory_space<vmem>> -> memref<1x32xi32, #tpu.memory_space<vmem>>
    %dma_start3A_946 = tpu.memref_squeeze %dma_start3A_945 : memref<1x32xi32, #tpu.memory_space<vmem>> -> memref<32xi32, #tpu.memory_space<vmem>>
    %dma_start3A_947 = arith.constant 0 : i32
    %dma_start3A_948 = arith.constant 0 : i32
    %dma_start3A_949 = tpu.memref_slice %arg3[%dma_start3A_947, %dma_start3A_948] : memref<32128x768xf32, #tpu.memory_space<hbm>> -> memref<32128x768xf32, #tpu.memory_space<hbm>>
    tpu.enqueue_indirect_dma source(%dma_start3A_949 : memref<32128x768xf32, #tpu.memory_space<hbm>>) target(%arg7 : memref<32x768xf32, #tpu.memory_space<vmem>>) offsets(%dma_start3A_946 : memref<32xi32, #tpu.memory_space<vmem>>) semaphore(%arg12 : memref<!tpu.dma_semaphore, #tpu.memory_space<semaphore_mem>>)
    %dma_wait3A_950 = arith.constant 39 : i32
    %dma_wait3A_951 = arith.constant 0 : i32
    %dma_wait3A_952 = tpu.memref_slice %arg5[%dma_wait3A_950, %dma_wait3A_951] : memref<50x32xi32, #tpu.memory_space<vmem>> -> memref<1x32xi32, #tpu.memory_space<vmem>>
    %dma_wait3A_953 = tpu.memref_squeeze %dma_wait3A_952 : memref<1x32xi32, #tpu.memory_space<vmem>> -> memref<32xi32, #tpu.memory_space<vmem>>
    %dma_wait3A_954 = arith.constant 0 : i32
    %dma_wait3A_955 = arith.constant 0 : i32
    %dma_wait3A_956 = tpu.memref_slice %arg3[%dma_wait3A_954, %dma_wait3A_955] : memref<32128x768xf32, #tpu.memory_space<hbm>> -> memref<32128x768xf32, #tpu.memory_space<hbm>>
    tpu.wait_indirect_dma semaphore(%arg15 : memref<!tpu.dma_semaphore, #tpu.memory_space<semaphore_mem>>) src(%dma_wait3A_956 : memref<32128x768xf32, #tpu.memory_space<hbm>>) dst(%arg10 : memref<32x768xf32, #tpu.memory_space<vmem>>)
    %add3A_957 = arith.constant 1248 : i32
    %add3A_958 = arith.addi %mul3A_2, %add3A_957 : i32
    %dma_start3A_959 = arith.constant 0 : i32
    %dma_start3A_960 = tpu.memref_slice %arg4[%add3A_958, %dma_start3A_959] : memref<51200x768xf32, #tpu.memory_space<hbm>> -> memref<32x768xf32, #tpu.memory_space<hbm>>
    %dma_start3A_961 = arith.constant 0 : i32
    %dma_start3A_962 = tpu.memref_slice %arg4[%add3A_958, %dma_start3A_961] : memref<51200x768xf32, #tpu.memory_space<hbm>> -> memref<32x768xf32, #tpu.memory_space<hbm>>
    tpu.enqueue_dma source(%arg10 : memref<32x768xf32, #tpu.memory_space<vmem>>) target(%dma_start3A_962 : memref<32x768xf32, #tpu.memory_space<hbm>>) target_semaphore(%arg20 : memref<!tpu.dma_semaphore, #tpu.memory_space<semaphore_mem>>)
    %dma_wait3A_963 = arith.constant 0 : i32
    %dma_wait3A_964 = tpu.memref_slice %arg4[%add3A_910, %dma_wait3A_963] : memref<51200x768xf32, #tpu.memory_space<hbm>> -> memref<32x768xf32, #tpu.memory_space<hbm>>
    %dma_wait3A_965 = arith.constant 0 : i32
    %dma_wait3A_966 = tpu.memref_slice %arg4[%add3A_910, %dma_wait3A_965] : memref<51200x768xf32, #tpu.memory_space<hbm>> -> memref<32x768xf32, #tpu.memory_space<hbm>>
    tpu.wait_dma2 semaphore(%arg18 : memref<!tpu.dma_semaphore, #tpu.memory_space<semaphore_mem>>) src(%arg8 : memref<32x768xf32, #tpu.memory_space<vmem>>) dst(%dma_wait3A_966 : memref<32x768xf32, #tpu.memory_space<hbm>>)
    %dma_start3A_967 = arith.constant 42 : i32
    %dma_start3A_968 = arith.constant 0 : i32
    %dma_start3A_969 = tpu.memref_slice %arg5[%dma_start3A_967, %dma_start3A_968] : memref<50x32xi32, #tpu.memory_space<vmem>> -> memref<1x32xi32, #tpu.memory_space<vmem>>
    %dma_start3A_970 = tpu.memref_squeeze %dma_start3A_969 : memref<1x32xi32, #tpu.memory_space<vmem>> -> memref<32xi32, #tpu.memory_space<vmem>>
    %dma_start3A_971 = arith.constant 0 : i32
    %dma_start3A_972 = arith.constant 0 : i32
    %dma_start3A_973 = tpu.memref_slice %arg3[%dma_start3A_971, %dma_start3A_972] : memref<32128x768xf32, #tpu.memory_space<hbm>> -> memref<32128x768xf32, #tpu.memory_space<hbm>>
    tpu.enqueue_indirect_dma source(%dma_start3A_973 : memref<32128x768xf32, #tpu.memory_space<hbm>>) target(%arg8 : memref<32x768xf32, #tpu.memory_space<vmem>>) offsets(%dma_start3A_970 : memref<32xi32, #tpu.memory_space<vmem>>) semaphore(%arg13 : memref<!tpu.dma_semaphore, #tpu.memory_space<semaphore_mem>>)
    %dma_wait3A_974 = arith.constant 40 : i32
    %dma_wait3A_975 = arith.constant 0 : i32
    %dma_wait3A_976 = tpu.memref_slice %arg5[%dma_wait3A_974, %dma_wait3A_975] : memref<50x32xi32, #tpu.memory_space<vmem>> -> memref<1x32xi32, #tpu.memory_space<vmem>>
    %dma_wait3A_977 = tpu.memref_squeeze %dma_wait3A_976 : memref<1x32xi32, #tpu.memory_space<vmem>> -> memref<32xi32, #tpu.memory_space<vmem>>
    %dma_wait3A_978 = arith.constant 0 : i32
    %dma_wait3A_979 = arith.constant 0 : i32
    %dma_wait3A_980 = tpu.memref_slice %arg3[%dma_wait3A_978, %dma_wait3A_979] : memref<32128x768xf32, #tpu.memory_space<hbm>> -> memref<32128x768xf32, #tpu.memory_space<hbm>>
    tpu.wait_indirect_dma semaphore(%arg11 : memref<!tpu.dma_semaphore, #tpu.memory_space<semaphore_mem>>) src(%dma_wait3A_980 : memref<32128x768xf32, #tpu.memory_space<hbm>>) dst(%arg6 : memref<32x768xf32, #tpu.memory_space<vmem>>)
    %add3A_981 = arith.constant 1280 : i32
    %add3A_982 = arith.addi %mul3A_2, %add3A_981 : i32
    %dma_start3A_983 = arith.constant 0 : i32
    %dma_start3A_984 = tpu.memref_slice %arg4[%add3A_982, %dma_start3A_983] : memref<51200x768xf32, #tpu.memory_space<hbm>> -> memref<32x768xf32, #tpu.memory_space<hbm>>
    %dma_start3A_985 = arith.constant 0 : i32
    %dma_start3A_986 = tpu.memref_slice %arg4[%add3A_982, %dma_start3A_985] : memref<51200x768xf32, #tpu.memory_space<hbm>> -> memref<32x768xf32, #tpu.memory_space<hbm>>
    tpu.enqueue_dma source(%arg6 : memref<32x768xf32, #tpu.memory_space<vmem>>) target(%dma_start3A_986 : memref<32x768xf32, #tpu.memory_space<hbm>>) target_semaphore(%arg16 : memref<!tpu.dma_semaphore, #tpu.memory_space<semaphore_mem>>)
    %dma_wait3A_987 = arith.constant 0 : i32
    %dma_wait3A_988 = tpu.memref_slice %arg4[%add3A_934, %dma_wait3A_987] : memref<51200x768xf32, #tpu.memory_space<hbm>> -> memref<32x768xf32, #tpu.memory_space<hbm>>
    %dma_wait3A_989 = arith.constant 0 : i32
    %dma_wait3A_990 = tpu.memref_slice %arg4[%add3A_934, %dma_wait3A_989] : memref<51200x768xf32, #tpu.memory_space<hbm>> -> memref<32x768xf32, #tpu.memory_space<hbm>>
    tpu.wait_dma2 semaphore(%arg19 : memref<!tpu.dma_semaphore, #tpu.memory_space<semaphore_mem>>) src(%arg9 : memref<32x768xf32, #tpu.memory_space<vmem>>) dst(%dma_wait3A_990 : memref<32x768xf32, #tpu.memory_space<hbm>>)
    %dma_start3A_991 = arith.constant 43 : i32
    %dma_start3A_992 = arith.constant 0 : i32
    %dma_start3A_993 = tpu.memref_slice %arg5[%dma_start3A_991, %dma_start3A_992] : memref<50x32xi32, #tpu.memory_space<vmem>> -> memref<1x32xi32, #tpu.memory_space<vmem>>
    %dma_start3A_994 = tpu.memref_squeeze %dma_start3A_993 : memref<1x32xi32, #tpu.memory_space<vmem>> -> memref<32xi32, #tpu.memory_space<vmem>>
    %dma_start3A_995 = arith.constant 0 : i32
    %dma_start3A_996 = arith.constant 0 : i32
    %dma_start3A_997 = tpu.memref_slice %arg3[%dma_start3A_995, %dma_start3A_996] : memref<32128x768xf32, #tpu.memory_space<hbm>> -> memref<32128x768xf32, #tpu.memory_space<hbm>>
    tpu.enqueue_indirect_dma source(%dma_start3A_997 : memref<32128x768xf32, #tpu.memory_space<hbm>>) target(%arg9 : memref<32x768xf32, #tpu.memory_space<vmem>>) offsets(%dma_start3A_994 : memref<32xi32, #tpu.memory_space<vmem>>) semaphore(%arg14 : memref<!tpu.dma_semaphore, #tpu.memory_space<semaphore_mem>>)
    %dma_wait3A_998 = arith.constant 41 : i32
    %dma_wait3A_999 = arith.constant 0 : i32
    %dma_wait3A_1000 = tpu.memref_slice %arg5[%dma_wait3A_998, %dma_wait3A_999] : memref<50x32xi32, #tpu.memory_space<vmem>> -> memref<1x32xi32, #tpu.memory_space<vmem>>
    %dma_wait3A_1001 = tpu.memref_squeeze %dma_wait3A_1000 : memref<1x32xi32, #tpu.memory_space<vmem>> -> memref<32xi32, #tpu.memory_space<vmem>>
    %dma_wait3A_1002 = arith.constant 0 : i32
    %dma_wait3A_1003 = arith.constant 0 : i32
    %dma_wait3A_1004 = tpu.memref_slice %arg3[%dma_wait3A_1002, %dma_wait3A_1003] : memref<32128x768xf32, #tpu.memory_space<hbm>> -> memref<32128x768xf32, #tpu.memory_space<hbm>>
    tpu.wait_indirect_dma semaphore(%arg12 : memref<!tpu.dma_semaphore, #tpu.memory_space<semaphore_mem>>) src(%dma_wait3A_1004 : memref<32128x768xf32, #tpu.memory_space<hbm>>) dst(%arg7 : memref<32x768xf32, #tpu.memory_space<vmem>>)
    %add3A_1005 = arith.constant 1312 : i32
    %add3A_1006 = arith.addi %mul3A_2, %add3A_1005 : i32
    %dma_start3A_1007 = arith.constant 0 : i32
    %dma_start3A_1008 = tpu.memref_slice %arg4[%add3A_1006, %dma_start3A_1007] : memref<51200x768xf32, #tpu.memory_space<hbm>> -> memref<32x768xf32, #tpu.memory_space<hbm>>
    %dma_start3A_1009 = arith.constant 0 : i32
    %dma_start3A_1010 = tpu.memref_slice %arg4[%add3A_1006, %dma_start3A_1009] : memref<51200x768xf32, #tpu.memory_space<hbm>> -> memref<32x768xf32, #tpu.memory_space<hbm>>
    tpu.enqueue_dma source(%arg7 : memref<32x768xf32, #tpu.memory_space<vmem>>) target(%dma_start3A_1010 : memref<32x768xf32, #tpu.memory_space<hbm>>) target_semaphore(%arg17 : memref<!tpu.dma_semaphore, #tpu.memory_space<semaphore_mem>>)
    %dma_wait3A_1011 = arith.constant 0 : i32
    %dma_wait3A_1012 = tpu.memref_slice %arg4[%add3A_958, %dma_wait3A_1011] : memref<51200x768xf32, #tpu.memory_space<hbm>> -> memref<32x768xf32, #tpu.memory_space<hbm>>
    %dma_wait3A_1013 = arith.constant 0 : i32
    %dma_wait3A_1014 = tpu.memref_slice %arg4[%add3A_958, %dma_wait3A_1013] : memref<51200x768xf32, #tpu.memory_space<hbm>> -> memref<32x768xf32, #tpu.memory_space<hbm>>
    tpu.wait_dma2 semaphore(%arg20 : memref<!tpu.dma_semaphore, #tpu.memory_space<semaphore_mem>>) src(%arg10 : memref<32x768xf32, #tpu.memory_space<vmem>>) dst(%dma_wait3A_1014 : memref<32x768xf32, #tpu.memory_space<hbm>>)
    %dma_start3A_1015 = arith.constant 44 : i32
    %dma_start3A_1016 = arith.constant 0 : i32
    %dma_start3A_1017 = tpu.memref_slice %arg5[%dma_start3A_1015, %dma_start3A_1016] : memref<50x32xi32, #tpu.memory_space<vmem>> -> memref<1x32xi32, #tpu.memory_space<vmem>>
    %dma_start3A_1018 = tpu.memref_squeeze %dma_start3A_1017 : memref<1x32xi32, #tpu.memory_space<vmem>> -> memref<32xi32, #tpu.memory_space<vmem>>
    %dma_start3A_1019 = arith.constant 0 : i32
    %dma_start3A_1020 = arith.constant 0 : i32
    %dma_start3A_1021 = tpu.memref_slice %arg3[%dma_start3A_1019, %dma_start3A_1020] : memref<32128x768xf32, #tpu.memory_space<hbm>> -> memref<32128x768xf32, #tpu.memory_space<hbm>>
    tpu.enqueue_indirect_dma source(%dma_start3A_1021 : memref<32128x768xf32, #tpu.memory_space<hbm>>) target(%arg10 : memref<32x768xf32, #tpu.memory_space<vmem>>) offsets(%dma_start3A_1018 : memref<32xi32, #tpu.memory_space<vmem>>) semaphore(%arg15 : memref<!tpu.dma_semaphore, #tpu.memory_space<semaphore_mem>>)
    %dma_wait3A_1022 = arith.constant 42 : i32
    %dma_wait3A_1023 = arith.constant 0 : i32
    %dma_wait3A_1024 = tpu.memref_slice %arg5[%dma_wait3A_1022, %dma_wait3A_1023] : memref<50x32xi32, #tpu.memory_space<vmem>> -> memref<1x32xi32, #tpu.memory_space<vmem>>
    %dma_wait3A_1025 = tpu.memref_squeeze %dma_wait3A_1024 : memref<1x32xi32, #tpu.memory_space<vmem>> -> memref<32xi32, #tpu.memory_space<vmem>>
    %dma_wait3A_1026 = arith.constant 0 : i32
    %dma_wait3A_1027 = arith.constant 0 : i32
    %dma_wait3A_1028 = tpu.memref_slice %arg3[%dma_wait3A_1026, %dma_wait3A_1027] : memref<32128x768xf32, #tpu.memory_space<hbm>> -> memref<32128x768xf32, #tpu.memory_space<hbm>>
    tpu.wait_indirect_dma semaphore(%arg13 : memref<!tpu.dma_semaphore, #tpu.memory_space<semaphore_mem>>) src(%dma_wait3A_1028 : memref<32128x768xf32, #tpu.memory_space<hbm>>) dst(%arg8 : memref<32x768xf32, #tpu.memory_space<vmem>>)
    %add3A_1029 = arith.constant 1344 : i32
    %add3A_1030 = arith.addi %mul3A_2, %add3A_1029 : i32
    %dma_start3A_1031 = arith.constant 0 : i32
    %dma_start3A_1032 = tpu.memref_slice %arg4[%add3A_1030, %dma_start3A_1031] : memref<51200x768xf32, #tpu.memory_space<hbm>> -> memref<32x768xf32, #tpu.memory_space<hbm>>
    %dma_start3A_1033 = arith.constant 0 : i32
    %dma_start3A_1034 = tpu.memref_slice %arg4[%add3A_1030, %dma_start3A_1033] : memref<51200x768xf32, #tpu.memory_space<hbm>> -> memref<32x768xf32, #tpu.memory_space<hbm>>
    tpu.enqueue_dma source(%arg8 : memref<32x768xf32, #tpu.memory_space<vmem>>) target(%dma_start3A_1034 : memref<32x768xf32, #tpu.memory_space<hbm>>) target_semaphore(%arg18 : memref<!tpu.dma_semaphore, #tpu.memory_space<semaphore_mem>>)
    %dma_wait3A_1035 = arith.constant 0 : i32
    %dma_wait3A_1036 = tpu.memref_slice %arg4[%add3A_982, %dma_wait3A_1035] : memref<51200x768xf32, #tpu.memory_space<hbm>> -> memref<32x768xf32, #tpu.memory_space<hbm>>
    %dma_wait3A_1037 = arith.constant 0 : i32
    %dma_wait3A_1038 = tpu.memref_slice %arg4[%add3A_982, %dma_wait3A_1037] : memref<51200x768xf32, #tpu.memory_space<hbm>> -> memref<32x768xf32, #tpu.memory_space<hbm>>
    tpu.wait_dma2 semaphore(%arg16 : memref<!tpu.dma_semaphore, #tpu.memory_space<semaphore_mem>>) src(%arg6 : memref<32x768xf32, #tpu.memory_space<vmem>>) dst(%dma_wait3A_1038 : memref<32x768xf32, #tpu.memory_space<hbm>>)
    %dma_start3A_1039 = arith.constant 45 : i32
    %dma_start3A_1040 = arith.constant 0 : i32
    %dma_start3A_1041 = tpu.memref_slice %arg5[%dma_start3A_1039, %dma_start3A_1040] : memref<50x32xi32, #tpu.memory_space<vmem>> -> memref<1x32xi32, #tpu.memory_space<vmem>>
    %dma_start3A_1042 = tpu.memref_squeeze %dma_start3A_1041 : memref<1x32xi32, #tpu.memory_space<vmem>> -> memref<32xi32, #tpu.memory_space<vmem>>
    %dma_start3A_1043 = arith.constant 0 : i32
    %dma_start3A_1044 = arith.constant 0 : i32
    %dma_start3A_1045 = tpu.memref_slice %arg3[%dma_start3A_1043, %dma_start3A_1044] : memref<32128x768xf32, #tpu.memory_space<hbm>> -> memref<32128x768xf32, #tpu.memory_space<hbm>>
    tpu.enqueue_indirect_dma source(%dma_start3A_1045 : memref<32128x768xf32, #tpu.memory_space<hbm>>) target(%arg6 : memref<32x768xf32, #tpu.memory_space<vmem>>) offsets(%dma_start3A_1042 : memref<32xi32, #tpu.memory_space<vmem>>) semaphore(%arg11 : memref<!tpu.dma_semaphore, #tpu.memory_space<semaphore_mem>>)
    %dma_wait3A_1046 = arith.constant 43 : i32
    %dma_wait3A_1047 = arith.constant 0 : i32
    %dma_wait3A_1048 = tpu.memref_slice %arg5[%dma_wait3A_1046, %dma_wait3A_1047] : memref<50x32xi32, #tpu.memory_space<vmem>> -> memref<1x32xi32, #tpu.memory_space<vmem>>
    %dma_wait3A_1049 = tpu.memref_squeeze %dma_wait3A_1048 : memref<1x32xi32, #tpu.memory_space<vmem>> -> memref<32xi32, #tpu.memory_space<vmem>>
    %dma_wait3A_1050 = arith.constant 0 : i32
    %dma_wait3A_1051 = arith.constant 0 : i32
    %dma_wait3A_1052 = tpu.memref_slice %arg3[%dma_wait3A_1050, %dma_wait3A_1051] : memref<32128x768xf32, #tpu.memory_space<hbm>> -> memref<32128x768xf32, #tpu.memory_space<hbm>>
    tpu.wait_indirect_dma semaphore(%arg14 : memref<!tpu.dma_semaphore, #tpu.memory_space<semaphore_mem>>) src(%dma_wait3A_1052 : memref<32128x768xf32, #tpu.memory_space<hbm>>) dst(%arg9 : memref<32x768xf32, #tpu.memory_space<vmem>>)
    %add3A_1053 = arith.constant 1376 : i32
    %add3A_1054 = arith.addi %mul3A_2, %add3A_1053 : i32
    %dma_start3A_1055 = arith.constant 0 : i32
    %dma_start3A_1056 = tpu.memref_slice %arg4[%add3A_1054, %dma_start3A_1055] : memref<51200x768xf32, #tpu.memory_space<hbm>> -> memref<32x768xf32, #tpu.memory_space<hbm>>
    %dma_start3A_1057 = arith.constant 0 : i32
    %dma_start3A_1058 = tpu.memref_slice %arg4[%add3A_1054, %dma_start3A_1057] : memref<51200x768xf32, #tpu.memory_space<hbm>> -> memref<32x768xf32, #tpu.memory_space<hbm>>
    tpu.enqueue_dma source(%arg9 : memref<32x768xf32, #tpu.memory_space<vmem>>) target(%dma_start3A_1058 : memref<32x768xf32, #tpu.memory_space<hbm>>) target_semaphore(%arg19 : memref<!tpu.dma_semaphore, #tpu.memory_space<semaphore_mem>>)
    %dma_wait3A_1059 = arith.constant 0 : i32
    %dma_wait3A_1060 = tpu.memref_slice %arg4[%add3A_1006, %dma_wait3A_1059] : memref<51200x768xf32, #tpu.memory_space<hbm>> -> memref<32x768xf32, #tpu.memory_space<hbm>>
    %dma_wait3A_1061 = arith.constant 0 : i32
    %dma_wait3A_1062 = tpu.memref_slice %arg4[%add3A_1006, %dma_wait3A_1061] : memref<51200x768xf32, #tpu.memory_space<hbm>> -> memref<32x768xf32, #tpu.memory_space<hbm>>
    tpu.wait_dma2 semaphore(%arg17 : memref<!tpu.dma_semaphore, #tpu.memory_space<semaphore_mem>>) src(%arg7 : memref<32x768xf32, #tpu.memory_space<vmem>>) dst(%dma_wait3A_1062 : memref<32x768xf32, #tpu.memory_space<hbm>>)
    %dma_start3A_1063 = arith.constant 46 : i32
    %dma_start3A_1064 = arith.constant 0 : i32
    %dma_start3A_1065 = tpu.memref_slice %arg5[%dma_start3A_1063, %dma_start3A_1064] : memref<50x32xi32, #tpu.memory_space<vmem>> -> memref<1x32xi32, #tpu.memory_space<vmem>>
    %dma_start3A_1066 = tpu.memref_squeeze %dma_start3A_1065 : memref<1x32xi32, #tpu.memory_space<vmem>> -> memref<32xi32, #tpu.memory_space<vmem>>
    %dma_start3A_1067 = arith.constant 0 : i32
    %dma_start3A_1068 = arith.constant 0 : i32
    %dma_start3A_1069 = tpu.memref_slice %arg3[%dma_start3A_1067, %dma_start3A_1068] : memref<32128x768xf32, #tpu.memory_space<hbm>> -> memref<32128x768xf32, #tpu.memory_space<hbm>>
    tpu.enqueue_indirect_dma source(%dma_start3A_1069 : memref<32128x768xf32, #tpu.memory_space<hbm>>) target(%arg7 : memref<32x768xf32, #tpu.memory_space<vmem>>) offsets(%dma_start3A_1066 : memref<32xi32, #tpu.memory_space<vmem>>) semaphore(%arg12 : memref<!tpu.dma_semaphore, #tpu.memory_space<semaphore_mem>>)
    %dma_wait3A_1070 = arith.constant 44 : i32
    %dma_wait3A_1071 = arith.constant 0 : i32
    %dma_wait3A_1072 = tpu.memref_slice %arg5[%dma_wait3A_1070, %dma_wait3A_1071] : memref<50x32xi32, #tpu.memory_space<vmem>> -> memref<1x32xi32, #tpu.memory_space<vmem>>
    %dma_wait3A_1073 = tpu.memref_squeeze %dma_wait3A_1072 : memref<1x32xi32, #tpu.memory_space<vmem>> -> memref<32xi32, #tpu.memory_space<vmem>>
    %dma_wait3A_1074 = arith.constant 0 : i32
    %dma_wait3A_1075 = arith.constant 0 : i32
    %dma_wait3A_1076 = tpu.memref_slice %arg3[%dma_wait3A_1074, %dma_wait3A_1075] : memref<32128x768xf32, #tpu.memory_space<hbm>> -> memref<32128x768xf32, #tpu.memory_space<hbm>>
    tpu.wait_indirect_dma semaphore(%arg15 : memref<!tpu.dma_semaphore, #tpu.memory_space<semaphore_mem>>) src(%dma_wait3A_1076 : memref<32128x768xf32, #tpu.memory_space<hbm>>) dst(%arg10 : memref<32x768xf32, #tpu.memory_space<vmem>>)
    %add3A_1077 = arith.constant 1408 : i32
    %add3A_1078 = arith.addi %mul3A_2, %add3A_1077 : i32
    %dma_start3A_1079 = arith.constant 0 : i32
    %dma_start3A_1080 = tpu.memref_slice %arg4[%add3A_1078, %dma_start3A_1079] : memref<51200x768xf32, #tpu.memory_space<hbm>> -> memref<32x768xf32, #tpu.memory_space<hbm>>
    %dma_start3A_1081 = arith.constant 0 : i32
    %dma_start3A_1082 = tpu.memref_slice %arg4[%add3A_1078, %dma_start3A_1081] : memref<51200x768xf32, #tpu.memory_space<hbm>> -> memref<32x768xf32, #tpu.memory_space<hbm>>
    tpu.enqueue_dma source(%arg10 : memref<32x768xf32, #tpu.memory_space<vmem>>) target(%dma_start3A_1082 : memref<32x768xf32, #tpu.memory_space<hbm>>) target_semaphore(%arg20 : memref<!tpu.dma_semaphore, #tpu.memory_space<semaphore_mem>>)
    %dma_wait3A_1083 = arith.constant 0 : i32
    %dma_wait3A_1084 = tpu.memref_slice %arg4[%add3A_1030, %dma_wait3A_1083] : memref<51200x768xf32, #tpu.memory_space<hbm>> -> memref<32x768xf32, #tpu.memory_space<hbm>>
    %dma_wait3A_1085 = arith.constant 0 : i32
    %dma_wait3A_1086 = tpu.memref_slice %arg4[%add3A_1030, %dma_wait3A_1085] : memref<51200x768xf32, #tpu.memory_space<hbm>> -> memref<32x768xf32, #tpu.memory_space<hbm>>
    tpu.wait_dma2 semaphore(%arg18 : memref<!tpu.dma_semaphore, #tpu.memory_space<semaphore_mem>>) src(%arg8 : memref<32x768xf32, #tpu.memory_space<vmem>>) dst(%dma_wait3A_1086 : memref<32x768xf32, #tpu.memory_space<hbm>>)
    %dma_start3A_1087 = arith.constant 47 : i32
    %dma_start3A_1088 = arith.constant 0 : i32
    %dma_start3A_1089 = tpu.memref_slice %arg5[%dma_start3A_1087, %dma_start3A_1088] : memref<50x32xi32, #tpu.memory_space<vmem>> -> memref<1x32xi32, #tpu.memory_space<vmem>>
    %dma_start3A_1090 = tpu.memref_squeeze %dma_start3A_1089 : memref<1x32xi32, #tpu.memory_space<vmem>> -> memref<32xi32, #tpu.memory_space<vmem>>
    %dma_start3A_1091 = arith.constant 0 : i32
    %dma_start3A_1092 = arith.constant 0 : i32
    %dma_start3A_1093 = tpu.memref_slice %arg3[%dma_start3A_1091, %dma_start3A_1092] : memref<32128x768xf32, #tpu.memory_space<hbm>> -> memref<32128x768xf32, #tpu.memory_space<hbm>>
    tpu.enqueue_indirect_dma source(%dma_start3A_1093 : memref<32128x768xf32, #tpu.memory_space<hbm>>) target(%arg8 : memref<32x768xf32, #tpu.memory_space<vmem>>) offsets(%dma_start3A_1090 : memref<32xi32, #tpu.memory_space<vmem>>) semaphore(%arg13 : memref<!tpu.dma_semaphore, #tpu.memory_space<semaphore_mem>>)
    %dma_wait3A_1094 = arith.constant 45 : i32
    %dma_wait3A_1095 = arith.constant 0 : i32
    %dma_wait3A_1096 = tpu.memref_slice %arg5[%dma_wait3A_1094, %dma_wait3A_1095] : memref<50x32xi32, #tpu.memory_space<vmem>> -> memref<1x32xi32, #tpu.memory_space<vmem>>
    %dma_wait3A_1097 = tpu.memref_squeeze %dma_wait3A_1096 : memref<1x32xi32, #tpu.memory_space<vmem>> -> memref<32xi32, #tpu.memory_space<vmem>>
    %dma_wait3A_1098 = arith.constant 0 : i32
    %dma_wait3A_1099 = arith.constant 0 : i32
    %dma_wait3A_1100 = tpu.memref_slice %arg3[%dma_wait3A_1098, %dma_wait3A_1099] : memref<32128x768xf32, #tpu.memory_space<hbm>> -> memref<32128x768xf32, #tpu.memory_space<hbm>>
    tpu.wait_indirect_dma semaphore(%arg11 : memref<!tpu.dma_semaphore, #tpu.memory_space<semaphore_mem>>) src(%dma_wait3A_1100 : memref<32128x768xf32, #tpu.memory_space<hbm>>) dst(%arg6 : memref<32x768xf32, #tpu.memory_space<vmem>>)
    %add3A_1101 = arith.constant 1440 : i32
    %add3A_1102 = arith.addi %mul3A_2, %add3A_1101 : i32
    %dma_start3A_1103 = arith.constant 0 : i32
    %dma_start3A_1104 = tpu.memref_slice %arg4[%add3A_1102, %dma_start3A_1103] : memref<51200x768xf32, #tpu.memory_space<hbm>> -> memref<32x768xf32, #tpu.memory_space<hbm>>
    %dma_start3A_1105 = arith.constant 0 : i32
    %dma_start3A_1106 = tpu.memref_slice %arg4[%add3A_1102, %dma_start3A_1105] : memref<51200x768xf32, #tpu.memory_space<hbm>> -> memref<32x768xf32, #tpu.memory_space<hbm>>
    tpu.enqueue_dma source(%arg6 : memref<32x768xf32, #tpu.memory_space<vmem>>) target(%dma_start3A_1106 : memref<32x768xf32, #tpu.memory_space<hbm>>) target_semaphore(%arg16 : memref<!tpu.dma_semaphore, #tpu.memory_space<semaphore_mem>>)
    %dma_wait3A_1107 = arith.constant 0 : i32
    %dma_wait3A_1108 = tpu.memref_slice %arg4[%add3A_1054, %dma_wait3A_1107] : memref<51200x768xf32, #tpu.memory_space<hbm>> -> memref<32x768xf32, #tpu.memory_space<hbm>>
    %dma_wait3A_1109 = arith.constant 0 : i32
    %dma_wait3A_1110 = tpu.memref_slice %arg4[%add3A_1054, %dma_wait3A_1109] : memref<51200x768xf32, #tpu.memory_space<hbm>> -> memref<32x768xf32, #tpu.memory_space<hbm>>
    tpu.wait_dma2 semaphore(%arg19 : memref<!tpu.dma_semaphore, #tpu.memory_space<semaphore_mem>>) src(%arg9 : memref<32x768xf32, #tpu.memory_space<vmem>>) dst(%dma_wait3A_1110 : memref<32x768xf32, #tpu.memory_space<hbm>>)
    %dma_start3A_1111 = arith.constant 48 : i32
    %dma_start3A_1112 = arith.constant 0 : i32
    %dma_start3A_1113 = tpu.memref_slice %arg5[%dma_start3A_1111, %dma_start3A_1112] : memref<50x32xi32, #tpu.memory_space<vmem>> -> memref<1x32xi32, #tpu.memory_space<vmem>>
    %dma_start3A_1114 = tpu.memref_squeeze %dma_start3A_1113 : memref<1x32xi32, #tpu.memory_space<vmem>> -> memref<32xi32, #tpu.memory_space<vmem>>
    %dma_start3A_1115 = arith.constant 0 : i32
    %dma_start3A_1116 = arith.constant 0 : i32
    %dma_start3A_1117 = tpu.memref_slice %arg3[%dma_start3A_1115, %dma_start3A_1116] : memref<32128x768xf32, #tpu.memory_space<hbm>> -> memref<32128x768xf32, #tpu.memory_space<hbm>>
    tpu.enqueue_indirect_dma source(%dma_start3A_1117 : memref<32128x768xf32, #tpu.memory_space<hbm>>) target(%arg9 : memref<32x768xf32, #tpu.memory_space<vmem>>) offsets(%dma_start3A_1114 : memref<32xi32, #tpu.memory_space<vmem>>) semaphore(%arg14 : memref<!tpu.dma_semaphore, #tpu.memory_space<semaphore_mem>>)
    %dma_wait3A_1118 = arith.constant 46 : i32
    %dma_wait3A_1119 = arith.constant 0 : i32
    %dma_wait3A_1120 = tpu.memref_slice %arg5[%dma_wait3A_1118, %dma_wait3A_1119] : memref<50x32xi32, #tpu.memory_space<vmem>> -> memref<1x32xi32, #tpu.memory_space<vmem>>
    %dma_wait3A_1121 = tpu.memref_squeeze %dma_wait3A_1120 : memref<1x32xi32, #tpu.memory_space<vmem>> -> memref<32xi32, #tpu.memory_space<vmem>>
    %dma_wait3A_1122 = arith.constant 0 : i32
    %dma_wait3A_1123 = arith.constant 0 : i32
    %dma_wait3A_1124 = tpu.memref_slice %arg3[%dma_wait3A_1122, %dma_wait3A_1123] : memref<32128x768xf32, #tpu.memory_space<hbm>> -> memref<32128x768xf32, #tpu.memory_space<hbm>>
    tpu.wait_indirect_dma semaphore(%arg12 : memref<!tpu.dma_semaphore, #tpu.memory_space<semaphore_mem>>) src(%dma_wait3A_1124 : memref<32128x768xf32, #tpu.memory_space<hbm>>) dst(%arg7 : memref<32x768xf32, #tpu.memory_space<vmem>>)
    %add3A_1125 = arith.constant 1472 : i32
    %add3A_1126 = arith.addi %mul3A_2, %add3A_1125 : i32
    %dma_start3A_1127 = arith.constant 0 : i32
    %dma_start3A_1128 = tpu.memref_slice %arg4[%add3A_1126, %dma_start3A_1127] : memref<51200x768xf32, #tpu.memory_space<hbm>> -> memref<32x768xf32, #tpu.memory_space<hbm>>
    %dma_start3A_1129 = arith.constant 0 : i32
    %dma_start3A_1130 = tpu.memref_slice %arg4[%add3A_1126, %dma_start3A_1129] : memref<51200x768xf32, #tpu.memory_space<hbm>> -> memref<32x768xf32, #tpu.memory_space<hbm>>
    tpu.enqueue_dma source(%arg7 : memref<32x768xf32, #tpu.memory_space<vmem>>) target(%dma_start3A_1130 : memref<32x768xf32, #tpu.memory_space<hbm>>) target_semaphore(%arg17 : memref<!tpu.dma_semaphore, #tpu.memory_space<semaphore_mem>>)
    %dma_wait3A_1131 = arith.constant 0 : i32
    %dma_wait3A_1132 = tpu.memref_slice %arg4[%add3A_1078, %dma_wait3A_1131] : memref<51200x768xf32, #tpu.memory_space<hbm>> -> memref<32x768xf32, #tpu.memory_space<hbm>>
    %dma_wait3A_1133 = arith.constant 0 : i32
    %dma_wait3A_1134 = tpu.memref_slice %arg4[%add3A_1078, %dma_wait3A_1133] : memref<51200x768xf32, #tpu.memory_space<hbm>> -> memref<32x768xf32, #tpu.memory_space<hbm>>
    tpu.wait_dma2 semaphore(%arg20 : memref<!tpu.dma_semaphore, #tpu.memory_space<semaphore_mem>>) src(%arg10 : memref<32x768xf32, #tpu.memory_space<vmem>>) dst(%dma_wait3A_1134 : memref<32x768xf32, #tpu.memory_space<hbm>>)
    %dma_start3A_1135 = arith.constant 49 : i32
    %dma_start3A_1136 = arith.constant 0 : i32
    %dma_start3A_1137 = tpu.memref_slice %arg5[%dma_start3A_1135, %dma_start3A_1136] : memref<50x32xi32, #tpu.memory_space<vmem>> -> memref<1x32xi32, #tpu.memory_space<vmem>>
    %dma_start3A_1138 = tpu.memref_squeeze %dma_start3A_1137 : memref<1x32xi32, #tpu.memory_space<vmem>> -> memref<32xi32, #tpu.memory_space<vmem>>
    %dma_start3A_1139 = arith.constant 0 : i32
    %dma_start3A_1140 = arith.constant 0 : i32
    %dma_start3A_1141 = tpu.memref_slice %arg3[%dma_start3A_1139, %dma_start3A_1140] : memref<32128x768xf32, #tpu.memory_space<hbm>> -> memref<32128x768xf32, #tpu.memory_space<hbm>>
    tpu.enqueue_indirect_dma source(%dma_start3A_1141 : memref<32128x768xf32, #tpu.memory_space<hbm>>) target(%arg10 : memref<32x768xf32, #tpu.memory_space<vmem>>) offsets(%dma_start3A_1138 : memref<32xi32, #tpu.memory_space<vmem>>) semaphore(%arg15 : memref<!tpu.dma_semaphore, #tpu.memory_space<semaphore_mem>>)
    %dma_wait3A_1142 = arith.constant 47 : i32
    %dma_wait3A_1143 = arith.constant 0 : i32
    %dma_wait3A_1144 = tpu.memref_slice %arg5[%dma_wait3A_1142, %dma_wait3A_1143] : memref<50x32xi32, #tpu.memory_space<vmem>> -> memref<1x32xi32, #tpu.memory_space<vmem>>
    %dma_wait3A_1145 = tpu.memref_squeeze %dma_wait3A_1144 : memref<1x32xi32, #tpu.memory_space<vmem>> -> memref<32xi32, #tpu.memory_space<vmem>>
    %dma_wait3A_1146 = arith.constant 0 : i32
    %dma_wait3A_1147 = arith.constant 0 : i32
    %dma_wait3A_1148 = tpu.memref_slice %arg3[%dma_wait3A_1146, %dma_wait3A_1147] : memref<32128x768xf32, #tpu.memory_space<hbm>> -> memref<32128x768xf32, #tpu.memory_space<hbm>>
    tpu.wait_indirect_dma semaphore(%arg13 : memref<!tpu.dma_semaphore, #tpu.memory_space<semaphore_mem>>) src(%dma_wait3A_1148 : memref<32128x768xf32, #tpu.memory_space<hbm>>) dst(%arg8 : memref<32x768xf32, #tpu.memory_space<vmem>>)
    %add3A_1149 = arith.constant 1504 : i32
    %add3A_1150 = arith.addi %mul3A_2, %add3A_1149 : i32
    %dma_start3A_1151 = arith.constant 0 : i32
    %dma_start3A_1152 = tpu.memref_slice %arg4[%add3A_1150, %dma_start3A_1151] : memref<51200x768xf32, #tpu.memory_space<hbm>> -> memref<32x768xf32, #tpu.memory_space<hbm>>
    %dma_start3A_1153 = arith.constant 0 : i32
    %dma_start3A_1154 = tpu.memref_slice %arg4[%add3A_1150, %dma_start3A_1153] : memref<51200x768xf32, #tpu.memory_space<hbm>> -> memref<32x768xf32, #tpu.memory_space<hbm>>
    tpu.enqueue_dma source(%arg8 : memref<32x768xf32, #tpu.memory_space<vmem>>) target(%dma_start3A_1154 : memref<32x768xf32, #tpu.memory_space<hbm>>) target_semaphore(%arg18 : memref<!tpu.dma_semaphore, #tpu.memory_space<semaphore_mem>>)
    %dma_wait3A_1155 = arith.constant 48 : i32
    %dma_wait3A_1156 = arith.constant 0 : i32
    %dma_wait3A_1157 = tpu.memref_slice %arg5[%dma_wait3A_1155, %dma_wait3A_1156] : memref<50x32xi32, #tpu.memory_space<vmem>> -> memref<1x32xi32, #tpu.memory_space<vmem>>
    %dma_wait3A_1158 = tpu.memref_squeeze %dma_wait3A_1157 : memref<1x32xi32, #tpu.memory_space<vmem>> -> memref<32xi32, #tpu.memory_space<vmem>>
    %dma_wait3A_1159 = arith.constant 0 : i32
    %dma_wait3A_1160 = arith.constant 0 : i32
    %dma_wait3A_1161 = tpu.memref_slice %arg3[%dma_wait3A_1159, %dma_wait3A_1160] : memref<32128x768xf32, #tpu.memory_space<hbm>> -> memref<32128x768xf32, #tpu.memory_space<hbm>>
    tpu.wait_indirect_dma semaphore(%arg14 : memref<!tpu.dma_semaphore, #tpu.memory_space<semaphore_mem>>) src(%dma_wait3A_1161 : memref<32128x768xf32, #tpu.memory_space<hbm>>) dst(%arg9 : memref<32x768xf32, #tpu.memory_space<vmem>>)
    %add3A_1162 = arith.constant 1536 : i32
    %add3A_1163 = arith.addi %mul3A_2, %add3A_1162 : i32
    %dma_start3A_1164 = arith.constant 0 : i32
    %dma_start3A_1165 = tpu.memref_slice %arg4[%add3A_1163, %dma_start3A_1164] : memref<51200x768xf32, #tpu.memory_space<hbm>> -> memref<32x768xf32, #tpu.memory_space<hbm>>
    %dma_start3A_1166 = arith.constant 0 : i32
    %dma_start3A_1167 = tpu.memref_slice %arg4[%add3A_1163, %dma_start3A_1166] : memref<51200x768xf32, #tpu.memory_space<hbm>> -> memref<32x768xf32, #tpu.memory_space<hbm>>
    tpu.enqueue_dma source(%arg9 : memref<32x768xf32, #tpu.memory_space<vmem>>) target(%dma_start3A_1167 : memref<32x768xf32, #tpu.memory_space<hbm>>) target_semaphore(%arg19 : memref<!tpu.dma_semaphore, #tpu.memory_space<semaphore_mem>>)
    %dma_wait3A_1168 = arith.constant 49 : i32
    %dma_wait3A_1169 = arith.constant 0 : i32
    %dma_wait3A_1170 = tpu.memref_slice %arg5[%dma_wait3A_1168, %dma_wait3A_1169] : memref<50x32xi32, #tpu.memory_space<vmem>> -> memref<1x32xi32, #tpu.memory_space<vmem>>
    %dma_wait3A_1171 = tpu.memref_squeeze %dma_wait3A_1170 : memref<1x32xi32, #tpu.memory_space<vmem>> -> memref<32xi32, #tpu.memory_space<vmem>>
    %dma_wait3A_1172 = arith.constant 0 : i32
    %dma_wait3A_1173 = arith.constant 0 : i32
    %dma_wait3A_1174 = tpu.memref_slice %arg3[%dma_wait3A_1172, %dma_wait3A_1173] : memref<32128x768xf32, #tpu.memory_space<hbm>> -> memref<32128x768xf32, #tpu.memory_space<hbm>>
    tpu.wait_indirect_dma semaphore(%arg15 : memref<!tpu.dma_semaphore, #tpu.memory_space<semaphore_mem>>) src(%dma_wait3A_1174 : memref<32128x768xf32, #tpu.memory_space<hbm>>) dst(%arg10 : memref<32x768xf32, #tpu.memory_space<vmem>>)
    %add3A_1175 = arith.constant 1568 : i32
    %add3A_1176 = arith.addi %mul3A_2, %add3A_1175 : i32
    %dma_start3A_1177 = arith.constant 0 : i32
    %dma_start3A_1178 = tpu.memref_slice %arg4[%add3A_1176, %dma_start3A_1177] : memref<51200x768xf32, #tpu.memory_space<hbm>> -> memref<32x768xf32, #tpu.memory_space<hbm>>
    %dma_start3A_1179 = arith.constant 0 : i32
    %dma_start3A_1180 = tpu.memref_slice %arg4[%add3A_1176, %dma_start3A_1179] : memref<51200x768xf32, #tpu.memory_space<hbm>> -> memref<32x768xf32, #tpu.memory_space<hbm>>
    tpu.enqueue_dma source(%arg10 : memref<32x768xf32, #tpu.memory_space<vmem>>) target(%dma_start3A_1180 : memref<32x768xf32, #tpu.memory_space<hbm>>) target_semaphore(%arg20 : memref<!tpu.dma_semaphore, #tpu.memory_space<semaphore_mem>>)
    %dma_wait3A_1181 = arith.constant 0 : i32
    %dma_wait3A_1182 = tpu.memref_slice %arg4[%add3A_1102, %dma_wait3A_1181] : memref<51200x768xf32, #tpu.memory_space<hbm>> -> memref<32x768xf32, #tpu.memory_space<hbm>>
    %dma_wait3A_1183 = arith.constant 0 : i32
    %dma_wait3A_1184 = tpu.memref_slice %arg4[%add3A_1102, %dma_wait3A_1183] : memref<51200x768xf32, #tpu.memory_space<hbm>> -> memref<32x768xf32, #tpu.memory_space<hbm>>
    tpu.wait_dma2 semaphore(%arg16 : memref<!tpu.dma_semaphore, #tpu.memory_space<semaphore_mem>>) src(%arg6 : memref<32x768xf32, #tpu.memory_space<vmem>>) dst(%dma_wait3A_1184 : memref<32x768xf32, #tpu.memory_space<hbm>>)
    %dma_wait3A_1185 = arith.constant 0 : i32
    %dma_wait3A_1186 = tpu.memref_slice %arg4[%add3A_1126, %dma_wait3A_1185] : memref<51200x768xf32, #tpu.memory_space<hbm>> -> memref<32x768xf32, #tpu.memory_space<hbm>>
    %dma_wait3A_1187 = arith.constant 0 : i32
    %dma_wait3A_1188 = tpu.memref_slice %arg4[%add3A_1126, %dma_wait3A_1187] : memref<51200x768xf32, #tpu.memory_space<hbm>> -> memref<32x768xf32, #tpu.memory_space<hbm>>
    tpu.wait_dma2 semaphore(%arg17 : memref<!tpu.dma_semaphore, #tpu.memory_space<semaphore_mem>>) src(%arg7 : memref<32x768xf32, #tpu.memory_space<vmem>>) dst(%dma_wait3A_1188 : memref<32x768xf32, #tpu.memory_space<hbm>>)
    %dma_wait3A_1189 = arith.constant 0 : i32
    %dma_wait3A_1190 = tpu.memref_slice %arg4[%add3A_1150, %dma_wait3A_1189] : memref<51200x768xf32, #tpu.memory_space<hbm>> -> memref<32x768xf32, #tpu.memory_space<hbm>>
    %dma_wait3A_1191 = arith.constant 0 : i32
    %dma_wait3A_1192 = tpu.memref_slice %arg4[%add3A_1150, %dma_wait3A_1191] : memref<51200x768xf32, #tpu.memory_space<hbm>> -> memref<32x768xf32, #tpu.memory_space<hbm>>
    tpu.wait_dma2 semaphore(%arg18 : memref<!tpu.dma_semaphore, #tpu.memory_space<semaphore_mem>>) src(%arg8 : memref<32x768xf32, #tpu.memory_space<vmem>>) dst(%dma_wait3A_1192 : memref<32x768xf32, #tpu.memory_space<hbm>>)
    %dma_wait3A_1193 = arith.constant 0 : i32
    %dma_wait3A_1194 = tpu.memref_slice %arg4[%add3A_1163, %dma_wait3A_1193] : memref<51200x768xf32, #tpu.memory_space<hbm>> -> memref<32x768xf32, #tpu.memory_space<hbm>>
    %dma_wait3A_1195 = arith.constant 0 : i32
    %dma_wait3A_1196 = tpu.memref_slice %arg4[%add3A_1163, %dma_wait3A_1195] : memref<51200x768xf32, #tpu.memory_space<hbm>> -> memref<32x768xf32, #tpu.memory_space<hbm>>
    tpu.wait_dma2 semaphore(%arg19 : memref<!tpu.dma_semaphore, #tpu.memory_space<semaphore_mem>>) src(%arg9 : memref<32x768xf32, #tpu.memory_space<vmem>>) dst(%dma_wait3A_1196 : memref<32x768xf32, #tpu.memory_space<hbm>>)
    %dma_wait3A_1197 = arith.constant 0 : i32
    %dma_wait3A_1198 = tpu.memref_slice %arg4[%add3A_1176, %dma_wait3A_1197] : memref<51200x768xf32, #tpu.memory_space<hbm>> -> memref<32x768xf32, #tpu.memory_space<hbm>>
    %dma_wait3A_1199 = arith.constant 0 : i32
    %dma_wait3A_1200 = tpu.memref_slice %arg4[%add3A_1176, %dma_wait3A_1199] : memref<51200x768xf32, #tpu.memory_space<hbm>> -> memref<32x768xf32, #tpu.memory_space<hbm>>
    tpu.wait_dma2 semaphore(%arg20 : memref<!tpu.dma_semaphore, #tpu.memory_space<semaphore_mem>>) src(%arg10 : memref<32x768xf32, #tpu.memory_space<vmem>>) dst(%dma_wait3A_1200 : memref<32x768xf32, #tpu.memory_space<hbm>>)
    return
  }
}

</mosaic_0001>

<sc_bundles>
// kernel: kernel.3.cloned.1.call-start
scs
__scs_entry_jumppad:
0x0: {  	(pc) =	sbr.rel $0x88, $3  }
0x1: {  	(tag) =	ssettag $0x0;
	lr =	simm.s32 $0x1  }
0x2: {  	[smem:$0x3F9F] =	sst lr;
	_ =	strace $0xD0000000  }
0x3: {  	_ = 	snop  }
0x4: {  	_ = 	snop  }
0x5: {  	_ = 	snop  }
0x6: {  	_ = 	snop  }
0x7: {  	_ = 	snop  }
__scs_overlays_trampoline_lowered:
0x8: {  	[smem:$0x3FAE] =	sst s0  }
0x9: {  	[smem:$0x3FAF] =	sst s1  }
0xa: {  	[smem:$0x3FB0] =	sst s2  }
0xb: {  	[smem:$0x3FB1] =	sst s3  }
0xc: {  	[smem:$0x3FB2] =	sst s4  }
0xd: {  	[smem:$0x3FB3] =	sst s5  }
0xe: {  	[smem:$0x3FB4] =	sst s6  }
0xf: {  	[smem:$0x3FB5] =	sst s7  }
0x10: {  	[smem:$0x3FB6] =	sst s8  }
0x11: {  	[smem:$0x3FB7] =	sst s9;
	s0 =	simm.s32 @!p0 $0x0  }
0x12: {  	s1 =	sld [smem:$0x3F9D];
	s0 =	simm.s32 @p0 $0x1  }
0x13: {  	[smem:$0x3FB8] =	sst s0;
	s0 =	simm.s32 @!p1 $0x0  }
0x14: {  	s2 =	sld [smem:$0x3F9C];
	s0 =	simm.s32 @p1 $0x1  }
0x15: {  	[smem:$0x3FB9] =	sst s0;
	s0 =	simm.s32 @!p2 $0x0  }
0x16: {  	s3 =	sld [smem:$0x3FDB];
	s0 =	simm.s32 @p2 $0x1  }
0x17: {  	s4 =	simm.s32 $0x1BF5;
	[smem:$0x3FBB] =	sst s0  }
0x18: {  	s0 =	sld [smem:$0x3F9E];
	_ =	swait.ge [sflag:s4], $0x0  }
0x19: {  	s7 =	sld [smem:$0x3F9F]  }
0x1a: {  	s8 =	sadd.s32 $0xFFFFE003, lr  }
0x1b: {  	s9 =	sadd.s32 $0xFFFFFEF7, lr;
	s5 =	simm.s32 $0xFFFFFFFF;
	p2 =	slt.u32 s8, $0xFFFFF086  }
0x1c: {  	p1 =	slt.u32 s9, $0xF7A;
	s5 =	simm.s32 @!p2 $0x0  }
0x1d: {  	s5 =	simm.s32 @p1 $0x1;
	p0 =	seq.s32 s7, s2  }
0x1e: {  	s7 =	smul.u32 @!p0 $0xF7A, s2;
	p2 =	seq.s32 @!p0 s5, $0x0  }
0x1f: {  	s9 =	smul.u32 $0xF7A, s1;
	s8 =	simm.s32 @!p0 $0x1BF5;
	p2 =	por !p2, p0  }
0x20: {  	[sflag:s8] =	ssyncset.s32 @!p0 $0xFFFFF086;
	s6 =	sadd.s32 @!p0 s3, s7;
	s7 =	simm.s32 @!p0 $0x108  }
0x21: {  	s3 =	sadd.s32 s3, s9;
	s6 =	sadd.s32 @!p0 $0x88, s6;
	s7 =	simm.s32 @p2 $0x1082  }
0x22: {  	[simem:s7], [sflag:s8] =	dma.local @!p0 [hbm:s6], $0xF7A  }
0x23: {  	s9 =	sor.u32 $0xD0000000, s2;
	s6 =	simm.s32 $0x108;
	_ =	swait.ge @!p0 [sflag:s8], $0x0  }
0x24: {  	s3 =	sadd.s32 $0x88, s3;
	s6 =	simm.s32 @!p1 $0x1082;
	[sflag:s4] =	ssyncset.s32 $0xFFFFF086  }
0x25: {  	[simem:s6], [sflag:s4] =	dma.local [hbm:s3], $0xF7A  }
0x26: {  	[smem:$0x3F9F] =	sst s1;
	(tag) =	ssettag s2;
	_ =	strace s9  }
0x27: {  	s1 =	sld [smem:$0x3FAF]  }
0x28: {  	s2 =	sld [smem:$0x3FB0]  }
0x29: {  	s4 =	sld [smem:$0x3FB2]  }
0x2a: {  	p0 =	seq.s32 s5, $0x0;
	s5 =	sld [smem:$0x3FB3]  }
0x2b: {  	s6 =	sld [smem:$0x3FB4]  }
0x2c: {  	s7 =	sld [smem:$0x3FB5]  }
0x2d: {  	s3 =	simm.s32 $0x108;
	s8 =	sld [smem:$0x3FB6]  }
0x2e: {  	s3 =	simm.s32 @!p0 $0x1082;
	s9 =	sld [smem:$0x3FB7]  }
0x2f: {  	lr =	sadd.s32 s0, s3;
	s0 =	sld [smem:$0x3FAE]  }
0x30: {  	s3 =	sld [smem:$0x3FB1]  }
0x31: {  	[smem:$0x3FBA] =	sst s10  }
0x32: {  	s10 =	sld [smem:$0x3FB8];
	_ =	sdelay $0x3  }
0x33: {  	p0 =	seq.s32 s10, $0x1;
	s10 =	sld [smem:$0x3FBA];
	_ =	sdelay $0x3  }
0x34: {  	[smem:$0x3FBA] =	sst s10  }
0x35: {  	s10 =	sld [smem:$0x3FB9];
	_ =	sdelay $0x3  }
0x36: {  	p1 =	seq.s32 s10, $0x1;
	s10 =	sld [smem:$0x3FBA];
	_ =	sdelay $0x3  }
0x37: {  	[smem:$0x3FBA] =	sst s10  }
0x38: {  	s10 =	sld [smem:$0x3FBB]  }
0x39: {  	_ = 	snop;
	(pc) =	sbr.ind lr, $3  }
0x3a: {  	_ = 	snop  }
0x3b: {  	_ = 	snop  }
0x3c: {  	p2 =	seq.s32 s10, $0x1;
	s10 =	sld [smem:$0x3FBA]  }
0x3d: {  	_ =	shalt  }
0x3e: {  	_ =	shalt  }
0x3f: {  	_ =	shalt  }
0x40: {  	_ =	shalt  }
0x41: {  	_ =	shalt  }
0x42: {  	_ =	shalt  }
0x43: {  	_ =	shalt  }
0x44: {  	_ =	shalt  }
0x45: {  	_ =	shalt  }
0x46: {  	_ =	shalt  }
0x47: {  	_ =	shalt  }
0x48: {  	_ =	shalt  }
0x49: {  	_ =	shalt  }
0x4a: {  	_ =	shalt  }
0x4b: {  	_ =	shalt  }
0x4c: {  	_ =	shalt  }
0x4d: {  	_ =	shalt  }
0x4e: {  	_ =	shalt  }
0x4f: {  	_ =	shalt  }
0x50: {  	_ =	shalt  }
0x51: {  	_ =	shalt  }
0x52: {  	_ =	shalt  }
0x53: {  	_ =	shalt  }
0x54: {  	_ =	shalt  }
0x55: {  	_ =	shalt  }
0x56: {  	_ =	shalt  }
0x57: {  	_ =	shalt  }
0x58: {  	_ =	shalt  }
0x59: {  	_ =	shalt  }
0x5a: {  	_ =	shalt  }
0x5b: {  	_ =	shalt  }
0x5c: {  	_ =	shalt  }
0x5d: {  	_ =	shalt  }
0x5e: {  	_ =	shalt  }
0x5f: {  	_ =	shalt  }
0x60: {  	_ =	shalt  }
0x61: {  	_ =	shalt  }
0x62: {  	_ =	shalt  }
0x63: {  	_ =	shalt  }
0x64: {  	_ =	shalt  }
0x65: {  	_ =	shalt  }
0x66: {  	_ =	shalt  }
0x67: {  	_ =	shalt  }
0x68: {  	_ =	shalt  }
0x69: {  	_ =	shalt  }
0x6a: {  	_ =	shalt  }
0x6b: {  	_ =	shalt  }
0x6c: {  	_ =	shalt  }
0x6d: {  	_ =	shalt  }
0x6e: {  	_ =	shalt  }
0x6f: {  	_ =	shalt  }
0x70: {  	_ =	shalt  }
0x71: {  	_ =	shalt  }
0x72: {  	_ =	shalt  }
0x73: {  	_ =	shalt  }
0x74: {  	_ =	shalt  }
0x75: {  	_ =	shalt  }
0x76: {  	_ =	shalt  }
0x77: {  	_ =	shalt  }
0x78: {  	_ =	shalt  }
0x79: {  	_ =	shalt  }
0x7a: {  	_ =	shalt  }
0x7b: {  	_ =	shalt  }
0x7c: {  	_ =	shalt  }
0x7d: {  	_ =	shalt  }
0x7e: {  	_ =	shalt  }
0x7f: {  	_ =	shalt  }
0x80: {  	_ =	shalt  }
0x81: {  	_ =	shalt  }
0x82: {  	_ =	shalt  }
0x83: {  	_ =	shalt  }
0x84: {  	_ =	shalt  }
0x85: {  	_ =	shalt  }
0x86: {  	_ =	shalt  }
0x87: {  	_ =	shalt  }
.Lfunc_end0:
.L_simem_size_0:
called_computation_lowered:
.L_overlay_start_0:
0x88: {  	s2 =	sld [smem:$0x3FD9]  }
0x89: {  	s3 =	sld [smem:$0x3FFE];
	_ =	sdelay $0x1  }
0x8a: {  	s1 =	srdreg.scid  }
0x8b: {  	s0 =	sand.u32 $0x1, s1  }
0x8c: {  	s17 =	sshll.u32 s0, $0xA;
	s2 =	sadd.s32 s3, s2  }
0x8d: {  	s2 =	sadd.s32 s2, s17  }
0x8e: {  	[smem:$0x3FC6] =	sst s2  }
0x8f: {  	_ = 	snop  }
0x90: {  	s2 =	sld [smem:$0x3FC8]  }
0x91: {  	s18 =	sld [smem:$0x3FD0];
	(tm) =	ssettm $0x1  }
0x92: {  	s4 =	sld [smem:$0x3FFB];
	_ =	sdelay $0x3  }
0x93: {  	_ =	strace s4  }
0x94: {  	s4 =	sld [smem:$0x3FFC];
	_ =	sdelay $0x3  }
0x95: {  	_ =	strace s4  }
0x96: {  	s4 =	sld [smem:$0x3FFD];
	_ =	sdelay $0x3  }
0x97: {  	_ =	strace s4  }
0x98: {  	_ =	strace $0x8FFFFFFF  }
0x99: {  	s19 =	sld [smem:$0x3FDB];
	_ =	sdelay $0x1  }
0x9a: {  	s5 =	simm.s32 $_scs_section_size  }
0x9b: {  	s6 =	simm.s32 $_size__tile_overlayer_lowered;
	s7 =	simm.s32 $_tile_overlayer_lowered  }
0x9c: {  	s22 =	simm.s32 $0x1BFF;
	s21 =	sshll.u32 s7, $0x1;
	s4 =	sadd.s32 s5, s19  }
0x9d: {  	s8 =	simm.s32 $0x0;
	s20 =	sshll.u32 s6, $0x1;
	s6 =	sadd.s32 s21, s4  }
0x9e: {  	[timem:s8], [sflag:s22] =	dma.local [hbm:s6], s20  }
0x9f: {  	_ =	swait.ge [sflag:s22], s20  }
0xa0: {  	s5 =	ssub.s32 $0x0, s20;
	[sflag:s22] =	ssyncset.done $0x0  }
0xa1: {  	[sflag:s22] =	ssyncadd.s32 s5;
	_ =	sdelay $0x1  }
0xa2: {  	s23 =	simm.s32 $0x1B8B  }
0xa3: {  	_ =	swait.ge [sflag:s23], $0x1  }
0xa4: {  	[sflag:s23] =	ssyncset.done $0x0  }
0xa5: {  	s25 =	simm.s32 $0x1B8E;
	s24 =	sld [smem:$0x3FFE];
	[sflag:s23] =	ssyncadd.s32 $0xFFFFFFFF  }
0xa6: {  	s26 =	simm.s32 $execute0_lowered;
	[smem:$0x3FD2] =	sst s25  }
0xa7: {  	s6 =	sshll.u32 s26, $0x1;
	_ =	strace $0x80000046;
	[dreg:$0x1] =	wrdreg $0xFFFFFFFF  }
0xa8: {  	s28 =	simm.s32 $_size_execute0_lowered;
	s4 =	sadd.s32 s4, s6;
	[dreg:$0x0] =	wrdreg $0x0  }
0xa9: {  	s6 =	sshll.u32 s28, $0x1;
	[dreg:$0x2] =	wrdreg s4  }
0xaa: {  	[dreg:$0x3] =	wrdreg s6  }
0xab: {  	[dreg:$0x4] =	wrdreg $0xC0  }
0xac: {  	_ =	task [dreg:s8], $0x5FFFF  }
0xad: {  	[dreg:$0x1] =	wrdreg $0xFFFFFFFF  }
0xae: {  	[dreg:$0x0] =	wrdreg $0x60  }
0xaf: {  	[dreg:$0x2] =	wrdreg s24  }
0xb0: {  	[dreg:$0x3] =	wrdreg s2  }
0xb1: {  	[dreg:$0x4] =	wrdreg s18  }
0xb2: {  	[dreg:$0x5] =	wrdreg $0x9  }
0xb3: {  	_ =	task.clear_ibuf [dreg:s8], $0x6FFFF;
	_ =	strace $0x90000046  }
0xb4: {  	s29 =	simm.s32 $0x9;
	_ =	strace $0x80000048  }
0xb5: {  	_ =	swait.ge [sflag:s29], $0x1  }
0xb6: {  	[sflag:s29] =	ssyncadd.s32 $0xFFFFFFFF  }
0xb7: {  	_ =	strace $0x90000048  }
0xb8: {  	_ =	sfence  }
0xb9: {  	s30 =	sld [smem:$0x0];
	_ =	sdelay $0x2  }
0xba: {  	s31 =	sshll.u32 s1, $0xD;
	s1 =	sshrl.u32 s1, $0x2  }
0xbb: {  	s3 =	sand.u32 $0x4000, s31;
	s1 =	sadd.s32 s1, s30  }
0xbc: {  	s0 =	sor.u32 s3, s0;
	s1 =	sshll.u32 s1, $0x11  }
0xbd: {  	s0 =	sor.u32 s1, s0  }
0xbe: {  	s0 =	sadd.s32 $0x8F2B, s0  }
0xbf: {  	[sflag:s0] =	ssyncadd.remote.s32 $0x1  }
0xc0: {  	_ =	sfence.sel $0xFFFF  }
0xc1: {  	[dreg:$0x0] =	wrdreg $0xFFFFFFFF;
	(pc) =	sbr.abs _section_cstart, $3  }
0xc2: {  	[dreg:$0x1] =	wrdreg $0xFFFFFFFF  }
0xc3: {  	_ =	task.clear_ibuf [dreg:s8], $0x2FFFF;
	_ =	strace $0x9FFFFFFF  }
0xc4: {  	(tm) =	ssettm $0x7FFFFFFF  }
0xc5: {  	_ =	shalt  }
tec
execute0_lowered:
.L_overlay_start_1:
0x0: {  	(tag) =	ssettag $0x1  }
0x1: {  	s0 =	srdreg.scid;
	s1 =	stileid.u32  }
0x2: {  	s0 =	sand.u32 $0x1, s0;
	s1 =	sshll.u32 s1, $0x1  }
0x3: {  	s1 =	sor.u32 s0, s1  }
0x4: {  	s3 =	smul.u32 $0x640, s1  }
0x5: {  	s4 =	rddreg [dreg:$0x0]  }
0x6: {  	s2 =	rddreg [dreg:$0x1];
	s1 =	smul.u32 $0x380, s1;
	s6 =	sshrl.u32 s3, $0x3  }
0x7: {  	s5 =	rddreg [dreg:$0x2];
	s3 =	simm.s32 $0x0;
	s7 =	smul.u32 $0x1800, s6  }
0x8: {  	s1 =	sadd.s32 s1, s4;
	[smem:$0x7FF] =	sst s3;
	s19 =	smul.u32 $0x300, s6  }
0x9: {  	s1 =	sadd.s32 $0x400, s1;
	_ =	strace $0x80000047;
	s20 =	sshrl.u32 s7, $0x3  }
0xa: {  	[dreg:$0x4] =	wrdreg s1;
	s6 =	sadd.s32 s5, s20;
	s5 =	sadd.s32 s5, s19  }
0xb: {  	s21 =	sadd.s32 $0xC00, s6;
	[smem:$0x7FC] =	sst s5  }
0xc: {  	s22 =	sadd.s32 $0x1800, s5;
	[dreg:$0x5] =	wrdreg s21  }
0xd: {  	s23 =	sadd.s32 $0x2400, s5;
	[dreg:$0x6] =	wrdreg s22  }
0xe: {  	s24 =	sadd.s32 $0x3000, s5;
	[dreg:$0x7] =	wrdreg s23  }
0xf: {  	s25 =	sadd.s32 $0x3C00, s5;
	[dreg:$0x8] =	wrdreg s24  }
0x10: {  	s26 =	sadd.s32 $0x4800, s5;
	[dreg:$0x9] =	wrdreg s25  }
0x11: {  	s4 =	sadd.s32 $0x5400, s5;
	[dreg:$0xa] =	wrdreg s26  }
0x12: {  	s6 =	sadd.s32 $0x6000, s5;
	[dreg:$0xb] =	wrdreg s4  }
0x13: {  	s7 =	sadd.s32 $0x6C00, s5;
	[dreg:$0xc] =	wrdreg s6  }
0x14: {  	s8 =	sadd.s32 $0x7800, s5;
	[dreg:$0xd] =	wrdreg s7  }
0x15: {  	s9 =	sadd.s32 $0x8400, s5;
	[dreg:$0xe] =	wrdreg s8  }
0x16: {  	s10 =	sadd.s32 $0x9000, s5;
	[dreg:$0xf] =	wrdreg s9  }
0x17: {  	s11 =	sadd.s32 $0x9C00, s5;
	[dreg:$0x10] =	wrdreg s10  }
0x18: {  	s12 =	sadd.s32 $0xA800, s5;
	[dreg:$0x11] =	wrdreg s11  }
0x19: {  	s13 =	sadd.s32 $0xB400, s5;
	[dreg:$0x12] =	wrdreg s12  }
0x1a: {  	s14 =	sadd.s32 $0xC000, s5;
	[dreg:$0x13] =	wrdreg s13  }
0x1b: {  	s15 =	sadd.s32 $0xCC00, s5;
	[dreg:$0x14] =	wrdreg s14  }
0x1c: {  	s16 =	sadd.s32 $0xD800, s5;
	[dreg:$0x15] =	wrdreg s15  }
0x1d: {  	s17 =	sadd.s32 $0xE400, s5;
	[dreg:$0x16] =	wrdreg s16  }
0x1e: {  	s18 =	sadd.s32 $0xF000, s5;
	[dreg:$0x17] =	wrdreg s17  }
0x1f: {  	s19 =	sadd.s32 $0xFC00, s5;
	[dreg:$0x18] =	wrdreg s18  }
0x20: {  	s20 =	sadd.s32 $0x10800, s5;
	[dreg:$0x19] =	wrdreg s19  }
0x21: {  	[dreg:$0x1a] =	wrdreg s20;
	s21 =	sadd.s32 $0x11400, s5  }
0x22: {  	s22 =	sadd.s32 $0x12000, s5;
	[dreg:$0x1b] =	wrdreg s21  }
0x23: {  	s23 =	sadd.s32 $0x12C00, s5;
	[dreg:$0x1c] =	wrdreg s22  }
0x24: {  	s24 =	sadd.s32 $0x13800, s5;
	[dreg:$0x1d] =	wrdreg s23  }
0x25: {  	s25 =	sadd.s32 $0x14400, s5;
	[dreg:$0x1e] =	wrdreg s24  }
0x26: {  	s26 =	sadd.s32 $0x15000, s5;
	[dreg:$0x1f] =	wrdreg s25  }
0x27: {  	s4 =	sadd.s32 $0x15C00, s5;
	[smem:$0x7E7] =	sst s26  }
0x28: {  	s6 =	sadd.s32 $0x16800, s5;
	[smem:$0x7E8] =	sst s4  }
0x29: {  	s7 =	sadd.s32 $0x17400, s5;
	[smem:$0x7E9] =	sst s6  }
0x2a: {  	s8 =	sadd.s32 $0x18000, s5;
	[smem:$0x7EA] =	sst s7  }
0x2b: {  	s9 =	sadd.s32 $0x18C00, s5;
	[smem:$0x7EB] =	sst s8  }
0x2c: {  	s10 =	sadd.s32 $0x19800, s5;
	[smem:$0x7EC] =	sst s9  }
0x2d: {  	s11 =	sadd.s32 $0x1A400, s5;
	[smem:$0x7ED] =	sst s10  }
0x2e: {  	s12 =	sadd.s32 $0x1B000, s5;
	[smem:$0x7EE] =	sst s11  }
0x2f: {  	s13 =	sadd.s32 $0x1BC00, s5;
	[smem:$0x7EF] =	sst s12  }
0x30: {  	s14 =	sadd.s32 $0x1C800, s5;
	[smem:$0x7F0] =	sst s13  }
0x31: {  	s28 =	simm.s32 $0x6;
	s15 =	sadd.s32 $0x1D400, s5;
	[smem:$0x7F1] =	sst s14  }
0x32: {  	s29 =	simm.s32 $0x4;
	s16 =	sadd.s32 $0x1E000, s5;
	[smem:$0x7F2] =	sst s15  }
0x33: {  	s30 =	simm.s32 $0x7;
	s17 =	sadd.s32 $0x1EC00, s5;
	[smem:$0x7F3] =	sst s16  }
0x34: {  	s31 =	simm.s32 $0x5;
	s18 =	sadd.s32 $0x1F800, s5;
	[smem:$0x7F4] =	sst s17  }
0x35: {  	s0 =	ssub.s32 $0x2, s0;
	s19 =	sadd.s32 $0x20400, s5;
	[smem:$0x7F5] =	sst s18  }
0x36: {  	s1 =	simm.s32 $0x8;
	s20 =	sadd.s32 $0x21000, s5;
	[smem:$0x7F6] =	sst s19  }
0x37: {  	[smem:$0x7F7] =	sst s20;
	s21 =	sadd.s32 $0x21C00, s5;
	s22 =	sadd.s32 $0x22800, s5  }
0x38: {  	s23 =	sadd.s32 $0x23400, s5;
	s24 =	sshrl.u32 s0, $0x1;
	[smem:$0x7F8] =	sst s21  }
0x39: {  	s25 =	sadd.s32 $0x24000, s5;
	s26 =	sadd.s32 $0x24C00, s5;
	[smem:$0x7F9] =	sst s22  }
0x3a: {  	s5 =	sadd.s32 $0x100, s2;
	s6 =	sadd.s32 $0x200, s2;
	[smem:$0x7FA] =	sst s23  }
0x3b: {  	v2 =	vlaneseq.u32;
	s10 =	simm.s32 $0x2;
	s4 =	simm.s32 $0xA;
	[smem:$0x7FB] =	sst s25  }
0x3c: {  	vm0 =	vmmov $0xffff;
	v1 =	vshrl.u32 v2, $0x3;
	s0 =	ssub.s32 s0, s24;
	[smem:$0x7FD] =	sst s26;
	s24 =	simm.s32 $0x1  }
0x3d: {  	v0 =	vand.u32 $0x7, v2;
	v2 =	vor.u32 $0x8, v2;
	v1 =	vmul.u32 $0x8, v1;
	s26 =	simm.s32 $0x3;
	s7 =	smax.u32 s0, $0x1;
	s0 =	simm.s32 $0x9  }
.LBB2_1:
0x3e: {  	[smem:$0x7E6] =	sst s7  }
0x3f: {  	s12 =	rddreg [dreg:$0x4];
	s9 =	simm.s32 $0xB  }
0x40: {  	[tilespmem:s3], [sflag:$0xB] =	stream.linear.gather [hbm4b:s12+s3], $0x1900, $0x38;
	[tilespmem:$0x1FC00] =	vst v63  }
0x41: {  	_ =	swait.ge [sflag:s9], $0x1900  }
0x42: {  	[sflag:s9] =	ssyncset.done $0x0  }
0x43: {  	[sflag:s9] =	ssyncadd.s32 $0xFFFFE700  }
0x44: {  	v3 =	vld [tilespmem:$0x0];
	_ =	sdelay $0x4  }
0x45: {  	v4 =	vshrl.u32 v3, $0x3  }
0x46: {  	v4 =	vmul.u32 $0x30, v4  }
0x47: {  	v3 =	vand.u32 $0x7, v3  }
0x48: {  	v3 =	vor.u32 v3, v4  }
0x49: {  	v4 =	vperm.xlane v3, v0;
	_ =	sdelay $0x1  }
0x4a: {  	v4 =	vadd.s32 v1, v4;
	_ =	sdelay $0x3  }
0x4b: {  	s11 =	simm.s32 $0x1C00;
	v3 =	vperm.xlane v3, v2  }
0x4c: {  	[tilespmem:s11], [sflag:$0x1] =	stream.indirect_vreg.gather [hbm4b:s2+s3], $0x80, v4, vm0, $0xb8;
	[tilespmem:$0x1FC00] =	vst v63  }
0x4d: {  	s12 =	simm.s32 $0x2400;
	v3 =	vadd.s32 v1, v3  }
0x4e: {  	[tilespmem:s12], [sflag:$0x1] =	stream.indirect_vreg.gather [hbm4b:s5+s3], $0x80, v4, vm0, $0xb8;
	[tilespmem:$0x1FC00] =	vst v63  }
0x4f: {  	s13 =	simm.s32 $0x2C00  }
0x50: {  	[tilespmem:s13], [sflag:$0x1] =	stream.indirect_vreg.gather [hbm4b:s6+s3], $0x80, v4, vm0, $0xb8;
	[tilespmem:$0x1FC00] =	vst v63  }
0x51: {  	s14 =	simm.s32 $0x3400  }
0x52: {  	[tilespmem:s14], [sflag:$0x1] =	stream.indirect_vreg.gather [hbm4b:s2+s3], $0x80, v3, vm0, $0xb8;
	[tilespmem:$0x1FC00] =	vst v63  }
0x53: {  	s16 =	simm.s32 $0x3C00  }
0x54: {  	[tilespmem:s16], [sflag:$0x1] =	stream.indirect_vreg.gather [hbm4b:s5+s3], $0x80, v3, vm0, $0xb8;
	[tilespmem:$0x1FC00] =	vst v63  }
0x55: {  	s17 =	simm.s32 $0x4400  }
0x56: {  	[tilespmem:s17], [sflag:$0x1] =	stream.indirect_vreg.gather [hbm4b:s6+s3], $0x80, v3, vm0, $0xb8;
	[tilespmem:$0x1FC00] =	vst v63  }
0x57: {  	v3 =	vld [tilespmem:$0x10];
	_ =	sdelay $0x4  }
0x58: {  	v21 =	vshrl.u32 v3, $0x3  }
0x59: {  	v4 =	vmul.u32 $0x30, v21  }
0x5a: {  	v3 =	vand.u32 $0x7, v3  }
0x5b: {  	v3 =	vor.u32 v3, v4  }
0x5c: {  	v4 =	vperm.xlane v3, v0;
	_ =	sdelay $0x1  }
0x5d: {  	v4 =	vadd.s32 v1, v4;
	_ =	sdelay $0x3  }
0x5e: {  	s19 =	simm.s32 $0x4C00;
	v3 =	vperm.xlane v3, v2  }
0x5f: {  	[tilespmem:s19], [sflag:$0x1] =	stream.indirect_vreg.gather [hbm4b:s2+s3], $0x80, v4, vm0, $0xb8;
	[tilespmem:$0x1FC00] =	vst v63  }
0x60: {  	s20 =	simm.s32 $0x5400;
	v3 =	vadd.s32 v1, v3  }
0x61: {  	[tilespmem:s20], [sflag:$0x1] =	stream.indirect_vreg.gather [hbm4b:s5+s3], $0x80, v4, vm0, $0xb8;
	[tilespmem:$0x1FC00] =	vst v63  }
0x62: {  	s21 =	simm.s32 $0x5C00  }
0x63: {  	[tilespmem:s21], [sflag:$0x1] =	stream.indirect_vreg.gather [hbm4b:s6+s3], $0x80, v4, vm0, $0xb8;
	[tilespmem:$0x1FC00] =	vst v63  }
0x64: {  	s22 =	simm.s32 $0x6400  }
0x65: {  	[tilespmem:s22], [sflag:$0x1] =	stream.indirect_vreg.gather [hbm4b:s2+s3], $0x80, v3, vm0, $0xb8;
	[tilespmem:$0x1FC00] =	vst v63  }
0x66: {  	s9 =	simm.s32 $0x6C00  }
0x67: {  	[tilespmem:s9], [sflag:$0x1] =	stream.indirect_vreg.gather [hbm4b:s5+s3], $0x80, v3, vm0, $0xb8;
	[tilespmem:$0x1FC00] =	vst v63  }
0x68: {  	s11 =	simm.s32 $0x7400  }
0x69: {  	[tilespmem:s11], [sflag:$0x1] =	stream.indirect_vreg.gather [hbm4b:s6+s3], $0x80, v3, vm0, $0xb8;
	[tilespmem:$0x1FC00] =	vst v63  }
0x6a: {  	v3 =	vld [tilespmem:$0x80];
	_ =	sdelay $0x4  }
0x6b: {  	v22 =	vshrl.u32 v3, $0x3  }
0x6c: {  	v4 =	vmul.u32 $0x30, v22  }
0x6d: {  	v3 =	vand.u32 $0x7, v3  }
0x6e: {  	v3 =	vor.u32 v3, v4  }
0x6f: {  	v4 =	vperm.xlane v3, v0;
	_ =	sdelay $0x1  }
0x70: {  	v4 =	vadd.s32 v1, v4;
	_ =	sdelay $0x3  }
0x71: {  	s12 =	simm.s32 $0x7C00;
	v3 =	vperm.xlane v3, v2  }
0x72: {  	[tilespmem:s12], [sflag:$0x2] =	stream.indirect_vreg.gather [hbm4b:s2+s3], $0x80, v4, vm0, $0xb8;
	[tilespmem:$0x1FC00] =	vst v63  }
0x73: {  	s20 =	simm.s32 $0x8400;
	v3 =	vadd.s32 v1, v3  }
0x74: {  	[tilespmem:s20], [sflag:$0x2] =	stream.indirect_vreg.gather [hbm4b:s5+s3], $0x80, v4, vm0, $0xb8;
	[tilespmem:$0x1FC00] =	vst v63  }
0x75: {  	s21 =	simm.s32 $0x8C00  }
0x76: {  	[tilespmem:s21], [sflag:$0x2] =	stream.indirect_vreg.gather [hbm4b:s6+s3], $0x80, v4, vm0, $0xb8;
	[tilespmem:$0x1FC00] =	vst v63  }
0x77: {  	s22 =	simm.s32 $0x9400  }
0x78: {  	[tilespmem:s22], [sflag:$0x2] =	stream.indirect_vreg.gather [hbm4b:s2+s3], $0x80, v3, vm0, $0xb8;
	[tilespmem:$0x1FC00] =	vst v63  }
0x79: {  	s12 =	simm.s32 $0x9C00  }
0x7a: {  	[tilespmem:s12], [sflag:$0x2] =	stream.indirect_vreg.gather [hbm4b:s5+s3], $0x80, v3, vm0, $0xb8;
	[tilespmem:$0x1FC00] =	vst v63  }
0x7b: {  	s20 =	simm.s32 $0xA400  }
0x7c: {  	[tilespmem:s20], [sflag:$0x2] =	stream.indirect_vreg.gather [hbm4b:s6+s3], $0x80, v3, vm0, $0xb8;
	[tilespmem:$0x1FC00] =	vst v63  }
0x7d: {  	v3 =	vld [tilespmem:$0x90];
	_ =	sdelay $0x4  }
0x7e: {  	v23 =	vshrl.u32 v3, $0x3  }
0x7f: {  	v4 =	vmul.u32 $0x30, v23  }
0x80: {  	v3 =	vand.u32 $0x7, v3  }
0x81: {  	v3 =	vor.u32 v3, v4  }
0x82: {  	v4 =	vperm.xlane v3, v0;
	_ =	sdelay $0x1  }
0x83: {  	v4 =	vadd.s32 v1, v4;
	_ =	sdelay $0x3  }
0x84: {  	s21 =	simm.s32 $0xAC00;
	v3 =	vperm.xlane v3, v2  }
0x85: {  	[tilespmem:s21], [sflag:$0x2] =	stream.indirect_vreg.gather [hbm4b:s2+s3], $0x80, v4, vm0, $0xb8;
	[tilespmem:$0x1FC00] =	vst v63  }
0x86: {  	s22 =	simm.s32 $0xB400;
	v3 =	vadd.s32 v1, v3  }
0x87: {  	[tilespmem:s22], [sflag:$0x2] =	stream.indirect_vreg.gather [hbm4b:s5+s3], $0x80, v4, vm0, $0xb8;
	[tilespmem:$0x1FC00] =	vst v63  }
0x88: {  	s12 =	simm.s32 $0xBC00  }
0x89: {  	[tilespmem:s12], [sflag:$0x2] =	stream.indirect_vreg.gather [hbm4b:s6+s3], $0x80, v4, vm0, $0xb8;
	[tilespmem:$0x1FC00] =	vst v63  }
0x8a: {  	s20 =	simm.s32 $0xC400  }
0x8b: {  	[tilespmem:s20], [sflag:$0x2] =	stream.indirect_vreg.gather [hbm4b:s2+s3], $0x80, v3, vm0, $0xb8;
	[tilespmem:$0x1FC00] =	vst v63  }
0x8c: {  	s21 =	simm.s32 $0xCC00  }
0x8d: {  	[tilespmem:s21], [sflag:$0x2] =	stream.indirect_vreg.gather [hbm4b:s5+s3], $0x80, v3, vm0, $0xb8;
	[tilespmem:$0x1FC00] =	vst v63  }
0x8e: {  	s22 =	simm.s32 $0xD400  }
0x8f: {  	[tilespmem:s22], [sflag:$0x2] =	stream.indirect_vreg.gather [hbm4b:s6+s3], $0x80, v3, vm0, $0xb8;
	[tilespmem:$0x1FC00] =	vst v63  }
0x90: {  	v3 =	vld [tilespmem:$0x100];
	_ =	sdelay $0x4  }
0x91: {  	v24 =	vshrl.u32 v3, $0x3  }
0x92: {  	v4 =	vmul.u32 $0x30, v24  }
0x93: {  	v3 =	vand.u32 $0x7, v3  }
0x94: {  	v3 =	vor.u32 v3, v4  }
0x95: {  	v4 =	vperm.xlane v3, v0;
	_ =	sdelay $0x1  }
0x96: {  	v4 =	vadd.s32 v1, v4;
	_ =	sdelay $0x3  }
0x97: {  	s12 =	simm.s32 $0xDC00;
	v3 =	vperm.xlane v3, v2  }
0x98: {  	[tilespmem:s12], [sflag:$0x3] =	stream.indirect_vreg.gather [hbm4b:s2+s3], $0x80, v4, vm0, $0xb8;
	[tilespmem:$0x1FC00] =	vst v63  }
0x99: {  	s20 =	simm.s32 $0xE400;
	v3 =	vadd.s32 v1, v3  }
0x9a: {  	[tilespmem:s20], [sflag:$0x3] =	stream.indirect_vreg.gather [hbm4b:s5+s3], $0x80, v4, vm0, $0xb8;
	[tilespmem:$0x1FC00] =	vst v63  }
0x9b: {  	s21 =	simm.s32 $0xEC00  }
0x9c: {  	[tilespmem:s21], [sflag:$0x3] =	stream.indirect_vreg.gather [hbm4b:s6+s3], $0x80, v4, vm0, $0xb8;
	[tilespmem:$0x1FC00] =	vst v63  }
0x9d: {  	s22 =	simm.s32 $0xF400  }
0x9e: {  	[tilespmem:s22], [sflag:$0x3] =	stream.indirect_vreg.gather [hbm4b:s2+s3], $0x80, v3, vm0, $0xb8;
	[tilespmem:$0x1FC00] =	vst v63  }
0x9f: {  	s12 =	simm.s32 $0xFC00  }
0xa0: {  	[tilespmem:s12], [sflag:$0x3] =	stream.indirect_vreg.gather [hbm4b:s5+s3], $0x80, v3, vm0, $0xb8;
	[tilespmem:$0x1FC00] =	vst v63  }
0xa1: {  	s20 =	simm.s32 $0x10400  }
0xa2: {  	[tilespmem:s20], [sflag:$0x3] =	stream.indirect_vreg.gather [hbm4b:s6+s3], $0x80, v3, vm0, $0xb8;
	[tilespmem:$0x1FC00] =	vst v63  }
0xa3: {  	v3 =	vld [tilespmem:$0x110];
	_ =	sdelay $0x4  }
0xa4: {  	v25 =	vshrl.u32 v3, $0x3  }
0xa5: {  	v4 =	vmul.u32 $0x30, v25  }
0xa6: {  	v3 =	vand.u32 $0x7, v3  }
0xa7: {  	v3 =	vor.u32 v3, v4  }
0xa8: {  	v4 =	vperm.xlane v3, v0;
	_ =	sdelay $0x1  }
0xa9: {  	v4 =	vadd.s32 v1, v4;
	_ =	sdelay $0x3  }
0xaa: {  	s21 =	simm.s32 $0x10C00;
	v3 =	vperm.xlane v3, v2  }
0xab: {  	[tilespmem:s21], [sflag:$0x3] =	stream.indirect_vreg.gather [hbm4b:s2+s3], $0x80, v4, vm0, $0xb8;
	[tilespmem:$0x1FC00] =	vst v63  }
0xac: {  	s22 =	simm.s32 $0x11400;
	v3 =	vadd.s32 v1, v3  }
0xad: {  	[tilespmem:s22], [sflag:$0x3] =	stream.indirect_vreg.gather [hbm4b:s5+s3], $0x80, v4, vm0, $0xb8;
	[tilespmem:$0x1FC00] =	vst v63  }
0xae: {  	s12 =	simm.s32 $0x11C00  }
0xaf: {  	[tilespmem:s12], [sflag:$0x3] =	stream.indirect_vreg.gather [hbm4b:s6+s3], $0x80, v4, vm0, $0xb8;
	[tilespmem:$0x1FC00] =	vst v63  }
0xb0: {  	s20 =	simm.s32 $0x12400  }
0xb1: {  	[tilespmem:s20], [sflag:$0x3] =	stream.indirect_vreg.gather [hbm4b:s2+s3], $0x80, v3, vm0, $0xb8;
	[tilespmem:$0x1FC00] =	vst v63  }
0xb2: {  	s21 =	simm.s32 $0x12C00  }
0xb3: {  	[tilespmem:s21], [sflag:$0x3] =	stream.indirect_vreg.gather [hbm4b:s5+s3], $0x80, v3, vm0, $0xb8;
	[tilespmem:$0x1FC00] =	vst v63  }
0xb4: {  	s22 =	simm.s32 $0x13400  }
0xb5: {  	[tilespmem:s22], [sflag:$0x3] =	stream.indirect_vreg.gather [hbm4b:s6+s3], $0x80, v3, vm0, $0xb8;
	[tilespmem:$0x1FC00] =	vst v63  }
0xb6: {  	_ =	swait.ge [sflag:s24], $0x6000  }
0xb7: {  	s7 =	sld [smem:$0x7FC]  }
0xb8: {  	[sflag:s24] =	ssyncset.done $0x0  }
0xb9: {  	s15 =	simm.s32 $0x1C00;
	[sflag:s24] =	ssyncadd.s32 $0xFFFFA000  }
0xba: {  	[hbm4b:s7+s3] =	stream.linear.scatter [tilespmem:s15], [sflag:$0x6], $0x6000, $0x38;
	[tilespmem:$0x1FC00] =	vst v63  }
0xbb: {  	v3 =	vld [tilespmem:$0x180];
	_ =	sdelay $0x4  }
0xbc: {  	v26 =	vshrl.u32 v3, $0x3  }
0xbd: {  	v4 =	vmul.u32 $0x30, v26  }
0xbe: {  	v3 =	vand.u32 $0x7, v3  }
0xbf: {  	v3 =	vor.u32 v3, v4  }
0xc0: {  	v4 =	vperm.xlane v3, v0;
	_ =	sdelay $0x1  }
0xc1: {  	v4 =	vadd.s32 v1, v4;
	_ =	sdelay $0x3  }
0xc2: {  	s12 =	simm.s32 $0x13C00;
	v3 =	vperm.xlane v3, v2  }
0xc3: {  	[tilespmem:s12], [sflag:$0x4] =	stream.indirect_vreg.gather [hbm4b:s2+s3], $0x80, v4, vm0, $0xb8;
	[tilespmem:$0x1FC00] =	vst v63  }
0xc4: {  	s15 =	simm.s32 $0x14400;
	v3 =	vadd.s32 v1, v3  }
0xc5: {  	[tilespmem:s15], [sflag:$0x4] =	stream.indirect_vreg.gather [hbm4b:s5+s3], $0x80, v4, vm0, $0xb8;
	[tilespmem:$0x1FC00] =	vst v63  }
0xc6: {  	s20 =	simm.s32 $0x14C00  }
0xc7: {  	[tilespmem:s20], [sflag:$0x4] =	stream.indirect_vreg.gather [hbm4b:s6+s3], $0x80, v4, vm0, $0xb8;
	[tilespmem:$0x1FC00] =	vst v63  }
0xc8: {  	s21 =	simm.s32 $0x15400  }
0xc9: {  	[tilespmem:s21], [sflag:$0x4] =	stream.indirect_vreg.gather [hbm4b:s2+s3], $0x80, v3, vm0, $0xb8;
	[tilespmem:$0x1FC00] =	vst v63  }
0xca: {  	s12 =	simm.s32 $0x15C00  }
0xcb: {  	[tilespmem:s12], [sflag:$0x4] =	stream.indirect_vreg.gather [hbm4b:s5+s3], $0x80, v3, vm0, $0xb8;
	[tilespmem:$0x1FC00] =	vst v63  }
0xcc: {  	s15 =	simm.s32 $0x16400  }
0xcd: {  	[tilespmem:s15], [sflag:$0x4] =	stream.indirect_vreg.gather [hbm4b:s6+s3], $0x80, v3, vm0, $0xb8;
	[tilespmem:$0x1FC00] =	vst v63  }
0xce: {  	v3 =	vld [tilespmem:$0x190];
	_ =	sdelay $0x4  }
0xcf: {  	v27 =	vshrl.u32 v3, $0x3  }
0xd0: {  	v4 =	vmul.u32 $0x30, v27  }
0xd1: {  	v3 =	vand.u32 $0x7, v3  }
0xd2: {  	v3 =	vor.u32 v3, v4  }
0xd3: {  	v4 =	vperm.xlane v3, v0;
	_ =	sdelay $0x1  }
0xd4: {  	v4 =	vadd.s32 v1, v4;
	_ =	sdelay $0x3  }
0xd5: {  	s20 =	simm.s32 $0x16C00;
	v3 =	vperm.xlane v3, v2  }
0xd6: {  	[tilespmem:s20], [sflag:$0x4] =	stream.indirect_vreg.gather [hbm4b:s2+s3], $0x80, v4, vm0, $0xb8;
	[tilespmem:$0x1FC00] =	vst v63  }
0xd7: {  	s21 =	simm.s32 $0x17400;
	v3 =	vadd.s32 v1, v3  }
0xd8: {  	[tilespmem:s21], [sflag:$0x4] =	stream.indirect_vreg.gather [hbm4b:s5+s3], $0x80, v4, vm0, $0xb8;
	[tilespmem:$0x1FC00] =	vst v63  }
0xd9: {  	s12 =	simm.s32 $0x17C00  }
0xda: {  	[tilespmem:s12], [sflag:$0x4] =	stream.indirect_vreg.gather [hbm4b:s6+s3], $0x80, v4, vm0, $0xb8;
	[tilespmem:$0x1FC00] =	vst v63  }
0xdb: {  	s20 =	simm.s32 $0x18400  }
0xdc: {  	[tilespmem:s20], [sflag:$0x4] =	stream.indirect_vreg.gather [hbm4b:s2+s3], $0x80, v3, vm0, $0xb8;
	[tilespmem:$0x1FC00] =	vst v63  }
0xdd: {  	s21 =	simm.s32 $0x18C00  }
0xde: {  	[tilespmem:s21], [sflag:$0x4] =	stream.indirect_vreg.gather [hbm4b:s5+s3], $0x80, v3, vm0, $0xb8;
	[tilespmem:$0x1FC00] =	vst v63  }
0xdf: {  	s12 =	simm.s32 $0x19400  }
0xe0: {  	[tilespmem:s12], [sflag:$0x4] =	stream.indirect_vreg.gather [hbm4b:s6+s3], $0x80, v3, vm0, $0xb8;
	[tilespmem:$0x1FC00] =	vst v63  }
0xe1: {  	_ =	swait.ge [sflag:s10], $0x6000  }
0xe2: {  	[sflag:s10] =	ssyncset.done $0x0  }
0xe3: {  	s11 =	simm.s32 $0x7C00;
	s20 =	rddreg [dreg:$0x5];
	[sflag:s10] =	ssyncadd.s32 $0xFFFFA000  }
0xe4: {  	[hbm4b:s20+s3] =	stream.linear.scatter [tilespmem:s11], [sflag:$0x7], $0x6000, $0x38;
	[tilespmem:$0x1FC00] =	vst v63  }
0xe5: {  	v3 =	vld [tilespmem:$0x200];
	_ =	sdelay $0x4  }
0xe6: {  	v28 =	vshrl.u32 v3, $0x3  }
0xe7: {  	v4 =	vmul.u32 $0x30, v28  }
0xe8: {  	v3 =	vand.u32 $0x7, v3  }
0xe9: {  	v3 =	vor.u32 v3, v4  }
0xea: {  	v4 =	vperm.xlane v3, v0;
	_ =	sdelay $0x1  }
0xeb: {  	v4 =	vadd.s32 v1, v4;
	_ =	sdelay $0x3  }
0xec: {  	s21 =	simm.s32 $0x19C00;
	v3 =	vperm.xlane v3, v2  }
0xed: {  	[tilespmem:s21], [sflag:$0x5] =	stream.indirect_vreg.gather [hbm4b:s2+s3], $0x80, v4, vm0, $0xb8;
	[tilespmem:$0x1FC00] =	vst v63  }
0xee: {  	s7 =	simm.s32 $0x1A400;
	v3 =	vadd.s32 v1, v3  }
0xef: {  	[tilespmem:s7], [sflag:$0x5] =	stream.indirect_vreg.gather [hbm4b:s5+s3], $0x80, v4, vm0, $0xb8;
	[tilespmem:$0x1FC00] =	vst v63  }
0xf0: {  	s21 =	simm.s32 $0x1AC00  }
0xf1: {  	[tilespmem:s21], [sflag:$0x5] =	stream.indirect_vreg.gather [hbm4b:s6+s3], $0x80, v4, vm0, $0xb8;
	[tilespmem:$0x1FC00] =	vst v63  }
0xf2: {  	s7 =	simm.s32 $0x1B400  }
0xf3: {  	[tilespmem:s7], [sflag:$0x5] =	stream.indirect_vreg.gather [hbm4b:s2+s3], $0x80, v3, vm0, $0xb8;
	[tilespmem:$0x1FC00] =	vst v63  }
0xf4: {  	s21 =	simm.s32 $0x1BC00  }
0xf5: {  	[tilespmem:s21], [sflag:$0x5] =	stream.indirect_vreg.gather [hbm4b:s5+s3], $0x80, v3, vm0, $0xb8;
	[tilespmem:$0x1FC00] =	vst v63  }
0xf6: {  	s7 =	simm.s32 $0x1C400  }
0xf7: {  	[tilespmem:s7], [sflag:$0x5] =	stream.indirect_vreg.gather [hbm4b:s6+s3], $0x80, v3, vm0, $0xb8;
	[tilespmem:$0x1FC00] =	vst v63  }
0xf8: {  	v3 =	vld [tilespmem:$0x210];
	_ =	sdelay $0x4  }
0xf9: {  	v29 =	vshrl.u32 v3, $0x3  }
0xfa: {  	v4 =	vmul.u32 $0x30, v29  }
0xfb: {  	v3 =	vand.u32 $0x7, v3  }
0xfc: {  	v3 =	vor.u32 v3, v4  }
0xfd: {  	v4 =	vperm.xlane v3, v0;
	_ =	sdelay $0x1  }
0xfe: {  	v4 =	vadd.s32 v1, v4;
	_ =	sdelay $0x3  }
0xff: {  	s21 =	simm.s32 $0x1CC00;
	v3 =	vperm.xlane v3, v2  }
0x100: {  	[tilespmem:s21], [sflag:$0x5] =	stream.indirect_vreg.gather [hbm4b:s2+s3], $0x80, v4, vm0, $0xb8;
	[tilespmem:$0x1FC00] =	vst v63  }
0x101: {  	s7 =	simm.s32 $0x1D400;
	v3 =	vadd.s32 v1, v3  }
0x102: {  	[tilespmem:s7], [sflag:$0x5] =	stream.indirect_vreg.gather [hbm4b:s5+s3], $0x80, v4, vm0, $0xb8;
	[tilespmem:$0x1FC00] =	vst v63  }
0x103: {  	s21 =	simm.s32 $0x1DC00  }
0x104: {  	[tilespmem:s21], [sflag:$0x5] =	stream.indirect_vreg.gather [hbm4b:s6+s3], $0x80, v4, vm0, $0xb8;
	[tilespmem:$0x1FC00] =	vst v63  }
0x105: {  	s7 =	simm.s32 $0x1E400  }
0x106: {  	[tilespmem:s7], [sflag:$0x5] =	stream.indirect_vreg.gather [hbm4b:s2+s3], $0x80, v3, vm0, $0xb8;
	[tilespmem:$0x1FC00] =	vst v63  }
0x107: {  	s21 =	simm.s32 $0x1EC00  }
0x108: {  	[tilespmem:s21], [sflag:$0x5] =	stream.indirect_vreg.gather [hbm4b:s5+s3], $0x80, v3, vm0, $0xb8;
	[tilespmem:$0x1FC00] =	vst v63  }
0x109: {  	s7 =	simm.s32 $0x1F400  }
0x10a: {  	[tilespmem:s7], [sflag:$0x5] =	stream.indirect_vreg.gather [hbm4b:s6+s3], $0x80, v3, vm0, $0xb8;
	[tilespmem:$0x1FC00] =	vst v63  }
0x10b: {  	_ =	swait.ge [sflag:s26], $0x6000  }
0x10c: {  	[sflag:s26] =	ssyncset.done $0x0  }
0x10d: {  	s7 =	simm.s32 $0xDC00;
	s21 =	rddreg [dreg:$0x6];
	[sflag:s26] =	ssyncadd.s32 $0xFFFFA000  }
0x10e: {  	[hbm4b:s21+s3] =	stream.linear.scatter [tilespmem:s7], [sflag:$0x8], $0x6000, $0x38;
	[tilespmem:$0x1FC00] =	vst v63  }
0x10f: {  	_ =	swait.ge [sflag:s28], $0x6000  }
0x110: {  	[sflag:s28] =	ssyncset.done $0x0  }
0x111: {  	[sflag:s28] =	ssyncadd.s32 $0xFFFFA000  }
0x112: {  	v3 =	vld [tilespmem:$0x280];
	_ =	sdelay $0x4  }
0x113: {  	v30 =	vshrl.u32 v3, $0x3  }
0x114: {  	v4 =	vmul.u32 $0x30, v30  }
0x115: {  	v3 =	vand.u32 $0x7, v3  }
0x116: {  	v3 =	vor.u32 v3, v4  }
0x117: {  	v4 =	vperm.xlane v3, v0;
	_ =	sdelay $0x1  }
0x118: {  	v4 =	vadd.s32 v1, v4;
	_ =	sdelay $0x3  }
0x119: {  	s22 =	simm.s32 $0x1C00;
	v3 =	vperm.xlane v3, v2  }
0x11a: {  	[tilespmem:s22], [sflag:$0x1] =	stream.indirect_vreg.gather [hbm4b:s2+s3], $0x80, v4, vm0, $0xb8;
	[tilespmem:$0x1FC00] =	vst v63  }
0x11b: {  	s18 =	simm.s32 $0x2400;
	v3 =	vadd.s32 v1, v3  }
0x11c: {  	[tilespmem:s18], [sflag:$0x1] =	stream.indirect_vreg.gather [hbm4b:s5+s3], $0x80, v4, vm0, $0xb8;
	[tilespmem:$0x1FC00] =	vst v63  }
0x11d: {  	s23 =	simm.s32 $0x2C00  }
0x11e: {  	[tilespmem:s23], [sflag:$0x1] =	stream.indirect_vreg.gather [hbm4b:s6+s3], $0x80, v4, vm0, $0xb8;
	[tilespmem:$0x1FC00] =	vst v63  }
0x11f: {  	s25 =	simm.s32 $0x3400  }
0x120: {  	[tilespmem:s25], [sflag:$0x1] =	stream.indirect_vreg.gather [hbm4b:s2+s3], $0x80, v3, vm0, $0xb8;
	[tilespmem:$0x1FC00] =	vst v63  }
0x121: {  	s25 =	simm.s32 $0x3C00  }
0x122: {  	[tilespmem:s25], [sflag:$0x1] =	stream.indirect_vreg.gather [hbm4b:s5+s3], $0x80, v3, vm0, $0xb8;
	[tilespmem:$0x1FC00] =	vst v63  }
0x123: {  	s8 =	simm.s32 $0x4400  }
0x124: {  	[tilespmem:s8], [sflag:$0x1] =	stream.indirect_vreg.gather [hbm4b:s6+s3], $0x80, v3, vm0, $0xb8;
	[tilespmem:$0x1FC00] =	vst v63  }
0x125: {  	v3 =	vld [tilespmem:$0x290];
	_ =	sdelay $0x4  }
0x126: {  	v31 =	vshrl.u32 v3, $0x3  }
0x127: {  	v4 =	vmul.u32 $0x30, v31  }
0x128: {  	v3 =	vand.u32 $0x7, v3  }
0x129: {  	v3 =	vor.u32 v3, v4  }
0x12a: {  	v4 =	vperm.xlane v3, v0;
	_ =	sdelay $0x1  }
0x12b: {  	v4 =	vadd.s32 v1, v4;
	_ =	sdelay $0x3  }
0x12c: {  	s13 =	simm.s32 $0x4C00;
	v3 =	vperm.xlane v3, v2  }
0x12d: {  	[tilespmem:s13], [sflag:$0x1] =	stream.indirect_vreg.gather [hbm4b:s2+s3], $0x80, v4, vm0, $0xb8;
	[tilespmem:$0x1FC00] =	vst v63  }
0x12e: {  	s14 =	simm.s32 $0x5400;
	v3 =	vadd.s32 v1, v3  }
0x12f: {  	[tilespmem:s14], [sflag:$0x1] =	stream.indirect_vreg.gather [hbm4b:s5+s3], $0x80, v4, vm0, $0xb8;
	[tilespmem:$0x1FC00] =	vst v63  }
0x130: {  	s16 =	simm.s32 $0x5C00  }
0x131: {  	[tilespmem:s16], [sflag:$0x1] =	stream.indirect_vreg.gather [hbm4b:s6+s3], $0x80, v4, vm0, $0xb8;
	[tilespmem:$0x1FC00] =	vst v63  }
0x132: {  	s17 =	simm.s32 $0x6400  }
0x133: {  	[tilespmem:s17], [sflag:$0x1] =	stream.indirect_vreg.gather [hbm4b:s2+s3], $0x80, v3, vm0, $0xb8;
	[tilespmem:$0x1FC00] =	vst v63  }
0x134: {  	s19 =	simm.s32 $0x6C00  }
0x135: {  	[tilespmem:s19], [sflag:$0x1] =	stream.indirect_vreg.gather [hbm4b:s5+s3], $0x80, v3, vm0, $0xb8;
	[tilespmem:$0x1FC00] =	vst v63  }
0x136: {  	s9 =	simm.s32 $0x7400  }
0x137: {  	[tilespmem:s9], [sflag:$0x1] =	stream.indirect_vreg.gather [hbm4b:s6+s3], $0x80, v3, vm0, $0xb8;
	[tilespmem:$0x1FC00] =	vst v63  }
0x138: {  	_ =	swait.ge [sflag:s29], $0x6000  }
0x139: {  	[sflag:s29] =	ssyncset.done $0x0  }
0x13a: {  	s22 =	simm.s32 $0x13C00;
	s18 =	rddreg [dreg:$0x7];
	[sflag:s29] =	ssyncadd.s32 $0xFFFFA000  }
0x13b: {  	[hbm4b:s18+s3] =	stream.linear.scatter [tilespmem:s22], [sflag:$0x9], $0x6000, $0x38;
	[tilespmem:$0x1FC00] =	vst v63  }
0x13c: {  	_ =	swait.ge [sflag:s30], $0x6000  }
0x13d: {  	[sflag:s30] =	ssyncset.done $0x0  }
0x13e: {  	[sflag:s30] =	ssyncadd.s32 $0xFFFFA000  }
0x13f: {  	v3 =	vld [tilespmem:$0x300];
	_ =	sdelay $0x4  }
0x140: {  	v32 =	vshrl.u32 v3, $0x3  }
0x141: {  	v4 =	vmul.u32 $0x30, v32  }
0x142: {  	v3 =	vand.u32 $0x7, v3  }
0x143: {  	v3 =	vor.u32 v3, v4  }
0x144: {  	v4 =	vperm.xlane v3, v0;
	_ =	sdelay $0x1  }
0x145: {  	v4 =	vadd.s32 v1, v4;
	_ =	sdelay $0x3  }
0x146: {  	s20 =	simm.s32 $0x7C00;
	v3 =	vperm.xlane v3, v2  }
0x147: {  	[tilespmem:s20], [sflag:$0x2] =	stream.indirect_vreg.gather [hbm4b:s2+s3], $0x80, v4, vm0, $0xb8;
	[tilespmem:$0x1FC00] =	vst v63  }
0x148: {  	s19 =	simm.s32 $0x8400;
	v3 =	vadd.s32 v1, v3  }
0x149: {  	[tilespmem:s19], [sflag:$0x2] =	stream.indirect_vreg.gather [hbm4b:s5+s3], $0x80, v4, vm0, $0xb8;
	[tilespmem:$0x1FC00] =	vst v63  }
0x14a: {  	s23 =	simm.s32 $0x8C00  }
0x14b: {  	[tilespmem:s23], [sflag:$0x2] =	stream.indirect_vreg.gather [hbm4b:s6+s3], $0x80, v4, vm0, $0xb8;
	[tilespmem:$0x1FC00] =	vst v63  }
0x14c: {  	s25 =	simm.s32 $0x9400  }
0x14d: {  	[tilespmem:s25], [sflag:$0x2] =	stream.indirect_vreg.gather [hbm4b:s2+s3], $0x80, v3, vm0, $0xb8;
	[tilespmem:$0x1FC00] =	vst v63  }
0x14e: {  	s9 =	simm.s32 $0x9C00  }
0x14f: {  	[tilespmem:s9], [sflag:$0x2] =	stream.indirect_vreg.gather [hbm4b:s5+s3], $0x80, v3, vm0, $0xb8;
	[tilespmem:$0x1FC00] =	vst v63  }
0x150: {  	s12 =	simm.s32 $0xA400  }
0x151: {  	[tilespmem:s12], [sflag:$0x2] =	stream.indirect_vreg.gather [hbm4b:s6+s3], $0x80, v3, vm0, $0xb8;
	[tilespmem:$0x1FC00] =	vst v63  }
0x152: {  	v3 =	vld [tilespmem:$0x310];
	_ =	sdelay $0x4  }
0x153: {  	v33 =	vshrl.u32 v3, $0x3  }
0x154: {  	v4 =	vmul.u32 $0x30, v33  }
0x155: {  	v3 =	vand.u32 $0x7, v3  }
0x156: {  	v3 =	vor.u32 v3, v4  }
0x157: {  	v4 =	vperm.xlane v3, v0;
	_ =	sdelay $0x1  }
0x158: {  	v4 =	vadd.s32 v1, v4;
	_ =	sdelay $0x3  }
0x159: {  	s13 =	simm.s32 $0xAC00;
	v3 =	vperm.xlane v3, v2  }
0x15a: {  	[tilespmem:s13], [sflag:$0x2] =	stream.indirect_vreg.gather [hbm4b:s2+s3], $0x80, v4, vm0, $0xb8;
	[tilespmem:$0x1FC00] =	vst v63  }
0x15b: {  	s14 =	simm.s32 $0xB400;
	v3 =	vadd.s32 v1, v3  }
0x15c: {  	[tilespmem:s14], [sflag:$0x2] =	stream.indirect_vreg.gather [hbm4b:s5+s3], $0x80, v4, vm0, $0xb8;
	[tilespmem:$0x1FC00] =	vst v63  }
0x15d: {  	s16 =	simm.s32 $0xBC00  }
0x15e: {  	[tilespmem:s16], [sflag:$0x2] =	stream.indirect_vreg.gather [hbm4b:s6+s3], $0x80, v4, vm0, $0xb8;
	[tilespmem:$0x1FC00] =	vst v63  }
0x15f: {  	s17 =	simm.s32 $0xC400  }
0x160: {  	[tilespmem:s17], [sflag:$0x2] =	stream.indirect_vreg.gather [hbm4b:s2+s3], $0x80, v3, vm0, $0xb8;
	[tilespmem:$0x1FC00] =	vst v63  }
0x161: {  	s18 =	simm.s32 $0xCC00  }
0x162: {  	[tilespmem:s18], [sflag:$0x2] =	stream.indirect_vreg.gather [hbm4b:s5+s3], $0x80, v3, vm0, $0xb8;
	[tilespmem:$0x1FC00] =	vst v63  }
0x163: {  	s19 =	simm.s32 $0xD400  }
0x164: {  	[tilespmem:s19], [sflag:$0x2] =	stream.indirect_vreg.gather [hbm4b:s6+s3], $0x80, v3, vm0, $0xb8;
	[tilespmem:$0x1FC00] =	vst v63  }
0x165: {  	_ =	swait.ge [sflag:s31], $0x6000  }
0x166: {  	[sflag:s31] =	ssyncset.done $0x0  }
0x167: {  	s11 =	simm.s32 $0x19C00;
	s23 =	rddreg [dreg:$0x8];
	[sflag:s31] =	ssyncadd.s32 $0xFFFFA000  }
0x168: {  	[hbm4b:s23+s3] =	stream.linear.scatter [tilespmem:s11], [sflag:$0xA], $0x6000, $0x38;
	[tilespmem:$0x1FC00] =	vst v63  }
0x169: {  	_ =	swait.ge [sflag:s1], $0x6000  }
0x16a: {  	[sflag:s1] =	ssyncset.done $0x0  }
0x16b: {  	[sflag:s1] =	ssyncadd.s32 $0xFFFFA000  }
0x16c: {  	v3 =	vld [tilespmem:$0x380];
	_ =	sdelay $0x4  }
0x16d: {  	v34 =	vshrl.u32 v3, $0x3  }
0x16e: {  	v4 =	vmul.u32 $0x30, v34  }
0x16f: {  	v3 =	vand.u32 $0x7, v3  }
0x170: {  	v3 =	vor.u32 v3, v4  }
0x171: {  	v4 =	vperm.xlane v3, v0;
	_ =	sdelay $0x1  }
0x172: {  	v4 =	vadd.s32 v1, v4;
	_ =	sdelay $0x3  }
0x173: {  	v3 =	vperm.xlane v3, v2  }
0x174: {  	[tilespmem:s7], [sflag:$0x3] =	stream.indirect_vreg.gather [hbm4b:s2+s3], $0x80, v4, vm0, $0xb8;
	[tilespmem:$0x1FC00] =	vst v63  }
0x175: {  	s25 =	simm.s32 $0xE400;
	v3 =	vadd.s32 v1, v3  }
0x176: {  	[tilespmem:s25], [sflag:$0x3] =	stream.indirect_vreg.gather [hbm4b:s5+s3], $0x80, v4, vm0, $0xb8;
	[tilespmem:$0x1FC00] =	vst v63  }
0x177: {  	s9 =	simm.s32 $0xEC00  }
0x178: {  	[tilespmem:s9], [sflag:$0x3] =	stream.indirect_vreg.gather [hbm4b:s6+s3], $0x80, v4, vm0, $0xb8;
	[tilespmem:$0x1FC00] =	vst v63  }
0x179: {  	s12 =	simm.s32 $0xF400  }
0x17a: {  	[tilespmem:s12], [sflag:$0x3] =	stream.indirect_vreg.gather [hbm4b:s2+s3], $0x80, v3, vm0, $0xb8;
	[tilespmem:$0x1FC00] =	vst v63  }
0x17b: {  	s13 =	simm.s32 $0xFC00  }
0x17c: {  	[tilespmem:s13], [sflag:$0x3] =	stream.indirect_vreg.gather [hbm4b:s5+s3], $0x80, v3, vm0, $0xb8;
	[tilespmem:$0x1FC00] =	vst v63  }
0x17d: {  	s14 =	simm.s32 $0x10400  }
0x17e: {  	[tilespmem:s14], [sflag:$0x3] =	stream.indirect_vreg.gather [hbm4b:s6+s3], $0x80, v3, vm0, $0xb8;
	[tilespmem:$0x1FC00] =	vst v63  }
0x17f: {  	v3 =	vld [tilespmem:$0x390];
	_ =	sdelay $0x4  }
0x180: {  	v35 =	vshrl.u32 v3, $0x3  }
0x181: {  	v4 =	vmul.u32 $0x30, v35  }
0x182: {  	v3 =	vand.u32 $0x7, v3  }
0x183: {  	v3 =	vor.u32 v3, v4  }
0x184: {  	v4 =	vperm.xlane v3, v0;
	_ =	sdelay $0x1  }
0x185: {  	v4 =	vadd.s32 v1, v4;
	_ =	sdelay $0x3  }
0x186: {  	s16 =	simm.s32 $0x10C00;
	v3 =	vperm.xlane v3, v2  }
0x187: {  	[tilespmem:s16], [sflag:$0x3] =	stream.indirect_vreg.gather [hbm4b:s2+s3], $0x80, v4, vm0, $0xb8;
	[tilespmem:$0x1FC00] =	vst v63  }
0x188: {  	s17 =	simm.s32 $0x11400;
	v3 =	vadd.s32 v1, v3  }
0x189: {  	[tilespmem:s17], [sflag:$0x3] =	stream.indirect_vreg.gather [hbm4b:s5+s3], $0x80, v4, vm0, $0xb8;
	[tilespmem:$0x1FC00] =	vst v63  }
0x18a: {  	s19 =	simm.s32 $0x11C00  }
0x18b: {  	[tilespmem:s19], [sflag:$0x3] =	stream.indirect_vreg.gather [hbm4b:s6+s3], $0x80, v4, vm0, $0xb8;
	[tilespmem:$0x1FC00] =	vst v63  }
0x18c: {  	s18 =	simm.s32 $0x12400  }
0x18d: {  	[tilespmem:s18], [sflag:$0x3] =	stream.indirect_vreg.gather [hbm4b:s2+s3], $0x80, v3, vm0, $0xb8;
	[tilespmem:$0x1FC00] =	vst v63  }
0x18e: {  	s25 =	simm.s32 $0x12C00  }
0x18f: {  	[tilespmem:s25], [sflag:$0x3] =	stream.indirect_vreg.gather [hbm4b:s5+s3], $0x80, v3, vm0, $0xb8;
	[tilespmem:$0x1FC00] =	vst v63  }
0x190: {  	s23 =	simm.s32 $0x13400  }
0x191: {  	[tilespmem:s23], [sflag:$0x3] =	stream.indirect_vreg.gather [hbm4b:s6+s3], $0x80, v3, vm0, $0xb8;
	[tilespmem:$0x1FC00] =	vst v63  }
0x192: {  	_ =	swait.ge [sflag:s24], $0x6000  }
0x193: {  	[sflag:s24] =	ssyncset.done $0x0  }
0x194: {  	s21 =	simm.s32 $0x1C00;
	s9 =	rddreg [dreg:$0x9];
	[sflag:s24] =	ssyncadd.s32 $0xFFFFA000  }
0x195: {  	[hbm4b:s9+s3] =	stream.linear.scatter [tilespmem:s21], [sflag:$0x6], $0x6000, $0x38;
	[tilespmem:$0x1FC00] =	vst v63  }
0x196: {  	_ =	swait.ge [sflag:s0], $0x6000  }
0x197: {  	[sflag:s0] =	ssyncset.done $0x0  }
0x198: {  	[sflag:s0] =	ssyncadd.s32 $0xFFFFA000  }
0x199: {  	v3 =	vld [tilespmem:$0x400];
	_ =	sdelay $0x4  }
0x19a: {  	v36 =	vshrl.u32 v3, $0x3  }
0x19b: {  	v4 =	vmul.u32 $0x30, v36  }
0x19c: {  	v3 =	vand.u32 $0x7, v3  }
0x19d: {  	v3 =	vor.u32 v3, v4  }
0x19e: {  	v4 =	vperm.xlane v3, v0;
	_ =	sdelay $0x1  }
0x19f: {  	v4 =	vadd.s32 v1, v4;
	_ =	sdelay $0x3  }
0x1a0: {  	v3 =	vperm.xlane v3, v2  }
0x1a1: {  	[tilespmem:s22], [sflag:$0x4] =	stream.indirect_vreg.gather [hbm4b:s2+s3], $0x80, v4, vm0, $0xb8;
	[tilespmem:$0x1FC00] =	vst v63  }
0x1a2: {  	s7 =	simm.s32 $0x14400;
	v3 =	vadd.s32 v1, v3  }
0x1a3: {  	[tilespmem:s7], [sflag:$0x4] =	stream.indirect_vreg.gather [hbm4b:s5+s3], $0x80, v4, vm0, $0xb8;
	[tilespmem:$0x1FC00] =	vst v63  }
0x1a4: {  	s21 =	simm.s32 $0x14C00  }
0x1a5: {  	[tilespmem:s21], [sflag:$0x4] =	stream.indirect_vreg.gather [hbm4b:s6+s3], $0x80, v4, vm0, $0xb8;
	[tilespmem:$0x1FC00] =	vst v63  }
0x1a6: {  	s12 =	simm.s32 $0x15400  }
0x1a7: {  	[tilespmem:s12], [sflag:$0x4] =	stream.indirect_vreg.gather [hbm4b:s2+s3], $0x80, v3, vm0, $0xb8;
	[tilespmem:$0x1FC00] =	vst v63  }
0x1a8: {  	s13 =	simm.s32 $0x15C00  }
0x1a9: {  	[tilespmem:s13], [sflag:$0x4] =	stream.indirect_vreg.gather [hbm4b:s5+s3], $0x80, v3, vm0, $0xb8;
	[tilespmem:$0x1FC00] =	vst v63  }
0x1aa: {  	s15 =	simm.s32 $0x16400  }
0x1ab: {  	[tilespmem:s15], [sflag:$0x4] =	stream.indirect_vreg.gather [hbm4b:s6+s3], $0x80, v3, vm0, $0xb8;
	[tilespmem:$0x1FC00] =	vst v63  }
0x1ac: {  	v3 =	vld [tilespmem:$0x410];
	_ =	sdelay $0x4  }
0x1ad: {  	v37 =	vshrl.u32 v3, $0x3  }
0x1ae: {  	v4 =	vmul.u32 $0x30, v37  }
0x1af: {  	v3 =	vand.u32 $0x7, v3  }
0x1b0: {  	v3 =	vor.u32 v3, v4  }
0x1b1: {  	v4 =	vperm.xlane v3, v0;
	_ =	sdelay $0x1  }
0x1b2: {  	v4 =	vadd.s32 v1, v4;
	_ =	sdelay $0x3  }
0x1b3: {  	s16 =	simm.s32 $0x16C00;
	v3 =	vperm.xlane v3, v2  }
0x1b4: {  	[tilespmem:s16], [sflag:$0x4] =	stream.indirect_vreg.gather [hbm4b:s2+s3], $0x80, v4, vm0, $0xb8;
	[tilespmem:$0x1FC00] =	vst v63  }
0x1b5: {  	s15 =	simm.s32 $0x17400;
	v3 =	vadd.s32 v1, v3  }
0x1b6: {  	[tilespmem:s15], [sflag:$0x4] =	stream.indirect_vreg.gather [hbm4b:s5+s3], $0x80, v4, vm0, $0xb8;
	[tilespmem:$0x1FC00] =	vst v63  }
0x1b7: {  	s17 =	simm.s32 $0x17C00  }
0x1b8: {  	[tilespmem:s17], [sflag:$0x4] =	stream.indirect_vreg.gather [hbm4b:s6+s3], $0x80, v4, vm0, $0xb8;
	[tilespmem:$0x1FC00] =	vst v63  }
0x1b9: {  	s18 =	simm.s32 $0x18400  }
0x1ba: {  	[tilespmem:s18], [sflag:$0x4] =	stream.indirect_vreg.gather [hbm4b:s2+s3], $0x80, v3, vm0, $0xb8;
	[tilespmem:$0x1FC00] =	vst v63  }
0x1bb: {  	s23 =	simm.s32 $0x18C00  }
0x1bc: {  	[tilespmem:s23], [sflag:$0x4] =	stream.indirect_vreg.gather [hbm4b:s5+s3], $0x80, v3, vm0, $0xb8;
	[tilespmem:$0x1FC00] =	vst v63  }
0x1bd: {  	s12 =	simm.s32 $0x19400  }
0x1be: {  	[tilespmem:s12], [sflag:$0x4] =	stream.indirect_vreg.gather [hbm4b:s6+s3], $0x80, v3, vm0, $0xb8;
	[tilespmem:$0x1FC00] =	vst v63  }
0x1bf: {  	_ =	swait.ge [sflag:s10], $0x6000  }
0x1c0: {  	[sflag:s10] =	ssyncset.done $0x0  }
0x1c1: {  	s20 =	simm.s32 $0x7C00;
	s13 =	rddreg [dreg:$0xa];
	[sflag:s10] =	ssyncadd.s32 $0xFFFFA000  }
0x1c2: {  	[hbm4b:s13+s3] =	stream.linear.scatter [tilespmem:s20], [sflag:$0x7], $0x6000, $0x38;
	[tilespmem:$0x1FC00] =	vst v63  }
0x1c3: {  	_ =	swait.ge [sflag:s4], $0x6000  }
0x1c4: {  	[sflag:s4] =	ssyncset.done $0x0  }
0x1c5: {  	[sflag:s4] =	ssyncadd.s32 $0xFFFFA000  }
0x1c6: {  	v3 =	vld [tilespmem:$0x480];
	_ =	sdelay $0x4  }
0x1c7: {  	v38 =	vshrl.u32 v3, $0x3  }
0x1c8: {  	v4 =	vmul.u32 $0x30, v38  }
0x1c9: {  	v3 =	vand.u32 $0x7, v3  }
0x1ca: {  	v3 =	vor.u32 v3, v4  }
0x1cb: {  	v4 =	vperm.xlane v3, v0;
	_ =	sdelay $0x1  }
0x1cc: {  	v4 =	vadd.s32 v1, v4;
	_ =	sdelay $0x3  }
0x1cd: {  	s8 =	simm.s32 $0x19C00;
	v3 =	vperm.xlane v3, v2  }
0x1ce: {  	[tilespmem:s8], [sflag:$0x5] =	stream.indirect_vreg.gather [hbm4b:s2+s3], $0x80, v4, vm0, $0xb8;
	[tilespmem:$0x1FC00] =	vst v63  }
0x1cf: {  	s16 =	simm.s32 $0x1A400;
	v3 =	vadd.s32 v1, v3  }
0x1d0: {  	[tilespmem:s16], [sflag:$0x5] =	stream.indirect_vreg.gather [hbm4b:s5+s3], $0x80, v4, vm0, $0xb8;
	[tilespmem:$0x1FC00] =	vst v63  }
0x1d1: {  	s17 =	simm.s32 $0x1AC00  }
0x1d2: {  	[tilespmem:s17], [sflag:$0x5] =	stream.indirect_vreg.gather [hbm4b:s6+s3], $0x80, v4, vm0, $0xb8;
	[tilespmem:$0x1FC00] =	vst v63  }
0x1d3: {  	s18 =	simm.s32 $0x1B400  }
0x1d4: {  	[tilespmem:s18], [sflag:$0x5] =	stream.indirect_vreg.gather [hbm4b:s2+s3], $0x80, v3, vm0, $0xb8;
	[tilespmem:$0x1FC00] =	vst v63  }
0x1d5: {  	s23 =	simm.s32 $0x1BC00  }
0x1d6: {  	[tilespmem:s23], [sflag:$0x5] =	stream.indirect_vreg.gather [hbm4b:s5+s3], $0x80, v3, vm0, $0xb8;
	[tilespmem:$0x1FC00] =	vst v63  }
0x1d7: {  	s12 =	simm.s32 $0x1C400  }
0x1d8: {  	[tilespmem:s12], [sflag:$0x5] =	stream.indirect_vreg.gather [hbm4b:s6+s3], $0x80, v3, vm0, $0xb8;
	[tilespmem:$0x1FC00] =	vst v63  }
0x1d9: {  	v3 =	vld [tilespmem:$0x490];
	_ =	sdelay $0x4  }
0x1da: {  	v39 =	vshrl.u32 v3, $0x3  }
0x1db: {  	v4 =	vmul.u32 $0x30, v39  }
0x1dc: {  	v3 =	vand.u32 $0x7, v3  }
0x1dd: {  	v3 =	vor.u32 v3, v4  }
0x1de: {  	v4 =	vperm.xlane v3, v0;
	_ =	sdelay $0x1  }
0x1df: {  	v4 =	vadd.s32 v1, v4;
	_ =	sdelay $0x3  }
0x1e0: {  	s13 =	simm.s32 $0x1CC00;
	v3 =	vperm.xlane v3, v2  }
0x1e1: {  	[tilespmem:s13], [sflag:$0x5] =	stream.indirect_vreg.gather [hbm4b:s2+s3], $0x80, v4, vm0, $0xb8;
	[tilespmem:$0x1FC00] =	vst v63  }
0x1e2: {  	s16 =	simm.s32 $0x1D400;
	v3 =	vadd.s32 v1, v3  }
0x1e3: {  	[tilespmem:s16], [sflag:$0x5] =	stream.indirect_vreg.gather [hbm4b:s5+s3], $0x80, v4, vm0, $0xb8;
	[tilespmem:$0x1FC00] =	vst v63  }
0x1e4: {  	s17 =	simm.s32 $0x1DC00  }
0x1e5: {  	[tilespmem:s17], [sflag:$0x5] =	stream.indirect_vreg.gather [hbm4b:s6+s3], $0x80, v4, vm0, $0xb8;
	[tilespmem:$0x1FC00] =	vst v63  }
0x1e6: {  	s18 =	simm.s32 $0x1E400  }
0x1e7: {  	[tilespmem:s18], [sflag:$0x5] =	stream.indirect_vreg.gather [hbm4b:s2+s3], $0x80, v3, vm0, $0xb8;
	[tilespmem:$0x1FC00] =	vst v63  }
0x1e8: {  	s23 =	simm.s32 $0x1EC00  }
0x1e9: {  	[tilespmem:s23], [sflag:$0x5] =	stream.indirect_vreg.gather [hbm4b:s5+s3], $0x80, v3, vm0, $0xb8;
	[tilespmem:$0x1FC00] =	vst v63  }
0x1ea: {  	s12 =	simm.s32 $0x1F400  }
0x1eb: {  	[tilespmem:s12], [sflag:$0x5] =	stream.indirect_vreg.gather [hbm4b:s6+s3], $0x80, v3, vm0, $0xb8;
	[tilespmem:$0x1FC00] =	vst v63  }
0x1ec: {  	_ =	swait.ge [sflag:s26], $0x6000  }
0x1ed: {  	[sflag:s26] =	ssyncset.done $0x0  }
0x1ee: {  	s11 =	simm.s32 $0xDC00;
	s13 =	rddreg [dreg:$0xb];
	[sflag:s26] =	ssyncadd.s32 $0xFFFFA000  }
0x1ef: {  	[hbm4b:s13+s3] =	stream.linear.scatter [tilespmem:s11], [sflag:$0x8], $0x6000, $0x38;
	[tilespmem:$0x1FC00] =	vst v63  }
0x1f0: {  	_ =	swait.ge [sflag:s28], $0x6000  }
0x1f1: {  	[sflag:s28] =	ssyncset.done $0x0  }
0x1f2: {  	[sflag:s28] =	ssyncadd.s32 $0xFFFFA000  }
0x1f3: {  	v3 =	vld [tilespmem:$0x500];
	_ =	sdelay $0x4  }
0x1f4: {  	v40 =	vshrl.u32 v3, $0x3  }
0x1f5: {  	v4 =	vmul.u32 $0x30, v40  }
0x1f6: {  	v3 =	vand.u32 $0x7, v3  }
0x1f7: {  	v3 =	vor.u32 v3, v4  }
0x1f8: {  	v4 =	vperm.xlane v3, v0;
	_ =	sdelay $0x1  }
0x1f9: {  	v4 =	vadd.s32 v1, v4;
	_ =	sdelay $0x3  }
0x1fa: {  	s14 =	simm.s32 $0x1C00;
	v3 =	vperm.xlane v3, v2  }
0x1fb: {  	[tilespmem:s14], [sflag:$0x1] =	stream.indirect_vreg.gather [hbm4b:s2+s3], $0x80, v4, vm0, $0xb8;
	[tilespmem:$0x1FC00] =	vst v63  }
0x1fc: {  	s16 =	simm.s32 $0x2400;
	v3 =	vadd.s32 v1, v3  }
0x1fd: {  	[tilespmem:s16], [sflag:$0x1] =	stream.indirect_vreg.gather [hbm4b:s5+s3], $0x80, v4, vm0, $0xb8;
	[tilespmem:$0x1FC00] =	vst v63  }
0x1fe: {  	s17 =	simm.s32 $0x2C00  }
0x1ff: {  	[tilespmem:s17], [sflag:$0x1] =	stream.indirect_vreg.gather [hbm4b:s6+s3], $0x80, v4, vm0, $0xb8;
	[tilespmem:$0x1FC00] =	vst v63  }
0x200: {  	s18 =	simm.s32 $0x3400  }
0x201: {  	[tilespmem:s18], [sflag:$0x1] =	stream.indirect_vreg.gather [hbm4b:s2+s3], $0x80, v3, vm0, $0xb8;
	[tilespmem:$0x1FC00] =	vst v63  }
0x202: {  	s11 =	simm.s32 $0x3C00  }
0x203: {  	[tilespmem:s11], [sflag:$0x1] =	stream.indirect_vreg.gather [hbm4b:s5+s3], $0x80, v3, vm0, $0xb8;
	[tilespmem:$0x1FC00] =	vst v63  }
0x204: {  	s12 =	simm.s32 $0x4400  }
0x205: {  	[tilespmem:s12], [sflag:$0x1] =	stream.indirect_vreg.gather [hbm4b:s6+s3], $0x80, v3, vm0, $0xb8;
	[tilespmem:$0x1FC00] =	vst v63  }
0x206: {  	v3 =	vld [tilespmem:$0x510];
	_ =	sdelay $0x4  }
0x207: {  	v41 =	vshrl.u32 v3, $0x3  }
0x208: {  	v4 =	vmul.u32 $0x30, v41  }
0x209: {  	v3 =	vand.u32 $0x7, v3  }
0x20a: {  	v3 =	vor.u32 v3, v4  }
0x20b: {  	v4 =	vperm.xlane v3, v0;
	_ =	sdelay $0x1  }
0x20c: {  	v4 =	vadd.s32 v1, v4;
	_ =	sdelay $0x3  }
0x20d: {  	s14 =	simm.s32 $0x4C00;
	v3 =	vperm.xlane v3, v2  }
0x20e: {  	[tilespmem:s14], [sflag:$0x1] =	stream.indirect_vreg.gather [hbm4b:s2+s3], $0x80, v4, vm0, $0xb8;
	[tilespmem:$0x1FC00] =	vst v63  }
0x20f: {  	s16 =	simm.s32 $0x5400;
	v3 =	vadd.s32 v1, v3  }
0x210: {  	[tilespmem:s16], [sflag:$0x1] =	stream.indirect_vreg.gather [hbm4b:s5+s3], $0x80, v4, vm0, $0xb8;
	[tilespmem:$0x1FC00] =	vst v63  }
0x211: {  	s17 =	simm.s32 $0x5C00  }
0x212: {  	[tilespmem:s17], [sflag:$0x1] =	stream.indirect_vreg.gather [hbm4b:s6+s3], $0x80, v4, vm0, $0xb8;
	[tilespmem:$0x1FC00] =	vst v63  }
0x213: {  	s18 =	simm.s32 $0x6400  }
0x214: {  	[tilespmem:s18], [sflag:$0x1] =	stream.indirect_vreg.gather [hbm4b:s2+s3], $0x80, v3, vm0, $0xb8;
	[tilespmem:$0x1FC00] =	vst v63  }
0x215: {  	s11 =	simm.s32 $0x6C00  }
0x216: {  	[tilespmem:s11], [sflag:$0x1] =	stream.indirect_vreg.gather [hbm4b:s5+s3], $0x80, v3, vm0, $0xb8;
	[tilespmem:$0x1FC00] =	vst v63  }
0x217: {  	s12 =	simm.s32 $0x7400  }
0x218: {  	[tilespmem:s12], [sflag:$0x1] =	stream.indirect_vreg.gather [hbm4b:s6+s3], $0x80, v3, vm0, $0xb8;
	[tilespmem:$0x1FC00] =	vst v63  }
0x219: {  	_ =	swait.ge [sflag:s29], $0x6000  }
0x21a: {  	[sflag:s29] =	ssyncset.done $0x0  }
0x21b: {  	s22 =	simm.s32 $0x13C00;
	s14 =	rddreg [dreg:$0xc];
	[sflag:s29] =	ssyncadd.s32 $0xFFFFA000  }
0x21c: {  	[hbm4b:s14+s3] =	stream.linear.scatter [tilespmem:s22], [sflag:$0x9], $0x6000, $0x38;
	[tilespmem:$0x1FC00] =	vst v63  }
0x21d: {  	_ =	swait.ge [sflag:s30], $0x6000  }
0x21e: {  	[sflag:s30] =	ssyncset.done $0x0  }
0x21f: {  	[sflag:s30] =	ssyncadd.s32 $0xFFFFA000  }
0x220: {  	v3 =	vld [tilespmem:$0x580];
	_ =	sdelay $0x4  }
0x221: {  	v42 =	vshrl.u32 v3, $0x3  }
0x222: {  	v4 =	vmul.u32 $0x30, v42  }
0x223: {  	v3 =	vand.u32 $0x7, v3  }
0x224: {  	v3 =	vor.u32 v3, v4  }
0x225: {  	v4 =	vperm.xlane v3, v0;
	_ =	sdelay $0x1  }
0x226: {  	v4 =	vadd.s32 v1, v4;
	_ =	sdelay $0x3  }
0x227: {  	s20 =	simm.s32 $0x7C00;
	v3 =	vperm.xlane v3, v2  }
0x228: {  	[tilespmem:s20], [sflag:$0x2] =	stream.indirect_vreg.gather [hbm4b:s2+s3], $0x80, v4, vm0, $0xb8;
	[tilespmem:$0x1FC00] =	vst v63  }
0x229: {  	s16 =	simm.s32 $0x8400;
	v3 =	vadd.s32 v1, v3  }
0x22a: {  	[tilespmem:s16], [sflag:$0x2] =	stream.indirect_vreg.gather [hbm4b:s5+s3], $0x80, v4, vm0, $0xb8;
	[tilespmem:$0x1FC00] =	vst v63  }
0x22b: {  	s17 =	simm.s32 $0x8C00  }
0x22c: {  	[tilespmem:s17], [sflag:$0x2] =	stream.indirect_vreg.gather [hbm4b:s6+s3], $0x80, v4, vm0, $0xb8;
	[tilespmem:$0x1FC00] =	vst v63  }
0x22d: {  	s8 =	simm.s32 $0x9400  }
0x22e: {  	[tilespmem:s8], [sflag:$0x2] =	stream.indirect_vreg.gather [hbm4b:s2+s3], $0x80, v3, vm0, $0xb8;
	[tilespmem:$0x1FC00] =	vst v63  }
0x22f: {  	s22 =	simm.s32 $0x9C00  }
0x230: {  	[tilespmem:s22], [sflag:$0x2] =	stream.indirect_vreg.gather [hbm4b:s5+s3], $0x80, v3, vm0, $0xb8;
	[tilespmem:$0x1FC00] =	vst v63  }
0x231: {  	s20 =	simm.s32 $0xA400  }
0x232: {  	[tilespmem:s20], [sflag:$0x2] =	stream.indirect_vreg.gather [hbm4b:s6+s3], $0x80, v3, vm0, $0xb8;
	[tilespmem:$0x1FC00] =	vst v63  }
0x233: {  	v3 =	vld [tilespmem:$0x590];
	_ =	sdelay $0x4  }
0x234: {  	v43 =	vshrl.u32 v3, $0x3  }
0x235: {  	v4 =	vmul.u32 $0x30, v43  }
0x236: {  	v3 =	vand.u32 $0x7, v3  }
0x237: {  	v3 =	vor.u32 v3, v4  }
0x238: {  	v4 =	vperm.xlane v3, v0;
	_ =	sdelay $0x1  }
0x239: {  	v4 =	vadd.s32 v1, v4;
	_ =	sdelay $0x3  }
0x23a: {  	s12 =	simm.s32 $0xAC00;
	v3 =	vperm.xlane v3, v2  }
0x23b: {  	[tilespmem:s12], [sflag:$0x2] =	stream.indirect_vreg.gather [hbm4b:s2+s3], $0x80, v4, vm0, $0xb8;
	[tilespmem:$0x1FC00] =	vst v63  }
0x23c: {  	s11 =	simm.s32 $0xB400;
	v3 =	vadd.s32 v1, v3  }
0x23d: {  	[tilespmem:s11], [sflag:$0x2] =	stream.indirect_vreg.gather [hbm4b:s5+s3], $0x80, v4, vm0, $0xb8;
	[tilespmem:$0x1FC00] =	vst v63  }
0x23e: {  	s20 =	simm.s32 $0xBC00  }
0x23f: {  	[tilespmem:s20], [sflag:$0x2] =	stream.indirect_vreg.gather [hbm4b:s6+s3], $0x80, v4, vm0, $0xb8;
	[tilespmem:$0x1FC00] =	vst v63  }
0x240: {  	s16 =	simm.s32 $0xC400  }
0x241: {  	[tilespmem:s16], [sflag:$0x2] =	stream.indirect_vreg.gather [hbm4b:s2+s3], $0x80, v3, vm0, $0xb8;
	[tilespmem:$0x1FC00] =	vst v63  }
0x242: {  	s17 =	simm.s32 $0xCC00  }
0x243: {  	[tilespmem:s17], [sflag:$0x2] =	stream.indirect_vreg.gather [hbm4b:s5+s3], $0x80, v3, vm0, $0xb8;
	[tilespmem:$0x1FC00] =	vst v63  }
0x244: {  	s16 =	simm.s32 $0xD400  }
0x245: {  	[tilespmem:s16], [sflag:$0x2] =	stream.indirect_vreg.gather [hbm4b:s6+s3], $0x80, v3, vm0, $0xb8;
	[tilespmem:$0x1FC00] =	vst v63  }
0x246: {  	_ =	swait.ge [sflag:s31], $0x6000  }
0x247: {  	[sflag:s31] =	ssyncset.done $0x0  }
0x248: {  	s9 =	simm.s32 $0x19C00;
	s17 =	rddreg [dreg:$0xd];
	[sflag:s31] =	ssyncadd.s32 $0xFFFFA000  }
0x249: {  	[hbm4b:s17+s3] =	stream.linear.scatter [tilespmem:s9], [sflag:$0xA], $0x6000, $0x38;
	[tilespmem:$0x1FC00] =	vst v63  }
0x24a: {  	_ =	swait.ge [sflag:s1], $0x6000  }
0x24b: {  	[sflag:s1] =	ssyncset.done $0x0  }
0x24c: {  	[sflag:s1] =	ssyncadd.s32 $0xFFFFA000  }
0x24d: {  	v3 =	vld [tilespmem:$0x600];
	_ =	sdelay $0x4  }
0x24e: {  	v44 =	vshrl.u32 v3, $0x3  }
0x24f: {  	v4 =	vmul.u32 $0x30, v44  }
0x250: {  	v3 =	vand.u32 $0x7, v3  }
0x251: {  	v3 =	vor.u32 v3, v4  }
0x252: {  	v4 =	vperm.xlane v3, v0;
	_ =	sdelay $0x1  }
0x253: {  	v4 =	vadd.s32 v1, v4;
	_ =	sdelay $0x3  }
0x254: {  	s13 =	simm.s32 $0xDC00;
	v3 =	vperm.xlane v3, v2  }
0x255: {  	[tilespmem:s13], [sflag:$0x3] =	stream.indirect_vreg.gather [hbm4b:s2+s3], $0x80, v4, vm0, $0xb8;
	[tilespmem:$0x1FC00] =	vst v63  }
0x256: {  	s9 =	simm.s32 $0xE400;
	v3 =	vadd.s32 v1, v3  }
0x257: {  	[tilespmem:s9], [sflag:$0x3] =	stream.indirect_vreg.gather [hbm4b:s5+s3], $0x80, v4, vm0, $0xb8;
	[tilespmem:$0x1FC00] =	vst v63  }
0x258: {  	s13 =	simm.s32 $0xEC00  }
0x259: {  	[tilespmem:s13], [sflag:$0x3] =	stream.indirect_vreg.gather [hbm4b:s6+s3], $0x80, v4, vm0, $0xb8;
	[tilespmem:$0x1FC00] =	vst v63  }
0x25a: {  	s13 =	simm.s32 $0xF400  }
0x25b: {  	[tilespmem:s13], [sflag:$0x3] =	stream.indirect_vreg.gather [hbm4b:s2+s3], $0x80, v3, vm0, $0xb8;
	[tilespmem:$0x1FC00] =	vst v63  }
0x25c: {  	s13 =	simm.s32 $0xFC00  }
0x25d: {  	[tilespmem:s13], [sflag:$0x3] =	stream.indirect_vreg.gather [hbm4b:s5+s3], $0x80, v3, vm0, $0xb8;
	[tilespmem:$0x1FC00] =	vst v63  }
0x25e: {  	s13 =	simm.s32 $0x10400  }
0x25f: {  	[tilespmem:s13], [sflag:$0x3] =	stream.indirect_vreg.gather [hbm4b:s6+s3], $0x80, v3, vm0, $0xb8;
	[tilespmem:$0x1FC00] =	vst v63  }
0x260: {  	v3 =	vld [tilespmem:$0x610];
	_ =	sdelay $0x4  }
0x261: {  	v45 =	vshrl.u32 v3, $0x3  }
0x262: {  	v4 =	vmul.u32 $0x30, v45  }
0x263: {  	v3 =	vand.u32 $0x7, v3  }
0x264: {  	v3 =	vor.u32 v3, v4  }
0x265: {  	v4 =	vperm.xlane v3, v0;
	_ =	sdelay $0x1  }
0x266: {  	v4 =	vadd.s32 v1, v4;
	_ =	sdelay $0x3  }
0x267: {  	s13 =	simm.s32 $0x10C00;
	v3 =	vperm.xlane v3, v2  }
0x268: {  	[tilespmem:s13], [sflag:$0x3] =	stream.indirect_vreg.gather [hbm4b:s2+s3], $0x80, v4, vm0, $0xb8;
	[tilespmem:$0x1FC00] =	vst v63  }
0x269: {  	v3 =	vadd.s32 v1, v3;
	s13 =	simm.s32 $0x11400  }
0x26a: {  	[tilespmem:s13], [sflag:$0x3] =	stream.indirect_vreg.gather [hbm4b:s5+s3], $0x80, v4, vm0, $0xb8;
	[tilespmem:$0x1FC00] =	vst v63  }
0x26b: {  	_ = 	snop  }
0x26c: {  	[tilespmem:s19], [sflag:$0x3] =	stream.indirect_vreg.gather [hbm4b:s6+s3], $0x80, v4, vm0, $0xb8;
	[tilespmem:$0x1FC00] =	vst v63  }
0x26d: {  	s19 =	simm.s32 $0x12400  }
0x26e: {  	[tilespmem:s19], [sflag:$0x3] =	stream.indirect_vreg.gather [hbm4b:s2+s3], $0x80, v3, vm0, $0xb8;
	[tilespmem:$0x1FC00] =	vst v63  }
0x26f: {  	_ = 	snop  }
0x270: {  	[tilespmem:s25], [sflag:$0x3] =	stream.indirect_vreg.gather [hbm4b:s5+s3], $0x80, v3, vm0, $0xb8;
	[tilespmem:$0x1FC00] =	vst v63  }
0x271: {  	s13 =	simm.s32 $0x13400  }
0x272: {  	[tilespmem:s13], [sflag:$0x3] =	stream.indirect_vreg.gather [hbm4b:s6+s3], $0x80, v3, vm0, $0xb8;
	[tilespmem:$0x1FC00] =	vst v63  }
0x273: {  	_ =	swait.ge [sflag:s24], $0x6000  }
0x274: {  	[sflag:s24] =	ssyncset.done $0x0  }
0x275: {  	s23 =	simm.s32 $0x1C00;
	s19 =	rddreg [dreg:$0xe];
	[sflag:s24] =	ssyncadd.s32 $0xFFFFA000  }
0x276: {  	[hbm4b:s19+s3] =	stream.linear.scatter [tilespmem:s23], [sflag:$0x6], $0x6000, $0x38;
	[tilespmem:$0x1FC00] =	vst v63  }
0x277: {  	_ =	swait.ge [sflag:s0], $0x6000  }
0x278: {  	[sflag:s0] =	ssyncset.done $0x0  }
0x279: {  	[sflag:s0] =	ssyncadd.s32 $0xFFFFA000  }
0x27a: {  	v3 =	vld [tilespmem:$0x680];
	_ =	sdelay $0x4  }
0x27b: {  	v46 =	vshrl.u32 v3, $0x3  }
0x27c: {  	v4 =	vmul.u32 $0x30, v46  }
0x27d: {  	v3 =	vand.u32 $0x7, v3  }
0x27e: {  	v3 =	vor.u32 v3, v4  }
0x27f: {  	v4 =	vperm.xlane v3, v0;
	_ =	sdelay $0x1  }
0x280: {  	v4 =	vadd.s32 v1, v4;
	_ =	sdelay $0x3  }
0x281: {  	s14 =	simm.s32 $0x13C00;
	v3 =	vperm.xlane v3, v2  }
0x282: {  	[tilespmem:s14], [sflag:$0x4] =	stream.indirect_vreg.gather [hbm4b:s2+s3], $0x80, v4, vm0, $0xb8;
	[tilespmem:$0x1FC00] =	vst v63  }
0x283: {  	v3 =	vadd.s32 v1, v3  }
0x284: {  	[tilespmem:s7], [sflag:$0x4] =	stream.indirect_vreg.gather [hbm4b:s5+s3], $0x80, v4, vm0, $0xb8;
	[tilespmem:$0x1FC00] =	vst v63  }
0x285: {  	_ = 	snop  }
0x286: {  	[tilespmem:s21], [sflag:$0x4] =	stream.indirect_vreg.gather [hbm4b:s6+s3], $0x80, v4, vm0, $0xb8;
	[tilespmem:$0x1FC00] =	vst v63  }
0x287: {  	s25 =	simm.s32 $0x15400  }
0x288: {  	[tilespmem:s25], [sflag:$0x4] =	stream.indirect_vreg.gather [hbm4b:s2+s3], $0x80, v3, vm0, $0xb8;
	[tilespmem:$0x1FC00] =	vst v63  }
0x289: {  	s12 =	simm.s32 $0x15C00  }
0x28a: {  	[tilespmem:s12], [sflag:$0x4] =	stream.indirect_vreg.gather [hbm4b:s5+s3], $0x80, v3, vm0, $0xb8;
	[tilespmem:$0x1FC00] =	vst v63  }
0x28b: {  	s13 =	simm.s32 $0x16400  }
0x28c: {  	[tilespmem:s13], [sflag:$0x4] =	stream.indirect_vreg.gather [hbm4b:s6+s3], $0x80, v3, vm0, $0xb8;
	[tilespmem:$0x1FC00] =	vst v63  }
0x28d: {  	v3 =	vld [tilespmem:$0x690];
	_ =	sdelay $0x4  }
0x28e: {  	v47 =	vshrl.u32 v3, $0x3  }
0x28f: {  	v4 =	vmul.u32 $0x30, v47  }
0x290: {  	v3 =	vand.u32 $0x7, v3  }
0x291: {  	v3 =	vor.u32 v3, v4  }
0x292: {  	v4 =	vperm.xlane v3, v0;
	_ =	sdelay $0x1  }
0x293: {  	v4 =	vadd.s32 v1, v4;
	_ =	sdelay $0x3  }
0x294: {  	s12 =	simm.s32 $0x16C00;
	v3 =	vperm.xlane v3, v2  }
0x295: {  	[tilespmem:s12], [sflag:$0x4] =	stream.indirect_vreg.gather [hbm4b:s2+s3], $0x80, v4, vm0, $0xb8;
	[tilespmem:$0x1FC00] =	vst v63  }
0x296: {  	v3 =	vadd.s32 v1, v3  }
0x297: {  	[tilespmem:s15], [sflag:$0x4] =	stream.indirect_vreg.gather [hbm4b:s5+s3], $0x80, v4, vm0, $0xb8;
	[tilespmem:$0x1FC00] =	vst v63  }
0x298: {  	s13 =	simm.s32 $0x17C00  }
0x299: {  	[tilespmem:s13], [sflag:$0x4] =	stream.indirect_vreg.gather [hbm4b:s6+s3], $0x80, v4, vm0, $0xb8;
	[tilespmem:$0x1FC00] =	vst v63  }
0x29a: {  	s15 =	simm.s32 $0x18400  }
0x29b: {  	[tilespmem:s15], [sflag:$0x4] =	stream.indirect_vreg.gather [hbm4b:s2+s3], $0x80, v3, vm0, $0xb8;
	[tilespmem:$0x1FC00] =	vst v63  }
0x29c: {  	s12 =	simm.s32 $0x18C00  }
0x29d: {  	[tilespmem:s12], [sflag:$0x4] =	stream.indirect_vreg.gather [hbm4b:s5+s3], $0x80, v3, vm0, $0xb8;
	[tilespmem:$0x1FC00] =	vst v63  }
0x29e: {  	s13 =	simm.s32 $0x19400  }
0x29f: {  	[tilespmem:s13], [sflag:$0x4] =	stream.indirect_vreg.gather [hbm4b:s6+s3], $0x80, v3, vm0, $0xb8;
	[tilespmem:$0x1FC00] =	vst v63  }
0x2a0: {  	_ =	swait.ge [sflag:s10], $0x6000  }
0x2a1: {  	[sflag:s10] =	ssyncset.done $0x0  }
0x2a2: {  	s18 =	simm.s32 $0x7C00;
	s15 =	rddreg [dreg:$0xf];
	[sflag:s10] =	ssyncadd.s32 $0xFFFFA000  }
0x2a3: {  	[hbm4b:s15+s3] =	stream.linear.scatter [tilespmem:s18], [sflag:$0x7], $0x6000, $0x38;
	[tilespmem:$0x1FC00] =	vst v63  }
0x2a4: {  	_ =	swait.ge [sflag:s4], $0x6000  }
0x2a5: {  	[sflag:s4] =	ssyncset.done $0x0  }
0x2a6: {  	[sflag:s4] =	ssyncadd.s32 $0xFFFFA000  }
0x2a7: {  	v3 =	vld [tilespmem:$0x700];
	_ =	sdelay $0x4  }
0x2a8: {  	v48 =	vshrl.u32 v3, $0x3  }
0x2a9: {  	v4 =	vmul.u32 $0x30, v48  }
0x2aa: {  	v3 =	vand.u32 $0x7, v3  }
0x2ab: {  	v3 =	vor.u32 v3, v4  }
0x2ac: {  	v4 =	vperm.xlane v3, v0;
	_ =	sdelay $0x1  }
0x2ad: {  	v4 =	vadd.s32 v1, v4;
	_ =	sdelay $0x3  }
0x2ae: {  	s16 =	simm.s32 $0x19C00;
	v3 =	vperm.xlane v3, v2  }
0x2af: {  	[tilespmem:s16], [sflag:$0x5] =	stream.indirect_vreg.gather [hbm4b:s2+s3], $0x80, v4, vm0, $0xb8;
	[tilespmem:$0x1FC00] =	vst v63  }
0x2b0: {  	v3 =	vadd.s32 v1, v3;
	s16 =	simm.s32 $0x1A400  }
0x2b1: {  	[tilespmem:s16], [sflag:$0x5] =	stream.indirect_vreg.gather [hbm4b:s5+s3], $0x80, v4, vm0, $0xb8;
	[tilespmem:$0x1FC00] =	vst v63  }
0x2b2: {  	s18 =	simm.s32 $0x1AC00  }
0x2b3: {  	[tilespmem:s18], [sflag:$0x5] =	stream.indirect_vreg.gather [hbm4b:s6+s3], $0x80, v4, vm0, $0xb8;
	[tilespmem:$0x1FC00] =	vst v63  }
0x2b4: {  	s15 =	simm.s32 $0x1B400  }
0x2b5: {  	[tilespmem:s15], [sflag:$0x5] =	stream.indirect_vreg.gather [hbm4b:s2+s3], $0x80, v3, vm0, $0xb8;
	[tilespmem:$0x1FC00] =	vst v63  }
0x2b6: {  	s15 =	simm.s32 $0x1BC00  }
0x2b7: {  	[tilespmem:s15], [sflag:$0x5] =	stream.indirect_vreg.gather [hbm4b:s5+s3], $0x80, v3, vm0, $0xb8;
	[tilespmem:$0x1FC00] =	vst v63  }
0x2b8: {  	s15 =	simm.s32 $0x1C400  }
0x2b9: {  	[tilespmem:s15], [sflag:$0x5] =	stream.indirect_vreg.gather [hbm4b:s6+s3], $0x80, v3, vm0, $0xb8;
	[tilespmem:$0x1FC00] =	vst v63  }
0x2ba: {  	v3 =	vld [tilespmem:$0x710];
	_ =	sdelay $0x4  }
0x2bb: {  	v49 =	vshrl.u32 v3, $0x3  }
0x2bc: {  	v4 =	vmul.u32 $0x30, v49  }
0x2bd: {  	v3 =	vand.u32 $0x7, v3  }
0x2be: {  	v3 =	vor.u32 v3, v4  }
0x2bf: {  	v4 =	vperm.xlane v3, v0;
	_ =	sdelay $0x1  }
0x2c0: {  	v4 =	vadd.s32 v1, v4;
	_ =	sdelay $0x3  }
0x2c1: {  	s15 =	simm.s32 $0x1CC00;
	v3 =	vperm.xlane v3, v2  }
0x2c2: {  	[tilespmem:s15], [sflag:$0x5] =	stream.indirect_vreg.gather [hbm4b:s2+s3], $0x80, v4, vm0, $0xb8;
	[tilespmem:$0x1FC00] =	vst v63  }
0x2c3: {  	v3 =	vadd.s32 v1, v3;
	s15 =	simm.s32 $0x1D400  }
0x2c4: {  	[tilespmem:s15], [sflag:$0x5] =	stream.indirect_vreg.gather [hbm4b:s5+s3], $0x80, v4, vm0, $0xb8;
	[tilespmem:$0x1FC00] =	vst v63  }
0x2c5: {  	s15 =	simm.s32 $0x1DC00  }
0x2c6: {  	[tilespmem:s15], [sflag:$0x5] =	stream.indirect_vreg.gather [hbm4b:s6+s3], $0x80, v4, vm0, $0xb8;
	[tilespmem:$0x1FC00] =	vst v63  }
0x2c7: {  	s15 =	simm.s32 $0x1E400  }
0x2c8: {  	[tilespmem:s15], [sflag:$0x5] =	stream.indirect_vreg.gather [hbm4b:s2+s3], $0x80, v3, vm0, $0xb8;
	[tilespmem:$0x1FC00] =	vst v63  }
0x2c9: {  	s15 =	simm.s32 $0x1EC00  }
0x2ca: {  	[tilespmem:s15], [sflag:$0x5] =	stream.indirect_vreg.gather [hbm4b:s5+s3], $0x80, v3, vm0, $0xb8;
	[tilespmem:$0x1FC00] =	vst v63  }
0x2cb: {  	s15 =	simm.s32 $0x1F400  }
0x2cc: {  	[tilespmem:s15], [sflag:$0x5] =	stream.indirect_vreg.gather [hbm4b:s6+s3], $0x80, v3, vm0, $0xb8;
	[tilespmem:$0x1FC00] =	vst v63  }
0x2cd: {  	_ =	swait.ge [sflag:s26], $0x6000  }
0x2ce: {  	[sflag:s26] =	ssyncset.done $0x0  }
0x2cf: {  	s17 =	simm.s32 $0xDC00;
	s15 =	rddreg [dreg:$0x10];
	[sflag:s26] =	ssyncadd.s32 $0xFFFFA000  }
0x2d0: {  	[hbm4b:s15+s3] =	stream.linear.scatter [tilespmem:s17], [sflag:$0x8], $0x6000, $0x38;
	[tilespmem:$0x1FC00] =	vst v63  }
0x2d1: {  	_ =	swait.ge [sflag:s28], $0x6000  }
0x2d2: {  	[sflag:s28] =	ssyncset.done $0x0  }
0x2d3: {  	[sflag:s28] =	ssyncadd.s32 $0xFFFFA000  }
0x2d4: {  	v3 =	vld [tilespmem:$0x780];
	_ =	sdelay $0x4  }
0x2d5: {  	v50 =	vshrl.u32 v3, $0x3  }
0x2d6: {  	v4 =	vmul.u32 $0x30, v50  }
0x2d7: {  	v3 =	vand.u32 $0x7, v3  }
0x2d8: {  	v3 =	vor.u32 v3, v4  }
0x2d9: {  	v4 =	vperm.xlane v3, v0;
	_ =	sdelay $0x1  }
0x2da: {  	v4 =	vadd.s32 v1, v4;
	_ =	sdelay $0x3  }
0x2db: {  	s19 =	simm.s32 $0x1C00;
	v3 =	vperm.xlane v3, v2  }
0x2dc: {  	[tilespmem:s19], [sflag:$0x1] =	stream.indirect_vreg.gather [hbm4b:s2+s3], $0x80, v4, vm0, $0xb8;
	[tilespmem:$0x1FC00] =	vst v63  }
0x2dd: {  	s17 =	simm.s32 $0x2400;
	v3 =	vadd.s32 v1, v3  }
0x2de: {  	[tilespmem:s17], [sflag:$0x1] =	stream.indirect_vreg.gather [hbm4b:s5+s3], $0x80, v4, vm0, $0xb8;
	[tilespmem:$0x1FC00] =	vst v63  }
0x2df: {  	s17 =	simm.s32 $0x2C00  }
0x2e0: {  	[tilespmem:s17], [sflag:$0x1] =	stream.indirect_vreg.gather [hbm4b:s6+s3], $0x80, v4, vm0, $0xb8;
	[tilespmem:$0x1FC00] =	vst v63  }
0x2e1: {  	s17 =	simm.s32 $0x3400  }
0x2e2: {  	[tilespmem:s17], [sflag:$0x1] =	stream.indirect_vreg.gather [hbm4b:s2+s3], $0x80, v3, vm0, $0xb8;
	[tilespmem:$0x1FC00] =	vst v63  }
0x2e3: {  	s17 =	simm.s32 $0x3C00  }
0x2e4: {  	[tilespmem:s17], [sflag:$0x1] =	stream.indirect_vreg.gather [hbm4b:s5+s3], $0x80, v3, vm0, $0xb8;
	[tilespmem:$0x1FC00] =	vst v63  }
0x2e5: {  	s17 =	simm.s32 $0x4400  }
0x2e6: {  	[tilespmem:s17], [sflag:$0x1] =	stream.indirect_vreg.gather [hbm4b:s6+s3], $0x80, v3, vm0, $0xb8;
	[tilespmem:$0x1FC00] =	vst v63  }
0x2e7: {  	v3 =	vld [tilespmem:$0x790];
	_ =	sdelay $0x4  }
0x2e8: {  	v51 =	vshrl.u32 v3, $0x3  }
0x2e9: {  	v4 =	vmul.u32 $0x30, v51  }
0x2ea: {  	v3 =	vand.u32 $0x7, v3  }
0x2eb: {  	v3 =	vor.u32 v3, v4  }
0x2ec: {  	v4 =	vperm.xlane v3, v0;
	_ =	sdelay $0x1  }
0x2ed: {  	v4 =	vadd.s32 v1, v4;
	_ =	sdelay $0x3  }
0x2ee: {  	s17 =	simm.s32 $0x4C00;
	v3 =	vperm.xlane v3, v2  }
0x2ef: {  	[tilespmem:s17], [sflag:$0x1] =	stream.indirect_vreg.gather [hbm4b:s2+s3], $0x80, v4, vm0, $0xb8;
	[tilespmem:$0x1FC00] =	vst v63  }
0x2f0: {  	v3 =	vadd.s32 v1, v3;
	s17 =	simm.s32 $0x5400  }
0x2f1: {  	[tilespmem:s17], [sflag:$0x1] =	stream.indirect_vreg.gather [hbm4b:s5+s3], $0x80, v4, vm0, $0xb8;
	[tilespmem:$0x1FC00] =	vst v63  }
0x2f2: {  	s17 =	simm.s32 $0x5C00  }
0x2f3: {  	[tilespmem:s17], [sflag:$0x1] =	stream.indirect_vreg.gather [hbm4b:s6+s3], $0x80, v4, vm0, $0xb8;
	[tilespmem:$0x1FC00] =	vst v63  }
0x2f4: {  	s17 =	simm.s32 $0x6400  }
0x2f5: {  	[tilespmem:s17], [sflag:$0x1] =	stream.indirect_vreg.gather [hbm4b:s2+s3], $0x80, v3, vm0, $0xb8;
	[tilespmem:$0x1FC00] =	vst v63  }
0x2f6: {  	s17 =	simm.s32 $0x6C00  }
0x2f7: {  	[tilespmem:s17], [sflag:$0x1] =	stream.indirect_vreg.gather [hbm4b:s5+s3], $0x80, v3, vm0, $0xb8;
	[tilespmem:$0x1FC00] =	vst v63  }
0x2f8: {  	s17 =	simm.s32 $0x7400  }
0x2f9: {  	[tilespmem:s17], [sflag:$0x1] =	stream.indirect_vreg.gather [hbm4b:s6+s3], $0x80, v3, vm0, $0xb8;
	[tilespmem:$0x1FC00] =	vst v63  }
0x2fa: {  	_ =	swait.ge [sflag:s29], $0x6000  }
0x2fb: {  	[sflag:s29] =	ssyncset.done $0x0  }
0x2fc: {  	s14 =	simm.s32 $0x13C00;
	s17 =	rddreg [dreg:$0x11];
	[sflag:s29] =	ssyncadd.s32 $0xFFFFA000  }
0x2fd: {  	[hbm4b:s17+s3] =	stream.linear.scatter [tilespmem:s14], [sflag:$0x9], $0x6000, $0x38;
	[tilespmem:$0x1FC00] =	vst v63  }
0x2fe: {  	_ =	swait.ge [sflag:s30], $0x6000  }
0x2ff: {  	[sflag:s30] =	ssyncset.done $0x0  }
0x300: {  	[sflag:s30] =	ssyncadd.s32 $0xFFFFA000  }
0x301: {  	v3 =	vld [tilespmem:$0x800];
	_ =	sdelay $0x4  }
0x302: {  	v52 =	vshrl.u32 v3, $0x3  }
0x303: {  	v4 =	vmul.u32 $0x30, v52  }
0x304: {  	v3 =	vand.u32 $0x7, v3  }
0x305: {  	v3 =	vor.u32 v3, v4  }
0x306: {  	v4 =	vperm.xlane v3, v0;
	_ =	sdelay $0x1  }
0x307: {  	v4 =	vadd.s32 v1, v4;
	_ =	sdelay $0x3  }
0x308: {  	s7 =	simm.s32 $0x7C00;
	v3 =	vperm.xlane v3, v2  }
0x309: {  	[tilespmem:s7], [sflag:$0x2] =	stream.indirect_vreg.gather [hbm4b:s2+s3], $0x80, v4, vm0, $0xb8;
	[tilespmem:$0x1FC00] =	vst v63  }
0x30a: {  	s17 =	simm.s32 $0x8400;
	v3 =	vadd.s32 v1, v3  }
0x30b: {  	[tilespmem:s17], [sflag:$0x2] =	stream.indirect_vreg.gather [hbm4b:s5+s3], $0x80, v4, vm0, $0xb8;
	[tilespmem:$0x1FC00] =	vst v63  }
0x30c: {  	s17 =	simm.s32 $0x8C00  }
0x30d: {  	[tilespmem:s17], [sflag:$0x2] =	stream.indirect_vreg.gather [hbm4b:s6+s3], $0x80, v4, vm0, $0xb8;
	[tilespmem:$0x1FC00] =	vst v63  }
0x30e: {  	_ = 	snop  }
0x30f: {  	[tilespmem:s8], [sflag:$0x2] =	stream.indirect_vreg.gather [hbm4b:s2+s3], $0x80, v3, vm0, $0xb8;
	[tilespmem:$0x1FC00] =	vst v63  }
0x310: {  	_ = 	snop  }
0x311: {  	[tilespmem:s22], [sflag:$0x2] =	stream.indirect_vreg.gather [hbm4b:s5+s3], $0x80, v3, vm0, $0xb8;
	[tilespmem:$0x1FC00] =	vst v63  }
0x312: {  	s12 =	simm.s32 $0xA400  }
0x313: {  	[tilespmem:s12], [sflag:$0x2] =	stream.indirect_vreg.gather [hbm4b:s6+s3], $0x80, v3, vm0, $0xb8;
	[tilespmem:$0x1FC00] =	vst v63  }
0x314: {  	v3 =	vld [tilespmem:$0x810];
	_ =	sdelay $0x4  }
0x315: {  	v53 =	vshrl.u32 v3, $0x3  }
0x316: {  	v4 =	vmul.u32 $0x30, v53  }
0x317: {  	v3 =	vand.u32 $0x7, v3  }
0x318: {  	v3 =	vor.u32 v3, v4  }
0x319: {  	v4 =	vperm.xlane v3, v0;
	_ =	sdelay $0x1  }
0x31a: {  	v4 =	vadd.s32 v1, v4;
	_ =	sdelay $0x3  }
0x31b: {  	s22 =	simm.s32 $0xAC00;
	v3 =	vperm.xlane v3, v2  }
0x31c: {  	[tilespmem:s22], [sflag:$0x2] =	stream.indirect_vreg.gather [hbm4b:s2+s3], $0x80, v4, vm0, $0xb8;
	[tilespmem:$0x1FC00] =	vst v63  }
0x31d: {  	v3 =	vadd.s32 v1, v3  }
0x31e: {  	[tilespmem:s11], [sflag:$0x2] =	stream.indirect_vreg.gather [hbm4b:s5+s3], $0x80, v4, vm0, $0xb8;
	[tilespmem:$0x1FC00] =	vst v63  }
0x31f: {  	_ = 	snop  }
0x320: {  	[tilespmem:s20], [sflag:$0x2] =	stream.indirect_vreg.gather [hbm4b:s6+s3], $0x80, v4, vm0, $0xb8;
	[tilespmem:$0x1FC00] =	vst v63  }
0x321: {  	s12 =	simm.s32 $0xC400  }
0x322: {  	[tilespmem:s12], [sflag:$0x2] =	stream.indirect_vreg.gather [hbm4b:s2+s3], $0x80, v3, vm0, $0xb8;
	[tilespmem:$0x1FC00] =	vst v63  }
0x323: {  	s20 =	simm.s32 $0xCC00  }
0x324: {  	[tilespmem:s20], [sflag:$0x2] =	stream.indirect_vreg.gather [hbm4b:s5+s3], $0x80, v3, vm0, $0xb8;
	[tilespmem:$0x1FC00] =	vst v63  }
0x325: {  	s12 =	simm.s32 $0xD400  }
0x326: {  	[tilespmem:s12], [sflag:$0x2] =	stream.indirect_vreg.gather [hbm4b:s6+s3], $0x80, v3, vm0, $0xb8;
	[tilespmem:$0x1FC00] =	vst v63  }
0x327: {  	_ =	swait.ge [sflag:s31], $0x6000  }
0x328: {  	[sflag:s31] =	ssyncset.done $0x0  }
0x329: {  	s13 =	simm.s32 $0x19C00;
	s8 =	rddreg [dreg:$0x12];
	[sflag:s31] =	ssyncadd.s32 $0xFFFFA000  }
0x32a: {  	[hbm4b:s8+s3] =	stream.linear.scatter [tilespmem:s13], [sflag:$0xA], $0x6000, $0x38;
	[tilespmem:$0x1FC00] =	vst v63  }
0x32b: {  	_ =	swait.ge [sflag:s1], $0x6000  }
0x32c: {  	[sflag:s1] =	ssyncset.done $0x0  }
0x32d: {  	[sflag:s1] =	ssyncadd.s32 $0xFFFFA000  }
0x32e: {  	v3 =	vld [tilespmem:$0x880];
	_ =	sdelay $0x4  }
0x32f: {  	v54 =	vshrl.u32 v3, $0x3  }
0x330: {  	v4 =	vmul.u32 $0x30, v54  }
0x331: {  	v3 =	vand.u32 $0x7, v3  }
0x332: {  	v3 =	vor.u32 v3, v4  }
0x333: {  	v4 =	vperm.xlane v3, v0;
	_ =	sdelay $0x1  }
0x334: {  	v4 =	vadd.s32 v1, v4;
	_ =	sdelay $0x3  }
0x335: {  	s15 =	simm.s32 $0xDC00;
	v3 =	vperm.xlane v3, v2  }
0x336: {  	[tilespmem:s15], [sflag:$0x3] =	stream.indirect_vreg.gather [hbm4b:s2+s3], $0x80, v4, vm0, $0xb8;
	[tilespmem:$0x1FC00] =	vst v63  }
0x337: {  	v3 =	vadd.s32 v1, v3  }
0x338: {  	[tilespmem:s9], [sflag:$0x3] =	stream.indirect_vreg.gather [hbm4b:s5+s3], $0x80, v4, vm0, $0xb8;
	[tilespmem:$0x1FC00] =	vst v63  }
0x339: {  	s12 =	simm.s32 $0xEC00  }
0x33a: {  	[tilespmem:s12], [sflag:$0x3] =	stream.indirect_vreg.gather [hbm4b:s6+s3], $0x80, v4, vm0, $0xb8;
	[tilespmem:$0x1FC00] =	vst v63  }
0x33b: {  	s9 =	simm.s32 $0xF400  }
0x33c: {  	[tilespmem:s9], [sflag:$0x3] =	stream.indirect_vreg.gather [hbm4b:s2+s3], $0x80, v3, vm0, $0xb8;
	[tilespmem:$0x1FC00] =	vst v63  }
0x33d: {  	s12 =	simm.s32 $0xFC00  }
0x33e: {  	[tilespmem:s12], [sflag:$0x3] =	stream.indirect_vreg.gather [hbm4b:s5+s3], $0x80, v3, vm0, $0xb8;
	[tilespmem:$0x1FC00] =	vst v63  }
0x33f: {  	s9 =	simm.s32 $0x10400  }
0x340: {  	[tilespmem:s9], [sflag:$0x3] =	stream.indirect_vreg.gather [hbm4b:s6+s3], $0x80, v3, vm0, $0xb8;
	[tilespmem:$0x1FC00] =	vst v63  }
0x341: {  	v3 =	vld [tilespmem:$0x890];
	_ =	sdelay $0x4  }
0x342: {  	v55 =	vshrl.u32 v3, $0x3  }
0x343: {  	v4 =	vmul.u32 $0x30, v55  }
0x344: {  	v3 =	vand.u32 $0x7, v3  }
0x345: {  	v3 =	vor.u32 v3, v4  }
0x346: {  	v4 =	vperm.xlane v3, v0;
	_ =	sdelay $0x1  }
0x347: {  	v4 =	vadd.s32 v1, v4;
	_ =	sdelay $0x3  }
0x348: {  	s12 =	simm.s32 $0x10C00;
	v3 =	vperm.xlane v3, v2  }
0x349: {  	[tilespmem:s12], [sflag:$0x3] =	stream.indirect_vreg.gather [hbm4b:s2+s3], $0x80, v4, vm0, $0xb8;
	[tilespmem:$0x1FC00] =	vst v63  }
0x34a: {  	s9 =	simm.s32 $0x11400;
	v3 =	vadd.s32 v1, v3  }
0x34b: {  	[tilespmem:s9], [sflag:$0x3] =	stream.indirect_vreg.gather [hbm4b:s5+s3], $0x80, v4, vm0, $0xb8;
	[tilespmem:$0x1FC00] =	vst v63  }
0x34c: {  	s8 =	simm.s32 $0x11C00  }
0x34d: {  	[tilespmem:s8], [sflag:$0x3] =	stream.indirect_vreg.gather [hbm4b:s6+s3], $0x80, v4, vm0, $0xb8;
	[tilespmem:$0x1FC00] =	vst v63  }
0x34e: {  	s9 =	simm.s32 $0x12400  }
0x34f: {  	[tilespmem:s9], [sflag:$0x3] =	stream.indirect_vreg.gather [hbm4b:s2+s3], $0x80, v3, vm0, $0xb8;
	[tilespmem:$0x1FC00] =	vst v63  }
0x350: {  	s12 =	simm.s32 $0x12C00  }
0x351: {  	[tilespmem:s12], [sflag:$0x3] =	stream.indirect_vreg.gather [hbm4b:s5+s3], $0x80, v3, vm0, $0xb8;
	[tilespmem:$0x1FC00] =	vst v63  }
0x352: {  	s12 =	simm.s32 $0x13400  }
0x353: {  	[tilespmem:s12], [sflag:$0x3] =	stream.indirect_vreg.gather [hbm4b:s6+s3], $0x80, v3, vm0, $0xb8;
	[tilespmem:$0x1FC00] =	vst v63  }
0x354: {  	_ =	swait.ge [sflag:s24], $0x6000  }
0x355: {  	[sflag:s24] =	ssyncset.done $0x0  }
0x356: {  	s12 =	rddreg [dreg:$0x13];
	[sflag:s24] =	ssyncadd.s32 $0xFFFFA000  }
0x357: {  	[hbm4b:s12+s3] =	stream.linear.scatter [tilespmem:s19], [sflag:$0x6], $0x6000, $0x38;
	[tilespmem:$0x1FC00] =	vst v63  }
0x358: {  	_ =	swait.ge [sflag:s0], $0x6000  }
0x359: {  	[sflag:s0] =	ssyncset.done $0x0  }
0x35a: {  	[sflag:s0] =	ssyncadd.s32 $0xFFFFA000  }
0x35b: {  	v3 =	vld [tilespmem:$0x900];
	_ =	sdelay $0x4  }
0x35c: {  	v56 =	vshrl.u32 v3, $0x3  }
0x35d: {  	v4 =	vmul.u32 $0x30, v56  }
0x35e: {  	v3 =	vand.u32 $0x7, v3  }
0x35f: {  	v3 =	vor.u32 v3, v4  }
0x360: {  	v4 =	vperm.xlane v3, v0;
	_ =	sdelay $0x1  }
0x361: {  	v4 =	vadd.s32 v1, v4;
	_ =	sdelay $0x3  }
0x362: {  	v3 =	vperm.xlane v3, v2  }
0x363: {  	[tilespmem:s14], [sflag:$0x4] =	stream.indirect_vreg.gather [hbm4b:s2+s3], $0x80, v4, vm0, $0xb8;
	[tilespmem:$0x1FC00] =	vst v63  }
0x364: {  	s23 =	simm.s32 $0x14400;
	v3 =	vadd.s32 v1, v3  }
0x365: {  	[tilespmem:s23], [sflag:$0x4] =	stream.indirect_vreg.gather [hbm4b:s5+s3], $0x80, v4, vm0, $0xb8;
	[tilespmem:$0x1FC00] =	vst v63  }
0x366: {  	s21 =	simm.s32 $0x14C00  }
0x367: {  	[tilespmem:s21], [sflag:$0x4] =	stream.indirect_vreg.gather [hbm4b:s6+s3], $0x80, v4, vm0, $0xb8;
	[tilespmem:$0x1FC00] =	vst v63  }
0x368: {  	s25 =	simm.s32 $0x15400  }
0x369: {  	[tilespmem:s25], [sflag:$0x4] =	stream.indirect_vreg.gather [hbm4b:s2+s3], $0x80, v3, vm0, $0xb8;
	[tilespmem:$0x1FC00] =	vst v63  }
0x36a: {  	s12 =	simm.s32 $0x15C00  }
0x36b: {  	[tilespmem:s12], [sflag:$0x4] =	stream.indirect_vreg.gather [hbm4b:s5+s3], $0x80, v3, vm0, $0xb8;
	[tilespmem:$0x1FC00] =	vst v63  }
0x36c: {  	s12 =	simm.s32 $0x16400  }
0x36d: {  	[tilespmem:s12], [sflag:$0x4] =	stream.indirect_vreg.gather [hbm4b:s6+s3], $0x80, v3, vm0, $0xb8;
	[tilespmem:$0x1FC00] =	vst v63  }
0x36e: {  	v3 =	vld [tilespmem:$0x910];
	_ =	sdelay $0x4  }
0x36f: {  	v57 =	vshrl.u32 v3, $0x3  }
0x370: {  	v4 =	vmul.u32 $0x30, v57  }
0x371: {  	v3 =	vand.u32 $0x7, v3  }
0x372: {  	v3 =	vor.u32 v3, v4  }
0x373: {  	v4 =	vperm.xlane v3, v0;
	_ =	sdelay $0x1  }
0x374: {  	v4 =	vadd.s32 v1, v4;
	_ =	sdelay $0x3  }
0x375: {  	s12 =	simm.s32 $0x16C00;
	v3 =	vperm.xlane v3, v2  }
0x376: {  	[tilespmem:s12], [sflag:$0x4] =	stream.indirect_vreg.gather [hbm4b:s2+s3], $0x80, v4, vm0, $0xb8;
	[tilespmem:$0x1FC00] =	vst v63  }
0x377: {  	v3 =	vadd.s32 v1, v3;
	s12 =	simm.s32 $0x17400  }
0x378: {  	[tilespmem:s12], [sflag:$0x4] =	stream.indirect_vreg.gather [hbm4b:s5+s3], $0x80, v4, vm0, $0xb8;
	[tilespmem:$0x1FC00] =	vst v63  }
0x379: {  	s12 =	simm.s32 $0x17C00  }
0x37a: {  	[tilespmem:s12], [sflag:$0x4] =	stream.indirect_vreg.gather [hbm4b:s6+s3], $0x80, v4, vm0, $0xb8;
	[tilespmem:$0x1FC00] =	vst v63  }
0x37b: {  	s12 =	simm.s32 $0x18400  }
0x37c: {  	[tilespmem:s12], [sflag:$0x4] =	stream.indirect_vreg.gather [hbm4b:s2+s3], $0x80, v3, vm0, $0xb8;
	[tilespmem:$0x1FC00] =	vst v63  }
0x37d: {  	s12 =	simm.s32 $0x18C00  }
0x37e: {  	[tilespmem:s12], [sflag:$0x4] =	stream.indirect_vreg.gather [hbm4b:s5+s3], $0x80, v3, vm0, $0xb8;
	[tilespmem:$0x1FC00] =	vst v63  }
0x37f: {  	s12 =	simm.s32 $0x19400  }
0x380: {  	[tilespmem:s12], [sflag:$0x4] =	stream.indirect_vreg.gather [hbm4b:s6+s3], $0x80, v3, vm0, $0xb8;
	[tilespmem:$0x1FC00] =	vst v63  }
0x381: {  	_ =	swait.ge [sflag:s10], $0x6000  }
0x382: {  	[sflag:s10] =	ssyncset.done $0x0  }
0x383: {  	s12 =	rddreg [dreg:$0x14];
	[sflag:s10] =	ssyncadd.s32 $0xFFFFA000  }
0x384: {  	[hbm4b:s12+s3] =	stream.linear.scatter [tilespmem:s7], [sflag:$0x7], $0x6000, $0x38;
	[tilespmem:$0x1FC00] =	vst v63  }
0x385: {  	_ =	swait.ge [sflag:s4], $0x6000  }
0x386: {  	[sflag:s4] =	ssyncset.done $0x0  }
0x387: {  	[sflag:s4] =	ssyncadd.s32 $0xFFFFA000  }
0x388: {  	v3 =	vld [tilespmem:$0x980];
	_ =	sdelay $0x4  }
0x389: {  	v58 =	vshrl.u32 v3, $0x3  }
0x38a: {  	v4 =	vmul.u32 $0x30, v58  }
0x38b: {  	v3 =	vand.u32 $0x7, v3  }
0x38c: {  	v3 =	vor.u32 v3, v4  }
0x38d: {  	v4 =	vperm.xlane v3, v0;
	_ =	sdelay $0x1  }
0x38e: {  	v4 =	vadd.s32 v1, v4;
	_ =	sdelay $0x3  }
0x38f: {  	v3 =	vperm.xlane v3, v2  }
0x390: {  	[tilespmem:s13], [sflag:$0x5] =	stream.indirect_vreg.gather [hbm4b:s2+s3], $0x80, v4, vm0, $0xb8;
	[tilespmem:$0x1FC00] =	vst v63  }
0x391: {  	s16 =	simm.s32 $0x1A400;
	v3 =	vadd.s32 v1, v3  }
0x392: {  	[tilespmem:s16], [sflag:$0x5] =	stream.indirect_vreg.gather [hbm4b:s5+s3], $0x80, v4, vm0, $0xb8;
	[tilespmem:$0x1FC00] =	vst v63  }
0x393: {  	s18 =	simm.s32 $0x1AC00  }
0x394: {  	[tilespmem:s18], [sflag:$0x5] =	stream.indirect_vreg.gather [hbm4b:s6+s3], $0x80, v4, vm0, $0xb8;
	[tilespmem:$0x1FC00] =	vst v63  }
0x395: {  	s12 =	simm.s32 $0x1B400  }
0x396: {  	[tilespmem:s12], [sflag:$0x5] =	stream.indirect_vreg.gather [hbm4b:s2+s3], $0x80, v3, vm0, $0xb8;
	[tilespmem:$0x1FC00] =	vst v63  }
0x397: {  	s12 =	simm.s32 $0x1BC00  }
0x398: {  	[tilespmem:s12], [sflag:$0x5] =	stream.indirect_vreg.gather [hbm4b:s5+s3], $0x80, v3, vm0, $0xb8;
	[tilespmem:$0x1FC00] =	vst v63  }
0x399: {  	s12 =	simm.s32 $0x1C400  }
0x39a: {  	[tilespmem:s12], [sflag:$0x5] =	stream.indirect_vreg.gather [hbm4b:s6+s3], $0x80, v3, vm0, $0xb8;
	[tilespmem:$0x1FC00] =	vst v63  }
0x39b: {  	v3 =	vld [tilespmem:$0x990];
	_ =	sdelay $0x4  }
0x39c: {  	v59 =	vshrl.u32 v3, $0x3  }
0x39d: {  	v4 =	vmul.u32 $0x30, v59  }
0x39e: {  	v3 =	vand.u32 $0x7, v3  }
0x39f: {  	v3 =	vor.u32 v3, v4  }
0x3a0: {  	v4 =	vperm.xlane v3, v0;
	_ =	sdelay $0x1  }
0x3a1: {  	v4 =	vadd.s32 v1, v4;
	_ =	sdelay $0x3  }
0x3a2: {  	s12 =	simm.s32 $0x1CC00;
	v3 =	vperm.xlane v3, v2  }
0x3a3: {  	[tilespmem:s12], [sflag:$0x5] =	stream.indirect_vreg.gather [hbm4b:s2+s3], $0x80, v4, vm0, $0xb8;
	[tilespmem:$0x1FC00] =	vst v63  }
0x3a4: {  	v3 =	vadd.s32 v1, v3;
	s12 =	simm.s32 $0x1D400  }
0x3a5: {  	[tilespmem:s12], [sflag:$0x5] =	stream.indirect_vreg.gather [hbm4b:s5+s3], $0x80, v4, vm0, $0xb8;
	[tilespmem:$0x1FC00] =	vst v63  }
0x3a6: {  	s12 =	simm.s32 $0x1DC00  }
0x3a7: {  	[tilespmem:s12], [sflag:$0x5] =	stream.indirect_vreg.gather [hbm4b:s6+s3], $0x80, v4, vm0, $0xb8;
	[tilespmem:$0x1FC00] =	vst v63  }
0x3a8: {  	s12 =	simm.s32 $0x1E400  }
0x3a9: {  	[tilespmem:s12], [sflag:$0x5] =	stream.indirect_vreg.gather [hbm4b:s2+s3], $0x80, v3, vm0, $0xb8;
	[tilespmem:$0x1FC00] =	vst v63  }
0x3aa: {  	s12 =	simm.s32 $0x1EC00  }
0x3ab: {  	[tilespmem:s12], [sflag:$0x5] =	stream.indirect_vreg.gather [hbm4b:s5+s3], $0x80, v3, vm0, $0xb8;
	[tilespmem:$0x1FC00] =	vst v63  }
0x3ac: {  	s12 =	simm.s32 $0x1F400  }
0x3ad: {  	[tilespmem:s12], [sflag:$0x5] =	stream.indirect_vreg.gather [hbm4b:s6+s3], $0x80, v3, vm0, $0xb8;
	[tilespmem:$0x1FC00] =	vst v63  }
0x3ae: {  	_ =	swait.ge [sflag:s26], $0x6000  }
0x3af: {  	[sflag:s26] =	ssyncset.done $0x0  }
0x3b0: {  	s12 =	rddreg [dreg:$0x15];
	[sflag:s26] =	ssyncadd.s32 $0xFFFFA000  }
0x3b1: {  	[hbm4b:s12+s3] =	stream.linear.scatter [tilespmem:s15], [sflag:$0x8], $0x6000, $0x38;
	[tilespmem:$0x1FC00] =	vst v63  }
0x3b2: {  	_ =	swait.ge [sflag:s28], $0x6000  }
0x3b3: {  	[sflag:s28] =	ssyncset.done $0x0  }
0x3b4: {  	[sflag:s28] =	ssyncadd.s32 $0xFFFFA000  }
0x3b5: {  	v3 =	vld [tilespmem:$0xA00];
	_ =	sdelay $0x4  }
0x3b6: {  	v60 =	vshrl.u32 v3, $0x3  }
0x3b7: {  	v4 =	vmul.u32 $0x30, v60  }
0x3b8: {  	v3 =	vand.u32 $0x7, v3  }
0x3b9: {  	v3 =	vor.u32 v3, v4  }
0x3ba: {  	v4 =	vperm.xlane v3, v0;
	_ =	sdelay $0x1  }
0x3bb: {  	v4 =	vadd.s32 v1, v4;
	_ =	sdelay $0x3  }
0x3bc: {  	v3 =	vperm.xlane v3, v2  }
0x3bd: {  	[tilespmem:s19], [sflag:$0x1] =	stream.indirect_vreg.gather [hbm4b:s2+s3], $0x80, v4, vm0, $0xb8;
	[tilespmem:$0x1FC00] =	vst v63  }
0x3be: {  	s12 =	simm.s32 $0x2400;
	v3 =	vadd.s32 v1, v3  }
0x3bf: {  	[tilespmem:s12], [sflag:$0x1] =	stream.indirect_vreg.gather [hbm4b:s5+s3], $0x80, v4, vm0, $0xb8;
	[tilespmem:$0x1FC00] =	vst v63  }
0x3c0: {  	s12 =	simm.s32 $0x2C00  }
0x3c1: {  	[tilespmem:s12], [sflag:$0x1] =	stream.indirect_vreg.gather [hbm4b:s6+s3], $0x80, v4, vm0, $0xb8;
	[tilespmem:$0x1FC00] =	vst v63  }
0x3c2: {  	s12 =	simm.s32 $0x3400  }
0x3c3: {  	[tilespmem:s12], [sflag:$0x1] =	stream.indirect_vreg.gather [hbm4b:s2+s3], $0x80, v3, vm0, $0xb8;
	[tilespmem:$0x1FC00] =	vst v63  }
0x3c4: {  	s12 =	simm.s32 $0x3C00  }
0x3c5: {  	[tilespmem:s12], [sflag:$0x1] =	stream.indirect_vreg.gather [hbm4b:s5+s3], $0x80, v3, vm0, $0xb8;
	[tilespmem:$0x1FC00] =	vst v63  }
0x3c6: {  	s12 =	simm.s32 $0x4400  }
0x3c7: {  	[tilespmem:s12], [sflag:$0x1] =	stream.indirect_vreg.gather [hbm4b:s6+s3], $0x80, v3, vm0, $0xb8;
	[tilespmem:$0x1FC00] =	vst v63  }
0x3c8: {  	v3 =	vld [tilespmem:$0xA10];
	_ =	sdelay $0x4  }
0x3c9: {  	v61 =	vshrl.u32 v3, $0x3  }
0x3ca: {  	v4 =	vmul.u32 $0x30, v61  }
0x3cb: {  	v3 =	vand.u32 $0x7, v3  }
0x3cc: {  	v3 =	vor.u32 v3, v4  }
0x3cd: {  	v4 =	vperm.xlane v3, v0;
	_ =	sdelay $0x1  }
0x3ce: {  	v4 =	vadd.s32 v1, v4;
	_ =	sdelay $0x3  }
0x3cf: {  	s12 =	simm.s32 $0x4C00;
	v3 =	vperm.xlane v3, v2  }
0x3d0: {  	[tilespmem:s12], [sflag:$0x1] =	stream.indirect_vreg.gather [hbm4b:s2+s3], $0x80, v4, vm0, $0xb8;
	[tilespmem:$0x1FC00] =	vst v63  }
0x3d1: {  	v3 =	vadd.s32 v1, v3;
	s12 =	simm.s32 $0x5400  }
0x3d2: {  	[tilespmem:s12], [sflag:$0x1] =	stream.indirect_vreg.gather [hbm4b:s5+s3], $0x80, v4, vm0, $0xb8;
	[tilespmem:$0x1FC00] =	vst v63  }
0x3d3: {  	s12 =	simm.s32 $0x5C00  }
0x3d4: {  	[tilespmem:s12], [sflag:$0x1] =	stream.indirect_vreg.gather [hbm4b:s6+s3], $0x80, v4, vm0, $0xb8;
	[tilespmem:$0x1FC00] =	vst v63  }
0x3d5: {  	s12 =	simm.s32 $0x6400  }
0x3d6: {  	[tilespmem:s12], [sflag:$0x1] =	stream.indirect_vreg.gather [hbm4b:s2+s3], $0x80, v3, vm0, $0xb8;
	[tilespmem:$0x1FC00] =	vst v63  }
0x3d7: {  	s12 =	simm.s32 $0x6C00  }
0x3d8: {  	[tilespmem:s12], [sflag:$0x1] =	stream.indirect_vreg.gather [hbm4b:s5+s3], $0x80, v3, vm0, $0xb8;
	[tilespmem:$0x1FC00] =	vst v63  }
0x3d9: {  	s12 =	simm.s32 $0x7400  }
0x3da: {  	[tilespmem:s12], [sflag:$0x1] =	stream.indirect_vreg.gather [hbm4b:s6+s3], $0x80, v3, vm0, $0xb8;
	[tilespmem:$0x1FC00] =	vst v63  }
0x3db: {  	_ =	swait.ge [sflag:s29], $0x6000  }
0x3dc: {  	[sflag:s29] =	ssyncset.done $0x0  }
0x3dd: {  	s12 =	rddreg [dreg:$0x16];
	[sflag:s29] =	ssyncadd.s32 $0xFFFFA000  }
0x3de: {  	[hbm4b:s12+s3] =	stream.linear.scatter [tilespmem:s14], [sflag:$0x9], $0x6000, $0x38;
	[tilespmem:$0x1FC00] =	vst v63  }
0x3df: {  	_ =	swait.ge [sflag:s30], $0x6000  }
0x3e0: {  	[sflag:s30] =	ssyncset.done $0x0  }
0x3e1: {  	[sflag:s30] =	ssyncadd.s32 $0xFFFFA000  }
0x3e2: {  	v3 =	vld [tilespmem:$0xA80];
	_ =	sdelay $0x4  }
0x3e3: {  	v62 =	vshrl.u32 v3, $0x3  }
0x3e4: {  	v4 =	vmul.u32 $0x30, v62  }
0x3e5: {  	v3 =	vand.u32 $0x7, v3  }
0x3e6: {  	v3 =	vor.u32 v3, v4  }
0x3e7: {  	v4 =	vperm.xlane v3, v0;
	_ =	sdelay $0x1  }
0x3e8: {  	v4 =	vadd.s32 v1, v4;
	_ =	sdelay $0x3  }
0x3e9: {  	v3 =	vperm.xlane v3, v2  }
0x3ea: {  	[tilespmem:s7], [sflag:$0x2] =	stream.indirect_vreg.gather [hbm4b:s2+s3], $0x80, v4, vm0, $0xb8;
	[tilespmem:$0x1FC00] =	vst v63  }
0x3eb: {  	s12 =	simm.s32 $0x8400;
	v3 =	vadd.s32 v1, v3  }
0x3ec: {  	[tilespmem:s12], [sflag:$0x2] =	stream.indirect_vreg.gather [hbm4b:s5+s3], $0x80, v4, vm0, $0xb8;
	[tilespmem:$0x1FC00] =	vst v63  }
0x3ed: {  	s12 =	simm.s32 $0x8C00  }
0x3ee: {  	[tilespmem:s12], [sflag:$0x2] =	stream.indirect_vreg.gather [hbm4b:s6+s3], $0x80, v4, vm0, $0xb8;
	[tilespmem:$0x1FC00] =	vst v63  }
0x3ef: {  	s12 =	simm.s32 $0x9400  }
0x3f0: {  	[tilespmem:s12], [sflag:$0x2] =	stream.indirect_vreg.gather [hbm4b:s2+s3], $0x80, v3, vm0, $0xb8;
	[tilespmem:$0x1FC00] =	vst v63  }
0x3f1: {  	s17 =	simm.s32 $0x9C00  }
0x3f2: {  	[tilespmem:s17], [sflag:$0x2] =	stream.indirect_vreg.gather [hbm4b:s5+s3], $0x80, v3, vm0, $0xb8;
	[tilespmem:$0x1FC00] =	vst v63  }
0x3f3: {  	s12 =	simm.s32 $0xA400  }
0x3f4: {  	[tilespmem:s12], [sflag:$0x2] =	stream.indirect_vreg.gather [hbm4b:s6+s3], $0x80, v3, vm0, $0xb8;
	[tilespmem:$0x1FC00] =	vst v63  }
0x3f5: {  	v3 =	vld [tilespmem:$0xA90];
	_ =	sdelay $0x4  }
0x3f6: {  	v63 =	vshrl.u32 v3, $0x3  }
0x3f7: {  	v4 =	vmul.u32 $0x30, v63  }
0x3f8: {  	v3 =	vand.u32 $0x7, v3  }
0x3f9: {  	v3 =	vor.u32 v3, v4  }
0x3fa: {  	v4 =	vperm.xlane v3, v0;
	_ =	sdelay $0x1  }
0x3fb: {  	v4 =	vadd.s32 v1, v4;
	_ =	sdelay $0x3  }
0x3fc: {  	s12 =	simm.s32 $0xAC00;
	v3 =	vperm.xlane v3, v2  }
0x3fd: {  	[tilespmem:s12], [sflag:$0x2] =	stream.indirect_vreg.gather [hbm4b:s2+s3], $0x80, v4, vm0, $0xb8;
	[tilespmem:$0x1FC00] =	vst v63  }
0x3fe: {  	v3 =	vadd.s32 v1, v3;
	s12 =	simm.s32 $0xB400  }
0x3ff: {  	[tilespmem:s12], [sflag:$0x2] =	stream.indirect_vreg.gather [hbm4b:s5+s3], $0x80, v4, vm0, $0xb8;
	[tilespmem:$0x1FC00] =	vst v63  }
0x400: {  	s11 =	simm.s32 $0xBC00  }
0x401: {  	[tilespmem:s11], [sflag:$0x2] =	stream.indirect_vreg.gather [hbm4b:s6+s3], $0x80, v4, vm0, $0xb8;
	[tilespmem:$0x1FC00] =	vst v63  }
0x402: {  	s22 =	simm.s32 $0xC400  }
0x403: {  	[tilespmem:s22], [sflag:$0x2] =	stream.indirect_vreg.gather [hbm4b:s2+s3], $0x80, v3, vm0, $0xb8;
	[tilespmem:$0x1FC00] =	vst v63  }
0x404: {  	s20 =	simm.s32 $0xCC00  }
0x405: {  	[tilespmem:s20], [sflag:$0x2] =	stream.indirect_vreg.gather [hbm4b:s5+s3], $0x80, v3, vm0, $0xb8;
	[tilespmem:$0x1FC00] =	vst v63  }
0x406: {  	s12 =	simm.s32 $0xD400  }
0x407: {  	[tilespmem:s12], [sflag:$0x2] =	stream.indirect_vreg.gather [hbm4b:s6+s3], $0x80, v3, vm0, $0xb8;
	[tilespmem:$0x1FC00] =	vst v63  }
0x408: {  	_ =	swait.ge [sflag:s31], $0x6000  }
0x409: {  	[sflag:s31] =	ssyncset.done $0x0  }
0x40a: {  	s12 =	rddreg [dreg:$0x17];
	[sflag:s31] =	ssyncadd.s32 $0xFFFFA000  }
0x40b: {  	[hbm4b:s12+s3] =	stream.linear.scatter [tilespmem:s13], [sflag:$0xA], $0x6000, $0x38;
	[tilespmem:$0x1FC00] =	vst v63  }
0x40c: {  	_ =	swait.ge [sflag:s1], $0x6000  }
0x40d: {  	[sflag:s1] =	ssyncset.done $0x0  }
0x40e: {  	[sflag:s1] =	ssyncadd.s32 $0xFFFFA000  }
0x40f: {  	v3 =	vld [tilespmem:$0xB00];
	_ =	sdelay $0x4  }
0x410: {  	v8 =	vshrl.u32 v3, $0x3  }
0x411: {  	v4 =	vmul.u32 $0x30, v8  }
0x412: {  	v3 =	vand.u32 $0x7, v3  }
0x413: {  	v3 =	vor.u32 v3, v4  }
0x414: {  	v4 =	vperm.xlane v3, v0;
	_ =	sdelay $0x1  }
0x415: {  	v4 =	vadd.s32 v1, v4;
	_ =	sdelay $0x3  }
0x416: {  	v3 =	vperm.xlane v3, v2  }
0x417: {  	[tilespmem:s15], [sflag:$0x3] =	stream.indirect_vreg.gather [hbm4b:s2+s3], $0x80, v4, vm0, $0xb8;
	[tilespmem:$0x1FC00] =	vst v63  }
0x418: {  	s12 =	simm.s32 $0xE400;
	v3 =	vadd.s32 v1, v3  }
0x419: {  	[tilespmem:s12], [sflag:$0x3] =	stream.indirect_vreg.gather [hbm4b:s5+s3], $0x80, v4, vm0, $0xb8;
	[tilespmem:$0x1FC00] =	vst v63  }
0x41a: {  	s12 =	simm.s32 $0xEC00  }
0x41b: {  	[tilespmem:s12], [sflag:$0x3] =	stream.indirect_vreg.gather [hbm4b:s6+s3], $0x80, v4, vm0, $0xb8;
	[tilespmem:$0x1FC00] =	vst v63  }
0x41c: {  	s12 =	simm.s32 $0xF400  }
0x41d: {  	[tilespmem:s12], [sflag:$0x3] =	stream.indirect_vreg.gather [hbm4b:s2+s3], $0x80, v3, vm0, $0xb8;
	[tilespmem:$0x1FC00] =	vst v63  }
0x41e: {  	s12 =	simm.s32 $0xFC00  }
0x41f: {  	[tilespmem:s12], [sflag:$0x3] =	stream.indirect_vreg.gather [hbm4b:s5+s3], $0x80, v3, vm0, $0xb8;
	[tilespmem:$0x1FC00] =	vst v63  }
0x420: {  	s12 =	simm.s32 $0x10400  }
0x421: {  	[tilespmem:s12], [sflag:$0x3] =	stream.indirect_vreg.gather [hbm4b:s6+s3], $0x80, v3, vm0, $0xb8;
	[tilespmem:$0x1FC00] =	vst v63  }
0x422: {  	v3 =	vld [tilespmem:$0xB10];
	_ =	sdelay $0x4  }
0x423: {  	v9 =	vshrl.u32 v3, $0x3  }
0x424: {  	v4 =	vmul.u32 $0x30, v9  }
0x425: {  	v3 =	vand.u32 $0x7, v3  }
0x426: {  	v3 =	vor.u32 v3, v4  }
0x427: {  	v4 =	vperm.xlane v3, v0;
	_ =	sdelay $0x1  }
0x428: {  	v4 =	vadd.s32 v1, v4;
	_ =	sdelay $0x3  }
0x429: {  	s12 =	simm.s32 $0x10C00;
	v3 =	vperm.xlane v3, v2  }
0x42a: {  	[tilespmem:s12], [sflag:$0x3] =	stream.indirect_vreg.gather [hbm4b:s2+s3], $0x80, v4, vm0, $0xb8;
	[tilespmem:$0x1FC00] =	vst v63  }
0x42b: {  	v3 =	vadd.s32 v1, v3;
	s12 =	simm.s32 $0x11400  }
0x42c: {  	[tilespmem:s12], [sflag:$0x3] =	stream.indirect_vreg.gather [hbm4b:s5+s3], $0x80, v4, vm0, $0xb8;
	[tilespmem:$0x1FC00] =	vst v63  }
0x42d: {  	_ = 	snop  }
0x42e: {  	[tilespmem:s8], [sflag:$0x3] =	stream.indirect_vreg.gather [hbm4b:s6+s3], $0x80, v4, vm0, $0xb8;
	[tilespmem:$0x1FC00] =	vst v63  }
0x42f: {  	_ = 	snop  }
0x430: {  	[tilespmem:s9], [sflag:$0x3] =	stream.indirect_vreg.gather [hbm4b:s2+s3], $0x80, v3, vm0, $0xb8;
	[tilespmem:$0x1FC00] =	vst v63  }
0x431: {  	s12 =	simm.s32 $0x12C00  }
0x432: {  	[tilespmem:s12], [sflag:$0x3] =	stream.indirect_vreg.gather [hbm4b:s5+s3], $0x80, v3, vm0, $0xb8;
	[tilespmem:$0x1FC00] =	vst v63  }
0x433: {  	s12 =	simm.s32 $0x13400  }
0x434: {  	[tilespmem:s12], [sflag:$0x3] =	stream.indirect_vreg.gather [hbm4b:s6+s3], $0x80, v3, vm0, $0xb8;
	[tilespmem:$0x1FC00] =	vst v63  }
0x435: {  	_ =	swait.ge [sflag:s24], $0x6000  }
0x436: {  	[sflag:s24] =	ssyncset.done $0x0  }
0x437: {  	s12 =	rddreg [dreg:$0x18];
	[sflag:s24] =	ssyncadd.s32 $0xFFFFA000  }
0x438: {  	[hbm4b:s12+s3] =	stream.linear.scatter [tilespmem:s19], [sflag:$0x6], $0x6000, $0x38;
	[tilespmem:$0x1FC00] =	vst v63  }
0x439: {  	_ =	swait.ge [sflag:s0], $0x6000  }
0x43a: {  	[sflag:s0] =	ssyncset.done $0x0  }
0x43b: {  	[sflag:s0] =	ssyncadd.s32 $0xFFFFA000  }
0x43c: {  	v3 =	vld [tilespmem:$0xB80];
	_ =	sdelay $0x4  }
0x43d: {  	v10 =	vshrl.u32 v3, $0x3  }
0x43e: {  	v4 =	vmul.u32 $0x30, v10  }
0x43f: {  	v3 =	vand.u32 $0x7, v3  }
0x440: {  	v3 =	vor.u32 v3, v4  }
0x441: {  	v4 =	vperm.xlane v3, v0;
	_ =	sdelay $0x1  }
0x442: {  	v4 =	vadd.s32 v1, v4;
	_ =	sdelay $0x3  }
0x443: {  	v3 =	vperm.xlane v3, v2  }
0x444: {  	[tilespmem:s14], [sflag:$0x4] =	stream.indirect_vreg.gather [hbm4b:s2+s3], $0x80, v4, vm0, $0xb8;
	[tilespmem:$0x1FC00] =	vst v63  }
0x445: {  	s23 =	simm.s32 $0x14400;
	v3 =	vadd.s32 v1, v3  }
0x446: {  	[tilespmem:s23], [sflag:$0x4] =	stream.indirect_vreg.gather [hbm4b:s5+s3], $0x80, v4, vm0, $0xb8;
	[tilespmem:$0x1FC00] =	vst v63  }
0x447: {  	s21 =	simm.s32 $0x14C00  }
0x448: {  	[tilespmem:s21], [sflag:$0x4] =	stream.indirect_vreg.gather [hbm4b:s6+s3], $0x80, v4, vm0, $0xb8;
	[tilespmem:$0x1FC00] =	vst v63  }
0x449: {  	s25 =	simm.s32 $0x15400  }
0x44a: {  	[tilespmem:s25], [sflag:$0x4] =	stream.indirect_vreg.gather [hbm4b:s2+s3], $0x80, v3, vm0, $0xb8;
	[tilespmem:$0x1FC00] =	vst v63  }
0x44b: {  	s12 =	simm.s32 $0x15C00  }
0x44c: {  	[tilespmem:s12], [sflag:$0x4] =	stream.indirect_vreg.gather [hbm4b:s5+s3], $0x80, v3, vm0, $0xb8;
	[tilespmem:$0x1FC00] =	vst v63  }
0x44d: {  	s12 =	simm.s32 $0x16400  }
0x44e: {  	[tilespmem:s12], [sflag:$0x4] =	stream.indirect_vreg.gather [hbm4b:s6+s3], $0x80, v3, vm0, $0xb8;
	[tilespmem:$0x1FC00] =	vst v63  }
0x44f: {  	v3 =	vld [tilespmem:$0xB90];
	_ =	sdelay $0x4  }
0x450: {  	v11 =	vshrl.u32 v3, $0x3  }
0x451: {  	v4 =	vmul.u32 $0x30, v11  }
0x452: {  	v3 =	vand.u32 $0x7, v3  }
0x453: {  	v3 =	vor.u32 v3, v4  }
0x454: {  	v4 =	vperm.xlane v3, v0;
	_ =	sdelay $0x1  }
0x455: {  	v4 =	vadd.s32 v1, v4;
	_ =	sdelay $0x3  }
0x456: {  	s12 =	simm.s32 $0x16C00;
	v3 =	vperm.xlane v3, v2  }
0x457: {  	[tilespmem:s12], [sflag:$0x4] =	stream.indirect_vreg.gather [hbm4b:s2+s3], $0x80, v4, vm0, $0xb8;
	[tilespmem:$0x1FC00] =	vst v63  }
0x458: {  	v3 =	vadd.s32 v1, v3;
	s12 =	simm.s32 $0x17400  }
0x459: {  	[tilespmem:s12], [sflag:$0x4] =	stream.indirect_vreg.gather [hbm4b:s5+s3], $0x80, v4, vm0, $0xb8;
	[tilespmem:$0x1FC00] =	vst v63  }
0x45a: {  	s12 =	simm.s32 $0x17C00  }
0x45b: {  	[tilespmem:s12], [sflag:$0x4] =	stream.indirect_vreg.gather [hbm4b:s6+s3], $0x80, v4, vm0, $0xb8;
	[tilespmem:$0x1FC00] =	vst v63  }
0x45c: {  	s12 =	simm.s32 $0x18400  }
0x45d: {  	[tilespmem:s12], [sflag:$0x4] =	stream.indirect_vreg.gather [hbm4b:s2+s3], $0x80, v3, vm0, $0xb8;
	[tilespmem:$0x1FC00] =	vst v63  }
0x45e: {  	s12 =	simm.s32 $0x18C00  }
0x45f: {  	[tilespmem:s12], [sflag:$0x4] =	stream.indirect_vreg.gather [hbm4b:s5+s3], $0x80, v3, vm0, $0xb8;
	[tilespmem:$0x1FC00] =	vst v63  }
0x460: {  	s12 =	simm.s32 $0x19400  }
0x461: {  	[tilespmem:s12], [sflag:$0x4] =	stream.indirect_vreg.gather [hbm4b:s6+s3], $0x80, v3, vm0, $0xb8;
	[tilespmem:$0x1FC00] =	vst v63  }
0x462: {  	_ =	swait.ge [sflag:s10], $0x6000  }
0x463: {  	[sflag:s10] =	ssyncset.done $0x0  }
0x464: {  	s12 =	rddreg [dreg:$0x19];
	[sflag:s10] =	ssyncadd.s32 $0xFFFFA000  }
0x465: {  	[hbm4b:s12+s3] =	stream.linear.scatter [tilespmem:s7], [sflag:$0x7], $0x6000, $0x38;
	[tilespmem:$0x1FC00] =	vst v63  }
0x466: {  	_ =	swait.ge [sflag:s4], $0x6000  }
0x467: {  	[sflag:s4] =	ssyncset.done $0x0  }
0x468: {  	[sflag:s4] =	ssyncadd.s32 $0xFFFFA000  }
0x469: {  	v3 =	vld [tilespmem:$0xC00];
	_ =	sdelay $0x4  }
0x46a: {  	v12 =	vshrl.u32 v3, $0x3  }
0x46b: {  	v4 =	vmul.u32 $0x30, v12  }
0x46c: {  	v3 =	vand.u32 $0x7, v3  }
0x46d: {  	v3 =	vor.u32 v3, v4  }
0x46e: {  	v4 =	vperm.xlane v3, v0;
	_ =	sdelay $0x1  }
0x46f: {  	v4 =	vadd.s32 v1, v4;
	_ =	sdelay $0x3  }
0x470: {  	v3 =	vperm.xlane v3, v2  }
0x471: {  	[tilespmem:s13], [sflag:$0x5] =	stream.indirect_vreg.gather [hbm4b:s2+s3], $0x80, v4, vm0, $0xb8;
	[tilespmem:$0x1FC00] =	vst v63  }
0x472: {  	s16 =	simm.s32 $0x1A400;
	v3 =	vadd.s32 v1, v3  }
0x473: {  	[tilespmem:s16], [sflag:$0x5] =	stream.indirect_vreg.gather [hbm4b:s5+s3], $0x80, v4, vm0, $0xb8;
	[tilespmem:$0x1FC00] =	vst v63  }
0x474: {  	s18 =	simm.s32 $0x1AC00  }
0x475: {  	[tilespmem:s18], [sflag:$0x5] =	stream.indirect_vreg.gather [hbm4b:s6+s3], $0x80, v4, vm0, $0xb8;
	[tilespmem:$0x1FC00] =	vst v63  }
0x476: {  	s12 =	simm.s32 $0x1B400  }
0x477: {  	[tilespmem:s12], [sflag:$0x5] =	stream.indirect_vreg.gather [hbm4b:s2+s3], $0x80, v3, vm0, $0xb8;
	[tilespmem:$0x1FC00] =	vst v63  }
0x478: {  	s12 =	simm.s32 $0x1BC00  }
0x479: {  	[tilespmem:s12], [sflag:$0x5] =	stream.indirect_vreg.gather [hbm4b:s5+s3], $0x80, v3, vm0, $0xb8;
	[tilespmem:$0x1FC00] =	vst v63  }
0x47a: {  	s12 =	simm.s32 $0x1C400  }
0x47b: {  	[tilespmem:s12], [sflag:$0x5] =	stream.indirect_vreg.gather [hbm4b:s6+s3], $0x80, v3, vm0, $0xb8;
	[tilespmem:$0x1FC00] =	vst v63  }
0x47c: {  	v3 =	vld [tilespmem:$0xC10];
	_ =	sdelay $0x4  }
0x47d: {  	v13 =	vshrl.u32 v3, $0x3  }
0x47e: {  	v4 =	vmul.u32 $0x30, v13  }
0x47f: {  	v3 =	vand.u32 $0x7, v3  }
0x480: {  	v3 =	vor.u32 v3, v4  }
0x481: {  	v4 =	vperm.xlane v3, v0;
	_ =	sdelay $0x1  }
0x482: {  	v4 =	vadd.s32 v1, v4;
	_ =	sdelay $0x3  }
0x483: {  	s12 =	simm.s32 $0x1CC00;
	v3 =	vperm.xlane v3, v2  }
0x484: {  	[tilespmem:s12], [sflag:$0x5] =	stream.indirect_vreg.gather [hbm4b:s2+s3], $0x80, v4, vm0, $0xb8;
	[tilespmem:$0x1FC00] =	vst v63  }
0x485: {  	v3 =	vadd.s32 v1, v3;
	s12 =	simm.s32 $0x1D400  }
0x486: {  	[tilespmem:s12], [sflag:$0x5] =	stream.indirect_vreg.gather [hbm4b:s5+s3], $0x80, v4, vm0, $0xb8;
	[tilespmem:$0x1FC00] =	vst v63  }
0x487: {  	s12 =	simm.s32 $0x1DC00  }
0x488: {  	[tilespmem:s12], [sflag:$0x5] =	stream.indirect_vreg.gather [hbm4b:s6+s3], $0x80, v4, vm0, $0xb8;
	[tilespmem:$0x1FC00] =	vst v63  }
0x489: {  	s12 =	simm.s32 $0x1E400  }
0x48a: {  	[tilespmem:s12], [sflag:$0x5] =	stream.indirect_vreg.gather [hbm4b:s2+s3], $0x80, v3, vm0, $0xb8;
	[tilespmem:$0x1FC00] =	vst v63  }
0x48b: {  	s12 =	simm.s32 $0x1EC00  }
0x48c: {  	[tilespmem:s12], [sflag:$0x5] =	stream.indirect_vreg.gather [hbm4b:s5+s3], $0x80, v3, vm0, $0xb8;
	[tilespmem:$0x1FC00] =	vst v63  }
0x48d: {  	s12 =	simm.s32 $0x1F400  }
0x48e: {  	[tilespmem:s12], [sflag:$0x5] =	stream.indirect_vreg.gather [hbm4b:s6+s3], $0x80, v3, vm0, $0xb8;
	[tilespmem:$0x1FC00] =	vst v63  }
0x48f: {  	_ =	swait.ge [sflag:s26], $0x6000  }
0x490: {  	[sflag:s26] =	ssyncset.done $0x0  }
0x491: {  	s12 =	rddreg [dreg:$0x1a];
	[sflag:s26] =	ssyncadd.s32 $0xFFFFA000  }
0x492: {  	[hbm4b:s12+s3] =	stream.linear.scatter [tilespmem:s15], [sflag:$0x8], $0x6000, $0x38;
	[tilespmem:$0x1FC00] =	vst v63  }
0x493: {  	_ =	swait.ge [sflag:s28], $0x6000  }
0x494: {  	[sflag:s28] =	ssyncset.done $0x0  }
0x495: {  	[sflag:s28] =	ssyncadd.s32 $0xFFFFA000  }
0x496: {  	v3 =	vld [tilespmem:$0xC80];
	_ =	sdelay $0x4  }
0x497: {  	v14 =	vshrl.u32 v3, $0x3  }
0x498: {  	v4 =	vmul.u32 $0x30, v14  }
0x499: {  	v3 =	vand.u32 $0x7, v3  }
0x49a: {  	v3 =	vor.u32 v3, v4  }
0x49b: {  	v4 =	vperm.xlane v3, v0;
	_ =	sdelay $0x1  }
0x49c: {  	v4 =	vadd.s32 v1, v4;
	_ =	sdelay $0x3  }
0x49d: {  	v3 =	vperm.xlane v3, v2  }
0x49e: {  	[tilespmem:s19], [sflag:$0x1] =	stream.indirect_vreg.gather [hbm4b:s2+s3], $0x80, v4, vm0, $0xb8;
	[tilespmem:$0x1FC00] =	vst v63  }
0x49f: {  	s12 =	simm.s32 $0x2400;
	v3 =	vadd.s32 v1, v3  }
0x4a0: {  	[tilespmem:s12], [sflag:$0x1] =	stream.indirect_vreg.gather [hbm4b:s5+s3], $0x80, v4, vm0, $0xb8;
	[tilespmem:$0x1FC00] =	vst v63  }
0x4a1: {  	s12 =	simm.s32 $0x2C00  }
0x4a2: {  	[tilespmem:s12], [sflag:$0x1] =	stream.indirect_vreg.gather [hbm4b:s6+s3], $0x80, v4, vm0, $0xb8;
	[tilespmem:$0x1FC00] =	vst v63  }
0x4a3: {  	s12 =	simm.s32 $0x3400  }
0x4a4: {  	[tilespmem:s12], [sflag:$0x1] =	stream.indirect_vreg.gather [hbm4b:s2+s3], $0x80, v3, vm0, $0xb8;
	[tilespmem:$0x1FC00] =	vst v63  }
0x4a5: {  	s12 =	simm.s32 $0x3C00  }
0x4a6: {  	[tilespmem:s12], [sflag:$0x1] =	stream.indirect_vreg.gather [hbm4b:s5+s3], $0x80, v3, vm0, $0xb8;
	[tilespmem:$0x1FC00] =	vst v63  }
0x4a7: {  	s12 =	simm.s32 $0x4400  }
0x4a8: {  	[tilespmem:s12], [sflag:$0x1] =	stream.indirect_vreg.gather [hbm4b:s6+s3], $0x80, v3, vm0, $0xb8;
	[tilespmem:$0x1FC00] =	vst v63  }
0x4a9: {  	v3 =	vld [tilespmem:$0xC90];
	_ =	sdelay $0x4  }
0x4aa: {  	v15 =	vshrl.u32 v3, $0x3  }
0x4ab: {  	v4 =	vmul.u32 $0x30, v15  }
0x4ac: {  	v3 =	vand.u32 $0x7, v3  }
0x4ad: {  	v3 =	vor.u32 v3, v4  }
0x4ae: {  	v4 =	vperm.xlane v3, v0;
	_ =	sdelay $0x1  }
0x4af: {  	v4 =	vadd.s32 v1, v4;
	_ =	sdelay $0x3  }
0x4b0: {  	s12 =	simm.s32 $0x4C00;
	v3 =	vperm.xlane v3, v2  }
0x4b1: {  	[tilespmem:s12], [sflag:$0x1] =	stream.indirect_vreg.gather [hbm4b:s2+s3], $0x80, v4, vm0, $0xb8;
	[tilespmem:$0x1FC00] =	vst v63  }
0x4b2: {  	v3 =	vadd.s32 v1, v3;
	s12 =	simm.s32 $0x5400  }
0x4b3: {  	[tilespmem:s12], [sflag:$0x1] =	stream.indirect_vreg.gather [hbm4b:s5+s3], $0x80, v4, vm0, $0xb8;
	[tilespmem:$0x1FC00] =	vst v63  }
0x4b4: {  	s12 =	simm.s32 $0x5C00  }
0x4b5: {  	[tilespmem:s12], [sflag:$0x1] =	stream.indirect_vreg.gather [hbm4b:s6+s3], $0x80, v4, vm0, $0xb8;
	[tilespmem:$0x1FC00] =	vst v63  }
0x4b6: {  	s12 =	simm.s32 $0x6400  }
0x4b7: {  	[tilespmem:s12], [sflag:$0x1] =	stream.indirect_vreg.gather [hbm4b:s2+s3], $0x80, v3, vm0, $0xb8;
	[tilespmem:$0x1FC00] =	vst v63  }
0x4b8: {  	s12 =	simm.s32 $0x6C00  }
0x4b9: {  	[tilespmem:s12], [sflag:$0x1] =	stream.indirect_vreg.gather [hbm4b:s5+s3], $0x80, v3, vm0, $0xb8;
	[tilespmem:$0x1FC00] =	vst v63  }
0x4ba: {  	s12 =	simm.s32 $0x7400  }
0x4bb: {  	[tilespmem:s12], [sflag:$0x1] =	stream.indirect_vreg.gather [hbm4b:s6+s3], $0x80, v3, vm0, $0xb8;
	[tilespmem:$0x1FC00] =	vst v63  }
0x4bc: {  	_ =	swait.ge [sflag:s29], $0x6000  }
0x4bd: {  	[sflag:s29] =	ssyncset.done $0x0  }
0x4be: {  	s12 =	rddreg [dreg:$0x1b];
	[sflag:s29] =	ssyncadd.s32 $0xFFFFA000  }
0x4bf: {  	[hbm4b:s12+s3] =	stream.linear.scatter [tilespmem:s14], [sflag:$0x9], $0x6000, $0x38;
	[tilespmem:$0x1FC00] =	vst v63  }
0x4c0: {  	_ =	swait.ge [sflag:s30], $0x6000  }
0x4c1: {  	[sflag:s30] =	ssyncset.done $0x0  }
0x4c2: {  	[sflag:s30] =	ssyncadd.s32 $0xFFFFA000  }
0x4c3: {  	v3 =	vld [tilespmem:$0xD00];
	_ =	sdelay $0x4  }
0x4c4: {  	v16 =	vshrl.u32 v3, $0x3  }
0x4c5: {  	v4 =	vmul.u32 $0x30, v16  }
0x4c6: {  	v3 =	vand.u32 $0x7, v3  }
0x4c7: {  	v3 =	vor.u32 v3, v4  }
0x4c8: {  	v4 =	vperm.xlane v3, v0;
	_ =	sdelay $0x1  }
0x4c9: {  	v4 =	vadd.s32 v1, v4;
	_ =	sdelay $0x3  }
0x4ca: {  	v3 =	vperm.xlane v3, v2  }
0x4cb: {  	[tilespmem:s7], [sflag:$0x2] =	stream.indirect_vreg.gather [hbm4b:s2+s3], $0x80, v4, vm0, $0xb8;
	[tilespmem:$0x1FC00] =	vst v63  }
0x4cc: {  	s12 =	simm.s32 $0x8400;
	v3 =	vadd.s32 v1, v3  }
0x4cd: {  	[tilespmem:s12], [sflag:$0x2] =	stream.indirect_vreg.gather [hbm4b:s5+s3], $0x80, v4, vm0, $0xb8;
	[tilespmem:$0x1FC00] =	vst v63  }
0x4ce: {  	s12 =	simm.s32 $0x8C00  }
0x4cf: {  	[tilespmem:s12], [sflag:$0x2] =	stream.indirect_vreg.gather [hbm4b:s6+s3], $0x80, v4, vm0, $0xb8;
	[tilespmem:$0x1FC00] =	vst v63  }
0x4d0: {  	s12 =	simm.s32 $0x9400  }
0x4d1: {  	[tilespmem:s12], [sflag:$0x2] =	stream.indirect_vreg.gather [hbm4b:s2+s3], $0x80, v3, vm0, $0xb8;
	[tilespmem:$0x1FC00] =	vst v63  }
0x4d2: {  	s17 =	simm.s32 $0x9C00  }
0x4d3: {  	[tilespmem:s17], [sflag:$0x2] =	stream.indirect_vreg.gather [hbm4b:s5+s3], $0x80, v3, vm0, $0xb8;
	[tilespmem:$0x1FC00] =	vst v63  }
0x4d4: {  	s12 =	simm.s32 $0xA400  }
0x4d5: {  	[tilespmem:s12], [sflag:$0x2] =	stream.indirect_vreg.gather [hbm4b:s6+s3], $0x80, v3, vm0, $0xb8;
	[tilespmem:$0x1FC00] =	vst v63  }
0x4d6: {  	v3 =	vld [tilespmem:$0xD10];
	_ =	sdelay $0x4  }
0x4d7: {  	v17 =	vshrl.u32 v3, $0x3  }
0x4d8: {  	v4 =	vmul.u32 $0x30, v17  }
0x4d9: {  	v3 =	vand.u32 $0x7, v3  }
0x4da: {  	v3 =	vor.u32 v3, v4  }
0x4db: {  	v4 =	vperm.xlane v3, v0;
	_ =	sdelay $0x1  }
0x4dc: {  	v4 =	vadd.s32 v1, v4;
	_ =	sdelay $0x3  }
0x4dd: {  	s12 =	simm.s32 $0xAC00;
	v3 =	vperm.xlane v3, v2  }
0x4de: {  	[tilespmem:s12], [sflag:$0x2] =	stream.indirect_vreg.gather [hbm4b:s2+s3], $0x80, v4, vm0, $0xb8;
	[tilespmem:$0x1FC00] =	vst v63  }
0x4df: {  	v3 =	vadd.s32 v1, v3;
	s12 =	simm.s32 $0xB400  }
0x4e0: {  	[tilespmem:s12], [sflag:$0x2] =	stream.indirect_vreg.gather [hbm4b:s5+s3], $0x80, v4, vm0, $0xb8;
	[tilespmem:$0x1FC00] =	vst v63  }
0x4e1: {  	s11 =	simm.s32 $0xBC00  }
0x4e2: {  	[tilespmem:s11], [sflag:$0x2] =	stream.indirect_vreg.gather [hbm4b:s6+s3], $0x80, v4, vm0, $0xb8;
	[tilespmem:$0x1FC00] =	vst v63  }
0x4e3: {  	s22 =	simm.s32 $0xC400  }
0x4e4: {  	[tilespmem:s22], [sflag:$0x2] =	stream.indirect_vreg.gather [hbm4b:s2+s3], $0x80, v3, vm0, $0xb8;
	[tilespmem:$0x1FC00] =	vst v63  }
0x4e5: {  	s20 =	simm.s32 $0xCC00  }
0x4e6: {  	[tilespmem:s20], [sflag:$0x2] =	stream.indirect_vreg.gather [hbm4b:s5+s3], $0x80, v3, vm0, $0xb8;
	[tilespmem:$0x1FC00] =	vst v63  }
0x4e7: {  	s12 =	simm.s32 $0xD400  }
0x4e8: {  	[tilespmem:s12], [sflag:$0x2] =	stream.indirect_vreg.gather [hbm4b:s6+s3], $0x80, v3, vm0, $0xb8;
	[tilespmem:$0x1FC00] =	vst v63  }
0x4e9: {  	_ =	swait.ge [sflag:s31], $0x6000  }
0x4ea: {  	[sflag:s31] =	ssyncset.done $0x0  }
0x4eb: {  	s12 =	rddreg [dreg:$0x1c];
	[sflag:s31] =	ssyncadd.s32 $0xFFFFA000  }
0x4ec: {  	[hbm4b:s12+s3] =	stream.linear.scatter [tilespmem:s13], [sflag:$0xA], $0x6000, $0x38;
	[tilespmem:$0x1FC00] =	vst v63  }
0x4ed: {  	_ =	swait.ge [sflag:s1], $0x6000  }
0x4ee: {  	[sflag:s1] =	ssyncset.done $0x0  }
0x4ef: {  	[sflag:s1] =	ssyncadd.s32 $0xFFFFA000  }
0x4f0: {  	v3 =	vld [tilespmem:$0xD80];
	_ =	sdelay $0x4  }
0x4f1: {  	v18 =	vshrl.u32 v3, $0x3  }
0x4f2: {  	v4 =	vmul.u32 $0x30, v18  }
0x4f3: {  	v3 =	vand.u32 $0x7, v3  }
0x4f4: {  	v3 =	vor.u32 v3, v4  }
0x4f5: {  	v4 =	vperm.xlane v3, v0;
	_ =	sdelay $0x1  }
0x4f6: {  	v4 =	vadd.s32 v1, v4;
	_ =	sdelay $0x3  }
0x4f7: {  	v3 =	vperm.xlane v3, v2  }
0x4f8: {  	[tilespmem:s15], [sflag:$0x3] =	stream.indirect_vreg.gather [hbm4b:s2+s3], $0x80, v4, vm0, $0xb8;
	[tilespmem:$0x1FC00] =	vst v63  }
0x4f9: {  	s12 =	simm.s32 $0xE400;
	v3 =	vadd.s32 v1, v3  }
0x4fa: {  	[tilespmem:s12], [sflag:$0x3] =	stream.indirect_vreg.gather [hbm4b:s5+s3], $0x80, v4, vm0, $0xb8;
	[tilespmem:$0x1FC00] =	vst v63  }
0x4fb: {  	s12 =	simm.s32 $0xEC00  }
0x4fc: {  	[tilespmem:s12], [sflag:$0x3] =	stream.indirect_vreg.gather [hbm4b:s6+s3], $0x80, v4, vm0, $0xb8;
	[tilespmem:$0x1FC00] =	vst v63  }
0x4fd: {  	s12 =	simm.s32 $0xF400  }
0x4fe: {  	[tilespmem:s12], [sflag:$0x3] =	stream.indirect_vreg.gather [hbm4b:s2+s3], $0x80, v3, vm0, $0xb8;
	[tilespmem:$0x1FC00] =	vst v63  }
0x4ff: {  	s12 =	simm.s32 $0xFC00  }
0x500: {  	[tilespmem:s12], [sflag:$0x3] =	stream.indirect_vreg.gather [hbm4b:s5+s3], $0x80, v3, vm0, $0xb8;
	[tilespmem:$0x1FC00] =	vst v63  }
0x501: {  	s12 =	simm.s32 $0x10400  }
0x502: {  	[tilespmem:s12], [sflag:$0x3] =	stream.indirect_vreg.gather [hbm4b:s6+s3], $0x80, v3, vm0, $0xb8;
	[tilespmem:$0x1FC00] =	vst v63  }
0x503: {  	v3 =	vld [tilespmem:$0xD90];
	_ =	sdelay $0x4  }
0x504: {  	v19 =	vshrl.u32 v3, $0x3  }
0x505: {  	v4 =	vmul.u32 $0x30, v19  }
0x506: {  	v3 =	vand.u32 $0x7, v3  }
0x507: {  	v3 =	vor.u32 v3, v4  }
0x508: {  	v4 =	vperm.xlane v3, v0;
	_ =	sdelay $0x1  }
0x509: {  	v4 =	vadd.s32 v1, v4;
	_ =	sdelay $0x3  }
0x50a: {  	s12 =	simm.s32 $0x10C00;
	v3 =	vperm.xlane v3, v2  }
0x50b: {  	[tilespmem:s12], [sflag:$0x3] =	stream.indirect_vreg.gather [hbm4b:s2+s3], $0x80, v4, vm0, $0xb8;
	[tilespmem:$0x1FC00] =	vst v63  }
0x50c: {  	v3 =	vadd.s32 v1, v3;
	s12 =	simm.s32 $0x11400  }
0x50d: {  	[tilespmem:s12], [sflag:$0x3] =	stream.indirect_vreg.gather [hbm4b:s5+s3], $0x80, v4, vm0, $0xb8;
	[tilespmem:$0x1FC00] =	vst v63  }
0x50e: {  	_ = 	snop  }
0x50f: {  	[tilespmem:s8], [sflag:$0x3] =	stream.indirect_vreg.gather [hbm4b:s6+s3], $0x80, v4, vm0, $0xb8;
	[tilespmem:$0x1FC00] =	vst v63  }
0x510: {  	_ = 	snop  }
0x511: {  	[tilespmem:s9], [sflag:$0x3] =	stream.indirect_vreg.gather [hbm4b:s2+s3], $0x80, v3, vm0, $0xb8;
	[tilespmem:$0x1FC00] =	vst v63  }
0x512: {  	s12 =	simm.s32 $0x12C00  }
0x513: {  	[tilespmem:s12], [sflag:$0x3] =	stream.indirect_vreg.gather [hbm4b:s5+s3], $0x80, v3, vm0, $0xb8;
	[tilespmem:$0x1FC00] =	vst v63  }
0x514: {  	s12 =	simm.s32 $0x13400  }
0x515: {  	[tilespmem:s12], [sflag:$0x3] =	stream.indirect_vreg.gather [hbm4b:s6+s3], $0x80, v3, vm0, $0xb8;
	[tilespmem:$0x1FC00] =	vst v63  }
0x516: {  	_ =	swait.ge [sflag:s24], $0x6000  }
0x517: {  	[sflag:s24] =	ssyncset.done $0x0  }
0x518: {  	s12 =	rddreg [dreg:$0x1d];
	[sflag:s24] =	ssyncadd.s32 $0xFFFFA000  }
0x519: {  	[hbm4b:s12+s3] =	stream.linear.scatter [tilespmem:s19], [sflag:$0x6], $0x6000, $0x38;
	[tilespmem:$0x1FC00] =	vst v63  }
0x51a: {  	_ =	swait.ge [sflag:s0], $0x6000  }
0x51b: {  	[sflag:s0] =	ssyncset.done $0x0  }
0x51c: {  	[sflag:s0] =	ssyncadd.s32 $0xFFFFA000  }
0x51d: {  	v3 =	vld [tilespmem:$0xE00];
	_ =	sdelay $0x4  }
0x51e: {  	v20 =	vshrl.u32 v3, $0x3  }
0x51f: {  	v4 =	vmul.u32 $0x30, v20  }
0x520: {  	v3 =	vand.u32 $0x7, v3  }
0x521: {  	v3 =	vor.u32 v3, v4  }
0x522: {  	v4 =	vperm.xlane v3, v0;
	_ =	sdelay $0x1  }
0x523: {  	v4 =	vadd.s32 v1, v4;
	_ =	sdelay $0x3  }
0x524: {  	v3 =	vperm.xlane v3, v2  }
0x525: {  	[tilespmem:s14], [sflag:$0x4] =	stream.indirect_vreg.gather [hbm4b:s2+s3], $0x80, v4, vm0, $0xb8;
	[tilespmem:$0x1FC00] =	vst v63  }
0x526: {  	s23 =	simm.s32 $0x14400;
	v3 =	vadd.s32 v1, v3  }
0x527: {  	[tilespmem:s23], [sflag:$0x4] =	stream.indirect_vreg.gather [hbm4b:s5+s3], $0x80, v4, vm0, $0xb8;
	[tilespmem:$0x1FC00] =	vst v63  }
0x528: {  	s21 =	simm.s32 $0x14C00  }
0x529: {  	[tilespmem:s21], [sflag:$0x4] =	stream.indirect_vreg.gather [hbm4b:s6+s3], $0x80, v4, vm0, $0xb8;
	[tilespmem:$0x1FC00] =	vst v63  }
0x52a: {  	s25 =	simm.s32 $0x15400  }
0x52b: {  	[tilespmem:s25], [sflag:$0x4] =	stream.indirect_vreg.gather [hbm4b:s2+s3], $0x80, v3, vm0, $0xb8;
	[tilespmem:$0x1FC00] =	vst v63  }
0x52c: {  	s12 =	simm.s32 $0x15C00  }
0x52d: {  	[tilespmem:s12], [sflag:$0x4] =	stream.indirect_vreg.gather [hbm4b:s5+s3], $0x80, v3, vm0, $0xb8;
	[tilespmem:$0x1FC00] =	vst v63  }
0x52e: {  	s12 =	simm.s32 $0x16400  }
0x52f: {  	[tilespmem:s12], [sflag:$0x4] =	stream.indirect_vreg.gather [hbm4b:s6+s3], $0x80, v3, vm0, $0xb8;
	[tilespmem:$0x1FC00] =	vst v63  }
0x530: {  	v3 =	vld [tilespmem:$0xE10];
	_ =	sdelay $0x4  }
0x531: {  	v21 =	vshrl.u32 v3, $0x3  }
0x532: {  	v4 =	vmul.u32 $0x30, v21  }
0x533: {  	v3 =	vand.u32 $0x7, v3  }
0x534: {  	v3 =	vor.u32 v3, v4  }
0x535: {  	v4 =	vperm.xlane v3, v0;
	_ =	sdelay $0x1  }
0x536: {  	v4 =	vadd.s32 v1, v4;
	_ =	sdelay $0x3  }
0x537: {  	s12 =	simm.s32 $0x16C00;
	v3 =	vperm.xlane v3, v2  }
0x538: {  	[tilespmem:s12], [sflag:$0x4] =	stream.indirect_vreg.gather [hbm4b:s2+s3], $0x80, v4, vm0, $0xb8;
	[tilespmem:$0x1FC00] =	vst v63  }
0x539: {  	v3 =	vadd.s32 v1, v3;
	s12 =	simm.s32 $0x17400  }
0x53a: {  	[tilespmem:s12], [sflag:$0x4] =	stream.indirect_vreg.gather [hbm4b:s5+s3], $0x80, v4, vm0, $0xb8;
	[tilespmem:$0x1FC00] =	vst v63  }
0x53b: {  	s12 =	simm.s32 $0x17C00  }
0x53c: {  	[tilespmem:s12], [sflag:$0x4] =	stream.indirect_vreg.gather [hbm4b:s6+s3], $0x80, v4, vm0, $0xb8;
	[tilespmem:$0x1FC00] =	vst v63  }
0x53d: {  	s12 =	simm.s32 $0x18400  }
0x53e: {  	[tilespmem:s12], [sflag:$0x4] =	stream.indirect_vreg.gather [hbm4b:s2+s3], $0x80, v3, vm0, $0xb8;
	[tilespmem:$0x1FC00] =	vst v63  }
0x53f: {  	s12 =	simm.s32 $0x18C00  }
0x540: {  	[tilespmem:s12], [sflag:$0x4] =	stream.indirect_vreg.gather [hbm4b:s5+s3], $0x80, v3, vm0, $0xb8;
	[tilespmem:$0x1FC00] =	vst v63  }
0x541: {  	s12 =	simm.s32 $0x19400  }
0x542: {  	[tilespmem:s12], [sflag:$0x4] =	stream.indirect_vreg.gather [hbm4b:s6+s3], $0x80, v3, vm0, $0xb8;
	[tilespmem:$0x1FC00] =	vst v63  }
0x543: {  	_ =	swait.ge [sflag:s10], $0x6000  }
0x544: {  	[sflag:s10] =	ssyncset.done $0x0  }
0x545: {  	s12 =	rddreg [dreg:$0x1e];
	[sflag:s10] =	ssyncadd.s32 $0xFFFFA000  }
0x546: {  	[hbm4b:s12+s3] =	stream.linear.scatter [tilespmem:s7], [sflag:$0x7], $0x6000, $0x38;
	[tilespmem:$0x1FC00] =	vst v63  }
0x547: {  	_ =	swait.ge [sflag:s4], $0x6000  }
0x548: {  	[sflag:s4] =	ssyncset.done $0x0  }
0x549: {  	[sflag:s4] =	ssyncadd.s32 $0xFFFFA000  }
0x54a: {  	v3 =	vld [tilespmem:$0xE80];
	_ =	sdelay $0x4  }
0x54b: {  	v22 =	vshrl.u32 v3, $0x3  }
0x54c: {  	v4 =	vmul.u32 $0x30, v22  }
0x54d: {  	v3 =	vand.u32 $0x7, v3  }
0x54e: {  	v3 =	vor.u32 v3, v4  }
0x54f: {  	v4 =	vperm.xlane v3, v0;
	_ =	sdelay $0x1  }
0x550: {  	v4 =	vadd.s32 v1, v4;
	_ =	sdelay $0x3  }
0x551: {  	v3 =	vperm.xlane v3, v2  }
0x552: {  	[tilespmem:s13], [sflag:$0x5] =	stream.indirect_vreg.gather [hbm4b:s2+s3], $0x80, v4, vm0, $0xb8;
	[tilespmem:$0x1FC00] =	vst v63  }
0x553: {  	s16 =	simm.s32 $0x1A400;
	v3 =	vadd.s32 v1, v3  }
0x554: {  	[tilespmem:s16], [sflag:$0x5] =	stream.indirect_vreg.gather [hbm4b:s5+s3], $0x80, v4, vm0, $0xb8;
	[tilespmem:$0x1FC00] =	vst v63  }
0x555: {  	s18 =	simm.s32 $0x1AC00  }
0x556: {  	[tilespmem:s18], [sflag:$0x5] =	stream.indirect_vreg.gather [hbm4b:s6+s3], $0x80, v4, vm0, $0xb8;
	[tilespmem:$0x1FC00] =	vst v63  }
0x557: {  	s12 =	simm.s32 $0x1B400  }
0x558: {  	[tilespmem:s12], [sflag:$0x5] =	stream.indirect_vreg.gather [hbm4b:s2+s3], $0x80, v3, vm0, $0xb8;
	[tilespmem:$0x1FC00] =	vst v63  }
0x559: {  	s12 =	simm.s32 $0x1BC00  }
0x55a: {  	[tilespmem:s12], [sflag:$0x5] =	stream.indirect_vreg.gather [hbm4b:s5+s3], $0x80, v3, vm0, $0xb8;
	[tilespmem:$0x1FC00] =	vst v63  }
0x55b: {  	s12 =	simm.s32 $0x1C400  }
0x55c: {  	[tilespmem:s12], [sflag:$0x5] =	stream.indirect_vreg.gather [hbm4b:s6+s3], $0x80, v3, vm0, $0xb8;
	[tilespmem:$0x1FC00] =	vst v63  }
0x55d: {  	v3 =	vld [tilespmem:$0xE90];
	_ =	sdelay $0x4  }
0x55e: {  	v23 =	vshrl.u32 v3, $0x3  }
0x55f: {  	v4 =	vmul.u32 $0x30, v23  }
0x560: {  	v3 =	vand.u32 $0x7, v3  }
0x561: {  	v3 =	vor.u32 v3, v4  }
0x562: {  	v4 =	vperm.xlane v3, v0;
	_ =	sdelay $0x1  }
0x563: {  	v4 =	vadd.s32 v1, v4;
	_ =	sdelay $0x3  }
0x564: {  	s12 =	simm.s32 $0x1CC00;
	v3 =	vperm.xlane v3, v2  }
0x565: {  	[tilespmem:s12], [sflag:$0x5] =	stream.indirect_vreg.gather [hbm4b:s2+s3], $0x80, v4, vm0, $0xb8;
	[tilespmem:$0x1FC00] =	vst v63  }
0x566: {  	v3 =	vadd.s32 v1, v3;
	s12 =	simm.s32 $0x1D400  }
0x567: {  	[tilespmem:s12], [sflag:$0x5] =	stream.indirect_vreg.gather [hbm4b:s5+s3], $0x80, v4, vm0, $0xb8;
	[tilespmem:$0x1FC00] =	vst v63  }
0x568: {  	s12 =	simm.s32 $0x1DC00  }
0x569: {  	[tilespmem:s12], [sflag:$0x5] =	stream.indirect_vreg.gather [hbm4b:s6+s3], $0x80, v4, vm0, $0xb8;
	[tilespmem:$0x1FC00] =	vst v63  }
0x56a: {  	s12 =	simm.s32 $0x1E400  }
0x56b: {  	[tilespmem:s12], [sflag:$0x5] =	stream.indirect_vreg.gather [hbm4b:s2+s3], $0x80, v3, vm0, $0xb8;
	[tilespmem:$0x1FC00] =	vst v63  }
0x56c: {  	s12 =	simm.s32 $0x1EC00  }
0x56d: {  	[tilespmem:s12], [sflag:$0x5] =	stream.indirect_vreg.gather [hbm4b:s5+s3], $0x80, v3, vm0, $0xb8;
	[tilespmem:$0x1FC00] =	vst v63  }
0x56e: {  	s12 =	simm.s32 $0x1F400  }
0x56f: {  	[tilespmem:s12], [sflag:$0x5] =	stream.indirect_vreg.gather [hbm4b:s6+s3], $0x80, v3, vm0, $0xb8;
	[tilespmem:$0x1FC00] =	vst v63  }
0x570: {  	_ =	swait.ge [sflag:s26], $0x6000  }
0x571: {  	[sflag:s26] =	ssyncset.done $0x0  }
0x572: {  	s12 =	rddreg [dreg:$0x1f];
	[sflag:s26] =	ssyncadd.s32 $0xFFFFA000  }
0x573: {  	[hbm4b:s12+s3] =	stream.linear.scatter [tilespmem:s15], [sflag:$0x8], $0x6000, $0x38;
	[tilespmem:$0x1FC00] =	vst v63  }
0x574: {  	_ =	swait.ge [sflag:s28], $0x6000  }
0x575: {  	[sflag:s28] =	ssyncset.done $0x0  }
0x576: {  	[sflag:s28] =	ssyncadd.s32 $0xFFFFA000  }
0x577: {  	v3 =	vld [tilespmem:$0xF00];
	_ =	sdelay $0x4  }
0x578: {  	v24 =	vshrl.u32 v3, $0x3  }
0x579: {  	v4 =	vmul.u32 $0x30, v24  }
0x57a: {  	v3 =	vand.u32 $0x7, v3  }
0x57b: {  	v3 =	vor.u32 v3, v4  }
0x57c: {  	v4 =	vperm.xlane v3, v0;
	_ =	sdelay $0x1  }
0x57d: {  	v4 =	vadd.s32 v1, v4;
	_ =	sdelay $0x3  }
0x57e: {  	v3 =	vperm.xlane v3, v2  }
0x57f: {  	[tilespmem:s19], [sflag:$0x1] =	stream.indirect_vreg.gather [hbm4b:s2+s3], $0x80, v4, vm0, $0xb8;
	[tilespmem:$0x1FC00] =	vst v63  }
0x580: {  	s12 =	simm.s32 $0x2400;
	v3 =	vadd.s32 v1, v3  }
0x581: {  	[tilespmem:s12], [sflag:$0x1] =	stream.indirect_vreg.gather [hbm4b:s5+s3], $0x80, v4, vm0, $0xb8;
	[tilespmem:$0x1FC00] =	vst v63  }
0x582: {  	s12 =	simm.s32 $0x2C00  }
0x583: {  	[tilespmem:s12], [sflag:$0x1] =	stream.indirect_vreg.gather [hbm4b:s6+s3], $0x80, v4, vm0, $0xb8;
	[tilespmem:$0x1FC00] =	vst v63  }
0x584: {  	s12 =	simm.s32 $0x3400  }
0x585: {  	[tilespmem:s12], [sflag:$0x1] =	stream.indirect_vreg.gather [hbm4b:s2+s3], $0x80, v3, vm0, $0xb8;
	[tilespmem:$0x1FC00] =	vst v63  }
0x586: {  	s12 =	simm.s32 $0x3C00  }
0x587: {  	[tilespmem:s12], [sflag:$0x1] =	stream.indirect_vreg.gather [hbm4b:s5+s3], $0x80, v3, vm0, $0xb8;
	[tilespmem:$0x1FC00] =	vst v63  }
0x588: {  	s12 =	simm.s32 $0x4400  }
0x589: {  	[tilespmem:s12], [sflag:$0x1] =	stream.indirect_vreg.gather [hbm4b:s6+s3], $0x80, v3, vm0, $0xb8;
	[tilespmem:$0x1FC00] =	vst v63  }
0x58a: {  	v3 =	vld [tilespmem:$0xF10];
	_ =	sdelay $0x4  }
0x58b: {  	v25 =	vshrl.u32 v3, $0x3  }
0x58c: {  	v4 =	vmul.u32 $0x30, v25  }
0x58d: {  	v3 =	vand.u32 $0x7, v3  }
0x58e: {  	v3 =	vor.u32 v3, v4  }
0x58f: {  	v4 =	vperm.xlane v3, v0;
	_ =	sdelay $0x1  }
0x590: {  	v4 =	vadd.s32 v1, v4;
	_ =	sdelay $0x3  }
0x591: {  	s12 =	simm.s32 $0x4C00;
	v3 =	vperm.xlane v3, v2  }
0x592: {  	[tilespmem:s12], [sflag:$0x1] =	stream.indirect_vreg.gather [hbm4b:s2+s3], $0x80, v4, vm0, $0xb8;
	[tilespmem:$0x1FC00] =	vst v63  }
0x593: {  	v3 =	vadd.s32 v1, v3;
	s12 =	simm.s32 $0x5400  }
0x594: {  	[tilespmem:s12], [sflag:$0x1] =	stream.indirect_vreg.gather [hbm4b:s5+s3], $0x80, v4, vm0, $0xb8;
	[tilespmem:$0x1FC00] =	vst v63  }
0x595: {  	s12 =	simm.s32 $0x5C00  }
0x596: {  	[tilespmem:s12], [sflag:$0x1] =	stream.indirect_vreg.gather [hbm4b:s6+s3], $0x80, v4, vm0, $0xb8;
	[tilespmem:$0x1FC00] =	vst v63  }
0x597: {  	s12 =	simm.s32 $0x6400  }
0x598: {  	[tilespmem:s12], [sflag:$0x1] =	stream.indirect_vreg.gather [hbm4b:s2+s3], $0x80, v3, vm0, $0xb8;
	[tilespmem:$0x1FC00] =	vst v63  }
0x599: {  	s12 =	simm.s32 $0x6C00  }
0x59a: {  	[tilespmem:s12], [sflag:$0x1] =	stream.indirect_vreg.gather [hbm4b:s5+s3], $0x80, v3, vm0, $0xb8;
	[tilespmem:$0x1FC00] =	vst v63  }
0x59b: {  	s12 =	simm.s32 $0x7400  }
0x59c: {  	[tilespmem:s12], [sflag:$0x1] =	stream.indirect_vreg.gather [hbm4b:s6+s3], $0x80, v3, vm0, $0xb8;
	[tilespmem:$0x1FC00] =	vst v63  }
0x59d: {  	_ =	swait.ge [sflag:s29], $0x6000  }
0x59e: {  	s12 =	sld [smem:$0x7E7]  }
0x59f: {  	[sflag:s29] =	ssyncset.done $0x0  }
0x5a0: {  	[sflag:s29] =	ssyncadd.s32 $0xFFFFA000  }
0x5a1: {  	[hbm4b:s12+s3] =	stream.linear.scatter [tilespmem:s14], [sflag:$0x9], $0x6000, $0x38;
	[tilespmem:$0x1FC00] =	vst v63  }
0x5a2: {  	_ =	swait.ge [sflag:s30], $0x6000  }
0x5a3: {  	[sflag:s30] =	ssyncset.done $0x0  }
0x5a4: {  	[sflag:s30] =	ssyncadd.s32 $0xFFFFA000  }
0x5a5: {  	v3 =	vld [tilespmem:$0xF80];
	_ =	sdelay $0x4  }
0x5a6: {  	v26 =	vshrl.u32 v3, $0x3  }
0x5a7: {  	v4 =	vmul.u32 $0x30, v26  }
0x5a8: {  	v3 =	vand.u32 $0x7, v3  }
0x5a9: {  	v3 =	vor.u32 v3, v4  }
0x5aa: {  	v4 =	vperm.xlane v3, v0;
	_ =	sdelay $0x1  }
0x5ab: {  	v4 =	vadd.s32 v1, v4;
	_ =	sdelay $0x3  }
0x5ac: {  	v3 =	vperm.xlane v3, v2  }
0x5ad: {  	[tilespmem:s7], [sflag:$0x2] =	stream.indirect_vreg.gather [hbm4b:s2+s3], $0x80, v4, vm0, $0xb8;
	[tilespmem:$0x1FC00] =	vst v63  }
0x5ae: {  	s12 =	simm.s32 $0x8400;
	v3 =	vadd.s32 v1, v3  }
0x5af: {  	[tilespmem:s12], [sflag:$0x2] =	stream.indirect_vreg.gather [hbm4b:s5+s3], $0x80, v4, vm0, $0xb8;
	[tilespmem:$0x1FC00] =	vst v63  }
0x5b0: {  	s12 =	simm.s32 $0x8C00  }
0x5b1: {  	[tilespmem:s12], [sflag:$0x2] =	stream.indirect_vreg.gather [hbm4b:s6+s3], $0x80, v4, vm0, $0xb8;
	[tilespmem:$0x1FC00] =	vst v63  }
0x5b2: {  	s12 =	simm.s32 $0x9400  }
0x5b3: {  	[tilespmem:s12], [sflag:$0x2] =	stream.indirect_vreg.gather [hbm4b:s2+s3], $0x80, v3, vm0, $0xb8;
	[tilespmem:$0x1FC00] =	vst v63  }
0x5b4: {  	s17 =	simm.s32 $0x9C00  }
0x5b5: {  	[tilespmem:s17], [sflag:$0x2] =	stream.indirect_vreg.gather [hbm4b:s5+s3], $0x80, v3, vm0, $0xb8;
	[tilespmem:$0x1FC00] =	vst v63  }
0x5b6: {  	s12 =	simm.s32 $0xA400  }
0x5b7: {  	[tilespmem:s12], [sflag:$0x2] =	stream.indirect_vreg.gather [hbm4b:s6+s3], $0x80, v3, vm0, $0xb8;
	[tilespmem:$0x1FC00] =	vst v63  }
0x5b8: {  	v3 =	vld [tilespmem:$0xF90];
	_ =	sdelay $0x4  }
0x5b9: {  	v27 =	vshrl.u32 v3, $0x3  }
0x5ba: {  	v4 =	vmul.u32 $0x30, v27  }
0x5bb: {  	v3 =	vand.u32 $0x7, v3  }
0x5bc: {  	v3 =	vor.u32 v3, v4  }
0x5bd: {  	v4 =	vperm.xlane v3, v0;
	_ =	sdelay $0x1  }
0x5be: {  	v4 =	vadd.s32 v1, v4;
	_ =	sdelay $0x3  }
0x5bf: {  	s12 =	simm.s32 $0xAC00;
	v3 =	vperm.xlane v3, v2  }
0x5c0: {  	[tilespmem:s12], [sflag:$0x2] =	stream.indirect_vreg.gather [hbm4b:s2+s3], $0x80, v4, vm0, $0xb8;
	[tilespmem:$0x1FC00] =	vst v63  }
0x5c1: {  	v3 =	vadd.s32 v1, v3;
	s12 =	simm.s32 $0xB400  }
0x5c2: {  	[tilespmem:s12], [sflag:$0x2] =	stream.indirect_vreg.gather [hbm4b:s5+s3], $0x80, v4, vm0, $0xb8;
	[tilespmem:$0x1FC00] =	vst v63  }
0x5c3: {  	s11 =	simm.s32 $0xBC00  }
0x5c4: {  	[tilespmem:s11], [sflag:$0x2] =	stream.indirect_vreg.gather [hbm4b:s6+s3], $0x80, v4, vm0, $0xb8;
	[tilespmem:$0x1FC00] =	vst v63  }
0x5c5: {  	s22 =	simm.s32 $0xC400  }
0x5c6: {  	[tilespmem:s22], [sflag:$0x2] =	stream.indirect_vreg.gather [hbm4b:s2+s3], $0x80, v3, vm0, $0xb8;
	[tilespmem:$0x1FC00] =	vst v63  }
0x5c7: {  	s20 =	simm.s32 $0xCC00  }
0x5c8: {  	[tilespmem:s20], [sflag:$0x2] =	stream.indirect_vreg.gather [hbm4b:s5+s3], $0x80, v3, vm0, $0xb8;
	[tilespmem:$0x1FC00] =	vst v63  }
0x5c9: {  	s12 =	simm.s32 $0xD400  }
0x5ca: {  	[tilespmem:s12], [sflag:$0x2] =	stream.indirect_vreg.gather [hbm4b:s6+s3], $0x80, v3, vm0, $0xb8;
	[tilespmem:$0x1FC00] =	vst v63  }
0x5cb: {  	_ =	swait.ge [sflag:s31], $0x6000  }
0x5cc: {  	s12 =	sld [smem:$0x7E8]  }
0x5cd: {  	[sflag:s31] =	ssyncset.done $0x0  }
0x5ce: {  	[sflag:s31] =	ssyncadd.s32 $0xFFFFA000  }
0x5cf: {  	[hbm4b:s12+s3] =	stream.linear.scatter [tilespmem:s13], [sflag:$0xA], $0x6000, $0x38;
	[tilespmem:$0x1FC00] =	vst v63  }
0x5d0: {  	_ =	swait.ge [sflag:s1], $0x6000  }
0x5d1: {  	[sflag:s1] =	ssyncset.done $0x0  }
0x5d2: {  	[sflag:s1] =	ssyncadd.s32 $0xFFFFA000  }
0x5d3: {  	v3 =	vld [tilespmem:$0x1000];
	_ =	sdelay $0x4  }
0x5d4: {  	v28 =	vshrl.u32 v3, $0x3  }
0x5d5: {  	v4 =	vmul.u32 $0x30, v28  }
0x5d6: {  	v3 =	vand.u32 $0x7, v3  }
0x5d7: {  	v3 =	vor.u32 v3, v4  }
0x5d8: {  	v4 =	vperm.xlane v3, v0;
	_ =	sdelay $0x1  }
0x5d9: {  	v4 =	vadd.s32 v1, v4;
	_ =	sdelay $0x3  }
0x5da: {  	v3 =	vperm.xlane v3, v2  }
0x5db: {  	[tilespmem:s15], [sflag:$0x3] =	stream.indirect_vreg.gather [hbm4b:s2+s3], $0x80, v4, vm0, $0xb8;
	[tilespmem:$0x1FC00] =	vst v63  }
0x5dc: {  	s12 =	simm.s32 $0xE400;
	v3 =	vadd.s32 v1, v3  }
0x5dd: {  	[tilespmem:s12], [sflag:$0x3] =	stream.indirect_vreg.gather [hbm4b:s5+s3], $0x80, v4, vm0, $0xb8;
	[tilespmem:$0x1FC00] =	vst v63  }
0x5de: {  	s12 =	simm.s32 $0xEC00  }
0x5df: {  	[tilespmem:s12], [sflag:$0x3] =	stream.indirect_vreg.gather [hbm4b:s6+s3], $0x80, v4, vm0, $0xb8;
	[tilespmem:$0x1FC00] =	vst v63  }
0x5e0: {  	s12 =	simm.s32 $0xF400  }
0x5e1: {  	[tilespmem:s12], [sflag:$0x3] =	stream.indirect_vreg.gather [hbm4b:s2+s3], $0x80, v3, vm0, $0xb8;
	[tilespmem:$0x1FC00] =	vst v63  }
0x5e2: {  	s12 =	simm.s32 $0xFC00  }
0x5e3: {  	[tilespmem:s12], [sflag:$0x3] =	stream.indirect_vreg.gather [hbm4b:s5+s3], $0x80, v3, vm0, $0xb8;
	[tilespmem:$0x1FC00] =	vst v63  }
0x5e4: {  	s12 =	simm.s32 $0x10400  }
0x5e5: {  	[tilespmem:s12], [sflag:$0x3] =	stream.indirect_vreg.gather [hbm4b:s6+s3], $0x80, v3, vm0, $0xb8;
	[tilespmem:$0x1FC00] =	vst v63  }
0x5e6: {  	v3 =	vld [tilespmem:$0x1010];
	_ =	sdelay $0x4  }
0x5e7: {  	v29 =	vshrl.u32 v3, $0x3  }
0x5e8: {  	v4 =	vmul.u32 $0x30, v29  }
0x5e9: {  	v3 =	vand.u32 $0x7, v3  }
0x5ea: {  	v3 =	vor.u32 v3, v4  }
0x5eb: {  	v4 =	vperm.xlane v3, v0;
	_ =	sdelay $0x1  }
0x5ec: {  	v4 =	vadd.s32 v1, v4;
	_ =	sdelay $0x3  }
0x5ed: {  	s12 =	simm.s32 $0x10C00;
	v3 =	vperm.xlane v3, v2  }
0x5ee: {  	[tilespmem:s12], [sflag:$0x3] =	stream.indirect_vreg.gather [hbm4b:s2+s3], $0x80, v4, vm0, $0xb8;
	[tilespmem:$0x1FC00] =	vst v63  }
0x5ef: {  	v3 =	vadd.s32 v1, v3;
	s12 =	simm.s32 $0x11400  }
0x5f0: {  	[tilespmem:s12], [sflag:$0x3] =	stream.indirect_vreg.gather [hbm4b:s5+s3], $0x80, v4, vm0, $0xb8;
	[tilespmem:$0x1FC00] =	vst v63  }
0x5f1: {  	s8 =	simm.s32 $0x11C00  }
0x5f2: {  	[tilespmem:s8], [sflag:$0x3] =	stream.indirect_vreg.gather [hbm4b:s6+s3], $0x80, v4, vm0, $0xb8;
	[tilespmem:$0x1FC00] =	vst v63  }
0x5f3: {  	s9 =	simm.s32 $0x12400  }
0x5f4: {  	[tilespmem:s9], [sflag:$0x3] =	stream.indirect_vreg.gather [hbm4b:s2+s3], $0x80, v3, vm0, $0xb8;
	[tilespmem:$0x1FC00] =	vst v63  }
0x5f5: {  	s12 =	simm.s32 $0x12C00  }
0x5f6: {  	[tilespmem:s12], [sflag:$0x3] =	stream.indirect_vreg.gather [hbm4b:s5+s3], $0x80, v3, vm0, $0xb8;
	[tilespmem:$0x1FC00] =	vst v63  }
0x5f7: {  	s12 =	simm.s32 $0x13400  }
0x5f8: {  	[tilespmem:s12], [sflag:$0x3] =	stream.indirect_vreg.gather [hbm4b:s6+s3], $0x80, v3, vm0, $0xb8;
	[tilespmem:$0x1FC00] =	vst v63  }
0x5f9: {  	_ =	swait.ge [sflag:s24], $0x6000  }
0x5fa: {  	s12 =	sld [smem:$0x7E9]  }
0x5fb: {  	[sflag:s24] =	ssyncset.done $0x0  }
0x5fc: {  	[sflag:s24] =	ssyncadd.s32 $0xFFFFA000  }
0x5fd: {  	[hbm4b:s12+s3] =	stream.linear.scatter [tilespmem:s19], [sflag:$0x6], $0x6000, $0x38;
	[tilespmem:$0x1FC00] =	vst v63  }
0x5fe: {  	_ =	swait.ge [sflag:s0], $0x6000  }
0x5ff: {  	[sflag:s0] =	ssyncset.done $0x0  }
0x600: {  	[sflag:s0] =	ssyncadd.s32 $0xFFFFA000  }
0x601: {  	v3 =	vld [tilespmem:$0x1080];
	_ =	sdelay $0x4  }
0x602: {  	v30 =	vshrl.u32 v3, $0x3  }
0x603: {  	v4 =	vmul.u32 $0x30, v30  }
0x604: {  	v3 =	vand.u32 $0x7, v3  }
0x605: {  	v3 =	vor.u32 v3, v4  }
0x606: {  	v4 =	vperm.xlane v3, v0;
	_ =	sdelay $0x1  }
0x607: {  	v4 =	vadd.s32 v1, v4;
	_ =	sdelay $0x3  }
0x608: {  	v3 =	vperm.xlane v3, v2  }
0x609: {  	[tilespmem:s14], [sflag:$0x4] =	stream.indirect_vreg.gather [hbm4b:s2+s3], $0x80, v4, vm0, $0xb8;
	[tilespmem:$0x1FC00] =	vst v63  }
0x60a: {  	s23 =	simm.s32 $0x14400;
	v3 =	vadd.s32 v1, v3  }
0x60b: {  	[tilespmem:s23], [sflag:$0x4] =	stream.indirect_vreg.gather [hbm4b:s5+s3], $0x80, v4, vm0, $0xb8;
	[tilespmem:$0x1FC00] =	vst v63  }
0x60c: {  	s21 =	simm.s32 $0x14C00  }
0x60d: {  	[tilespmem:s21], [sflag:$0x4] =	stream.indirect_vreg.gather [hbm4b:s6+s3], $0x80, v4, vm0, $0xb8;
	[tilespmem:$0x1FC00] =	vst v63  }
0x60e: {  	s25 =	simm.s32 $0x15400  }
0x60f: {  	[tilespmem:s25], [sflag:$0x4] =	stream.indirect_vreg.gather [hbm4b:s2+s3], $0x80, v3, vm0, $0xb8;
	[tilespmem:$0x1FC00] =	vst v63  }
0x610: {  	s12 =	simm.s32 $0x15C00  }
0x611: {  	[tilespmem:s12], [sflag:$0x4] =	stream.indirect_vreg.gather [hbm4b:s5+s3], $0x80, v3, vm0, $0xb8;
	[tilespmem:$0x1FC00] =	vst v63  }
0x612: {  	s12 =	simm.s32 $0x16400  }
0x613: {  	[tilespmem:s12], [sflag:$0x4] =	stream.indirect_vreg.gather [hbm4b:s6+s3], $0x80, v3, vm0, $0xb8;
	[tilespmem:$0x1FC00] =	vst v63  }
0x614: {  	v3 =	vld [tilespmem:$0x1090];
	_ =	sdelay $0x4  }
0x615: {  	v31 =	vshrl.u32 v3, $0x3  }
0x616: {  	v4 =	vmul.u32 $0x30, v31  }
0x617: {  	v3 =	vand.u32 $0x7, v3  }
0x618: {  	v3 =	vor.u32 v3, v4  }
0x619: {  	v4 =	vperm.xlane v3, v0;
	_ =	sdelay $0x1  }
0x61a: {  	v4 =	vadd.s32 v1, v4;
	_ =	sdelay $0x3  }
0x61b: {  	s12 =	simm.s32 $0x16C00;
	v3 =	vperm.xlane v3, v2  }
0x61c: {  	[tilespmem:s12], [sflag:$0x4] =	stream.indirect_vreg.gather [hbm4b:s2+s3], $0x80, v4, vm0, $0xb8;
	[tilespmem:$0x1FC00] =	vst v63  }
0x61d: {  	v3 =	vadd.s32 v1, v3;
	s12 =	simm.s32 $0x17400  }
0x61e: {  	[tilespmem:s12], [sflag:$0x4] =	stream.indirect_vreg.gather [hbm4b:s5+s3], $0x80, v4, vm0, $0xb8;
	[tilespmem:$0x1FC00] =	vst v63  }
0x61f: {  	s12 =	simm.s32 $0x17C00  }
0x620: {  	[tilespmem:s12], [sflag:$0x4] =	stream.indirect_vreg.gather [hbm4b:s6+s3], $0x80, v4, vm0, $0xb8;
	[tilespmem:$0x1FC00] =	vst v63  }
0x621: {  	s12 =	simm.s32 $0x18400  }
0x622: {  	[tilespmem:s12], [sflag:$0x4] =	stream.indirect_vreg.gather [hbm4b:s2+s3], $0x80, v3, vm0, $0xb8;
	[tilespmem:$0x1FC00] =	vst v63  }
0x623: {  	s12 =	simm.s32 $0x18C00  }
0x624: {  	[tilespmem:s12], [sflag:$0x4] =	stream.indirect_vreg.gather [hbm4b:s5+s3], $0x80, v3, vm0, $0xb8;
	[tilespmem:$0x1FC00] =	vst v63  }
0x625: {  	s12 =	simm.s32 $0x19400  }
0x626: {  	[tilespmem:s12], [sflag:$0x4] =	stream.indirect_vreg.gather [hbm4b:s6+s3], $0x80, v3, vm0, $0xb8;
	[tilespmem:$0x1FC00] =	vst v63  }
0x627: {  	_ =	swait.ge [sflag:s10], $0x6000  }
0x628: {  	s12 =	sld [smem:$0x7EA]  }
0x629: {  	[sflag:s10] =	ssyncset.done $0x0  }
0x62a: {  	[sflag:s10] =	ssyncadd.s32 $0xFFFFA000  }
0x62b: {  	[hbm4b:s12+s3] =	stream.linear.scatter [tilespmem:s7], [sflag:$0x7], $0x6000, $0x38;
	[tilespmem:$0x1FC00] =	vst v63  }
0x62c: {  	_ =	swait.ge [sflag:s4], $0x6000  }
0x62d: {  	[sflag:s4] =	ssyncset.done $0x0  }
0x62e: {  	[sflag:s4] =	ssyncadd.s32 $0xFFFFA000  }
0x62f: {  	v3 =	vld [tilespmem:$0x1100];
	_ =	sdelay $0x4  }
0x630: {  	v32 =	vshrl.u32 v3, $0x3  }
0x631: {  	v4 =	vmul.u32 $0x30, v32  }
0x632: {  	v3 =	vand.u32 $0x7, v3  }
0x633: {  	v3 =	vor.u32 v3, v4  }
0x634: {  	v4 =	vperm.xlane v3, v0;
	_ =	sdelay $0x1  }
0x635: {  	v4 =	vadd.s32 v1, v4;
	_ =	sdelay $0x3  }
0x636: {  	v3 =	vperm.xlane v3, v2  }
0x637: {  	[tilespmem:s13], [sflag:$0x5] =	stream.indirect_vreg.gather [hbm4b:s2+s3], $0x80, v4, vm0, $0xb8;
	[tilespmem:$0x1FC00] =	vst v63  }
0x638: {  	s16 =	simm.s32 $0x1A400;
	v3 =	vadd.s32 v1, v3  }
0x639: {  	[tilespmem:s16], [sflag:$0x5] =	stream.indirect_vreg.gather [hbm4b:s5+s3], $0x80, v4, vm0, $0xb8;
	[tilespmem:$0x1FC00] =	vst v63  }
0x63a: {  	s18 =	simm.s32 $0x1AC00  }
0x63b: {  	[tilespmem:s18], [sflag:$0x5] =	stream.indirect_vreg.gather [hbm4b:s6+s3], $0x80, v4, vm0, $0xb8;
	[tilespmem:$0x1FC00] =	vst v63  }
0x63c: {  	s12 =	simm.s32 $0x1B400  }
0x63d: {  	[tilespmem:s12], [sflag:$0x5] =	stream.indirect_vreg.gather [hbm4b:s2+s3], $0x80, v3, vm0, $0xb8;
	[tilespmem:$0x1FC00] =	vst v63  }
0x63e: {  	s12 =	simm.s32 $0x1BC00  }
0x63f: {  	[tilespmem:s12], [sflag:$0x5] =	stream.indirect_vreg.gather [hbm4b:s5+s3], $0x80, v3, vm0, $0xb8;
	[tilespmem:$0x1FC00] =	vst v63  }
0x640: {  	s12 =	simm.s32 $0x1C400  }
0x641: {  	[tilespmem:s12], [sflag:$0x5] =	stream.indirect_vreg.gather [hbm4b:s6+s3], $0x80, v3, vm0, $0xb8;
	[tilespmem:$0x1FC00] =	vst v63  }
0x642: {  	v3 =	vld [tilespmem:$0x1110];
	_ =	sdelay $0x4  }
0x643: {  	v33 =	vshrl.u32 v3, $0x3  }
0x644: {  	v4 =	vmul.u32 $0x30, v33  }
0x645: {  	v3 =	vand.u32 $0x7, v3  }
0x646: {  	v3 =	vor.u32 v3, v4  }
0x647: {  	v4 =	vperm.xlane v3, v0;
	_ =	sdelay $0x1  }
0x648: {  	v4 =	vadd.s32 v1, v4;
	_ =	sdelay $0x3  }
0x649: {  	s12 =	simm.s32 $0x1CC00;
	v3 =	vperm.xlane v3, v2  }
0x64a: {  	[tilespmem:s12], [sflag:$0x5] =	stream.indirect_vreg.gather [hbm4b:s2+s3], $0x80, v4, vm0, $0xb8;
	[tilespmem:$0x1FC00] =	vst v63  }
0x64b: {  	v3 =	vadd.s32 v1, v3;
	s12 =	simm.s32 $0x1D400  }
0x64c: {  	[tilespmem:s12], [sflag:$0x5] =	stream.indirect_vreg.gather [hbm4b:s5+s3], $0x80, v4, vm0, $0xb8;
	[tilespmem:$0x1FC00] =	vst v63  }
0x64d: {  	s12 =	simm.s32 $0x1DC00  }
0x64e: {  	[tilespmem:s12], [sflag:$0x5] =	stream.indirect_vreg.gather [hbm4b:s6+s3], $0x80, v4, vm0, $0xb8;
	[tilespmem:$0x1FC00] =	vst v63  }
0x64f: {  	s12 =	simm.s32 $0x1E400  }
0x650: {  	[tilespmem:s12], [sflag:$0x5] =	stream.indirect_vreg.gather [hbm4b:s2+s3], $0x80, v3, vm0, $0xb8;
	[tilespmem:$0x1FC00] =	vst v63  }
0x651: {  	s12 =	simm.s32 $0x1EC00  }
0x652: {  	[tilespmem:s12], [sflag:$0x5] =	stream.indirect_vreg.gather [hbm4b:s5+s3], $0x80, v3, vm0, $0xb8;
	[tilespmem:$0x1FC00] =	vst v63  }
0x653: {  	s12 =	simm.s32 $0x1F400  }
0x654: {  	[tilespmem:s12], [sflag:$0x5] =	stream.indirect_vreg.gather [hbm4b:s6+s3], $0x80, v3, vm0, $0xb8;
	[tilespmem:$0x1FC00] =	vst v63  }
0x655: {  	_ =	swait.ge [sflag:s26], $0x6000  }
0x656: {  	s12 =	sld [smem:$0x7EB]  }
0x657: {  	[sflag:s26] =	ssyncset.done $0x0  }
0x658: {  	[sflag:s26] =	ssyncadd.s32 $0xFFFFA000  }
0x659: {  	[hbm4b:s12+s3] =	stream.linear.scatter [tilespmem:s15], [sflag:$0x8], $0x6000, $0x38;
	[tilespmem:$0x1FC00] =	vst v63  }
0x65a: {  	_ =	swait.ge [sflag:s28], $0x6000  }
0x65b: {  	[sflag:s28] =	ssyncset.done $0x0  }
0x65c: {  	[sflag:s28] =	ssyncadd.s32 $0xFFFFA000  }
0x65d: {  	v3 =	vld [tilespmem:$0x1180];
	_ =	sdelay $0x4  }
0x65e: {  	v34 =	vshrl.u32 v3, $0x3  }
0x65f: {  	v4 =	vmul.u32 $0x30, v34  }
0x660: {  	v3 =	vand.u32 $0x7, v3  }
0x661: {  	v3 =	vor.u32 v3, v4  }
0x662: {  	v4 =	vperm.xlane v3, v0;
	_ =	sdelay $0x1  }
0x663: {  	v4 =	vadd.s32 v1, v4;
	_ =	sdelay $0x3  }
0x664: {  	v3 =	vperm.xlane v3, v2  }
0x665: {  	[tilespmem:s19], [sflag:$0x1] =	stream.indirect_vreg.gather [hbm4b:s2+s3], $0x80, v4, vm0, $0xb8;
	[tilespmem:$0x1FC00] =	vst v63  }
0x666: {  	s12 =	simm.s32 $0x2400;
	v3 =	vadd.s32 v1, v3  }
0x667: {  	[tilespmem:s12], [sflag:$0x1] =	stream.indirect_vreg.gather [hbm4b:s5+s3], $0x80, v4, vm0, $0xb8;
	[tilespmem:$0x1FC00] =	vst v63  }
0x668: {  	s12 =	simm.s32 $0x2C00  }
0x669: {  	[tilespmem:s12], [sflag:$0x1] =	stream.indirect_vreg.gather [hbm4b:s6+s3], $0x80, v4, vm0, $0xb8;
	[tilespmem:$0x1FC00] =	vst v63  }
0x66a: {  	s12 =	simm.s32 $0x3400  }
0x66b: {  	[tilespmem:s12], [sflag:$0x1] =	stream.indirect_vreg.gather [hbm4b:s2+s3], $0x80, v3, vm0, $0xb8;
	[tilespmem:$0x1FC00] =	vst v63  }
0x66c: {  	s12 =	simm.s32 $0x3C00  }
0x66d: {  	[tilespmem:s12], [sflag:$0x1] =	stream.indirect_vreg.gather [hbm4b:s5+s3], $0x80, v3, vm0, $0xb8;
	[tilespmem:$0x1FC00] =	vst v63  }
0x66e: {  	s12 =	simm.s32 $0x4400  }
0x66f: {  	[tilespmem:s12], [sflag:$0x1] =	stream.indirect_vreg.gather [hbm4b:s6+s3], $0x80, v3, vm0, $0xb8;
	[tilespmem:$0x1FC00] =	vst v63  }
0x670: {  	v3 =	vld [tilespmem:$0x1190];
	_ =	sdelay $0x4  }
0x671: {  	v35 =	vshrl.u32 v3, $0x3  }
0x672: {  	v4 =	vmul.u32 $0x30, v35  }
0x673: {  	v3 =	vand.u32 $0x7, v3  }
0x674: {  	v3 =	vor.u32 v3, v4  }
0x675: {  	v4 =	vperm.xlane v3, v0;
	_ =	sdelay $0x1  }
0x676: {  	v4 =	vadd.s32 v1, v4;
	_ =	sdelay $0x3  }
0x677: {  	s12 =	simm.s32 $0x4C00;
	v3 =	vperm.xlane v3, v2  }
0x678: {  	[tilespmem:s12], [sflag:$0x1] =	stream.indirect_vreg.gather [hbm4b:s2+s3], $0x80, v4, vm0, $0xb8;
	[tilespmem:$0x1FC00] =	vst v63  }
0x679: {  	v3 =	vadd.s32 v1, v3;
	s12 =	simm.s32 $0x5400  }
0x67a: {  	[tilespmem:s12], [sflag:$0x1] =	stream.indirect_vreg.gather [hbm4b:s5+s3], $0x80, v4, vm0, $0xb8;
	[tilespmem:$0x1FC00] =	vst v63  }
0x67b: {  	s12 =	simm.s32 $0x5C00  }
0x67c: {  	[tilespmem:s12], [sflag:$0x1] =	stream.indirect_vreg.gather [hbm4b:s6+s3], $0x80, v4, vm0, $0xb8;
	[tilespmem:$0x1FC00] =	vst v63  }
0x67d: {  	s12 =	simm.s32 $0x6400  }
0x67e: {  	[tilespmem:s12], [sflag:$0x1] =	stream.indirect_vreg.gather [hbm4b:s2+s3], $0x80, v3, vm0, $0xb8;
	[tilespmem:$0x1FC00] =	vst v63  }
0x67f: {  	s12 =	simm.s32 $0x6C00  }
0x680: {  	[tilespmem:s12], [sflag:$0x1] =	stream.indirect_vreg.gather [hbm4b:s5+s3], $0x80, v3, vm0, $0xb8;
	[tilespmem:$0x1FC00] =	vst v63  }
0x681: {  	s12 =	simm.s32 $0x7400  }
0x682: {  	[tilespmem:s12], [sflag:$0x1] =	stream.indirect_vreg.gather [hbm4b:s6+s3], $0x80, v3, vm0, $0xb8;
	[tilespmem:$0x1FC00] =	vst v63  }
0x683: {  	_ =	swait.ge [sflag:s29], $0x6000  }
0x684: {  	s12 =	sld [smem:$0x7EC]  }
0x685: {  	[sflag:s29] =	ssyncset.done $0x0  }
0x686: {  	[sflag:s29] =	ssyncadd.s32 $0xFFFFA000  }
0x687: {  	[hbm4b:s12+s3] =	stream.linear.scatter [tilespmem:s14], [sflag:$0x9], $0x6000, $0x38;
	[tilespmem:$0x1FC00] =	vst v63  }
0x688: {  	_ =	swait.ge [sflag:s30], $0x6000  }
0x689: {  	[sflag:s30] =	ssyncset.done $0x0  }
0x68a: {  	[sflag:s30] =	ssyncadd.s32 $0xFFFFA000  }
0x68b: {  	v3 =	vld [tilespmem:$0x1200];
	_ =	sdelay $0x4  }
0x68c: {  	v36 =	vshrl.u32 v3, $0x3  }
0x68d: {  	v4 =	vmul.u32 $0x30, v36  }
0x68e: {  	v3 =	vand.u32 $0x7, v3  }
0x68f: {  	v3 =	vor.u32 v3, v4  }
0x690: {  	v4 =	vperm.xlane v3, v0;
	_ =	sdelay $0x1  }
0x691: {  	v4 =	vadd.s32 v1, v4;
	_ =	sdelay $0x3  }
0x692: {  	v3 =	vperm.xlane v3, v2  }
0x693: {  	[tilespmem:s7], [sflag:$0x2] =	stream.indirect_vreg.gather [hbm4b:s2+s3], $0x80, v4, vm0, $0xb8;
	[tilespmem:$0x1FC00] =	vst v63  }
0x694: {  	s12 =	simm.s32 $0x8400;
	v3 =	vadd.s32 v1, v3  }
0x695: {  	[tilespmem:s12], [sflag:$0x2] =	stream.indirect_vreg.gather [hbm4b:s5+s3], $0x80, v4, vm0, $0xb8;
	[tilespmem:$0x1FC00] =	vst v63  }
0x696: {  	s12 =	simm.s32 $0x8C00  }
0x697: {  	[tilespmem:s12], [sflag:$0x2] =	stream.indirect_vreg.gather [hbm4b:s6+s3], $0x80, v4, vm0, $0xb8;
	[tilespmem:$0x1FC00] =	vst v63  }
0x698: {  	s12 =	simm.s32 $0x9400  }
0x699: {  	[tilespmem:s12], [sflag:$0x2] =	stream.indirect_vreg.gather [hbm4b:s2+s3], $0x80, v3, vm0, $0xb8;
	[tilespmem:$0x1FC00] =	vst v63  }
0x69a: {  	s17 =	simm.s32 $0x9C00  }
0x69b: {  	[tilespmem:s17], [sflag:$0x2] =	stream.indirect_vreg.gather [hbm4b:s5+s3], $0x80, v3, vm0, $0xb8;
	[tilespmem:$0x1FC00] =	vst v63  }
0x69c: {  	s12 =	simm.s32 $0xA400  }
0x69d: {  	[tilespmem:s12], [sflag:$0x2] =	stream.indirect_vreg.gather [hbm4b:s6+s3], $0x80, v3, vm0, $0xb8;
	[tilespmem:$0x1FC00] =	vst v63  }
0x69e: {  	v3 =	vld [tilespmem:$0x1210];
	_ =	sdelay $0x4  }
0x69f: {  	v37 =	vshrl.u32 v3, $0x3  }
0x6a0: {  	v4 =	vmul.u32 $0x30, v37  }
0x6a1: {  	v3 =	vand.u32 $0x7, v3  }
0x6a2: {  	v3 =	vor.u32 v3, v4  }
0x6a3: {  	v4 =	vperm.xlane v3, v0;
	_ =	sdelay $0x1  }
0x6a4: {  	v4 =	vadd.s32 v1, v4;
	_ =	sdelay $0x3  }
0x6a5: {  	s12 =	simm.s32 $0xAC00;
	v3 =	vperm.xlane v3, v2  }
0x6a6: {  	[tilespmem:s12], [sflag:$0x2] =	stream.indirect_vreg.gather [hbm4b:s2+s3], $0x80, v4, vm0, $0xb8;
	[tilespmem:$0x1FC00] =	vst v63  }
0x6a7: {  	v3 =	vadd.s32 v1, v3;
	s12 =	simm.s32 $0xB400  }
0x6a8: {  	[tilespmem:s12], [sflag:$0x2] =	stream.indirect_vreg.gather [hbm4b:s5+s3], $0x80, v4, vm0, $0xb8;
	[tilespmem:$0x1FC00] =	vst v63  }
0x6a9: {  	s11 =	simm.s32 $0xBC00  }
0x6aa: {  	[tilespmem:s11], [sflag:$0x2] =	stream.indirect_vreg.gather [hbm4b:s6+s3], $0x80, v4, vm0, $0xb8;
	[tilespmem:$0x1FC00] =	vst v63  }
0x6ab: {  	s22 =	simm.s32 $0xC400  }
0x6ac: {  	[tilespmem:s22], [sflag:$0x2] =	stream.indirect_vreg.gather [hbm4b:s2+s3], $0x80, v3, vm0, $0xb8;
	[tilespmem:$0x1FC00] =	vst v63  }
0x6ad: {  	s20 =	simm.s32 $0xCC00  }
0x6ae: {  	[tilespmem:s20], [sflag:$0x2] =	stream.indirect_vreg.gather [hbm4b:s5+s3], $0x80, v3, vm0, $0xb8;
	[tilespmem:$0x1FC00] =	vst v63  }
0x6af: {  	s12 =	simm.s32 $0xD400  }
0x6b0: {  	[tilespmem:s12], [sflag:$0x2] =	stream.indirect_vreg.gather [hbm4b:s6+s3], $0x80, v3, vm0, $0xb8;
	[tilespmem:$0x1FC00] =	vst v63  }
0x6b1: {  	_ =	swait.ge [sflag:s31], $0x6000  }
0x6b2: {  	s11 =	sld [smem:$0x7ED]  }
0x6b3: {  	[sflag:s31] =	ssyncset.done $0x0  }
0x6b4: {  	[sflag:s31] =	ssyncadd.s32 $0xFFFFA000  }
0x6b5: {  	[hbm4b:s11+s3] =	stream.linear.scatter [tilespmem:s13], [sflag:$0xA], $0x6000, $0x38;
	[tilespmem:$0x1FC00] =	vst v63  }
0x6b6: {  	_ =	swait.ge [sflag:s1], $0x6000  }
0x6b7: {  	[sflag:s1] =	ssyncset.done $0x0  }
0x6b8: {  	[sflag:s1] =	ssyncadd.s32 $0xFFFFA000  }
0x6b9: {  	v3 =	vld [tilespmem:$0x1280];
	_ =	sdelay $0x4  }
0x6ba: {  	v38 =	vshrl.u32 v3, $0x3  }
0x6bb: {  	v4 =	vmul.u32 $0x30, v38  }
0x6bc: {  	v3 =	vand.u32 $0x7, v3  }
0x6bd: {  	v3 =	vor.u32 v3, v4  }
0x6be: {  	v4 =	vperm.xlane v3, v0;
	_ =	sdelay $0x1  }
0x6bf: {  	v4 =	vadd.s32 v1, v4;
	_ =	sdelay $0x3  }
0x6c0: {  	v3 =	vperm.xlane v3, v2  }
0x6c1: {  	[tilespmem:s15], [sflag:$0x3] =	stream.indirect_vreg.gather [hbm4b:s2+s3], $0x80, v4, vm0, $0xb8;
	[tilespmem:$0x1FC00] =	vst v63  }
0x6c2: {  	s12 =	simm.s32 $0xE400;
	v3 =	vadd.s32 v1, v3  }
0x6c3: {  	[tilespmem:s12], [sflag:$0x3] =	stream.indirect_vreg.gather [hbm4b:s5+s3], $0x80, v4, vm0, $0xb8;
	[tilespmem:$0x1FC00] =	vst v63  }
0x6c4: {  	s12 =	simm.s32 $0xEC00  }
0x6c5: {  	[tilespmem:s12], [sflag:$0x3] =	stream.indirect_vreg.gather [hbm4b:s6+s3], $0x80, v4, vm0, $0xb8;
	[tilespmem:$0x1FC00] =	vst v63  }
0x6c6: {  	s12 =	simm.s32 $0xF400  }
0x6c7: {  	[tilespmem:s12], [sflag:$0x3] =	stream.indirect_vreg.gather [hbm4b:s2+s3], $0x80, v3, vm0, $0xb8;
	[tilespmem:$0x1FC00] =	vst v63  }
0x6c8: {  	s12 =	simm.s32 $0xFC00  }
0x6c9: {  	[tilespmem:s12], [sflag:$0x3] =	stream.indirect_vreg.gather [hbm4b:s5+s3], $0x80, v3, vm0, $0xb8;
	[tilespmem:$0x1FC00] =	vst v63  }
0x6ca: {  	s12 =	simm.s32 $0x10400  }
0x6cb: {  	[tilespmem:s12], [sflag:$0x3] =	stream.indirect_vreg.gather [hbm4b:s6+s3], $0x80, v3, vm0, $0xb8;
	[tilespmem:$0x1FC00] =	vst v63  }
0x6cc: {  	v3 =	vld [tilespmem:$0x1290];
	_ =	sdelay $0x4  }
0x6cd: {  	v39 =	vshrl.u32 v3, $0x3  }
0x6ce: {  	v4 =	vmul.u32 $0x30, v39  }
0x6cf: {  	v3 =	vand.u32 $0x7, v3  }
0x6d0: {  	v3 =	vor.u32 v3, v4  }
0x6d1: {  	v4 =	vperm.xlane v3, v0;
	_ =	sdelay $0x1  }
0x6d2: {  	v4 =	vadd.s32 v1, v4;
	_ =	sdelay $0x3  }
0x6d3: {  	s12 =	simm.s32 $0x10C00;
	v3 =	vperm.xlane v3, v2  }
0x6d4: {  	[tilespmem:s12], [sflag:$0x3] =	stream.indirect_vreg.gather [hbm4b:s2+s3], $0x80, v4, vm0, $0xb8;
	[tilespmem:$0x1FC00] =	vst v63  }
0x6d5: {  	v3 =	vadd.s32 v1, v3;
	s12 =	simm.s32 $0x11400  }
0x6d6: {  	[tilespmem:s12], [sflag:$0x3] =	stream.indirect_vreg.gather [hbm4b:s5+s3], $0x80, v4, vm0, $0xb8;
	[tilespmem:$0x1FC00] =	vst v63  }
0x6d7: {  	s8 =	simm.s32 $0x11C00  }
0x6d8: {  	[tilespmem:s8], [sflag:$0x3] =	stream.indirect_vreg.gather [hbm4b:s6+s3], $0x80, v4, vm0, $0xb8;
	[tilespmem:$0x1FC00] =	vst v63  }
0x6d9: {  	s9 =	simm.s32 $0x12400  }
0x6da: {  	[tilespmem:s9], [sflag:$0x3] =	stream.indirect_vreg.gather [hbm4b:s2+s3], $0x80, v3, vm0, $0xb8;
	[tilespmem:$0x1FC00] =	vst v63  }
0x6db: {  	s12 =	simm.s32 $0x12C00  }
0x6dc: {  	[tilespmem:s12], [sflag:$0x3] =	stream.indirect_vreg.gather [hbm4b:s5+s3], $0x80, v3, vm0, $0xb8;
	[tilespmem:$0x1FC00] =	vst v63  }
0x6dd: {  	s12 =	simm.s32 $0x13400  }
0x6de: {  	[tilespmem:s12], [sflag:$0x3] =	stream.indirect_vreg.gather [hbm4b:s6+s3], $0x80, v3, vm0, $0xb8;
	[tilespmem:$0x1FC00] =	vst v63  }
0x6df: {  	_ =	swait.ge [sflag:s24], $0x6000  }
0x6e0: {  	s8 =	sld [smem:$0x7EE]  }
0x6e1: {  	[sflag:s24] =	ssyncset.done $0x0  }
0x6e2: {  	[sflag:s24] =	ssyncadd.s32 $0xFFFFA000  }
0x6e3: {  	[hbm4b:s8+s3] =	stream.linear.scatter [tilespmem:s19], [sflag:$0x6], $0x6000, $0x38;
	[tilespmem:$0x1FC00] =	vst v63  }
0x6e4: {  	_ =	swait.ge [sflag:s0], $0x6000  }
0x6e5: {  	[sflag:s0] =	ssyncset.done $0x0  }
0x6e6: {  	[sflag:s0] =	ssyncadd.s32 $0xFFFFA000  }
0x6e7: {  	v3 =	vld [tilespmem:$0x1300];
	_ =	sdelay $0x4  }
0x6e8: {  	v40 =	vshrl.u32 v3, $0x3  }
0x6e9: {  	v4 =	vmul.u32 $0x30, v40  }
0x6ea: {  	v3 =	vand.u32 $0x7, v3  }
0x6eb: {  	v3 =	vor.u32 v3, v4  }
0x6ec: {  	v4 =	vperm.xlane v3, v0;
	_ =	sdelay $0x1  }
0x6ed: {  	v4 =	vadd.s32 v1, v4;
	_ =	sdelay $0x3  }
0x6ee: {  	v3 =	vperm.xlane v3, v2  }
0x6ef: {  	[tilespmem:s14], [sflag:$0x4] =	stream.indirect_vreg.gather [hbm4b:s2+s3], $0x80, v4, vm0, $0xb8;
	[tilespmem:$0x1FC00] =	vst v63  }
0x6f0: {  	s23 =	simm.s32 $0x14400;
	v3 =	vadd.s32 v1, v3  }
0x6f1: {  	[tilespmem:s23], [sflag:$0x4] =	stream.indirect_vreg.gather [hbm4b:s5+s3], $0x80, v4, vm0, $0xb8;
	[tilespmem:$0x1FC00] =	vst v63  }
0x6f2: {  	s21 =	simm.s32 $0x14C00  }
0x6f3: {  	[tilespmem:s21], [sflag:$0x4] =	stream.indirect_vreg.gather [hbm4b:s6+s3], $0x80, v4, vm0, $0xb8;
	[tilespmem:$0x1FC00] =	vst v63  }
0x6f4: {  	s25 =	simm.s32 $0x15400  }
0x6f5: {  	[tilespmem:s25], [sflag:$0x4] =	stream.indirect_vreg.gather [hbm4b:s2+s3], $0x80, v3, vm0, $0xb8;
	[tilespmem:$0x1FC00] =	vst v63  }
0x6f6: {  	s21 =	simm.s32 $0x15C00  }
0x6f7: {  	[tilespmem:s21], [sflag:$0x4] =	stream.indirect_vreg.gather [hbm4b:s5+s3], $0x80, v3, vm0, $0xb8;
	[tilespmem:$0x1FC00] =	vst v63  }
0x6f8: {  	s23 =	simm.s32 $0x16400  }
0x6f9: {  	[tilespmem:s23], [sflag:$0x4] =	stream.indirect_vreg.gather [hbm4b:s6+s3], $0x80, v3, vm0, $0xb8;
	[tilespmem:$0x1FC00] =	vst v63  }
0x6fa: {  	v3 =	vld [tilespmem:$0x1310];
	_ =	sdelay $0x4  }
0x6fb: {  	v41 =	vshrl.u32 v3, $0x3  }
0x6fc: {  	v4 =	vmul.u32 $0x30, v41  }
0x6fd: {  	v3 =	vand.u32 $0x7, v3  }
0x6fe: {  	v3 =	vor.u32 v3, v4  }
0x6ff: {  	v4 =	vperm.xlane v3, v0;
	_ =	sdelay $0x1  }
0x700: {  	v4 =	vadd.s32 v1, v4;
	_ =	sdelay $0x3  }
0x701: {  	s25 =	simm.s32 $0x16C00;
	v3 =	vperm.xlane v3, v2  }
0x702: {  	[tilespmem:s25], [sflag:$0x4] =	stream.indirect_vreg.gather [hbm4b:s2+s3], $0x80, v4, vm0, $0xb8;
	[tilespmem:$0x1FC00] =	vst v63  }
0x703: {  	s12 =	simm.s32 $0x17400;
	v3 =	vadd.s32 v1, v3  }
0x704: {  	[tilespmem:s12], [sflag:$0x4] =	stream.indirect_vreg.gather [hbm4b:s5+s3], $0x80, v4, vm0, $0xb8;
	[tilespmem:$0x1FC00] =	vst v63  }
0x705: {  	s21 =	simm.s32 $0x17C00  }
0x706: {  	[tilespmem:s21], [sflag:$0x4] =	stream.indirect_vreg.gather [hbm4b:s6+s3], $0x80, v4, vm0, $0xb8;
	[tilespmem:$0x1FC00] =	vst v63  }
0x707: {  	s23 =	simm.s32 $0x18400  }
0x708: {  	[tilespmem:s23], [sflag:$0x4] =	stream.indirect_vreg.gather [hbm4b:s2+s3], $0x80, v3, vm0, $0xb8;
	[tilespmem:$0x1FC00] =	vst v63  }
0x709: {  	s25 =	simm.s32 $0x18C00  }
0x70a: {  	[tilespmem:s25], [sflag:$0x4] =	stream.indirect_vreg.gather [hbm4b:s5+s3], $0x80, v3, vm0, $0xb8;
	[tilespmem:$0x1FC00] =	vst v63  }
0x70b: {  	s12 =	simm.s32 $0x19400  }
0x70c: {  	[tilespmem:s12], [sflag:$0x4] =	stream.indirect_vreg.gather [hbm4b:s6+s3], $0x80, v3, vm0, $0xb8;
	[tilespmem:$0x1FC00] =	vst v63  }
0x70d: {  	_ =	swait.ge [sflag:s10], $0x6000  }
0x70e: {  	s21 =	sld [smem:$0x7EF]  }
0x70f: {  	[sflag:s10] =	ssyncset.done $0x0  }
0x710: {  	[sflag:s10] =	ssyncadd.s32 $0xFFFFA000  }
0x711: {  	[hbm4b:s21+s3] =	stream.linear.scatter [tilespmem:s7], [sflag:$0x7], $0x6000, $0x38;
	[tilespmem:$0x1FC00] =	vst v63  }
0x712: {  	_ =	swait.ge [sflag:s4], $0x6000  }
0x713: {  	[sflag:s4] =	ssyncset.done $0x0  }
0x714: {  	[sflag:s4] =	ssyncadd.s32 $0xFFFFA000  }
0x715: {  	v3 =	vld [tilespmem:$0x1380];
	_ =	sdelay $0x4  }
0x716: {  	v42 =	vshrl.u32 v3, $0x3  }
0x717: {  	v4 =	vmul.u32 $0x30, v42  }
0x718: {  	v3 =	vand.u32 $0x7, v3  }
0x719: {  	v3 =	vor.u32 v3, v4  }
0x71a: {  	v4 =	vperm.xlane v3, v0;
	_ =	sdelay $0x1  }
0x71b: {  	v4 =	vadd.s32 v1, v4;
	_ =	sdelay $0x3  }
0x71c: {  	v3 =	vperm.xlane v3, v2  }
0x71d: {  	[tilespmem:s13], [sflag:$0x5] =	stream.indirect_vreg.gather [hbm4b:s2+s3], $0x80, v4, vm0, $0xb8;
	[tilespmem:$0x1FC00] =	vst v63  }
0x71e: {  	s16 =	simm.s32 $0x1A400;
	v3 =	vadd.s32 v1, v3  }
0x71f: {  	[tilespmem:s16], [sflag:$0x5] =	stream.indirect_vreg.gather [hbm4b:s5+s3], $0x80, v4, vm0, $0xb8;
	[tilespmem:$0x1FC00] =	vst v63  }
0x720: {  	s18 =	simm.s32 $0x1AC00  }
0x721: {  	[tilespmem:s18], [sflag:$0x5] =	stream.indirect_vreg.gather [hbm4b:s6+s3], $0x80, v4, vm0, $0xb8;
	[tilespmem:$0x1FC00] =	vst v63  }
0x722: {  	s23 =	simm.s32 $0x1B400  }
0x723: {  	[tilespmem:s23], [sflag:$0x5] =	stream.indirect_vreg.gather [hbm4b:s2+s3], $0x80, v3, vm0, $0xb8;
	[tilespmem:$0x1FC00] =	vst v63  }
0x724: {  	s25 =	simm.s32 $0x1BC00  }
0x725: {  	[tilespmem:s25], [sflag:$0x5] =	stream.indirect_vreg.gather [hbm4b:s5+s3], $0x80, v3, vm0, $0xb8;
	[tilespmem:$0x1FC00] =	vst v63  }
0x726: {  	s12 =	simm.s32 $0x1C400  }
0x727: {  	[tilespmem:s12], [sflag:$0x5] =	stream.indirect_vreg.gather [hbm4b:s6+s3], $0x80, v3, vm0, $0xb8;
	[tilespmem:$0x1FC00] =	vst v63  }
0x728: {  	v3 =	vld [tilespmem:$0x1390];
	_ =	sdelay $0x4  }
0x729: {  	v43 =	vshrl.u32 v3, $0x3  }
0x72a: {  	v4 =	vmul.u32 $0x30, v43  }
0x72b: {  	v3 =	vand.u32 $0x7, v3  }
0x72c: {  	v3 =	vor.u32 v3, v4  }
0x72d: {  	v4 =	vperm.xlane v3, v0;
	_ =	sdelay $0x1  }
0x72e: {  	v4 =	vadd.s32 v1, v4;
	_ =	sdelay $0x3  }
0x72f: {  	s16 =	simm.s32 $0x1CC00;
	v3 =	vperm.xlane v3, v2  }
0x730: {  	[tilespmem:s16], [sflag:$0x5] =	stream.indirect_vreg.gather [hbm4b:s2+s3], $0x80, v4, vm0, $0xb8;
	[tilespmem:$0x1FC00] =	vst v63  }
0x731: {  	s18 =	simm.s32 $0x1D400;
	v3 =	vadd.s32 v1, v3  }
0x732: {  	[tilespmem:s18], [sflag:$0x5] =	stream.indirect_vreg.gather [hbm4b:s5+s3], $0x80, v4, vm0, $0xb8;
	[tilespmem:$0x1FC00] =	vst v63  }
0x733: {  	s21 =	simm.s32 $0x1DC00  }
0x734: {  	[tilespmem:s21], [sflag:$0x5] =	stream.indirect_vreg.gather [hbm4b:s6+s3], $0x80, v4, vm0, $0xb8;
	[tilespmem:$0x1FC00] =	vst v63  }
0x735: {  	s23 =	simm.s32 $0x1E400  }
0x736: {  	[tilespmem:s23], [sflag:$0x5] =	stream.indirect_vreg.gather [hbm4b:s2+s3], $0x80, v3, vm0, $0xb8;
	[tilespmem:$0x1FC00] =	vst v63  }
0x737: {  	s25 =	simm.s32 $0x1EC00  }
0x738: {  	[tilespmem:s25], [sflag:$0x5] =	stream.indirect_vreg.gather [hbm4b:s5+s3], $0x80, v3, vm0, $0xb8;
	[tilespmem:$0x1FC00] =	vst v63  }
0x739: {  	s12 =	simm.s32 $0x1F400  }
0x73a: {  	[tilespmem:s12], [sflag:$0x5] =	stream.indirect_vreg.gather [hbm4b:s6+s3], $0x80, v3, vm0, $0xb8;
	[tilespmem:$0x1FC00] =	vst v63  }
0x73b: {  	_ =	swait.ge [sflag:s26], $0x6000  }
0x73c: {  	s16 =	sld [smem:$0x7F0]  }
0x73d: {  	[sflag:s26] =	ssyncset.done $0x0  }
0x73e: {  	[sflag:s26] =	ssyncadd.s32 $0xFFFFA000  }
0x73f: {  	[hbm4b:s16+s3] =	stream.linear.scatter [tilespmem:s15], [sflag:$0x8], $0x6000, $0x38;
	[tilespmem:$0x1FC00] =	vst v63  }
0x740: {  	_ =	swait.ge [sflag:s28], $0x6000  }
0x741: {  	[sflag:s28] =	ssyncset.done $0x0  }
0x742: {  	[sflag:s28] =	ssyncadd.s32 $0xFFFFA000  }
0x743: {  	v3 =	vld [tilespmem:$0x1400];
	_ =	sdelay $0x4  }
0x744: {  	v44 =	vshrl.u32 v3, $0x3  }
0x745: {  	v4 =	vmul.u32 $0x30, v44  }
0x746: {  	v3 =	vand.u32 $0x7, v3  }
0x747: {  	v3 =	vor.u32 v3, v4  }
0x748: {  	v4 =	vperm.xlane v3, v0;
	_ =	sdelay $0x1  }
0x749: {  	v4 =	vadd.s32 v1, v4;
	_ =	sdelay $0x3  }
0x74a: {  	v3 =	vperm.xlane v3, v2  }
0x74b: {  	[tilespmem:s19], [sflag:$0x1] =	stream.indirect_vreg.gather [hbm4b:s2+s3], $0x80, v4, vm0, $0xb8;
	[tilespmem:$0x1FC00] =	vst v63  }
0x74c: {  	s18 =	simm.s32 $0x2400;
	v3 =	vadd.s32 v1, v3  }
0x74d: {  	[tilespmem:s18], [sflag:$0x1] =	stream.indirect_vreg.gather [hbm4b:s5+s3], $0x80, v4, vm0, $0xb8;
	[tilespmem:$0x1FC00] =	vst v63  }
0x74e: {  	s21 =	simm.s32 $0x2C00  }
0x74f: {  	[tilespmem:s21], [sflag:$0x1] =	stream.indirect_vreg.gather [hbm4b:s6+s3], $0x80, v4, vm0, $0xb8;
	[tilespmem:$0x1FC00] =	vst v63  }
0x750: {  	s23 =	simm.s32 $0x3400  }
0x751: {  	[tilespmem:s23], [sflag:$0x1] =	stream.indirect_vreg.gather [hbm4b:s2+s3], $0x80, v3, vm0, $0xb8;
	[tilespmem:$0x1FC00] =	vst v63  }
0x752: {  	s25 =	simm.s32 $0x3C00  }
0x753: {  	[tilespmem:s25], [sflag:$0x1] =	stream.indirect_vreg.gather [hbm4b:s5+s3], $0x80, v3, vm0, $0xb8;
	[tilespmem:$0x1FC00] =	vst v63  }
0x754: {  	s12 =	simm.s32 $0x4400  }
0x755: {  	[tilespmem:s12], [sflag:$0x1] =	stream.indirect_vreg.gather [hbm4b:s6+s3], $0x80, v3, vm0, $0xb8;
	[tilespmem:$0x1FC00] =	vst v63  }
0x756: {  	v3 =	vld [tilespmem:$0x1410];
	_ =	sdelay $0x4  }
0x757: {  	v45 =	vshrl.u32 v3, $0x3  }
0x758: {  	v4 =	vmul.u32 $0x30, v45  }
0x759: {  	v3 =	vand.u32 $0x7, v3  }
0x75a: {  	v3 =	vor.u32 v3, v4  }
0x75b: {  	v4 =	vperm.xlane v3, v0;
	_ =	sdelay $0x1  }
0x75c: {  	v4 =	vadd.s32 v1, v4;
	_ =	sdelay $0x3  }
0x75d: {  	s16 =	simm.s32 $0x4C00;
	v3 =	vperm.xlane v3, v2  }
0x75e: {  	[tilespmem:s16], [sflag:$0x1] =	stream.indirect_vreg.gather [hbm4b:s2+s3], $0x80, v4, vm0, $0xb8;
	[tilespmem:$0x1FC00] =	vst v63  }
0x75f: {  	s18 =	simm.s32 $0x5400;
	v3 =	vadd.s32 v1, v3  }
0x760: {  	[tilespmem:s18], [sflag:$0x1] =	stream.indirect_vreg.gather [hbm4b:s5+s3], $0x80, v4, vm0, $0xb8;
	[tilespmem:$0x1FC00] =	vst v63  }
0x761: {  	s21 =	simm.s32 $0x5C00  }
0x762: {  	[tilespmem:s21], [sflag:$0x1] =	stream.indirect_vreg.gather [hbm4b:s6+s3], $0x80, v4, vm0, $0xb8;
	[tilespmem:$0x1FC00] =	vst v63  }
0x763: {  	s23 =	simm.s32 $0x6400  }
0x764: {  	[tilespmem:s23], [sflag:$0x1] =	stream.indirect_vreg.gather [hbm4b:s2+s3], $0x80, v3, vm0, $0xb8;
	[tilespmem:$0x1FC00] =	vst v63  }
0x765: {  	s25 =	simm.s32 $0x6C00  }
0x766: {  	[tilespmem:s25], [sflag:$0x1] =	stream.indirect_vreg.gather [hbm4b:s5+s3], $0x80, v3, vm0, $0xb8;
	[tilespmem:$0x1FC00] =	vst v63  }
0x767: {  	s12 =	simm.s32 $0x7400  }
0x768: {  	[tilespmem:s12], [sflag:$0x1] =	stream.indirect_vreg.gather [hbm4b:s6+s3], $0x80, v3, vm0, $0xb8;
	[tilespmem:$0x1FC00] =	vst v63  }
0x769: {  	_ =	swait.ge [sflag:s29], $0x6000  }
0x76a: {  	s16 =	sld [smem:$0x7F1]  }
0x76b: {  	[sflag:s29] =	ssyncset.done $0x0  }
0x76c: {  	[sflag:s29] =	ssyncadd.s32 $0xFFFFA000  }
0x76d: {  	[hbm4b:s16+s3] =	stream.linear.scatter [tilespmem:s14], [sflag:$0x9], $0x6000, $0x38;
	[tilespmem:$0x1FC00] =	vst v63  }
0x76e: {  	_ =	swait.ge [sflag:s30], $0x6000  }
0x76f: {  	[sflag:s30] =	ssyncset.done $0x0  }
0x770: {  	[sflag:s30] =	ssyncadd.s32 $0xFFFFA000  }
0x771: {  	v3 =	vld [tilespmem:$0x1480];
	_ =	sdelay $0x4  }
0x772: {  	v46 =	vshrl.u32 v3, $0x3  }
0x773: {  	v4 =	vmul.u32 $0x30, v46  }
0x774: {  	v3 =	vand.u32 $0x7, v3  }
0x775: {  	v3 =	vor.u32 v3, v4  }
0x776: {  	v4 =	vperm.xlane v3, v0;
	_ =	sdelay $0x1  }
0x777: {  	v4 =	vadd.s32 v1, v4;
	_ =	sdelay $0x3  }
0x778: {  	v3 =	vperm.xlane v3, v2  }
0x779: {  	[tilespmem:s7], [sflag:$0x2] =	stream.indirect_vreg.gather [hbm4b:s2+s3], $0x80, v4, vm0, $0xb8;
	[tilespmem:$0x1FC00] =	vst v63  }
0x77a: {  	s18 =	simm.s32 $0x8400;
	v3 =	vadd.s32 v1, v3  }
0x77b: {  	[tilespmem:s18], [sflag:$0x2] =	stream.indirect_vreg.gather [hbm4b:s5+s3], $0x80, v4, vm0, $0xb8;
	[tilespmem:$0x1FC00] =	vst v63  }
0x77c: {  	s21 =	simm.s32 $0x8C00  }
0x77d: {  	[tilespmem:s21], [sflag:$0x2] =	stream.indirect_vreg.gather [hbm4b:s6+s3], $0x80, v4, vm0, $0xb8;
	[tilespmem:$0x1FC00] =	vst v63  }
0x77e: {  	s23 =	simm.s32 $0x9400  }
0x77f: {  	[tilespmem:s23], [sflag:$0x2] =	stream.indirect_vreg.gather [hbm4b:s2+s3], $0x80, v3, vm0, $0xb8;
	[tilespmem:$0x1FC00] =	vst v63  }
0x780: {  	s17 =	simm.s32 $0x9C00  }
0x781: {  	[tilespmem:s17], [sflag:$0x2] =	stream.indirect_vreg.gather [hbm4b:s5+s3], $0x80, v3, vm0, $0xb8;
	[tilespmem:$0x1FC00] =	vst v63  }
0x782: {  	s25 =	simm.s32 $0xA400  }
0x783: {  	[tilespmem:s25], [sflag:$0x2] =	stream.indirect_vreg.gather [hbm4b:s6+s3], $0x80, v3, vm0, $0xb8;
	[tilespmem:$0x1FC00] =	vst v63  }
0x784: {  	v3 =	vld [tilespmem:$0x1490];
	_ =	sdelay $0x4  }
0x785: {  	v47 =	vshrl.u32 v3, $0x3  }
0x786: {  	v4 =	vmul.u32 $0x30, v47  }
0x787: {  	v3 =	vand.u32 $0x7, v3  }
0x788: {  	v3 =	vor.u32 v3, v4  }
0x789: {  	v4 =	vperm.xlane v3, v0;
	_ =	sdelay $0x1  }
0x78a: {  	v4 =	vadd.s32 v1, v4;
	_ =	sdelay $0x3  }
0x78b: {  	s17 =	simm.s32 $0xAC00;
	v3 =	vperm.xlane v3, v2  }
0x78c: {  	[tilespmem:s17], [sflag:$0x2] =	stream.indirect_vreg.gather [hbm4b:s2+s3], $0x80, v4, vm0, $0xb8;
	[tilespmem:$0x1FC00] =	vst v63  }
0x78d: {  	s18 =	simm.s32 $0xB400;
	v3 =	vadd.s32 v1, v3  }
0x78e: {  	[tilespmem:s18], [sflag:$0x2] =	stream.indirect_vreg.gather [hbm4b:s5+s3], $0x80, v4, vm0, $0xb8;
	[tilespmem:$0x1FC00] =	vst v63  }
0x78f: {  	s21 =	simm.s32 $0xBC00  }
0x790: {  	[tilespmem:s21], [sflag:$0x2] =	stream.indirect_vreg.gather [hbm4b:s6+s3], $0x80, v4, vm0, $0xb8;
	[tilespmem:$0x1FC00] =	vst v63  }
0x791: {  	s22 =	simm.s32 $0xC400  }
0x792: {  	[tilespmem:s22], [sflag:$0x2] =	stream.indirect_vreg.gather [hbm4b:s2+s3], $0x80, v3, vm0, $0xb8;
	[tilespmem:$0x1FC00] =	vst v63  }
0x793: {  	s20 =	simm.s32 $0xCC00  }
0x794: {  	[tilespmem:s20], [sflag:$0x2] =	stream.indirect_vreg.gather [hbm4b:s5+s3], $0x80, v3, vm0, $0xb8;
	[tilespmem:$0x1FC00] =	vst v63  }
0x795: {  	s22 =	simm.s32 $0xD400  }
0x796: {  	[tilespmem:s22], [sflag:$0x2] =	stream.indirect_vreg.gather [hbm4b:s6+s3], $0x80, v3, vm0, $0xb8;
	[tilespmem:$0x1FC00] =	vst v63  }
0x797: {  	_ =	swait.ge [sflag:s31], $0x6000  }
0x798: {  	s17 =	sld [smem:$0x7F2]  }
0x799: {  	[sflag:s31] =	ssyncset.done $0x0  }
0x79a: {  	[sflag:s31] =	ssyncadd.s32 $0xFFFFA000  }
0x79b: {  	[hbm4b:s17+s3] =	stream.linear.scatter [tilespmem:s13], [sflag:$0xA], $0x6000, $0x38;
	[tilespmem:$0x1FC00] =	vst v63  }
0x79c: {  	_ =	swait.ge [sflag:s1], $0x6000  }
0x79d: {  	[sflag:s1] =	ssyncset.done $0x0  }
0x79e: {  	[sflag:s1] =	ssyncadd.s32 $0xFFFFA000  }
0x79f: {  	v3 =	vld [tilespmem:$0x1500];
	_ =	sdelay $0x4  }
0x7a0: {  	v48 =	vshrl.u32 v3, $0x3  }
0x7a1: {  	v4 =	vmul.u32 $0x30, v48  }
0x7a2: {  	v3 =	vand.u32 $0x7, v3  }
0x7a3: {  	v3 =	vor.u32 v3, v4  }
0x7a4: {  	v4 =	vperm.xlane v3, v0;
	_ =	sdelay $0x1  }
0x7a5: {  	v4 =	vadd.s32 v1, v4;
	_ =	sdelay $0x3  }
0x7a6: {  	v3 =	vperm.xlane v3, v2  }
0x7a7: {  	[tilespmem:s15], [sflag:$0x3] =	stream.indirect_vreg.gather [hbm4b:s2+s3], $0x80, v4, vm0, $0xb8;
	[tilespmem:$0x1FC00] =	vst v63  }
0x7a8: {  	s17 =	simm.s32 $0xE400;
	v3 =	vadd.s32 v1, v3  }
0x7a9: {  	[tilespmem:s17], [sflag:$0x3] =	stream.indirect_vreg.gather [hbm4b:s5+s3], $0x80, v4, vm0, $0xb8;
	[tilespmem:$0x1FC00] =	vst v63  }
0x7aa: {  	s17 =	simm.s32 $0xEC00  }
0x7ab: {  	[tilespmem:s17], [sflag:$0x3] =	stream.indirect_vreg.gather [hbm4b:s6+s3], $0x80, v4, vm0, $0xb8;
	[tilespmem:$0x1FC00] =	vst v63  }
0x7ac: {  	s17 =	simm.s32 $0xF400  }
0x7ad: {  	[tilespmem:s17], [sflag:$0x3] =	stream.indirect_vreg.gather [hbm4b:s2+s3], $0x80, v3, vm0, $0xb8;
	[tilespmem:$0x1FC00] =	vst v63  }
0x7ae: {  	s17 =	simm.s32 $0xFC00  }
0x7af: {  	[tilespmem:s17], [sflag:$0x3] =	stream.indirect_vreg.gather [hbm4b:s5+s3], $0x80, v3, vm0, $0xb8;
	[tilespmem:$0x1FC00] =	vst v63  }
0x7b0: {  	s17 =	simm.s32 $0x10400  }
0x7b1: {  	[tilespmem:s17], [sflag:$0x3] =	stream.indirect_vreg.gather [hbm4b:s6+s3], $0x80, v3, vm0, $0xb8;
	[tilespmem:$0x1FC00] =	vst v63  }
0x7b2: {  	v3 =	vld [tilespmem:$0x1510];
	_ =	sdelay $0x4  }
0x7b3: {  	v49 =	vshrl.u32 v3, $0x3  }
0x7b4: {  	v4 =	vmul.u32 $0x30, v49  }
0x7b5: {  	v3 =	vand.u32 $0x7, v3  }
0x7b6: {  	v3 =	vor.u32 v3, v4  }
0x7b7: {  	v4 =	vperm.xlane v3, v0;
	_ =	sdelay $0x1  }
0x7b8: {  	v4 =	vadd.s32 v1, v4;
	_ =	sdelay $0x3  }
0x7b9: {  	s17 =	simm.s32 $0x10C00;
	v3 =	vperm.xlane v3, v2  }
0x7ba: {  	[tilespmem:s17], [sflag:$0x3] =	stream.indirect_vreg.gather [hbm4b:s2+s3], $0x80, v4, vm0, $0xb8;
	[tilespmem:$0x1FC00] =	vst v63  }
0x7bb: {  	v3 =	vadd.s32 v1, v3;
	s17 =	simm.s32 $0x11400  }
0x7bc: {  	[tilespmem:s17], [sflag:$0x3] =	stream.indirect_vreg.gather [hbm4b:s5+s3], $0x80, v4, vm0, $0xb8;
	[tilespmem:$0x1FC00] =	vst v63  }
0x7bd: {  	s11 =	simm.s32 $0x11C00  }
0x7be: {  	[tilespmem:s11], [sflag:$0x3] =	stream.indirect_vreg.gather [hbm4b:s6+s3], $0x80, v4, vm0, $0xb8;
	[tilespmem:$0x1FC00] =	vst v63  }
0x7bf: {  	s9 =	simm.s32 $0x12400  }
0x7c0: {  	[tilespmem:s9], [sflag:$0x3] =	stream.indirect_vreg.gather [hbm4b:s2+s3], $0x80, v3, vm0, $0xb8;
	[tilespmem:$0x1FC00] =	vst v63  }
0x7c1: {  	s12 =	simm.s32 $0x12C00  }
0x7c2: {  	[tilespmem:s12], [sflag:$0x3] =	stream.indirect_vreg.gather [hbm4b:s5+s3], $0x80, v3, vm0, $0xb8;
	[tilespmem:$0x1FC00] =	vst v63  }
0x7c3: {  	s12 =	simm.s32 $0x13400  }
0x7c4: {  	[tilespmem:s12], [sflag:$0x3] =	stream.indirect_vreg.gather [hbm4b:s6+s3], $0x80, v3, vm0, $0xb8;
	[tilespmem:$0x1FC00] =	vst v63  }
0x7c5: {  	_ =	swait.ge [sflag:s24], $0x6000  }
0x7c6: {  	s9 =	sld [smem:$0x7F3]  }
0x7c7: {  	[sflag:s24] =	ssyncset.done $0x0  }
0x7c8: {  	[sflag:s24] =	ssyncadd.s32 $0xFFFFA000  }
0x7c9: {  	[hbm4b:s9+s3] =	stream.linear.scatter [tilespmem:s19], [sflag:$0x6], $0x6000, $0x38;
	[tilespmem:$0x1FC00] =	vst v63  }
0x7ca: {  	_ =	swait.ge [sflag:s0], $0x6000  }
0x7cb: {  	[sflag:s0] =	ssyncset.done $0x0  }
0x7cc: {  	[sflag:s0] =	ssyncadd.s32 $0xFFFFA000  }
0x7cd: {  	v3 =	vld [tilespmem:$0x1580];
	_ =	sdelay $0x4  }
0x7ce: {  	v50 =	vshrl.u32 v3, $0x3  }
0x7cf: {  	v4 =	vmul.u32 $0x30, v50  }
0x7d0: {  	v3 =	vand.u32 $0x7, v3  }
0x7d1: {  	v3 =	vor.u32 v3, v4  }
0x7d2: {  	v4 =	vperm.xlane v3, v0;
	_ =	sdelay $0x1  }
0x7d3: {  	v4 =	vadd.s32 v1, v4;
	_ =	sdelay $0x3  }
0x7d4: {  	v3 =	vperm.xlane v3, v2  }
0x7d5: {  	[tilespmem:s14], [sflag:$0x4] =	stream.indirect_vreg.gather [hbm4b:s2+s3], $0x80, v4, vm0, $0xb8;
	[tilespmem:$0x1FC00] =	vst v63  }
0x7d6: {  	s12 =	simm.s32 $0x14400;
	v3 =	vadd.s32 v1, v3  }
0x7d7: {  	[tilespmem:s12], [sflag:$0x4] =	stream.indirect_vreg.gather [hbm4b:s5+s3], $0x80, v4, vm0, $0xb8;
	[tilespmem:$0x1FC00] =	vst v63  }
0x7d8: {  	s12 =	simm.s32 $0x14C00  }
0x7d9: {  	[tilespmem:s12], [sflag:$0x4] =	stream.indirect_vreg.gather [hbm4b:s6+s3], $0x80, v4, vm0, $0xb8;
	[tilespmem:$0x1FC00] =	vst v63  }
0x7da: {  	s12 =	simm.s32 $0x15400  }
0x7db: {  	[tilespmem:s12], [sflag:$0x4] =	stream.indirect_vreg.gather [hbm4b:s2+s3], $0x80, v3, vm0, $0xb8;
	[tilespmem:$0x1FC00] =	vst v63  }
0x7dc: {  	s12 =	simm.s32 $0x15C00  }
0x7dd: {  	[tilespmem:s12], [sflag:$0x4] =	stream.indirect_vreg.gather [hbm4b:s5+s3], $0x80, v3, vm0, $0xb8;
	[tilespmem:$0x1FC00] =	vst v63  }
0x7de: {  	s12 =	simm.s32 $0x16400  }
0x7df: {  	[tilespmem:s12], [sflag:$0x4] =	stream.indirect_vreg.gather [hbm4b:s6+s3], $0x80, v3, vm0, $0xb8;
	[tilespmem:$0x1FC00] =	vst v63  }
0x7e0: {  	v3 =	vld [tilespmem:$0x1590];
	_ =	sdelay $0x4  }
0x7e1: {  	v51 =	vshrl.u32 v3, $0x3  }
0x7e2: {  	v4 =	vmul.u32 $0x30, v51  }
0x7e3: {  	v3 =	vand.u32 $0x7, v3  }
0x7e4: {  	v3 =	vor.u32 v3, v4  }
0x7e5: {  	v4 =	vperm.xlane v3, v0;
	_ =	sdelay $0x1  }
0x7e6: {  	v4 =	vadd.s32 v1, v4;
	_ =	sdelay $0x3  }
0x7e7: {  	s12 =	simm.s32 $0x16C00;
	v3 =	vperm.xlane v3, v2  }
0x7e8: {  	[tilespmem:s12], [sflag:$0x4] =	stream.indirect_vreg.gather [hbm4b:s2+s3], $0x80, v4, vm0, $0xb8;
	[tilespmem:$0x1FC00] =	vst v63  }
0x7e9: {  	v3 =	vadd.s32 v1, v3;
	s12 =	simm.s32 $0x17400  }
0x7ea: {  	[tilespmem:s12], [sflag:$0x4] =	stream.indirect_vreg.gather [hbm4b:s5+s3], $0x80, v4, vm0, $0xb8;
	[tilespmem:$0x1FC00] =	vst v63  }
0x7eb: {  	s12 =	simm.s32 $0x17C00  }
0x7ec: {  	[tilespmem:s12], [sflag:$0x4] =	stream.indirect_vreg.gather [hbm4b:s6+s3], $0x80, v4, vm0, $0xb8;
	[tilespmem:$0x1FC00] =	vst v63  }
0x7ed: {  	s12 =	simm.s32 $0x18400  }
0x7ee: {  	[tilespmem:s12], [sflag:$0x4] =	stream.indirect_vreg.gather [hbm4b:s2+s3], $0x80, v3, vm0, $0xb8;
	[tilespmem:$0x1FC00] =	vst v63  }
0x7ef: {  	s12 =	simm.s32 $0x18C00  }
0x7f0: {  	[tilespmem:s12], [sflag:$0x4] =	stream.indirect_vreg.gather [hbm4b:s5+s3], $0x80, v3, vm0, $0xb8;
	[tilespmem:$0x1FC00] =	vst v63  }
0x7f1: {  	s12 =	simm.s32 $0x19400  }
0x7f2: {  	[tilespmem:s12], [sflag:$0x4] =	stream.indirect_vreg.gather [hbm4b:s6+s3], $0x80, v3, vm0, $0xb8;
	[tilespmem:$0x1FC00] =	vst v63  }
0x7f3: {  	_ =	swait.ge [sflag:s10], $0x6000  }
0x7f4: {  	s12 =	sld [smem:$0x7F4]  }
0x7f5: {  	[sflag:s10] =	ssyncset.done $0x0  }
0x7f6: {  	[sflag:s10] =	ssyncadd.s32 $0xFFFFA000  }
0x7f7: {  	[hbm4b:s12+s3] =	stream.linear.scatter [tilespmem:s7], [sflag:$0x7], $0x6000, $0x38;
	[tilespmem:$0x1FC00] =	vst v63  }
0x7f8: {  	_ =	swait.ge [sflag:s4], $0x6000  }
0x7f9: {  	[sflag:s4] =	ssyncset.done $0x0  }
0x7fa: {  	[sflag:s4] =	ssyncadd.s32 $0xFFFFA000  }
0x7fb: {  	v3 =	vld [tilespmem:$0x1600];
	_ =	sdelay $0x4  }
0x7fc: {  	v52 =	vshrl.u32 v3, $0x3  }
0x7fd: {  	v4 =	vmul.u32 $0x30, v52  }
0x7fe: {  	v3 =	vand.u32 $0x7, v3  }
0x7ff: {  	v3 =	vor.u32 v3, v4  }
0x800: {  	v4 =	vperm.xlane v3, v0;
	_ =	sdelay $0x1  }
0x801: {  	v4 =	vadd.s32 v1, v4;
	_ =	sdelay $0x3  }
0x802: {  	v3 =	vperm.xlane v3, v2  }
0x803: {  	[tilespmem:s13], [sflag:$0x5] =	stream.indirect_vreg.gather [hbm4b:s2+s3], $0x80, v4, vm0, $0xb8;
	[tilespmem:$0x1FC00] =	vst v63  }
0x804: {  	s12 =	simm.s32 $0x1A400;
	v3 =	vadd.s32 v1, v3  }
0x805: {  	[tilespmem:s12], [sflag:$0x5] =	stream.indirect_vreg.gather [hbm4b:s5+s3], $0x80, v4, vm0, $0xb8;
	[tilespmem:$0x1FC00] =	vst v63  }
0x806: {  	s12 =	simm.s32 $0x1AC00  }
0x807: {  	[tilespmem:s12], [sflag:$0x5] =	stream.indirect_vreg.gather [hbm4b:s6+s3], $0x80, v4, vm0, $0xb8;
	[tilespmem:$0x1FC00] =	vst v63  }
0x808: {  	s12 =	simm.s32 $0x1B400  }
0x809: {  	[tilespmem:s12], [sflag:$0x5] =	stream.indirect_vreg.gather [hbm4b:s2+s3], $0x80, v3, vm0, $0xb8;
	[tilespmem:$0x1FC00] =	vst v63  }
0x80a: {  	s12 =	simm.s32 $0x1BC00  }
0x80b: {  	[tilespmem:s12], [sflag:$0x5] =	stream.indirect_vreg.gather [hbm4b:s5+s3], $0x80, v3, vm0, $0xb8;
	[tilespmem:$0x1FC00] =	vst v63  }
0x80c: {  	s12 =	simm.s32 $0x1C400  }
0x80d: {  	[tilespmem:s12], [sflag:$0x5] =	stream.indirect_vreg.gather [hbm4b:s6+s3], $0x80, v3, vm0, $0xb8;
	[tilespmem:$0x1FC00] =	vst v63  }
0x80e: {  	v3 =	vld [tilespmem:$0x1610];
	_ =	sdelay $0x4  }
0x80f: {  	v53 =	vshrl.u32 v3, $0x3  }
0x810: {  	v4 =	vmul.u32 $0x30, v53  }
0x811: {  	v3 =	vand.u32 $0x7, v3  }
0x812: {  	v3 =	vor.u32 v3, v4  }
0x813: {  	v4 =	vperm.xlane v3, v0;
	_ =	sdelay $0x1  }
0x814: {  	v4 =	vadd.s32 v1, v4;
	_ =	sdelay $0x3  }
0x815: {  	s12 =	simm.s32 $0x1CC00;
	v3 =	vperm.xlane v3, v2  }
0x816: {  	[tilespmem:s12], [sflag:$0x5] =	stream.indirect_vreg.gather [hbm4b:s2+s3], $0x80, v4, vm0, $0xb8;
	[tilespmem:$0x1FC00] =	vst v63  }
0x817: {  	v3 =	vadd.s32 v1, v3;
	s12 =	simm.s32 $0x1D400  }
0x818: {  	[tilespmem:s12], [sflag:$0x5] =	stream.indirect_vreg.gather [hbm4b:s5+s3], $0x80, v4, vm0, $0xb8;
	[tilespmem:$0x1FC00] =	vst v63  }
0x819: {  	s12 =	simm.s32 $0x1DC00  }
0x81a: {  	[tilespmem:s12], [sflag:$0x5] =	stream.indirect_vreg.gather [hbm4b:s6+s3], $0x80, v4, vm0, $0xb8;
	[tilespmem:$0x1FC00] =	vst v63  }
0x81b: {  	s12 =	simm.s32 $0x1E400  }
0x81c: {  	[tilespmem:s12], [sflag:$0x5] =	stream.indirect_vreg.gather [hbm4b:s2+s3], $0x80, v3, vm0, $0xb8;
	[tilespmem:$0x1FC00] =	vst v63  }
0x81d: {  	s12 =	simm.s32 $0x1EC00  }
0x81e: {  	[tilespmem:s12], [sflag:$0x5] =	stream.indirect_vreg.gather [hbm4b:s5+s3], $0x80, v3, vm0, $0xb8;
	[tilespmem:$0x1FC00] =	vst v63  }
0x81f: {  	s12 =	simm.s32 $0x1F400  }
0x820: {  	[tilespmem:s12], [sflag:$0x5] =	stream.indirect_vreg.gather [hbm4b:s6+s3], $0x80, v3, vm0, $0xb8;
	[tilespmem:$0x1FC00] =	vst v63  }
0x821: {  	_ =	swait.ge [sflag:s26], $0x6000  }
0x822: {  	s12 =	sld [smem:$0x7F5]  }
0x823: {  	[sflag:s26] =	ssyncset.done $0x0  }
0x824: {  	[sflag:s26] =	ssyncadd.s32 $0xFFFFA000  }
0x825: {  	[hbm4b:s12+s3] =	stream.linear.scatter [tilespmem:s15], [sflag:$0x8], $0x6000, $0x38;
	[tilespmem:$0x1FC00] =	vst v63  }
0x826: {  	_ =	swait.ge [sflag:s28], $0x6000  }
0x827: {  	[sflag:s28] =	ssyncset.done $0x0  }
0x828: {  	[sflag:s28] =	ssyncadd.s32 $0xFFFFA000  }
0x829: {  	v3 =	vld [tilespmem:$0x1680];
	_ =	sdelay $0x4  }
0x82a: {  	v54 =	vshrl.u32 v3, $0x3  }
0x82b: {  	v4 =	vmul.u32 $0x30, v54  }
0x82c: {  	v3 =	vand.u32 $0x7, v3  }
0x82d: {  	v3 =	vor.u32 v3, v4  }
0x82e: {  	v4 =	vperm.xlane v3, v0;
	_ =	sdelay $0x1  }
0x82f: {  	v4 =	vadd.s32 v1, v4;
	_ =	sdelay $0x3  }
0x830: {  	v3 =	vperm.xlane v3, v2  }
0x831: {  	[tilespmem:s19], [sflag:$0x1] =	stream.indirect_vreg.gather [hbm4b:s2+s3], $0x80, v4, vm0, $0xb8;
	[tilespmem:$0x1FC00] =	vst v63  }
0x832: {  	s12 =	simm.s32 $0x2400;
	v3 =	vadd.s32 v1, v3  }
0x833: {  	[tilespmem:s12], [sflag:$0x1] =	stream.indirect_vreg.gather [hbm4b:s5+s3], $0x80, v4, vm0, $0xb8;
	[tilespmem:$0x1FC00] =	vst v63  }
0x834: {  	s12 =	simm.s32 $0x2C00  }
0x835: {  	[tilespmem:s12], [sflag:$0x1] =	stream.indirect_vreg.gather [hbm4b:s6+s3], $0x80, v4, vm0, $0xb8;
	[tilespmem:$0x1FC00] =	vst v63  }
0x836: {  	s12 =	simm.s32 $0x3400  }
0x837: {  	[tilespmem:s12], [sflag:$0x1] =	stream.indirect_vreg.gather [hbm4b:s2+s3], $0x80, v3, vm0, $0xb8;
	[tilespmem:$0x1FC00] =	vst v63  }
0x838: {  	s12 =	simm.s32 $0x3C00  }
0x839: {  	[tilespmem:s12], [sflag:$0x1] =	stream.indirect_vreg.gather [hbm4b:s5+s3], $0x80, v3, vm0, $0xb8;
	[tilespmem:$0x1FC00] =	vst v63  }
0x83a: {  	s12 =	simm.s32 $0x4400  }
0x83b: {  	[tilespmem:s12], [sflag:$0x1] =	stream.indirect_vreg.gather [hbm4b:s6+s3], $0x80, v3, vm0, $0xb8;
	[tilespmem:$0x1FC00] =	vst v63  }
0x83c: {  	v3 =	vld [tilespmem:$0x1690];
	_ =	sdelay $0x4  }
0x83d: {  	v55 =	vshrl.u32 v3, $0x3  }
0x83e: {  	v4 =	vmul.u32 $0x30, v55  }
0x83f: {  	v3 =	vand.u32 $0x7, v3  }
0x840: {  	v3 =	vor.u32 v3, v4  }
0x841: {  	v4 =	vperm.xlane v3, v0;
	_ =	sdelay $0x1  }
0x842: {  	v4 =	vadd.s32 v1, v4;
	_ =	sdelay $0x3  }
0x843: {  	s12 =	simm.s32 $0x4C00;
	v3 =	vperm.xlane v3, v2  }
0x844: {  	[tilespmem:s12], [sflag:$0x1] =	stream.indirect_vreg.gather [hbm4b:s2+s3], $0x80, v4, vm0, $0xb8;
	[tilespmem:$0x1FC00] =	vst v63  }
0x845: {  	v3 =	vadd.s32 v1, v3;
	s12 =	simm.s32 $0x5400  }
0x846: {  	[tilespmem:s12], [sflag:$0x1] =	stream.indirect_vreg.gather [hbm4b:s5+s3], $0x80, v4, vm0, $0xb8;
	[tilespmem:$0x1FC00] =	vst v63  }
0x847: {  	s12 =	simm.s32 $0x5C00  }
0x848: {  	[tilespmem:s12], [sflag:$0x1] =	stream.indirect_vreg.gather [hbm4b:s6+s3], $0x80, v4, vm0, $0xb8;
	[tilespmem:$0x1FC00] =	vst v63  }
0x849: {  	s12 =	simm.s32 $0x6400  }
0x84a: {  	[tilespmem:s12], [sflag:$0x1] =	stream.indirect_vreg.gather [hbm4b:s2+s3], $0x80, v3, vm0, $0xb8;
	[tilespmem:$0x1FC00] =	vst v63  }
0x84b: {  	s12 =	simm.s32 $0x6C00  }
0x84c: {  	[tilespmem:s12], [sflag:$0x1] =	stream.indirect_vreg.gather [hbm4b:s5+s3], $0x80, v3, vm0, $0xb8;
	[tilespmem:$0x1FC00] =	vst v63  }
0x84d: {  	s12 =	simm.s32 $0x7400  }
0x84e: {  	[tilespmem:s12], [sflag:$0x1] =	stream.indirect_vreg.gather [hbm4b:s6+s3], $0x80, v3, vm0, $0xb8;
	[tilespmem:$0x1FC00] =	vst v63  }
0x84f: {  	_ =	swait.ge [sflag:s29], $0x6000  }
0x850: {  	s12 =	sld [smem:$0x7F6]  }
0x851: {  	[sflag:s29] =	ssyncset.done $0x0  }
0x852: {  	[sflag:s29] =	ssyncadd.s32 $0xFFFFA000  }
0x853: {  	[hbm4b:s12+s3] =	stream.linear.scatter [tilespmem:s14], [sflag:$0x9], $0x6000, $0x38;
	[tilespmem:$0x1FC00] =	vst v63  }
0x854: {  	_ =	swait.ge [sflag:s30], $0x6000  }
0x855: {  	[sflag:s30] =	ssyncset.done $0x0  }
0x856: {  	[sflag:s30] =	ssyncadd.s32 $0xFFFFA000  }
0x857: {  	v3 =	vld [tilespmem:$0x1700];
	_ =	sdelay $0x4  }
0x858: {  	v56 =	vshrl.u32 v3, $0x3  }
0x859: {  	v4 =	vmul.u32 $0x30, v56  }
0x85a: {  	v3 =	vand.u32 $0x7, v3  }
0x85b: {  	v3 =	vor.u32 v3, v4  }
0x85c: {  	v4 =	vperm.xlane v3, v0;
	_ =	sdelay $0x1  }
0x85d: {  	v4 =	vadd.s32 v1, v4;
	_ =	sdelay $0x3  }
0x85e: {  	v3 =	vperm.xlane v3, v2  }
0x85f: {  	[tilespmem:s7], [sflag:$0x2] =	stream.indirect_vreg.gather [hbm4b:s2+s3], $0x80, v4, vm0, $0xb8;
	[tilespmem:$0x1FC00] =	vst v63  }
0x860: {  	s12 =	simm.s32 $0x8400;
	v3 =	vadd.s32 v1, v3  }
0x861: {  	[tilespmem:s12], [sflag:$0x2] =	stream.indirect_vreg.gather [hbm4b:s5+s3], $0x80, v4, vm0, $0xb8;
	[tilespmem:$0x1FC00] =	vst v63  }
0x862: {  	s12 =	simm.s32 $0x8C00  }
0x863: {  	[tilespmem:s12], [sflag:$0x2] =	stream.indirect_vreg.gather [hbm4b:s6+s3], $0x80, v4, vm0, $0xb8;
	[tilespmem:$0x1FC00] =	vst v63  }
0x864: {  	s16 =	simm.s32 $0x9400  }
0x865: {  	[tilespmem:s16], [sflag:$0x2] =	stream.indirect_vreg.gather [hbm4b:s2+s3], $0x80, v3, vm0, $0xb8;
	[tilespmem:$0x1FC00] =	vst v63  }
0x866: {  	s8 =	simm.s32 $0x9C00  }
0x867: {  	[tilespmem:s8], [sflag:$0x2] =	stream.indirect_vreg.gather [hbm4b:s5+s3], $0x80, v3, vm0, $0xb8;
	[tilespmem:$0x1FC00] =	vst v63  }
0x868: {  	s23 =	simm.s32 $0xA400  }
0x869: {  	[tilespmem:s23], [sflag:$0x2] =	stream.indirect_vreg.gather [hbm4b:s6+s3], $0x80, v3, vm0, $0xb8;
	[tilespmem:$0x1FC00] =	vst v63  }
0x86a: {  	v3 =	vld [tilespmem:$0x1710];
	_ =	sdelay $0x4  }
0x86b: {  	v57 =	vshrl.u32 v3, $0x3  }
0x86c: {  	v4 =	vmul.u32 $0x30, v57  }
0x86d: {  	v3 =	vand.u32 $0x7, v3  }
0x86e: {  	v3 =	vor.u32 v3, v4  }
0x86f: {  	v4 =	vperm.xlane v3, v0;
	_ =	sdelay $0x1  }
0x870: {  	v4 =	vadd.s32 v1, v4;
	_ =	sdelay $0x3  }
0x871: {  	s25 =	simm.s32 $0xAC00;
	v3 =	vperm.xlane v3, v2  }
0x872: {  	[tilespmem:s25], [sflag:$0x2] =	stream.indirect_vreg.gather [hbm4b:s2+s3], $0x80, v4, vm0, $0xb8;
	[tilespmem:$0x1FC00] =	vst v63  }
0x873: {  	s16 =	simm.s32 $0xB400;
	v3 =	vadd.s32 v1, v3  }
0x874: {  	[tilespmem:s16], [sflag:$0x2] =	stream.indirect_vreg.gather [hbm4b:s5+s3], $0x80, v4, vm0, $0xb8;
	[tilespmem:$0x1FC00] =	vst v63  }
0x875: {  	s18 =	simm.s32 $0xBC00  }
0x876: {  	[tilespmem:s18], [sflag:$0x2] =	stream.indirect_vreg.gather [hbm4b:s6+s3], $0x80, v4, vm0, $0xb8;
	[tilespmem:$0x1FC00] =	vst v63  }
0x877: {  	s21 =	simm.s32 $0xC400  }
0x878: {  	[tilespmem:s21], [sflag:$0x2] =	stream.indirect_vreg.gather [hbm4b:s2+s3], $0x80, v3, vm0, $0xb8;
	[tilespmem:$0x1FC00] =	vst v63  }
0x879: {  	s20 =	simm.s32 $0xCC00  }
0x87a: {  	[tilespmem:s20], [sflag:$0x2] =	stream.indirect_vreg.gather [hbm4b:s5+s3], $0x80, v3, vm0, $0xb8;
	[tilespmem:$0x1FC00] =	vst v63  }
0x87b: {  	s22 =	simm.s32 $0xD400  }
0x87c: {  	[tilespmem:s22], [sflag:$0x2] =	stream.indirect_vreg.gather [hbm4b:s6+s3], $0x80, v3, vm0, $0xb8;
	[tilespmem:$0x1FC00] =	vst v63  }
0x87d: {  	_ =	swait.ge [sflag:s31], $0x6000  }
0x87e: {  	s23 =	sld [smem:$0x7F7]  }
0x87f: {  	[sflag:s31] =	ssyncset.done $0x0  }
0x880: {  	[sflag:s31] =	ssyncadd.s32 $0xFFFFA000  }
0x881: {  	[hbm4b:s23+s3] =	stream.linear.scatter [tilespmem:s13], [sflag:$0xA], $0x6000, $0x38;
	[tilespmem:$0x1FC00] =	vst v63  }
0x882: {  	_ =	swait.ge [sflag:s1], $0x6000  }
0x883: {  	[sflag:s1] =	ssyncset.done $0x0  }
0x884: {  	[sflag:s1] =	ssyncadd.s32 $0xFFFFA000  }
0x885: {  	v3 =	vld [tilespmem:$0x1780];
	_ =	sdelay $0x4  }
0x886: {  	v58 =	vshrl.u32 v3, $0x3  }
0x887: {  	v4 =	vmul.u32 $0x30, v58  }
0x888: {  	v3 =	vand.u32 $0x7, v3  }
0x889: {  	v3 =	vor.u32 v3, v4  }
0x88a: {  	v4 =	vperm.xlane v3, v0;
	_ =	sdelay $0x1  }
0x88b: {  	v4 =	vadd.s32 v1, v4;
	_ =	sdelay $0x3  }
0x88c: {  	v3 =	vperm.xlane v3, v2  }
0x88d: {  	[tilespmem:s15], [sflag:$0x3] =	stream.indirect_vreg.gather [hbm4b:s2+s3], $0x80, v4, vm0, $0xb8;
	[tilespmem:$0x1FC00] =	vst v63  }
0x88e: {  	s25 =	simm.s32 $0xE400;
	v3 =	vadd.s32 v1, v3  }
0x88f: {  	[tilespmem:s25], [sflag:$0x3] =	stream.indirect_vreg.gather [hbm4b:s5+s3], $0x80, v4, vm0, $0xb8;
	[tilespmem:$0x1FC00] =	vst v63  }
0x890: {  	s12 =	simm.s32 $0xEC00  }
0x891: {  	[tilespmem:s12], [sflag:$0x3] =	stream.indirect_vreg.gather [hbm4b:s6+s3], $0x80, v4, vm0, $0xb8;
	[tilespmem:$0x1FC00] =	vst v63  }
0x892: {  	s16 =	simm.s32 $0xF400  }
0x893: {  	[tilespmem:s16], [sflag:$0x3] =	stream.indirect_vreg.gather [hbm4b:s2+s3], $0x80, v3, vm0, $0xb8;
	[tilespmem:$0x1FC00] =	vst v63  }
0x894: {  	s18 =	simm.s32 $0xFC00  }
0x895: {  	[tilespmem:s18], [sflag:$0x3] =	stream.indirect_vreg.gather [hbm4b:s5+s3], $0x80, v3, vm0, $0xb8;
	[tilespmem:$0x1FC00] =	vst v63  }
0x896: {  	s20 =	simm.s32 $0x10400  }
0x897: {  	[tilespmem:s20], [sflag:$0x3] =	stream.indirect_vreg.gather [hbm4b:s6+s3], $0x80, v3, vm0, $0xb8;
	[tilespmem:$0x1FC00] =	vst v63  }
0x898: {  	v3 =	vld [tilespmem:$0x1790];
	_ =	sdelay $0x4  }
0x899: {  	v59 =	vshrl.u32 v3, $0x3  }
0x89a: {  	v4 =	vmul.u32 $0x30, v59  }
0x89b: {  	v3 =	vand.u32 $0x7, v3  }
0x89c: {  	v3 =	vor.u32 v3, v4  }
0x89d: {  	v4 =	vperm.xlane v3, v0;
	_ =	sdelay $0x1  }
0x89e: {  	v4 =	vadd.s32 v1, v4;
	_ =	sdelay $0x3  }
0x89f: {  	s21 =	simm.s32 $0x10C00;
	v3 =	vperm.xlane v3, v2  }
0x8a0: {  	[tilespmem:s21], [sflag:$0x3] =	stream.indirect_vreg.gather [hbm4b:s2+s3], $0x80, v4, vm0, $0xb8;
	[tilespmem:$0x1FC00] =	vst v63  }
0x8a1: {  	s22 =	simm.s32 $0x11400;
	v3 =	vadd.s32 v1, v3  }
0x8a2: {  	[tilespmem:s22], [sflag:$0x3] =	stream.indirect_vreg.gather [hbm4b:s5+s3], $0x80, v4, vm0, $0xb8;
	[tilespmem:$0x1FC00] =	vst v63  }
0x8a3: {  	s17 =	simm.s32 $0x11C00  }
0x8a4: {  	[tilespmem:s17], [sflag:$0x3] =	stream.indirect_vreg.gather [hbm4b:s6+s3], $0x80, v4, vm0, $0xb8;
	[tilespmem:$0x1FC00] =	vst v63  }
0x8a5: {  	s11 =	simm.s32 $0x12400  }
0x8a6: {  	[tilespmem:s11], [sflag:$0x3] =	stream.indirect_vreg.gather [hbm4b:s2+s3], $0x80, v3, vm0, $0xb8;
	[tilespmem:$0x1FC00] =	vst v63  }
0x8a7: {  	s23 =	simm.s32 $0x12C00  }
0x8a8: {  	[tilespmem:s23], [sflag:$0x3] =	stream.indirect_vreg.gather [hbm4b:s5+s3], $0x80, v3, vm0, $0xb8;
	[tilespmem:$0x1FC00] =	vst v63  }
0x8a9: {  	s25 =	simm.s32 $0x13400  }
0x8aa: {  	[tilespmem:s25], [sflag:$0x3] =	stream.indirect_vreg.gather [hbm4b:s6+s3], $0x80, v3, vm0, $0xb8;
	[tilespmem:$0x1FC00] =	vst v63  }
0x8ab: {  	_ =	swait.ge [sflag:s24], $0x6000  }
0x8ac: {  	s8 =	sld [smem:$0x7F8]  }
0x8ad: {  	[sflag:s24] =	ssyncset.done $0x0  }
0x8ae: {  	[sflag:s24] =	ssyncadd.s32 $0xFFFFA000  }
0x8af: {  	[hbm4b:s8+s3] =	stream.linear.scatter [tilespmem:s19], [sflag:$0x6], $0x6000, $0x38;
	[tilespmem:$0x1FC00] =	vst v63  }
0x8b0: {  	_ =	swait.ge [sflag:s0], $0x6000  }
0x8b1: {  	[sflag:s0] =	ssyncset.done $0x0  }
0x8b2: {  	[sflag:s0] =	ssyncadd.s32 $0xFFFFA000  }
0x8b3: {  	v3 =	vld [tilespmem:$0x1800];
	_ =	sdelay $0x4  }
0x8b4: {  	v60 =	vshrl.u32 v3, $0x3  }
0x8b5: {  	v4 =	vmul.u32 $0x30, v60  }
0x8b6: {  	v3 =	vand.u32 $0x7, v3  }
0x8b7: {  	v3 =	vor.u32 v3, v4  }
0x8b8: {  	v4 =	vperm.xlane v3, v0;
	_ =	sdelay $0x1  }
0x8b9: {  	v4 =	vadd.s32 v1, v4;
	_ =	sdelay $0x3  }
0x8ba: {  	v3 =	vperm.xlane v3, v2  }
0x8bb: {  	[tilespmem:s14], [sflag:$0x4] =	stream.indirect_vreg.gather [hbm4b:s2+s3], $0x80, v4, vm0, $0xb8;
	[tilespmem:$0x1FC00] =	vst v63  }
0x8bc: {  	s9 =	simm.s32 $0x14400;
	v3 =	vadd.s32 v1, v3  }
0x8bd: {  	[tilespmem:s9], [sflag:$0x4] =	stream.indirect_vreg.gather [hbm4b:s5+s3], $0x80, v4, vm0, $0xb8;
	[tilespmem:$0x1FC00] =	vst v63  }
0x8be: {  	s9 =	simm.s32 $0x14C00  }
0x8bf: {  	[tilespmem:s9], [sflag:$0x4] =	stream.indirect_vreg.gather [hbm4b:s6+s3], $0x80, v4, vm0, $0xb8;
	[tilespmem:$0x1FC00] =	vst v63  }
0x8c0: {  	s11 =	simm.s32 $0x15400  }
0x8c1: {  	[tilespmem:s11], [sflag:$0x4] =	stream.indirect_vreg.gather [hbm4b:s2+s3], $0x80, v3, vm0, $0xb8;
	[tilespmem:$0x1FC00] =	vst v63  }
0x8c2: {  	s12 =	simm.s32 $0x15C00  }
0x8c3: {  	[tilespmem:s12], [sflag:$0x4] =	stream.indirect_vreg.gather [hbm4b:s5+s3], $0x80, v3, vm0, $0xb8;
	[tilespmem:$0x1FC00] =	vst v63  }
0x8c4: {  	s16 =	simm.s32 $0x16400  }
0x8c5: {  	[tilespmem:s16], [sflag:$0x4] =	stream.indirect_vreg.gather [hbm4b:s6+s3], $0x80, v3, vm0, $0xb8;
	[tilespmem:$0x1FC00] =	vst v63  }
0x8c6: {  	v3 =	vld [tilespmem:$0x1810];
	_ =	sdelay $0x4  }
0x8c7: {  	v61 =	vshrl.u32 v3, $0x3  }
0x8c8: {  	v4 =	vmul.u32 $0x30, v61  }
0x8c9: {  	v3 =	vand.u32 $0x7, v3  }
0x8ca: {  	v3 =	vor.u32 v3, v4  }
0x8cb: {  	v4 =	vperm.xlane v3, v0;
	_ =	sdelay $0x1  }
0x8cc: {  	v4 =	vadd.s32 v1, v4;
	_ =	sdelay $0x3  }
0x8cd: {  	s17 =	simm.s32 $0x16C00;
	v3 =	vperm.xlane v3, v2  }
0x8ce: {  	[tilespmem:s17], [sflag:$0x4] =	stream.indirect_vreg.gather [hbm4b:s2+s3], $0x80, v4, vm0, $0xb8;
	[tilespmem:$0x1FC00] =	vst v63  }
0x8cf: {  	s18 =	simm.s32 $0x17400;
	v3 =	vadd.s32 v1, v3  }
0x8d0: {  	[tilespmem:s18], [sflag:$0x4] =	stream.indirect_vreg.gather [hbm4b:s5+s3], $0x80, v4, vm0, $0xb8;
	[tilespmem:$0x1FC00] =	vst v63  }
0x8d1: {  	s19 =	simm.s32 $0x17C00  }
0x8d2: {  	[tilespmem:s19], [sflag:$0x4] =	stream.indirect_vreg.gather [hbm4b:s6+s3], $0x80, v4, vm0, $0xb8;
	[tilespmem:$0x1FC00] =	vst v63  }
0x8d3: {  	s20 =	simm.s32 $0x18400  }
0x8d4: {  	[tilespmem:s20], [sflag:$0x4] =	stream.indirect_vreg.gather [hbm4b:s2+s3], $0x80, v3, vm0, $0xb8;
	[tilespmem:$0x1FC00] =	vst v63  }
0x8d5: {  	s21 =	simm.s32 $0x18C00  }
0x8d6: {  	[tilespmem:s21], [sflag:$0x4] =	stream.indirect_vreg.gather [hbm4b:s5+s3], $0x80, v3, vm0, $0xb8;
	[tilespmem:$0x1FC00] =	vst v63  }
0x8d7: {  	s22 =	simm.s32 $0x19400  }
0x8d8: {  	[tilespmem:s22], [sflag:$0x4] =	stream.indirect_vreg.gather [hbm4b:s6+s3], $0x80, v3, vm0, $0xb8;
	[tilespmem:$0x1FC00] =	vst v63  }
0x8d9: {  	_ =	swait.ge [sflag:s10], $0x6000  }
0x8da: {  	s23 =	sld [smem:$0x7F9]  }
0x8db: {  	[sflag:s10] =	ssyncset.done $0x0  }
0x8dc: {  	[sflag:s10] =	ssyncadd.s32 $0xFFFFA000  }
0x8dd: {  	[hbm4b:s23+s3] =	stream.linear.scatter [tilespmem:s7], [sflag:$0x7], $0x6000, $0x38;
	[tilespmem:$0x1FC00] =	vst v63  }
0x8de: {  	_ =	swait.ge [sflag:s4], $0x6000  }
0x8df: {  	[sflag:s4] =	ssyncset.done $0x0  }
0x8e0: {  	[sflag:s4] =	ssyncadd.s32 $0xFFFFA000  }
0x8e1: {  	v3 =	vld [tilespmem:$0x1880];
	_ =	sdelay $0x4  }
0x8e2: {  	v62 =	vshrl.u32 v3, $0x3  }
0x8e3: {  	v4 =	vmul.u32 $0x30, v62  }
0x8e4: {  	v3 =	vand.u32 $0x7, v3  }
0x8e5: {  	v3 =	vor.u32 v3, v4  }
0x8e6: {  	v4 =	vperm.xlane v3, v0;
	_ =	sdelay $0x1  }
0x8e7: {  	v4 =	vadd.s32 v1, v4;
	_ =	sdelay $0x3  }
0x8e8: {  	v3 =	vperm.xlane v3, v2  }
0x8e9: {  	[tilespmem:s13], [sflag:$0x5] =	stream.indirect_vreg.gather [hbm4b:s2+s3], $0x80, v4, vm0, $0xb8;
	[tilespmem:$0x1FC00] =	vst v63  }
0x8ea: {  	s25 =	simm.s32 $0x1A400;
	v3 =	vadd.s32 v1, v3  }
0x8eb: {  	[tilespmem:s25], [sflag:$0x5] =	stream.indirect_vreg.gather [hbm4b:s5+s3], $0x80, v4, vm0, $0xb8;
	[tilespmem:$0x1FC00] =	vst v63  }
0x8ec: {  	s8 =	simm.s32 $0x1AC00  }
0x8ed: {  	[tilespmem:s8], [sflag:$0x5] =	stream.indirect_vreg.gather [hbm4b:s6+s3], $0x80, v4, vm0, $0xb8;
	[tilespmem:$0x1FC00] =	vst v63  }
0x8ee: {  	s9 =	simm.s32 $0x1B400  }
0x8ef: {  	[tilespmem:s9], [sflag:$0x5] =	stream.indirect_vreg.gather [hbm4b:s2+s3], $0x80, v3, vm0, $0xb8;
	[tilespmem:$0x1FC00] =	vst v63  }
0x8f0: {  	s11 =	simm.s32 $0x1BC00  }
0x8f1: {  	[tilespmem:s11], [sflag:$0x5] =	stream.indirect_vreg.gather [hbm4b:s5+s3], $0x80, v3, vm0, $0xb8;
	[tilespmem:$0x1FC00] =	vst v63  }
0x8f2: {  	s12 =	simm.s32 $0x1C400  }
0x8f3: {  	[tilespmem:s12], [sflag:$0x5] =	stream.indirect_vreg.gather [hbm4b:s6+s3], $0x80, v3, vm0, $0xb8;
	[tilespmem:$0x1FC00] =	vst v63  }
0x8f4: {  	v3 =	vld [tilespmem:$0x1890];
	_ =	sdelay $0x4  }
0x8f5: {  	v63 =	vshrl.u32 v3, $0x3  }
0x8f6: {  	v4 =	vmul.u32 $0x30, v63  }
0x8f7: {  	v3 =	vand.u32 $0x7, v3  }
0x8f8: {  	v3 =	vor.u32 v3, v4  }
0x8f9: {  	v4 =	vperm.xlane v3, v0;
	_ =	sdelay $0x1  }
0x8fa: {  	v4 =	vadd.s32 v1, v4;
	_ =	sdelay $0x3  }
0x8fb: {  	s16 =	simm.s32 $0x1CC00;
	v3 =	vperm.xlane v3, v2  }
0x8fc: {  	[tilespmem:s16], [sflag:$0x5] =	stream.indirect_vreg.gather [hbm4b:s2+s3], $0x80, v4, vm0, $0xb8;
	[tilespmem:$0x1FC00] =	vst v63  }
0x8fd: {  	s17 =	simm.s32 $0x1D400;
	v3 =	vadd.s32 v1, v3  }
0x8fe: {  	[tilespmem:s17], [sflag:$0x5] =	stream.indirect_vreg.gather [hbm4b:s5+s3], $0x80, v4, vm0, $0xb8;
	[tilespmem:$0x1FC00] =	vst v63  }
0x8ff: {  	s18 =	simm.s32 $0x1DC00  }
0x900: {  	[tilespmem:s18], [sflag:$0x5] =	stream.indirect_vreg.gather [hbm4b:s6+s3], $0x80, v4, vm0, $0xb8;
	[tilespmem:$0x1FC00] =	vst v63  }
0x901: {  	s19 =	simm.s32 $0x1E400  }
0x902: {  	[tilespmem:s19], [sflag:$0x5] =	stream.indirect_vreg.gather [hbm4b:s2+s3], $0x80, v3, vm0, $0xb8;
	[tilespmem:$0x1FC00] =	vst v63  }
0x903: {  	s20 =	simm.s32 $0x1EC00  }
0x904: {  	[tilespmem:s20], [sflag:$0x5] =	stream.indirect_vreg.gather [hbm4b:s5+s3], $0x80, v3, vm0, $0xb8;
	[tilespmem:$0x1FC00] =	vst v63  }
0x905: {  	s21 =	simm.s32 $0x1F400  }
0x906: {  	[tilespmem:s21], [sflag:$0x5] =	stream.indirect_vreg.gather [hbm4b:s6+s3], $0x80, v3, vm0, $0xb8;
	[tilespmem:$0x1FC00] =	vst v63  }
0x907: {  	s7 =	sld [smem:$0x7E6];
	_ =	swait.ge [sflag:s26], $0x6000  }
0x908: {  	s22 =	sld [smem:$0x7FA]  }
0x909: {  	[sflag:s26] =	ssyncset.done $0x0  }
0x90a: {  	[sflag:s26] =	ssyncadd.s32 $0xFFFFA000  }
0x90b: {  	[hbm4b:s22+s3] =	stream.linear.scatter [tilespmem:s15], [sflag:$0x8], $0x6000, $0x38;
	[tilespmem:$0x1FC00] =	vst v63  }
0x90c: {  	_ =	swait.ge [sflag:s29], $0x6000  }
0x90d: {  	s23 =	sld [smem:$0x7FB]  }
0x90e: {  	[sflag:s29] =	ssyncset.done $0x0  }
0x90f: {  	[sflag:s29] =	ssyncadd.s32 $0xFFFFA000  }
0x910: {  	[hbm4b:s23+s3] =	stream.linear.scatter [tilespmem:s14], [sflag:$0x9], $0x6000, $0x38;
	[tilespmem:$0x1FC00] =	vst v63  }
0x911: {  	_ =	swait.ge [sflag:s31], $0x6000  }
0x912: {  	s25 =	sld [smem:$0x7FD]  }
0x913: {  	[sflag:s31] =	ssyncset.done $0x0  }
0x914: {  	[sflag:s31] =	ssyncadd.s32 $0xFFFFA000  }
0x915: {  	[hbm4b:s25+s3] =	stream.linear.scatter [tilespmem:s13], [sflag:$0xA], $0x6000, $0x38;
	[tilespmem:$0x1FC00] =	vst v63  }
0x916: {  	_ =	swait.ge [sflag:s28], $0x6000  }
0x917: {  	[sflag:s28] =	ssyncset.done $0x0  }
0x918: {  	[sflag:s28] =	ssyncadd.s32 $0xFFFFA000  }
0x919: {  	_ =	swait.ge [sflag:s30], $0x6000  }
0x91a: {  	[sflag:s30] =	ssyncset.done $0x0  }
0x91b: {  	[sflag:s30] =	ssyncadd.s32 $0xFFFFA000  }
0x91c: {  	_ =	swait.ge [sflag:s1], $0x6000  }
0x91d: {  	[sflag:s1] =	ssyncset.done $0x0  }
0x91e: {  	[sflag:s1] =	ssyncadd.s32 $0xFFFFA000  }
0x91f: {  	p0 =	sne.s32 s7, $0x1;
	_ =	swait.ge [sflag:s0], $0x6000  }
.Ltmp0:
0x920: {  	[sflag:s0] =	ssyncset.done $0x0;
	(pc) =	sbr.rel @p0 .LBB2_1-.Ltmp0, $4  }
0x921: {  	[sflag:s0] =	ssyncadd.s32 $0xFFFFA000  }
0x922: {  	_ =	swait.ge [sflag:s4], $0x6000  }
0x923: {  	[sflag:s4] =	ssyncset.done $0x0  }
0x924: {  	s7 =	sadd.s32 $0xFFFFFFFF, s7;
	[sflag:s4] =	ssyncadd.s32 $0xFFFFA000  }
0x925: {  	_ =	sfence.sel $0x180000  }
0x926: {  	[bflag:$0x0] =	sbarrier.arrive $0xFFFF  }
0x927: {  	_ =	strace $0x90000047  }
0x928: {  	s0 =	stileid.u32;
	[bflag:$0x2] =	sbarrier.arrive $0xFFFF  }
0x929: {  	p0 =	sne.s32 s0, $0x0;
	s0 =	rddreg [dreg:$0x3]  }
0x92a: {  	s0 =	sadd.s32 @!p0 $0x100000, s0  }
0x92b: {  	[sflag:s0] =	ssyncadd.tile.s32 @!p0 $0x1;
	_ =	shalt  }
.Lfunc_end2:
_tile_overlayer_lowered:
.L_overlay_start_2:
0x92c: {  	(tag) =	ssettag $0x2  }
0x92d: {  	s0 =	rddreg [dreg:$0x0];
	s2 =	stileid.u32  }
0x92e: {  	s1 =	rddreg [dreg:$0x1];
	p0 =	sne.s32 s2, $0x0  }
0x92f: {  	s3 =	rddreg [dreg:$0x2];
	[bflag:$0x3] =	sbarrier.arrive $0xFFFF;
	s2 =	simm.s32 @!p0 $0x1C0B  }
0x930: {  	[timem:s3], [sflag:s2] =	dma.local @!p0 [hbm:s0], s1  }
0x931: {  	s0 =	simm.s32 @!p0 $0xB  }
0x932: {  	_ =	swait.ge @!p0 [sflag:s0], s1  }
0x933: {  	s1 =	ssub.s32 @!p0 $0x0, s1;
	[sflag:s0] =	ssyncset.done @!p0 $0x0  }
0x934: {  	[sflag:s0] =	ssyncadd.s32 @!p0 s1  }
0x935: {  	[bflag:$0x3] =	sbarrier.arrive $0xFFFF  }
0x936: {  	_ =	shalt  }

</sc_bundles>
